<compile_context>
chip_gen: v7x
topology: tpu7x:2x2x1
jax: 0.10.2.dev20260603
libtpu: 0.0.44.dev20260713+nightly
codegen_flags: <defaults>
</compile_context>

<pallas_src>
import functools

import jax
import jax.numpy as jnp
from jax import lax
from jax.experimental import pallas as pl
from jax.experimental.pallas import tpu as pltpu
from jax.experimental.pallas import tpu_sc as plsc

NC = 2
NS = 16
LANES = 16
NTILES = NC * NS

CHUNK = 80


def _mesh():
    return plsc.VectorSubcoreMesh(core_axis_name="c", subcore_axis_name="s")


def _make_count_kernel(N, E, R):
    per_tile = E // NTILES
    n_chunks = per_tile // CHUNK
    RN = R * N
    RNP = -(-RN // (NS * 128)) * (NS * 128)
    stripe = RNP // NS

    @functools.partial(
        pl.kernel,
        out_type=jax.ShapeDtypeStruct((NTILES, 1, stripe), jnp.float32),
        mesh=_mesh(),
        scratch_types=[
            pltpu.VMEM((CHUNK,), jnp.int32),
            pltpu.VMEM((CHUNK,), jnp.int32),
            pltpu.VMEM((CHUNK,), jnp.int32),
            pltpu.VMEM((CHUNK,), jnp.float32),
            pltpu.VMEM_SHARED((RNP,), jnp.float32),
        ],
    )
    def count_k(et_hbm, dst_hbm, ones_hbm, zeros_hbm, cnt_out,
                et_v, dst_v, idx_v, ones_v, cnt_sp):
        c = lax.axis_index("c")
        s = lax.axis_index("s")
        wid = c * NS + s

        pltpu.sync_copy(ones_hbm, ones_v)

        @pl.when(s == 0)
        def _():
            pltpu.sync_copy(zeros_hbm, cnt_sp)

        plsc.subcore_barrier()

        base = wid * per_tile

        def chunk_body(i, carry):
            off = base + i * CHUNK
            pltpu.sync_copy(et_hbm.at[pl.ds(off, CHUNK)], et_v)
            pltpu.sync_copy(dst_hbm.at[pl.ds(off, CHUNK)], dst_v)
            for t in range(CHUNK // LANES):
                sl = pl.ds(t * LANES, LANES)
                idx_v[sl] = et_v[sl] * N + dst_v[sl]
            pltpu.sync_copy(ones_v, cnt_sp.at[idx_v], add=True)
            return carry

        lax.fori_loop(0, n_chunks, chunk_body, 0)
        plsc.subcore_barrier()
        pltpu.sync_copy(cnt_sp.at[pl.ds(s * stripe, stripe)], cnt_out.at[wid, 0])

    return count_k


def _tc1_body(R, D, x_ref, w_ref, fb_ref, cnt_ref, h_ref, gb_ref, skip_ref):
    y = jnp.dot(x_ref[...], w_ref[...], preferred_element_type=jnp.float32)
    cnt = cnt_ref[...]
    for r in range(R):
        inv_r = 1.0 / jnp.maximum(cnt[:, r] + cnt[:, R + r], 1.0)
        h_ref[r] = y[:, r * D:(r + 1) * D]
        gam = (y[:, R * D + r * D: R * D + (r + 1) * D]
               + fb_ref[r, D:][None, :]) * inv_r[:, None]
        bet = (y[:, 2 * R * D + r * D: 2 * R * D + (r + 1) * D]
               + fb_ref[r, :D][None, :]) * inv_r[:, None]
        gb_ref[r, :, :D] = gam.astype(jnp.bfloat16)
        gb_ref[r, :, D:] = bet.astype(jnp.bfloat16)
    base = 3 * R * D
    xs = y[:, base:base + D]
    bet_s = y[:, base + D:base + 2 * D]
    gam_s = y[:, base + 2 * D:base + 3 * D]
    skip_ref[...] = jnp.maximum(gam_s * xs + bet_s, 0.0)


def _run_tc1(x, Wcat, films_b, cnt2, N, D, R, NB):
    grid = (N // NB,)
    K = Wcat.shape[1]
    return pl.pallas_call(
        functools.partial(_tc1_body, R, D),
        grid=grid,
        in_specs=[
            pl.BlockSpec((NB, D), lambda i: (i, 0)),
            pl.BlockSpec((D, K), lambda i: (0, 0)),
            pl.BlockSpec((R, 2 * D), lambda i: (0, 0)),
            pl.BlockSpec((NB, NC * R), lambda i: (i, 0)),
        ],
        out_specs=[
            pl.BlockSpec((R, NB, D), lambda i: (0, i, 0)),
            pl.BlockSpec((R, NB, 2 * D), lambda i: (0, i, 0)),
            pl.BlockSpec((NB, D), lambda i: (i, 0)),
        ],
        out_shape=[
            jax.ShapeDtypeStruct((R, N, D), jnp.float32),
            jax.ShapeDtypeStruct((R, N, 2 * D), jnp.bfloat16),
            jax.ShapeDtypeStruct((N, D), jnp.float32),
        ],
    )(x, Wcat, films_b, cnt2)


ECH = 64


def _edge_chunks(E):
    per_tile = E // NTILES
    n_chunks = -(-per_tile // ECH)
    n_chunks = -(-n_chunks // 4) * 4
    return per_tile, n_chunks


def _make_edge_kernel(N, E, D, R):
    per_tile, n_chunks = _edge_chunks(E)
    n_quads = n_chunks // 4
    rows_per_tile = N // NS
    NPAD = N + 16
    n_zcopy = rows_per_tile // ECH
    z_rem = rows_per_tile - n_zcopy * ECH

    @functools.partial(
        pl.kernel,
        out_type=jax.ShapeDtypeStruct((NC, NS, rows_per_tile, D), jnp.float32),
        mesh=_mesh(),
        scratch_types=[
            pltpu.VMEM((3 * ECH,), jnp.int32),
            pltpu.VMEM((3 * ECH,), jnp.int32),
            pltpu.VMEM((ECH,), jnp.int32),
            pltpu.VMEM((ECH,), jnp.int32),
            pltpu.VMEM((ECH,), jnp.int32),
            pltpu.VMEM((ECH,), jnp.int32),
            pltpu.VMEM((ECH,), jnp.int32),
            pltpu.VMEM((ECH,), jnp.int32),
            pltpu.VMEM((ECH,), jnp.int32),
            pltpu.VMEM((ECH,), jnp.int32),
            pltpu.VMEM((ECH, D), jnp.float32),
            pltpu.VMEM((ECH, D), jnp.float32),
            pltpu.VMEM((ECH, D), jnp.int32),
            pltpu.VMEM((ECH, D), jnp.int32),
            pltpu.VMEM((ECH, D), jnp.float32),
            pltpu.VMEM((ECH, D), jnp.float32),
            pltpu.VMEM_SHARED((NPAD, D), jnp.float32),
            pltpu.SemaphoreType.DMA,
            pltpu.SemaphoreType.DMA,
            pltpu.SemaphoreType.DMA,
            pltpu.SemaphoreType.DMA,
            pltpu.SemaphoreType.DMA,
            pltpu.SemaphoreType.DMA,
            pltpu.SemaphoreType.DMA,
            pltpu.SemaphoreType.DMA,
            pltpu.SemaphoreType.DMA,
            pltpu.SemaphoreType.DMA,
        ],
    )
    def edge_k(eb_hbm, h_hbm, gb_hbm, acc_out,
               eb0, eb1, isrc0, isrc1, idst0, idst1, sd0, sd1, sd2, sd3,
               hb0, hb1, gv0, gv1, ms0, ms1, acc_sp,
               hsem0, hsem1, gsem0, gsem1, ssem0, ssem1, ssem2, ssem3,
               esem0, esem1):
        c = lax.axis_index("c")
        s = lax.axis_index("s")
        wid = c * NS + s

        ebs = (eb0, eb1)
        isrcs = (isrc0, isrc1)
        idsts = (idst0, idst1)
        sds = (sd0, sd1, sd2, sd3)
        hbs = (hb0, hb1)
        gvs = (gv0, gv1)
        msgs = (ms0, ms1)
        hsems = (hsem0, hsem1)
        gsems = (gsem0, gsem1)
        ssems = (ssem0, ssem1, ssem2, ssem3)
        esems = (esem0, esem1)

        def start_eb(ci, b):
            off = (wid * n_chunks + ci) * (3 * ECH)
            pltpu.async_copy(eb_hbm.at[pl.ds(off, 3 * ECH)], ebs[b], esems[b])

        def wait_eb(ci, b):
            off = (wid * n_chunks + ci) * (3 * ECH)
            pltpu.make_async_copy(eb_hbm.at[pl.ds(off, 3 * ECH)], ebs[b],
                                  esems[b]).wait()

        def start_gathers(b, q):
            for t in range(ECH // LANES):
                sl = pl.ds(t * LANES, LANES)
                e = ebs[b][sl]
                sv = ebs[b][pl.ds(ECH + t * LANES, LANES)]
                dv = ebs[b][pl.ds(2 * ECH + t * LANES, LANES)]
                isrcs[b][sl] = e * N + sv
                idsts[b][sl] = e * N + dv
                sds[q][sl] = dv
            pltpu.async_copy(h_hbm.at[isrcs[b]], hbs[b], hsems[b])
            pltpu.async_copy(gb_hbm.at[idsts[b]], gvs[b], gsems[b])

        def wait_gathers(b):
            pltpu.make_async_copy(h_hbm.at[isrcs[b]], hbs[b], hsems[b]).wait()
            pltpu.make_async_copy(gb_hbm.at[idsts[b]], gvs[b], gsems[b]).wait()

        def start_scatter(b, q):
            pltpu.async_copy(msgs[b], acc_sp.at[sds[q]], ssems[q], add=True)

        def wait_scatter(b, q):
            pltpu.make_async_copy(msgs[b], acc_sp.at[sds[q]], ssems[q]).wait()

        def compute(b):
            def jbody(j, carry):
                for t in range(D // 32):
                    sl = pl.ds(LANES * t, LANES)
                    so = pl.ds(D // 2 + LANES * t, LANES)
                    gw = gvs[b][j, sl]
                    bw = gvs[b][j, so]
                    he = hbs[b][j, sl]
                    ho = hbs[b][j, so]
                    ge = lax.bitcast_convert_type(gw << 16, jnp.float32)
                    go = lax.bitcast_convert_type(gw & -65536, jnp.float32)
                    be_ = lax.bitcast_convert_type(bw << 16, jnp.float32)
                    bo = lax.bitcast_convert_type(bw & -65536, jnp.float32)
                    msgs[b][j, sl] = jnp.maximum(ge * he + be_, 0.0)
                    msgs[b][j, so] = jnp.maximum(go * ho + bo, 0.0)
                return carry

            lax.fori_loop(0, ECH, jbody, 0)

        def zrow(i, carry):
            for t in range(D // LANES):
                ms0[i, pl.ds(t * LANES, LANES)] = jnp.zeros((LANES,), jnp.float32)
            return carry

        lax.fori_loop(0, ECH, zrow, 0)
        for p in range(n_zcopy):
            pltpu.sync_copy(ms0,
                            acc_sp.at[pl.ds(s * rows_per_tile + p * ECH, ECH)])
        if z_rem:
            pltpu.sync_copy(
                ms0.at[pl.ds(0, z_rem)],
                acc_sp.at[pl.ds(s * rows_per_tile + n_zcopy * ECH, z_rem)])
        plsc.subcore_barrier()

        start_eb(0, 0)
        start_eb(1, 1)
        wait_eb(0, 0)
        start_gathers(0, 0)
        wait_eb(1, 1)
        start_gathers(1, 1)
        start_eb(2, 0)
        start_eb(3, 1)

        def quad(k, carry):
            ci0 = k * 4
            for j in range(4):
                b = j % 2
                ci = ci0 + j

                wait_gathers(b)
                if j < 2:
                    @pl.when(k > 0)
                    def _(b=b, j=j):
                        wait_scatter(b, (j - 2) % 4)
                else:
                    wait_scatter(b, (j - 2) % 4)
                compute(b)
                start_scatter(b, j)

                @pl.when(ci + 2 < n_chunks)
                def _(ci=ci, b=b, j=j):
                    wait_eb(ci + 2, b)
                    start_gathers(b, (j + 2) % 4)

                @pl.when(ci + 4 < n_chunks)
                def _(ci=ci, b=b):
                    start_eb(ci + 4, b)
            return carry

        lax.fori_loop(0, n_quads, quad, 0)
        wait_scatter(0, 2)
        wait_scatter(1, 3)
        plsc.subcore_barrier()
        pltpu.sync_copy(acc_sp.at[pl.ds(s * rows_per_tile, rows_per_tile)],
                        acc_out.at[c, s])

    return edge_k


def _tc2_body(skip_ref, acc_ref, w_ref, b_ref, o_ref):
    h = skip_ref[...] + acc_ref[0] + acc_ref[1]
    g = 0.5 * h * (1.0 + lax.erf(h * (2.0 ** -0.5)))
    o_ref[...] = (jnp.dot(g, w_ref[...], preferred_element_type=jnp.float32)
                  + b_ref[...])


def _run_tc2(skip, acc, lin1_W, lin1_b, N, D, NB):
    grid = (N // NB,)
    return pl.pallas_call(
        _tc2_body,
        grid=grid,
        in_specs=[
            pl.BlockSpec((NB, D), lambda i: (i, 0)),
            pl.BlockSpec((NC, NB, D), lambda i: (0, i, 0)),
            pl.BlockSpec((D, D), lambda i: (0, 0)),
            pl.BlockSpec((1, D), lambda i: (0, 0)),
        ],
        out_specs=pl.BlockSpec((NB, D), lambda i: (i, 0)),
        out_shape=jax.ShapeDtypeStruct((N, D), jnp.float32),
    )(skip, acc, lin1_W, lin1_b.reshape(1, D))


def kernel(x, edge_index, edge_type, lins_W, films_W, films_b,
           skip_W, skip_film_W, lin1_W, lin1_b):
    N, D = x.shape
    E = edge_type.shape[0]
    R = lins_W.shape[0]
    NB = 1000

    src = edge_index[0]
    dst = edge_index[1]

    tt = jnp.arange(D // 32)
    uu = jnp.arange(16)
    a_first = (32 * tt[:, None] + 2 * uu[None, :]).reshape(D // 2)
    A = jnp.concatenate([a_first, a_first + 1])

    Wcat = jnp.concatenate(
        [jnp.concatenate([lins_W[r][:, A] for r in range(R)], axis=1),
         jnp.concatenate([films_W[r][:, D:] for r in range(R)], axis=1),
         jnp.concatenate([films_W[r][:, :D] for r in range(R)], axis=1),
         skip_W[:, A],
         skip_film_W[:, :D][:, A],
         skip_film_W[:, D:][:, A]],
        axis=1)
    lin1_W = lin1_W[A, :]

    RNP = -(-(R * N) // (NS * 128)) * (NS * 128)
    ones_c = jnp.ones((CHUNK,), jnp.float32)
    zeros_rn = jnp.zeros((RNP,), jnp.float32)

    count_k = _make_count_kernel(N, E, R)
    cnt = count_k(edge_type, dst, ones_c, zeros_rn)
    cnt2 = (cnt.reshape(NC, RNP)[:, :R * N].reshape(NC, R, N)
            .transpose(2, 0, 1).reshape(N, NC * R))

    h_all, gb_all, skip_out = _run_tc1(x, Wcat, films_b, cnt2, N, D, R, NB)

    per_tile, n_chunks = _edge_chunks(E)
    pad = n_chunks * ECH - per_tile
    ets = jnp.pad(edge_type.reshape(NTILES, per_tile), ((0, 0), (0, pad)))
    srcs = jnp.pad(src.reshape(NTILES, per_tile), ((0, 0), (0, pad)))
    dsts = jnp.pad(dst.reshape(NTILES, per_tile), ((0, 0), (0, pad)),
                   constant_values=N)
    eb = jnp.stack([ets.reshape(NTILES, n_chunks, ECH),
                    srcs.reshape(NTILES, n_chunks, ECH),
                    dsts.reshape(NTILES, n_chunks, ECH)], axis=2).reshape(-1)

    gb_i32 = lax.bitcast_convert_type(
        gb_all.reshape(R * N, D, 2), jnp.int32)

    edge_k = _make_edge_kernel(N, E, D, R)
    acc = edge_k(eb, h_all.reshape(R * N, D), gb_i32)

    return _run_tc2(skip_out, acc.reshape(NC, N, D), lin1_W, lin1_b, N, D, NB)

# --- scband reference (transcript-rebuilt; emitter-appended) ---
"""Pipeline reference for scband-doc-eegnnmodel-hn-33423435498394 (READ-ONLY COPY).

The authoritative reference and input builder live on the scoring server;
editing this copy changes nothing except your own understanding.
"""

import jax, jax.numpy as jnp
import numpy as np

N = 10000
E = 320000
D = 128
R = 4

def setup_inputs(seed: int = 0):
    key = jax.random.key(seed)
    ks = jax.random.split(key, 10)
    x = jax.random.normal(ks[0], (N, D), dtype=jnp.float32)
    edge_index = jax.random.randint(ks[1], (2, E), 0, N, dtype=jnp.int32)
    edge_type = jax.random.randint(ks[2], (E,), 0, R, dtype=jnp.int32)
    s = 1.0 / np.sqrt(D)
    lins_W = jax.random.uniform(ks[3], (R, D, D), jnp.float32, -s, s)
    films_W = jax.random.uniform(ks[4], (R, D, 2 * D), jnp.float32, -s, s)
    films_b = jax.random.uniform(ks[5], (R, 2 * D), jnp.float32, -s, s)
    skip_W = jax.random.uniform(ks[6], (D, D), jnp.float32, -s, s)
    skip_film_W = jax.random.uniform(ks[7], (D, 2 * D), jnp.float32, -s, s)
    lin1_W = jax.random.uniform(ks[8], (D, D), jnp.float32, -s, s)
    lin1_b = jax.random.uniform(ks[9], (D,), jnp.float32, -s, s)
    return {"x": x, "edge_index": edge_index, "edge_type": edge_type,
            "lins_W": lins_W, "films_W": films_W, "films_b": films_b,
            "skip_W": skip_W, "skip_film_W": skip_film_W,
            "lin1_W": lin1_W, "lin1_b": lin1_b}

def _film_conv(x, edge_index, edge_type, lins_W, films_W, films_b, skip_W, skip_film_W):
    # PyG FiLMConv with mean aggregation, ReLU act, per-relation edge masking.
    src = edge_index[0]
    dst = edge_index[1]
    film_s = x @ skip_film_W
    beta_s, gamma_s = jnp.split(film_s, 2, axis=-1)
    out = jax.nn.relu(gamma_s * (x @ skip_W) + beta_s)
    for r in range(R):
        film = x @ films_W[r] + films_b[r]
        beta, gamma = jnp.split(film, 2, axis=-1)
        h = x @ lins_W[r]
        mask = (edge_type == r).astype(jnp.float32)
        msg = jax.nn.relu(gamma[dst] * h[src] + beta[dst]) * mask[:, None]
        summed = jax.ops.segment_sum(msg, dst, num_segments=N)
        cnt = jax.ops.segment_sum(mask, dst, num_segments=N)
        out = out + summed / jnp.maximum(cnt, 1.0)[:, None]
    return out

def reference(x, edge_index, edge_type, lins_W, films_W, films_b, skip_W, skip_film_W, lin1_W, lin1_b):
    h = _film_conv(x, edge_index, edge_type, lins_W, films_W, films_b, skip_W, skip_film_W)
    h = jax.nn.gelu(h, approximate=False)
    out = h @ lin1_W + lin1_b
    # Dropout is identity in eval mode
    return out

if __name__ == "__main__":
    import jax
    _d = setup_inputs()
    print(jax.jit(kernel)(*tuple(_d.values())))

</pallas_src>

<mosaic_0001>
#map = affine_map<(d0, d1) -> (0)>
#map1 = affine_map<(d0, d1) -> (0, 0, 0)>
module attributes {stable_mosaic.version = 14 : i64} {
  func.func @count_k(%arg0: i32, %arg1: i32, %arg2: memref<320000xi32, #tpu.memory_space<hbm>>, %arg3: memref<320000xi32, #tpu.memory_space<hbm>>, %arg4: memref<80xf32, #tpu.memory_space<hbm>>, %arg5: memref<40960xf32, #tpu.memory_space<hbm>>, %arg6: memref<32x1x2560xf32, #tpu.memory_space<hbm>>, %arg7: memref<80xi32, #tpu.memory_space<vmem>>, %arg8: memref<80xi32, #tpu.memory_space<vmem>>, %arg9: memref<80xi32, #tpu.memory_space<vmem>>, %arg10: memref<80xf32, #tpu.memory_space<vmem>>, %arg11: memref<40960xf32, #tpu.memory_space<vmem_shared>>) attributes {dimension_semantics = [#tpu.dimension_semantics<core_parallel>, #tpu.dimension_semantics<subcore_parallel>], iteration_bounds = array<i64: 2, 16>, scalar_prefetch = 0 : i64, scratch_operands = 5 : i64, tpu.core_type = #tpu.core_type<sc_vector_subcore>, window_params = [{transform_indices = #map}, {transform_indices = #map}, {transform_indices = #map}, {transform_indices = #map}, {transform_indices = #map1}]} {
    %mul3A = arith.constant 16 : i32
    %mul3A_0 = arith.muli %arg0, %mul3A : i32
    %add3A = arith.addi %mul3A_0, %arg1 : i32
    "tpu.region"() ({
      %run_scoped3A_13 = tpu.sem_alloc : memref<!tpu.dma_semaphore, #tpu.memory_space<semaphore_mem>>
      tpu.enqueue_dma source(%arg4 : memref<80xf32, #tpu.memory_space<hbm>>) target(%arg10 : memref<80xf32, #tpu.memory_space<vmem>>) target_semaphore(%run_scoped3A_13 : memref<!tpu.dma_semaphore, #tpu.memory_space<semaphore_mem>>)
      tpu.wait_dma2 semaphore(%run_scoped3A_13 : memref<!tpu.dma_semaphore, #tpu.memory_space<semaphore_mem>>) src(%arg4 : memref<80xf32, #tpu.memory_space<hbm>>) dst(%arg10 : memref<80xf32, #tpu.memory_space<vmem>>)
      tpu.yield
    }) : () -> ()
    %eq3A = arith.constant 0 : i32
    %eq3A_1 = arith.cmpi eq, %arg1, %eq3A : i32
    %convert_element_type3A = arith.extui %eq3A_1 : i1 to i32
    %cond3A = arith.constant 0 : i32
    %cond3A_2 = arith.cmpi ne, %convert_element_type3A, %cond3A : i32
    scf.if %cond3A_2 {
      "tpu.region"() ({
        %run_scoped3A_13 = tpu.sem_alloc : memref<!tpu.dma_semaphore, #tpu.memory_space<semaphore_mem>>
        tpu.enqueue_dma source(%arg5 : memref<40960xf32, #tpu.memory_space<hbm>>) target(%arg11 : memref<40960xf32, #tpu.memory_space<vmem_shared>>) target_semaphore(%run_scoped3A_13 : memref<!tpu.dma_semaphore, #tpu.memory_space<semaphore_mem>>)
        tpu.wait_dma2 semaphore(%run_scoped3A_13 : memref<!tpu.dma_semaphore, #tpu.memory_space<semaphore_mem>>) src(%arg5 : memref<40960xf32, #tpu.memory_space<hbm>>) dst(%arg11 : memref<40960xf32, #tpu.memory_space<vmem_shared>>)
        tpu.yield
      }) : () -> ()
    } else {
    }
    %barrier3A = arith.constant 0 : index
    tpu.barrier barrier_id(%barrier3A)
    %mul3A_3 = arith.constant 10000 : i32
    %mul3A_4 = arith.muli %add3A, %mul3A_3 : i32
    %scan3A = arith.constant 0 : i32
    %scan3A_5 = arith.constant 0 : i32
    %scan3A_6 = arith.constant 125 : i32
    %scan3A_7 = arith.addi %scan3A_5, %scan3A_6 : i32
    %scan3A_8 = arith.constant 1 : i32
    scf.for %scan3A_13 = %scan3A_5 to %scan3A_7 step %scan3A_8  : i32 {
      %mul3A_14 = arith.constant 80 : i32
      %mul3A_15 = arith.muli %scan3A_13, %mul3A_14 : i32
      %add3A_16 = arith.addi %mul3A_4, %mul3A_15 : i32
      "tpu.region"() ({
        %run_scoped3A_85 = tpu.sem_alloc : memref<!tpu.dma_semaphore, #tpu.memory_space<semaphore_mem>>
        %dma_start3A = tpu.memref_slice %arg2[%add3A_16] : memref<320000xi32, #tpu.memory_space<hbm>> -> memref<80xi32, #tpu.memory_space<hbm>>
        %dma_start3A_86 = tpu.memref_slice %arg2[%add3A_16] : memref<320000xi32, #tpu.memory_space<hbm>> -> memref<80xi32, #tpu.memory_space<hbm>>
        tpu.enqueue_dma source(%dma_start3A_86 : memref<80xi32, #tpu.memory_space<hbm>>) target(%arg7 : memref<80xi32, #tpu.memory_space<vmem>>) target_semaphore(%run_scoped3A_85 : memref<!tpu.dma_semaphore, #tpu.memory_space<semaphore_mem>>)
        %dma_wait3A = tpu.memref_slice %arg2[%add3A_16] : memref<320000xi32, #tpu.memory_space<hbm>> -> memref<80xi32, #tpu.memory_space<hbm>>
        %dma_wait3A_87 = tpu.memref_slice %arg2[%add3A_16] : memref<320000xi32, #tpu.memory_space<hbm>> -> memref<80xi32, #tpu.memory_space<hbm>>
        tpu.wait_dma2 semaphore(%run_scoped3A_85 : memref<!tpu.dma_semaphore, #tpu.memory_space<semaphore_mem>>) src(%dma_wait3A_87 : memref<80xi32, #tpu.memory_space<hbm>>) dst(%arg7 : memref<80xi32, #tpu.memory_space<vmem>>)
        tpu.yield
      }) : () -> ()
      "tpu.region"() ({
        %run_scoped3A_85 = tpu.sem_alloc : memref<!tpu.dma_semaphore, #tpu.memory_space<semaphore_mem>>
        %dma_start3A = tpu.memref_slice %arg3[%add3A_16] : memref<320000xi32, #tpu.memory_space<hbm>> -> memref<80xi32, #tpu.memory_space<hbm>>
        %dma_start3A_86 = tpu.memref_slice %arg3[%add3A_16] : memref<320000xi32, #tpu.memory_space<hbm>> -> memref<80xi32, #tpu.memory_space<hbm>>
        tpu.enqueue_dma source(%dma_start3A_86 : memref<80xi32, #tpu.memory_space<hbm>>) target(%arg8 : memref<80xi32, #tpu.memory_space<vmem>>) target_semaphore(%run_scoped3A_85 : memref<!tpu.dma_semaphore, #tpu.memory_space<semaphore_mem>>)
        %dma_wait3A = tpu.memref_slice %arg3[%add3A_16] : memref<320000xi32, #tpu.memory_space<hbm>> -> memref<80xi32, #tpu.memory_space<hbm>>
        %dma_wait3A_87 = tpu.memref_slice %arg3[%add3A_16] : memref<320000xi32, #tpu.memory_space<hbm>> -> memref<80xi32, #tpu.memory_space<hbm>>
        tpu.wait_dma2 semaphore(%run_scoped3A_85 : memref<!tpu.dma_semaphore, #tpu.memory_space<semaphore_mem>>) src(%dma_wait3A_87 : memref<80xi32, #tpu.memory_space<hbm>>) dst(%arg8 : memref<80xi32, #tpu.memory_space<vmem>>)
        tpu.yield
      }) : () -> ()
      %get3A = arith.constant 0 : index
      %get3A_17 = tpu.vector_load %arg7[%get3A] {strides = array<i32>} : memref<80xi32, #tpu.memory_space<vmem>>, vector<16xi32>,
      %get3A_18 = vector.shape_cast %get3A_17 : vector<16xi32> to vector<16xi32>
      %mul3A_19 = arith.constant 10000 : i32
      %mul3A_20 = vector.broadcast %mul3A_19 : i32 to vector<16xi32>
      %mul3A_21 = arith.muli %get3A_18, %mul3A_20 : vector<16xi32>
      %get3A_22 = arith.constant 0 : index
      %get3A_23 = tpu.vector_load %arg8[%get3A_22] {strides = array<i32>} : memref<80xi32, #tpu.memory_space<vmem>>, vector<16xi32>,
      %get3A_24 = vector.shape_cast %get3A_23 : vector<16xi32> to vector<16xi32>
      %add3A_25 = arith.addi %mul3A_21, %get3A_24 : vector<16xi32>
      %swap3A = arith.constant 0 : index
      %swap3A_26 = tpu.vector_load %arg9[%swap3A] {strides = array<i32>} : memref<80xi32, #tpu.memory_space<vmem>>, vector<16xi32>,
      %swap3A_27 = vector.shape_cast %swap3A_26 : vector<16xi32> to vector<16xi32>
      %swap3A_28 = vector.shape_cast %add3A_25 : vector<16xi32> to vector<16xi32>
      tpu.vector_store %arg9[%swap3A], %swap3A_28 {strides = array<i32>} : memref<80xi32, #tpu.memory_space<vmem>>, vector<16xi32>,
      %get3A_29 = arith.constant 16 : index
      %get3A_30 = tpu.vector_load %arg7[%get3A_29] {strides = array<i32>} : memref<80xi32, #tpu.memory_space<vmem>>, vector<16xi32>,
      %get3A_31 = vector.shape_cast %get3A_30 : vector<16xi32> to vector<16xi32>
      %mul3A_32 = arith.constant 10000 : i32
      %mul3A_33 = vector.broadcast %mul3A_32 : i32 to vector<16xi32>
      %mul3A_34 = arith.muli %get3A_31, %mul3A_33 : vector<16xi32>
      %get3A_35 = arith.constant 16 : index
      %get3A_36 = tpu.vector_load %arg8[%get3A_35] {strides = array<i32>} : memref<80xi32, #tpu.memory_space<vmem>>, vector<16xi32>,
      %get3A_37 = vector.shape_cast %get3A_36 : vector<16xi32> to vector<16xi32>
      %add3A_38 = arith.addi %mul3A_34, %get3A_37 : vector<16xi32>
      %swap3A_39 = arith.constant 16 : index
      %swap3A_40 = tpu.vector_load %arg9[%swap3A_39] {strides = array<i32>} : memref<80xi32, #tpu.memory_space<vmem>>, vector<16xi32>,
      %swap3A_41 = vector.shape_cast %swap3A_40 : vector<16xi32> to vector<16xi32>
      %swap3A_42 = vector.shape_cast %add3A_38 : vector<16xi32> to vector<16xi32>
      tpu.vector_store %arg9[%swap3A_39], %swap3A_42 {strides = array<i32>} : memref<80xi32, #tpu.memory_space<vmem>>, vector<16xi32>,
      %get3A_43 = arith.constant 32 : index
      %get3A_44 = tpu.vector_load %arg7[%get3A_43] {strides = array<i32>} : memref<80xi32, #tpu.memory_space<vmem>>, vector<16xi32>,
      %get3A_45 = vector.shape_cast %get3A_44 : vector<16xi32> to vector<16xi32>
      %mul3A_46 = arith.constant 10000 : i32
      %mul3A_47 = vector.broadcast %mul3A_46 : i32 to vector<16xi32>
      %mul3A_48 = arith.muli %get3A_45, %mul3A_47 : vector<16xi32>
      %get3A_49 = arith.constant 32 : index
      %get3A_50 = tpu.vector_load %arg8[%get3A_49] {strides = array<i32>} : memref<80xi32, #tpu.memory_space<vmem>>, vector<16xi32>,
      %get3A_51 = vector.shape_cast %get3A_50 : vector<16xi32> to vector<16xi32>
      %add3A_52 = arith.addi %mul3A_48, %get3A_51 : vector<16xi32>
      %swap3A_53 = arith.constant 32 : index
      %swap3A_54 = tpu.vector_load %arg9[%swap3A_53] {strides = array<i32>} : memref<80xi32, #tpu.memory_space<vmem>>, vector<16xi32>,
      %swap3A_55 = vector.shape_cast %swap3A_54 : vector<16xi32> to vector<16xi32>
      %swap3A_56 = vector.shape_cast %add3A_52 : vector<16xi32> to vector<16xi32>
      tpu.vector_store %arg9[%swap3A_53], %swap3A_56 {strides = array<i32>} : memref<80xi32, #tpu.memory_space<vmem>>, vector<16xi32>,
      %get3A_57 = arith.constant 48 : index
      %get3A_58 = tpu.vector_load %arg7[%get3A_57] {strides = array<i32>} : memref<80xi32, #tpu.memory_space<vmem>>, vector<16xi32>,
      %get3A_59 = vector.shape_cast %get3A_58 : vector<16xi32> to vector<16xi32>
      %mul3A_60 = arith.constant 10000 : i32
      %mul3A_61 = vector.broadcast %mul3A_60 : i32 to vector<16xi32>
      %mul3A_62 = arith.muli %get3A_59, %mul3A_61 : vector<16xi32>
      %get3A_63 = arith.constant 48 : index
      %get3A_64 = tpu.vector_load %arg8[%get3A_63] {strides = array<i32>} : memref<80xi32, #tpu.memory_space<vmem>>, vector<16xi32>,
      %get3A_65 = vector.shape_cast %get3A_64 : vector<16xi32> to vector<16xi32>
      %add3A_66 = arith.addi %mul3A_62, %get3A_65 : vector<16xi32>
      %swap3A_67 = arith.constant 48 : index
      %swap3A_68 = tpu.vector_load %arg9[%swap3A_67] {strides = array<i32>} : memref<80xi32, #tpu.memory_space<vmem>>, vector<16xi32>,
      %swap3A_69 = vector.shape_cast %swap3A_68 : vector<16xi32> to vector<16xi32>
      %swap3A_70 = vector.shape_cast %add3A_66 : vector<16xi32> to vector<16xi32>
      tpu.vector_store %arg9[%swap3A_67], %swap3A_70 {strides = array<i32>} : memref<80xi32, #tpu.memory_space<vmem>>, vector<16xi32>,
      %get3A_71 = arith.constant 64 : index
      %get3A_72 = tpu.vector_load %arg7[%get3A_71] {strides = array<i32>} : memref<80xi32, #tpu.memory_space<vmem>>, vector<16xi32>,
      %get3A_73 = vector.shape_cast %get3A_72 : vector<16xi32> to vector<16xi32>
      %mul3A_74 = arith.constant 10000 : i32
      %mul3A_75 = vector.broadcast %mul3A_74 : i32 to vector<16xi32>
      %mul3A_76 = arith.muli %get3A_73, %mul3A_75 : vector<16xi32>
      %get3A_77 = arith.constant 64 : index
      %get3A_78 = tpu.vector_load %arg8[%get3A_77] {strides = array<i32>} : memref<80xi32, #tpu.memory_space<vmem>>, vector<16xi32>,
      %get3A_79 = vector.shape_cast %get3A_78 : vector<16xi32> to vector<16xi32>
      %add3A_80 = arith.addi %mul3A_76, %get3A_79 : vector<16xi32>
      %swap3A_81 = arith.constant 64 : index
      %swap3A_82 = tpu.vector_load %arg9[%swap3A_81] {strides = array<i32>} : memref<80xi32, #tpu.memory_space<vmem>>, vector<16xi32>,
      %swap3A_83 = vector.shape_cast %swap3A_82 : vector<16xi32> to vector<16xi32>
      %swap3A_84 = vector.shape_cast %add3A_80 : vector<16xi32> to vector<16xi32>
      tpu.vector_store %arg9[%swap3A_81], %swap3A_84 {strides = array<i32>} : memref<80xi32, #tpu.memory_space<vmem>>, vector<16xi32>,
      "tpu.region"() ({
        %run_scoped3A_85 = tpu.sem_alloc : memref<!tpu.dma_semaphore, #tpu.memory_space<semaphore_mem>>
        %dma_start3A = arith.constant 0 : i32
        %dma_start3A_86 = tpu.memref_slice %arg11[%dma_start3A] : memref<40960xf32, #tpu.memory_space<vmem_shared>> -> memref<40960xf32, #tpu.memory_space<vmem_shared>>
        tpu.enqueue_indirect_dma source(%arg10 : memref<80xf32, #tpu.memory_space<vmem>>) target(%dma_start3A_86 : memref<40960xf32, #tpu.memory_space<vmem_shared>>) offsets(%arg9 : memref<80xi32, #tpu.memory_space<vmem>>) semaphore(%run_scoped3A_85 : memref<!tpu.dma_semaphore, #tpu.memory_space<semaphore_mem>>) {add = true}
        %dma_wait3A = arith.constant 0 : i32
        %dma_wait3A_87 = tpu.memref_slice %arg11[%dma_wait3A] : memref<40960xf32, #tpu.memory_space<vmem_shared>> -> memref<40960xf32, #tpu.memory_space<vmem_shared>>
        tpu.wait_indirect_dma semaphore(%run_scoped3A_85 : memref<!tpu.dma_semaphore, #tpu.memory_space<semaphore_mem>>) src(%arg10 : memref<80xf32, #tpu.memory_space<vmem>>) dst(%dma_wait3A_87 : memref<40960xf32, #tpu.memory_space<vmem_shared>>)
        tpu.yield
      }) : () -> ()
    }
    %scan3A_9 = arith.constant 125 : i32
    %barrier3A_10 = arith.constant 0 : index
    tpu.barrier barrier_id(%barrier3A_10)
    %mul3A_11 = arith.constant 2560 : i32
    %mul3A_12 = arith.muli %arg1, %mul3A_11 : i32
    %run_scoped3A = arith.constant 0 : i32
    "tpu.region"() ({
      %run_scoped3A_13 = tpu.sem_alloc : memref<!tpu.dma_semaphore, #tpu.memory_space<semaphore_mem>>
      %dma_start3A = arith.constant 0 : i32
      %dma_start3A_14 = tpu.memref_slice %arg6[%add3A, %run_scoped3A, %dma_start3A] : memref<32x1x2560xf32, #tpu.memory_space<hbm>> -> memref<1x1x2560xf32, #tpu.memory_space<hbm>>
      %dma_start3A_15 = tpu.memref_squeeze %dma_start3A_14 : memref<1x1x2560xf32, #tpu.memory_space<hbm>> -> memref<2560xf32, #tpu.memory_space<hbm>>
      %dma_start3A_16 = tpu.memref_slice %arg11[%mul3A_12] : memref<40960xf32, #tpu.memory_space<vmem_shared>> -> memref<2560xf32, #tpu.memory_space<vmem_shared>>
      tpu.enqueue_dma source(%dma_start3A_16 : memref<2560xf32, #tpu.memory_space<vmem_shared>>) target(%dma_start3A_15 : memref<2560xf32, #tpu.memory_space<hbm>>) target_semaphore(%run_scoped3A_13 : memref<!tpu.dma_semaphore, #tpu.memory_space<semaphore_mem>>)
      %dma_wait3A = arith.constant 0 : i32
      %dma_wait3A_17 = tpu.memref_slice %arg6[%add3A, %run_scoped3A, %dma_wait3A] : memref<32x1x2560xf32, #tpu.memory_space<hbm>> -> memref<1x1x2560xf32, #tpu.memory_space<hbm>>
      %dma_wait3A_18 = tpu.memref_squeeze %dma_wait3A_17 : memref<1x1x2560xf32, #tpu.memory_space<hbm>> -> memref<2560xf32, #tpu.memory_space<hbm>>
      %dma_wait3A_19 = tpu.memref_slice %arg11[%mul3A_12] : memref<40960xf32, #tpu.memory_space<vmem_shared>> -> memref<2560xf32, #tpu.memory_space<vmem_shared>>
      tpu.wait_dma2 semaphore(%run_scoped3A_13 : memref<!tpu.dma_semaphore, #tpu.memory_space<semaphore_mem>>) src(%dma_wait3A_19 : memref<2560xf32, #tpu.memory_space<vmem_shared>>) dst(%dma_wait3A_18 : memref<2560xf32, #tpu.memory_space<hbm>>)
      tpu.yield
    }) : () -> ()
    return
  }
}

#map = affine_map<(d0, d1) -> (0)>
#map1 = affine_map<(d0, d1) -> (0, 0)>
#map2 = affine_map<(d0, d1) -> (0, 0, 0, 0)>
module attributes {stable_mosaic.version = 14 : i64} {
  func.func @edge_k(%arg0: i32, %arg1: i32, %arg2: memref<983040xi32, #tpu.memory_space<hbm>>, %arg3: memref<40000x128xf32, #tpu.memory_space<hbm>>, %arg4: memref<40000x128xi32, #tpu.memory_space<hbm>>, %arg5: memref<2x16x625x128xf32, #tpu.memory_space<hbm>>, %arg6: memref<192xi32, #tpu.memory_space<vmem>>, %arg7: memref<192xi32, #tpu.memory_space<vmem>>, %arg8: memref<64xi32, #tpu.memory_space<vmem>>, %arg9: memref<64xi32, #tpu.memory_space<vmem>>, %arg10: memref<64xi32, #tpu.memory_space<vmem>>, %arg11: memref<64xi32, #tpu.memory_space<vmem>>, %arg12: memref<64xi32, #tpu.memory_space<vmem>>, %arg13: memref<64xi32, #tpu.memory_space<vmem>>, %arg14: memref<64xi32, #tpu.memory_space<vmem>>, %arg15: memref<64xi32, #tpu.memory_space<vmem>>, %arg16: memref<64x128xf32, #tpu.memory_space<vmem>>, %arg17: memref<64x128xf32, #tpu.memory_space<vmem>>, %arg18: memref<64x128xi32, #tpu.memory_space<vmem>>, %arg19: memref<64x128xi32, #tpu.memory_space<vmem>>, %arg20: memref<64x128xf32, #tpu.memory_space<vmem>>, %arg21: memref<64x128xf32, #tpu.memory_space<vmem>>, %arg22: memref<10016x128xf32, #tpu.memory_space<vmem_shared>>, %arg23: memref<!tpu.dma_semaphore, #tpu.memory_space<semaphore_mem>>, %arg24: memref<!tpu.dma_semaphore, #tpu.memory_space<semaphore_mem>>, %arg25: memref<!tpu.dma_semaphore, #tpu.memory_space<semaphore_mem>>, %arg26: memref<!tpu.dma_semaphore, #tpu.memory_space<semaphore_mem>>, %arg27: memref<!tpu.dma_semaphore, #tpu.memory_space<semaphore_mem>>, %arg28: memref<!tpu.dma_semaphore, #tpu.memory_space<semaphore_mem>>, %arg29: memref<!tpu.dma_semaphore, #tpu.memory_space<semaphore_mem>>, %arg30: memref<!tpu.dma_semaphore, #tpu.memory_space<semaphore_mem>>, %arg31: memref<!tpu.dma_semaphore, #tpu.memory_space<semaphore_mem>>, %arg32: memref<!tpu.dma_semaphore, #tpu.memory_space<semaphore_mem>>) attributes {dimension_semantics = [#tpu.dimension_semantics<core_parallel>, #tpu.dimension_semantics<subcore_parallel>], iteration_bounds = array<i64: 2, 16>, scalar_prefetch = 0 : i64, scratch_operands = 27 : i64, tpu.core_type = #tpu.core_type<sc_vector_subcore>, window_params = [{transform_indices = #map}, {transform_indices = #map1}, {transform_indices = #map1}, {transform_indices = #map2}]} {
    %mul3A = arith.constant 16 : i32
    %mul3A_0 = arith.muli %arg0, %mul3A : i32
    %add3A = arith.addi %mul3A_0, %arg1 : i32
    %scan3A = arith.constant 0 : i32
    %scan3A_1 = arith.constant 0 : i32
    %scan3A_2 = arith.constant 64 : i32
    %scan3A_3 = arith.addi %scan3A_1, %scan3A_2 : i32
    %scan3A_4 = arith.constant 1 : i32
    scf.for %scan3A_349 = %scan3A_1 to %scan3A_3 step %scan3A_4  : i32 {
      %broadcast_in_dim3A = arith.constant 0.000000e+00 : f32
      %broadcast_in_dim3A_350 = vector.broadcast %broadcast_in_dim3A : f32 to vector<16xf32>
      %swap3A_351 = arith.index_cast %scan3A_349 : i32 to index
      %swap3A_352 = arith.constant 0 : index
      %swap3A_353 = tpu.vector_load %arg20[%swap3A_351, %swap3A_352] {strides = array<i32>} : memref<64x128xf32, #tpu.memory_space<vmem>>, vector<1x16xf32>,
      %swap3A_354 = vector.shape_cast %swap3A_353 : vector<1x16xf32> to vector<16xf32>
      %swap3A_355 = vector.shape_cast %broadcast_in_dim3A_350 : vector<16xf32> to vector<1x16xf32>
      tpu.vector_store %arg20[%swap3A_351, %swap3A_352], %swap3A_355 {strides = array<i32>} : memref<64x128xf32, #tpu.memory_space<vmem>>, vector<1x16xf32>,
      %broadcast_in_dim3A_356 = arith.constant 0.000000e+00 : f32
      %broadcast_in_dim3A_357 = vector.broadcast %broadcast_in_dim3A_356 : f32 to vector<16xf32>
      %swap3A_358 = arith.index_cast %scan3A_349 : i32 to index
      %swap3A_359 = arith.constant 16 : index
      %swap3A_360 = tpu.vector_load %arg20[%swap3A_358, %swap3A_359] {strides = array<i32>} : memref<64x128xf32, #tpu.memory_space<vmem>>, vector<1x16xf32>,
      %swap3A_361 = vector.shape_cast %swap3A_360 : vector<1x16xf32> to vector<16xf32>
      %swap3A_362 = vector.shape_cast %broadcast_in_dim3A_357 : vector<16xf32> to vector<1x16xf32>
      tpu.vector_store %arg20[%swap3A_358, %swap3A_359], %swap3A_362 {strides = array<i32>} : memref<64x128xf32, #tpu.memory_space<vmem>>, vector<1x16xf32>,
      %broadcast_in_dim3A_363 = arith.constant 0.000000e+00 : f32
      %broadcast_in_dim3A_364 = vector.broadcast %broadcast_in_dim3A_363 : f32 to vector<16xf32>
      %swap3A_365 = arith.index_cast %scan3A_349 : i32 to index
      %swap3A_366 = arith.constant 32 : index
      %swap3A_367 = tpu.vector_load %arg20[%swap3A_365, %swap3A_366] {strides = array<i32>} : memref<64x128xf32, #tpu.memory_space<vmem>>, vector<1x16xf32>,
      %swap3A_368 = vector.shape_cast %swap3A_367 : vector<1x16xf32> to vector<16xf32>
      %swap3A_369 = vector.shape_cast %broadcast_in_dim3A_364 : vector<16xf32> to vector<1x16xf32>
      tpu.vector_store %arg20[%swap3A_365, %swap3A_366], %swap3A_369 {strides = array<i32>} : memref<64x128xf32, #tpu.memory_space<vmem>>, vector<1x16xf32>,
      %broadcast_in_dim3A_370 = arith.constant 0.000000e+00 : f32
      %broadcast_in_dim3A_371 = vector.broadcast %broadcast_in_dim3A_370 : f32 to vector<16xf32>
      %swap3A_372 = arith.index_cast %scan3A_349 : i32 to index
      %swap3A_373 = arith.constant 48 : index
      %swap3A_374 = tpu.vector_load %arg20[%swap3A_372, %swap3A_373] {strides = array<i32>} : memref<64x128xf32, #tpu.memory_space<vmem>>, vector<1x16xf32>,
      %swap3A_375 = vector.shape_cast %swap3A_374 : vector<1x16xf32> to vector<16xf32>
      %swap3A_376 = vector.shape_cast %broadcast_in_dim3A_371 : vector<16xf32> to vector<1x16xf32>
      tpu.vector_store %arg20[%swap3A_372, %swap3A_373], %swap3A_376 {strides = array<i32>} : memref<64x128xf32, #tpu.memory_space<vmem>>, vector<1x16xf32>,
      %broadcast_in_dim3A_377 = arith.constant 0.000000e+00 : f32
      %broadcast_in_dim3A_378 = vector.broadcast %broadcast_in_dim3A_377 : f32 to vector<16xf32>
      %swap3A_379 = arith.index_cast %scan3A_349 : i32 to index
      %swap3A_380 = arith.constant 64 : index
      %swap3A_381 = tpu.vector_load %arg20[%swap3A_379, %swap3A_380] {strides = array<i32>} : memref<64x128xf32, #tpu.memory_space<vmem>>, vector<1x16xf32>,
      %swap3A_382 = vector.shape_cast %swap3A_381 : vector<1x16xf32> to vector<16xf32>
      %swap3A_383 = vector.shape_cast %broadcast_in_dim3A_378 : vector<16xf32> to vector<1x16xf32>
      tpu.vector_store %arg20[%swap3A_379, %swap3A_380], %swap3A_383 {strides = array<i32>} : memref<64x128xf32, #tpu.memory_space<vmem>>, vector<1x16xf32>,
      %broadcast_in_dim3A_384 = arith.constant 0.000000e+00 : f32
      %broadcast_in_dim3A_385 = vector.broadcast %broadcast_in_dim3A_384 : f32 to vector<16xf32>
      %swap3A_386 = arith.index_cast %scan3A_349 : i32 to index
      %swap3A_387 = arith.constant 80 : index
      %swap3A_388 = tpu.vector_load %arg20[%swap3A_386, %swap3A_387] {strides = array<i32>} : memref<64x128xf32, #tpu.memory_space<vmem>>, vector<1x16xf32>,
      %swap3A_389 = vector.shape_cast %swap3A_388 : vector<1x16xf32> to vector<16xf32>
      %swap3A_390 = vector.shape_cast %broadcast_in_dim3A_385 : vector<16xf32> to vector<1x16xf32>
      tpu.vector_store %arg20[%swap3A_386, %swap3A_387], %swap3A_390 {strides = array<i32>} : memref<64x128xf32, #tpu.memory_space<vmem>>, vector<1x16xf32>,
      %broadcast_in_dim3A_391 = arith.constant 0.000000e+00 : f32
      %broadcast_in_dim3A_392 = vector.broadcast %broadcast_in_dim3A_391 : f32 to vector<16xf32>
      %swap3A_393 = arith.index_cast %scan3A_349 : i32 to index
      %swap3A_394 = arith.constant 96 : index
      %swap3A_395 = tpu.vector_load %arg20[%swap3A_393, %swap3A_394] {strides = array<i32>} : memref<64x128xf32, #tpu.memory_space<vmem>>, vector<1x16xf32>,
      %swap3A_396 = vector.shape_cast %swap3A_395 : vector<1x16xf32> to vector<16xf32>
      %swap3A_397 = vector.shape_cast %broadcast_in_dim3A_392 : vector<16xf32> to vector<1x16xf32>
      tpu.vector_store %arg20[%swap3A_393, %swap3A_394], %swap3A_397 {strides = array<i32>} : memref<64x128xf32, #tpu.memory_space<vmem>>, vector<1x16xf32>,
      %broadcast_in_dim3A_398 = arith.constant 0.000000e+00 : f32
      %broadcast_in_dim3A_399 = vector.broadcast %broadcast_in_dim3A_398 : f32 to vector<16xf32>
      %swap3A_400 = arith.index_cast %scan3A_349 : i32 to index
      %swap3A_401 = arith.constant 112 : index
      %swap3A_402 = tpu.vector_load %arg20[%swap3A_400, %swap3A_401] {strides = array<i32>} : memref<64x128xf32, #tpu.memory_space<vmem>>, vector<1x16xf32>,
      %swap3A_403 = vector.shape_cast %swap3A_402 : vector<1x16xf32> to vector<16xf32>
      %swap3A_404 = vector.shape_cast %broadcast_in_dim3A_399 : vector<16xf32> to vector<1x16xf32>
      tpu.vector_store %arg20[%swap3A_400, %swap3A_401], %swap3A_404 {strides = array<i32>} : memref<64x128xf32, #tpu.memory_space<vmem>>, vector<1x16xf32>,
    }
    %scan3A_5 = arith.constant 64 : i32
    %mul3A_6 = arith.constant 625 : i32
    %mul3A_7 = arith.muli %arg1, %mul3A_6 : i32
    %add3A_8 = arith.constant 0 : i32
    %add3A_9 = arith.addi %mul3A_7, %add3A_8 : i32
    "tpu.region"() ({
      %run_scoped3A = tpu.sem_alloc : memref<!tpu.dma_semaphore, #tpu.memory_space<semaphore_mem>>
      %dma_start3A_349 = arith.constant 0 : i32
      %dma_start3A_350 = tpu.memref_slice %arg22[%add3A_9, %dma_start3A_349] : memref<10016x128xf32, #tpu.memory_space<vmem_shared>> -> memref<64x128xf32, #tpu.memory_space<vmem_shared>>
      %dma_start3A_351 = arith.constant 0 : i32
      %dma_start3A_352 = tpu.memref_slice %arg22[%add3A_9, %dma_start3A_351] : memref<10016x128xf32, #tpu.memory_space<vmem_shared>> -> memref<64x128xf32, #tpu.memory_space<vmem_shared>>
      tpu.enqueue_dma source(%arg20 : memref<64x128xf32, #tpu.memory_space<vmem>>) target(%dma_start3A_352 : memref<64x128xf32, #tpu.memory_space<vmem_shared>>) target_semaphore(%run_scoped3A : memref<!tpu.dma_semaphore, #tpu.memory_space<semaphore_mem>>)
      %dma_wait3A_353 = arith.constant 0 : i32
      %dma_wait3A_354 = tpu.memref_slice %arg22[%add3A_9, %dma_wait3A_353] : memref<10016x128xf32, #tpu.memory_space<vmem_shared>> -> memref<64x128xf32, #tpu.memory_space<vmem_shared>>
      %dma_wait3A_355 = arith.constant 0 : i32
      %dma_wait3A_356 = tpu.memref_slice %arg22[%add3A_9, %dma_wait3A_355] : memref<10016x128xf32, #tpu.memory_space<vmem_shared>> -> memref<64x128xf32, #tpu.memory_space<vmem_shared>>
      tpu.wait_dma2 semaphore(%run_scoped3A : memref<!tpu.dma_semaphore, #tpu.memory_space<semaphore_mem>>) src(%arg20 : memref<64x128xf32, #tpu.memory_space<vmem>>) dst(%dma_wait3A_356 : memref<64x128xf32, #tpu.memory_space<vmem_shared>>)
      tpu.yield
    }) : () -> ()
    %mul3A_10 = arith.constant 625 : i32
    %mul3A_11 = arith.muli %arg1, %mul3A_10 : i32
    %add3A_12 = arith.constant 64 : i32
    %add3A_13 = arith.addi %mul3A_11, %add3A_12 : i32
    "tpu.region"() ({
      %run_scoped3A = tpu.sem_alloc : memref<!tpu.dma_semaphore, #tpu.memory_space<semaphore_mem>>
      %dma_start3A_349 = arith.constant 0 : i32
      %dma_start3A_350 = tpu.memref_slice %arg22[%add3A_13, %dma_start3A_349] : memref<10016x128xf32, #tpu.memory_space<vmem_shared>> -> memref<64x128xf32, #tpu.memory_space<vmem_shared>>
      %dma_start3A_351 = arith.constant 0 : i32
      %dma_start3A_352 = tpu.memref_slice %arg22[%add3A_13, %dma_start3A_351] : memref<10016x128xf32, #tpu.memory_space<vmem_shared>> -> memref<64x128xf32, #tpu.memory_space<vmem_shared>>
      tpu.enqueue_dma source(%arg20 : memref<64x128xf32, #tpu.memory_space<vmem>>) target(%dma_start3A_352 : memref<64x128xf32, #tpu.memory_space<vmem_shared>>) target_semaphore(%run_scoped3A : memref<!tpu.dma_semaphore, #tpu.memory_space<semaphore_mem>>)
      %dma_wait3A_353 = arith.constant 0 : i32
      %dma_wait3A_354 = tpu.memref_slice %arg22[%add3A_13, %dma_wait3A_353] : memref<10016x128xf32, #tpu.memory_space<vmem_shared>> -> memref<64x128xf32, #tpu.memory_space<vmem_shared>>
      %dma_wait3A_355 = arith.constant 0 : i32
      %dma_wait3A_356 = tpu.memref_slice %arg22[%add3A_13, %dma_wait3A_355] : memref<10016x128xf32, #tpu.memory_space<vmem_shared>> -> memref<64x128xf32, #tpu.memory_space<vmem_shared>>
      tpu.wait_dma2 semaphore(%run_scoped3A : memref<!tpu.dma_semaphore, #tpu.memory_space<semaphore_mem>>) src(%arg20 : memref<64x128xf32, #tpu.memory_space<vmem>>) dst(%dma_wait3A_356 : memref<64x128xf32, #tpu.memory_space<vmem_shared>>)
      tpu.yield
    }) : () -> ()
    %mul3A_14 = arith.constant 625 : i32
    %mul3A_15 = arith.muli %arg1, %mul3A_14 : i32
    %add3A_16 = arith.constant 128 : i32
    %add3A_17 = arith.addi %mul3A_15, %add3A_16 : i32
    "tpu.region"() ({
      %run_scoped3A = tpu.sem_alloc : memref<!tpu.dma_semaphore, #tpu.memory_space<semaphore_mem>>
      %dma_start3A_349 = arith.constant 0 : i32
      %dma_start3A_350 = tpu.memref_slice %arg22[%add3A_17, %dma_start3A_349] : memref<10016x128xf32, #tpu.memory_space<vmem_shared>> -> memref<64x128xf32, #tpu.memory_space<vmem_shared>>
      %dma_start3A_351 = arith.constant 0 : i32
      %dma_start3A_352 = tpu.memref_slice %arg22[%add3A_17, %dma_start3A_351] : memref<10016x128xf32, #tpu.memory_space<vmem_shared>> -> memref<64x128xf32, #tpu.memory_space<vmem_shared>>
      tpu.enqueue_dma source(%arg20 : memref<64x128xf32, #tpu.memory_space<vmem>>) target(%dma_start3A_352 : memref<64x128xf32, #tpu.memory_space<vmem_shared>>) target_semaphore(%run_scoped3A : memref<!tpu.dma_semaphore, #tpu.memory_space<semaphore_mem>>)
      %dma_wait3A_353 = arith.constant 0 : i32
      %dma_wait3A_354 = tpu.memref_slice %arg22[%add3A_17, %dma_wait3A_353] : memref<10016x128xf32, #tpu.memory_space<vmem_shared>> -> memref<64x128xf32, #tpu.memory_space<vmem_shared>>
      %dma_wait3A_355 = arith.constant 0 : i32
      %dma_wait3A_356 = tpu.memref_slice %arg22[%add3A_17, %dma_wait3A_355] : memref<10016x128xf32, #tpu.memory_space<vmem_shared>> -> memref<64x128xf32, #tpu.memory_space<vmem_shared>>
      tpu.wait_dma2 semaphore(%run_scoped3A : memref<!tpu.dma_semaphore, #tpu.memory_space<semaphore_mem>>) src(%arg20 : memref<64x128xf32, #tpu.memory_space<vmem>>) dst(%dma_wait3A_356 : memref<64x128xf32, #tpu.memory_space<vmem_shared>>)
      tpu.yield
    }) : () -> ()
    %mul3A_18 = arith.constant 625 : i32
    %mul3A_19 = arith.muli %arg1, %mul3A_18 : i32
    %add3A_20 = arith.constant 192 : i32
    %add3A_21 = arith.addi %mul3A_19, %add3A_20 : i32
    "tpu.region"() ({
      %run_scoped3A = tpu.sem_alloc : memref<!tpu.dma_semaphore, #tpu.memory_space<semaphore_mem>>
      %dma_start3A_349 = arith.constant 0 : i32
      %dma_start3A_350 = tpu.memref_slice %arg22[%add3A_21, %dma_start3A_349] : memref<10016x128xf32, #tpu.memory_space<vmem_shared>> -> memref<64x128xf32, #tpu.memory_space<vmem_shared>>
      %dma_start3A_351 = arith.constant 0 : i32
      %dma_start3A_352 = tpu.memref_slice %arg22[%add3A_21, %dma_start3A_351] : memref<10016x128xf32, #tpu.memory_space<vmem_shared>> -> memref<64x128xf32, #tpu.memory_space<vmem_shared>>
      tpu.enqueue_dma source(%arg20 : memref<64x128xf32, #tpu.memory_space<vmem>>) target(%dma_start3A_352 : memref<64x128xf32, #tpu.memory_space<vmem_shared>>) target_semaphore(%run_scoped3A : memref<!tpu.dma_semaphore, #tpu.memory_space<semaphore_mem>>)
      %dma_wait3A_353 = arith.constant 0 : i32
      %dma_wait3A_354 = tpu.memref_slice %arg22[%add3A_21, %dma_wait3A_353] : memref<10016x128xf32, #tpu.memory_space<vmem_shared>> -> memref<64x128xf32, #tpu.memory_space<vmem_shared>>
      %dma_wait3A_355 = arith.constant 0 : i32
      %dma_wait3A_356 = tpu.memref_slice %arg22[%add3A_21, %dma_wait3A_355] : memref<10016x128xf32, #tpu.memory_space<vmem_shared>> -> memref<64x128xf32, #tpu.memory_space<vmem_shared>>
      tpu.wait_dma2 semaphore(%run_scoped3A : memref<!tpu.dma_semaphore, #tpu.memory_space<semaphore_mem>>) src(%arg20 : memref<64x128xf32, #tpu.memory_space<vmem>>) dst(%dma_wait3A_356 : memref<64x128xf32, #tpu.memory_space<vmem_shared>>)
      tpu.yield
    }) : () -> ()
    %mul3A_22 = arith.constant 625 : i32
    %mul3A_23 = arith.muli %arg1, %mul3A_22 : i32
    %add3A_24 = arith.constant 256 : i32
    %add3A_25 = arith.addi %mul3A_23, %add3A_24 : i32
    "tpu.region"() ({
      %run_scoped3A = tpu.sem_alloc : memref<!tpu.dma_semaphore, #tpu.memory_space<semaphore_mem>>
      %dma_start3A_349 = arith.constant 0 : i32
      %dma_start3A_350 = tpu.memref_slice %arg22[%add3A_25, %dma_start3A_349] : memref<10016x128xf32, #tpu.memory_space<vmem_shared>> -> memref<64x128xf32, #tpu.memory_space<vmem_shared>>
      %dma_start3A_351 = arith.constant 0 : i32
      %dma_start3A_352 = tpu.memref_slice %arg22[%add3A_25, %dma_start3A_351] : memref<10016x128xf32, #tpu.memory_space<vmem_shared>> -> memref<64x128xf32, #tpu.memory_space<vmem_shared>>
      tpu.enqueue_dma source(%arg20 : memref<64x128xf32, #tpu.memory_space<vmem>>) target(%dma_start3A_352 : memref<64x128xf32, #tpu.memory_space<vmem_shared>>) target_semaphore(%run_scoped3A : memref<!tpu.dma_semaphore, #tpu.memory_space<semaphore_mem>>)
      %dma_wait3A_353 = arith.constant 0 : i32
      %dma_wait3A_354 = tpu.memref_slice %arg22[%add3A_25, %dma_wait3A_353] : memref<10016x128xf32, #tpu.memory_space<vmem_shared>> -> memref<64x128xf32, #tpu.memory_space<vmem_shared>>
      %dma_wait3A_355 = arith.constant 0 : i32
      %dma_wait3A_356 = tpu.memref_slice %arg22[%add3A_25, %dma_wait3A_355] : memref<10016x128xf32, #tpu.memory_space<vmem_shared>> -> memref<64x128xf32, #tpu.memory_space<vmem_shared>>
      tpu.wait_dma2 semaphore(%run_scoped3A : memref<!tpu.dma_semaphore, #tpu.memory_space<semaphore_mem>>) src(%arg20 : memref<64x128xf32, #tpu.memory_space<vmem>>) dst(%dma_wait3A_356 : memref<64x128xf32, #tpu.memory_space<vmem_shared>>)
      tpu.yield
    }) : () -> ()
    %mul3A_26 = arith.constant 625 : i32
    %mul3A_27 = arith.muli %arg1, %mul3A_26 : i32
    %add3A_28 = arith.constant 320 : i32
    %add3A_29 = arith.addi %mul3A_27, %add3A_28 : i32
    "tpu.region"() ({
      %run_scoped3A = tpu.sem_alloc : memref<!tpu.dma_semaphore, #tpu.memory_space<semaphore_mem>>
      %dma_start3A_349 = arith.constant 0 : i32
      %dma_start3A_350 = tpu.memref_slice %arg22[%add3A_29, %dma_start3A_349] : memref<10016x128xf32, #tpu.memory_space<vmem_shared>> -> memref<64x128xf32, #tpu.memory_space<vmem_shared>>
      %dma_start3A_351 = arith.constant 0 : i32
      %dma_start3A_352 = tpu.memref_slice %arg22[%add3A_29, %dma_start3A_351] : memref<10016x128xf32, #tpu.memory_space<vmem_shared>> -> memref<64x128xf32, #tpu.memory_space<vmem_shared>>
      tpu.enqueue_dma source(%arg20 : memref<64x128xf32, #tpu.memory_space<vmem>>) target(%dma_start3A_352 : memref<64x128xf32, #tpu.memory_space<vmem_shared>>) target_semaphore(%run_scoped3A : memref<!tpu.dma_semaphore, #tpu.memory_space<semaphore_mem>>)
      %dma_wait3A_353 = arith.constant 0 : i32
      %dma_wait3A_354 = tpu.memref_slice %arg22[%add3A_29, %dma_wait3A_353] : memref<10016x128xf32, #tpu.memory_space<vmem_shared>> -> memref<64x128xf32, #tpu.memory_space<vmem_shared>>
      %dma_wait3A_355 = arith.constant 0 : i32
      %dma_wait3A_356 = tpu.memref_slice %arg22[%add3A_29, %dma_wait3A_355] : memref<10016x128xf32, #tpu.memory_space<vmem_shared>> -> memref<64x128xf32, #tpu.memory_space<vmem_shared>>
      tpu.wait_dma2 semaphore(%run_scoped3A : memref<!tpu.dma_semaphore, #tpu.memory_space<semaphore_mem>>) src(%arg20 : memref<64x128xf32, #tpu.memory_space<vmem>>) dst(%dma_wait3A_356 : memref<64x128xf32, #tpu.memory_space<vmem_shared>>)
      tpu.yield
    }) : () -> ()
    %mul3A_30 = arith.constant 625 : i32
    %mul3A_31 = arith.muli %arg1, %mul3A_30 : i32
    %add3A_32 = arith.constant 384 : i32
    %add3A_33 = arith.addi %mul3A_31, %add3A_32 : i32
    "tpu.region"() ({
      %run_scoped3A = tpu.sem_alloc : memref<!tpu.dma_semaphore, #tpu.memory_space<semaphore_mem>>
      %dma_start3A_349 = arith.constant 0 : i32
      %dma_start3A_350 = tpu.memref_slice %arg22[%add3A_33, %dma_start3A_349] : memref<10016x128xf32, #tpu.memory_space<vmem_shared>> -> memref<64x128xf32, #tpu.memory_space<vmem_shared>>
      %dma_start3A_351 = arith.constant 0 : i32
      %dma_start3A_352 = tpu.memref_slice %arg22[%add3A_33, %dma_start3A_351] : memref<10016x128xf32, #tpu.memory_space<vmem_shared>> -> memref<64x128xf32, #tpu.memory_space<vmem_shared>>
      tpu.enqueue_dma source(%arg20 : memref<64x128xf32, #tpu.memory_space<vmem>>) target(%dma_start3A_352 : memref<64x128xf32, #tpu.memory_space<vmem_shared>>) target_semaphore(%run_scoped3A : memref<!tpu.dma_semaphore, #tpu.memory_space<semaphore_mem>>)
      %dma_wait3A_353 = arith.constant 0 : i32
      %dma_wait3A_354 = tpu.memref_slice %arg22[%add3A_33, %dma_wait3A_353] : memref<10016x128xf32, #tpu.memory_space<vmem_shared>> -> memref<64x128xf32, #tpu.memory_space<vmem_shared>>
      %dma_wait3A_355 = arith.constant 0 : i32
      %dma_wait3A_356 = tpu.memref_slice %arg22[%add3A_33, %dma_wait3A_355] : memref<10016x128xf32, #tpu.memory_space<vmem_shared>> -> memref<64x128xf32, #tpu.memory_space<vmem_shared>>
      tpu.wait_dma2 semaphore(%run_scoped3A : memref<!tpu.dma_semaphore, #tpu.memory_space<semaphore_mem>>) src(%arg20 : memref<64x128xf32, #tpu.memory_space<vmem>>) dst(%dma_wait3A_356 : memref<64x128xf32, #tpu.memory_space<vmem_shared>>)
      tpu.yield
    }) : () -> ()
    %mul3A_34 = arith.constant 625 : i32
    %mul3A_35 = arith.muli %arg1, %mul3A_34 : i32
    %add3A_36 = arith.constant 448 : i32
    %add3A_37 = arith.addi %mul3A_35, %add3A_36 : i32
    "tpu.region"() ({
      %run_scoped3A = tpu.sem_alloc : memref<!tpu.dma_semaphore, #tpu.memory_space<semaphore_mem>>
      %dma_start3A_349 = arith.constant 0 : i32
      %dma_start3A_350 = tpu.memref_slice %arg22[%add3A_37, %dma_start3A_349] : memref<10016x128xf32, #tpu.memory_space<vmem_shared>> -> memref<64x128xf32, #tpu.memory_space<vmem_shared>>
      %dma_start3A_351 = arith.constant 0 : i32
      %dma_start3A_352 = tpu.memref_slice %arg22[%add3A_37, %dma_start3A_351] : memref<10016x128xf32, #tpu.memory_space<vmem_shared>> -> memref<64x128xf32, #tpu.memory_space<vmem_shared>>
      tpu.enqueue_dma source(%arg20 : memref<64x128xf32, #tpu.memory_space<vmem>>) target(%dma_start3A_352 : memref<64x128xf32, #tpu.memory_space<vmem_shared>>) target_semaphore(%run_scoped3A : memref<!tpu.dma_semaphore, #tpu.memory_space<semaphore_mem>>)
      %dma_wait3A_353 = arith.constant 0 : i32
      %dma_wait3A_354 = tpu.memref_slice %arg22[%add3A_37, %dma_wait3A_353] : memref<10016x128xf32, #tpu.memory_space<vmem_shared>> -> memref<64x128xf32, #tpu.memory_space<vmem_shared>>
      %dma_wait3A_355 = arith.constant 0 : i32
      %dma_wait3A_356 = tpu.memref_slice %arg22[%add3A_37, %dma_wait3A_355] : memref<10016x128xf32, #tpu.memory_space<vmem_shared>> -> memref<64x128xf32, #tpu.memory_space<vmem_shared>>
      tpu.wait_dma2 semaphore(%run_scoped3A : memref<!tpu.dma_semaphore, #tpu.memory_space<semaphore_mem>>) src(%arg20 : memref<64x128xf32, #tpu.memory_space<vmem>>) dst(%dma_wait3A_356 : memref<64x128xf32, #tpu.memory_space<vmem_shared>>)
      tpu.yield
    }) : () -> ()
    %mul3A_38 = arith.constant 625 : i32
    %mul3A_39 = arith.muli %arg1, %mul3A_38 : i32
    %add3A_40 = arith.constant 512 : i32
    %add3A_41 = arith.addi %mul3A_39, %add3A_40 : i32
    "tpu.region"() ({
      %run_scoped3A = tpu.sem_alloc : memref<!tpu.dma_semaphore, #tpu.memory_space<semaphore_mem>>
      %dma_start3A_349 = arith.constant 0 : i32
      %dma_start3A_350 = tpu.memref_slice %arg22[%add3A_41, %dma_start3A_349] : memref<10016x128xf32, #tpu.memory_space<vmem_shared>> -> memref<64x128xf32, #tpu.memory_space<vmem_shared>>
      %dma_start3A_351 = arith.constant 0 : i32
      %dma_start3A_352 = tpu.memref_slice %arg22[%add3A_41, %dma_start3A_351] : memref<10016x128xf32, #tpu.memory_space<vmem_shared>> -> memref<64x128xf32, #tpu.memory_space<vmem_shared>>
      tpu.enqueue_dma source(%arg20 : memref<64x128xf32, #tpu.memory_space<vmem>>) target(%dma_start3A_352 : memref<64x128xf32, #tpu.memory_space<vmem_shared>>) target_semaphore(%run_scoped3A : memref<!tpu.dma_semaphore, #tpu.memory_space<semaphore_mem>>)
      %dma_wait3A_353 = arith.constant 0 : i32
      %dma_wait3A_354 = tpu.memref_slice %arg22[%add3A_41, %dma_wait3A_353] : memref<10016x128xf32, #tpu.memory_space<vmem_shared>> -> memref<64x128xf32, #tpu.memory_space<vmem_shared>>
      %dma_wait3A_355 = arith.constant 0 : i32
      %dma_wait3A_356 = tpu.memref_slice %arg22[%add3A_41, %dma_wait3A_355] : memref<10016x128xf32, #tpu.memory_space<vmem_shared>> -> memref<64x128xf32, #tpu.memory_space<vmem_shared>>
      tpu.wait_dma2 semaphore(%run_scoped3A : memref<!tpu.dma_semaphore, #tpu.memory_space<semaphore_mem>>) src(%arg20 : memref<64x128xf32, #tpu.memory_space<vmem>>) dst(%dma_wait3A_356 : memref<64x128xf32, #tpu.memory_space<vmem_shared>>)
      tpu.yield
    }) : () -> ()
    %mul3A_42 = arith.constant 625 : i32
    %mul3A_43 = arith.muli %arg1, %mul3A_42 : i32
    %add3A_44 = arith.constant 576 : i32
    %add3A_45 = arith.addi %mul3A_43, %add3A_44 : i32
    "tpu.region"() ({
      %run_scoped3A = tpu.sem_alloc : memref<!tpu.dma_semaphore, #tpu.memory_space<semaphore_mem>>
      %dma_start3A_349 = arith.constant 0 : i32
      %dma_start3A_350 = arith.constant 0 : i32
      %dma_start3A_351 = tpu.memref_slice %arg20[%dma_start3A_349, %dma_start3A_350] : memref<64x128xf32, #tpu.memory_space<vmem>> -> memref<49x128xf32, #tpu.memory_space<vmem>>
      %dma_start3A_352 = arith.constant 0 : i32
      %dma_start3A_353 = tpu.memref_slice %arg22[%add3A_45, %dma_start3A_352] : memref<10016x128xf32, #tpu.memory_space<vmem_shared>> -> memref<49x128xf32, #tpu.memory_space<vmem_shared>>
      %dma_start3A_354 = arith.constant 0 : i32
      %dma_start3A_355 = tpu.memref_slice %arg22[%add3A_45, %dma_start3A_354] : memref<10016x128xf32, #tpu.memory_space<vmem_shared>> -> memref<49x128xf32, #tpu.memory_space<vmem_shared>>
      %dma_start3A_356 = arith.constant 0 : i32
      %dma_start3A_357 = arith.constant 0 : i32
      %dma_start3A_358 = tpu.memref_slice %arg20[%dma_start3A_356, %dma_start3A_357] : memref<64x128xf32, #tpu.memory_space<vmem>> -> memref<49x128xf32, #tpu.memory_space<vmem>>
      tpu.enqueue_dma source(%dma_start3A_358 : memref<49x128xf32, #tpu.memory_space<vmem>>) target(%dma_start3A_355 : memref<49x128xf32, #tpu.memory_space<vmem_shared>>) target_semaphore(%run_scoped3A : memref<!tpu.dma_semaphore, #tpu.memory_space<semaphore_mem>>)
      %dma_wait3A_359 = arith.constant 0 : i32
      %dma_wait3A_360 = arith.constant 0 : i32
      %dma_wait3A_361 = tpu.memref_slice %arg20[%dma_wait3A_359, %dma_wait3A_360] : memref<64x128xf32, #tpu.memory_space<vmem>> -> memref<49x128xf32, #tpu.memory_space<vmem>>
      %dma_wait3A_362 = arith.constant 0 : i32
      %dma_wait3A_363 = tpu.memref_slice %arg22[%add3A_45, %dma_wait3A_362] : memref<10016x128xf32, #tpu.memory_space<vmem_shared>> -> memref<49x128xf32, #tpu.memory_space<vmem_shared>>
      %dma_wait3A_364 = arith.constant 0 : i32
      %dma_wait3A_365 = tpu.memref_slice %arg22[%add3A_45, %dma_wait3A_364] : memref<10016x128xf32, #tpu.memory_space<vmem_shared>> -> memref<49x128xf32, #tpu.memory_space<vmem_shared>>
      %dma_wait3A_366 = arith.constant 0 : i32
      %dma_wait3A_367 = arith.constant 0 : i32
      %dma_wait3A_368 = tpu.memref_slice %arg20[%dma_wait3A_366, %dma_wait3A_367] : memref<64x128xf32, #tpu.memory_space<vmem>> -> memref<49x128xf32, #tpu.memory_space<vmem>>
      tpu.wait_dma2 semaphore(%run_scoped3A : memref<!tpu.dma_semaphore, #tpu.memory_space<semaphore_mem>>) src(%dma_wait3A_368 : memref<49x128xf32, #tpu.memory_space<vmem>>) dst(%dma_wait3A_365 : memref<49x128xf32, #tpu.memory_space<vmem_shared>>)
      tpu.yield
    }) : () -> ()
    %barrier3A = arith.constant 0 : index
    tpu.barrier barrier_id(%barrier3A)
    %mul3A_46 = arith.constant 160 : i32
    %mul3A_47 = arith.muli %add3A, %mul3A_46 : i32
    %add3A_48 = arith.constant 0 : i32
    %add3A_49 = arith.addi %mul3A_47, %add3A_48 : i32
    %mul3A_50 = arith.constant 192 : i32
    %mul3A_51 = arith.muli %add3A_49, %mul3A_50 : i32
    %dma_start3A = tpu.memref_slice %arg2[%mul3A_51] : memref<983040xi32, #tpu.memory_space<hbm>> -> memref<192xi32, #tpu.memory_space<hbm>>
    %dma_start3A_52 = tpu.memref_slice %arg2[%mul3A_51] : memref<983040xi32, #tpu.memory_space<hbm>> -> memref<192xi32, #tpu.memory_space<hbm>>
    tpu.enqueue_dma source(%dma_start3A_52 : memref<192xi32, #tpu.memory_space<hbm>>) target(%arg6 : memref<192xi32, #tpu.memory_space<vmem>>) target_semaphore(%arg31 : memref<!tpu.dma_semaphore, #tpu.memory_space<semaphore_mem>>)
    %mul3A_53 = arith.constant 160 : i32
    %mul3A_54 = arith.muli %add3A, %mul3A_53 : i32
    %add3A_55 = arith.constant 1 : i32
    %add3A_56 = arith.addi %mul3A_54, %add3A_55 : i32
    %mul3A_57 = arith.constant 192 : i32
    %mul3A_58 = arith.muli %add3A_56, %mul3A_57 : i32
    %dma_start3A_59 = tpu.memref_slice %arg2[%mul3A_58] : memref<983040xi32, #tpu.memory_space<hbm>> -> memref<192xi32, #tpu.memory_space<hbm>>
    %dma_start3A_60 = tpu.memref_slice %arg2[%mul3A_58] : memref<983040xi32, #tpu.memory_space<hbm>> -> memref<192xi32, #tpu.memory_space<hbm>>
    tpu.enqueue_dma source(%dma_start3A_60 : memref<192xi32, #tpu.memory_space<hbm>>) target(%arg7 : memref<192xi32, #tpu.memory_space<vmem>>) target_semaphore(%arg32 : memref<!tpu.dma_semaphore, #tpu.memory_space<semaphore_mem>>)
    %mul3A_61 = arith.constant 160 : i32
    %mul3A_62 = arith.muli %add3A, %mul3A_61 : i32
    %add3A_63 = arith.constant 0 : i32
    %add3A_64 = arith.addi %mul3A_62, %add3A_63 : i32
    %mul3A_65 = arith.constant 192 : i32
    %mul3A_66 = arith.muli %add3A_64, %mul3A_65 : i32
    %dma_wait3A = tpu.memref_slice %arg2[%mul3A_66] : memref<983040xi32, #tpu.memory_space<hbm>> -> memref<192xi32, #tpu.memory_space<hbm>>
    %dma_wait3A_67 = tpu.memref_slice %arg2[%mul3A_66] : memref<983040xi32, #tpu.memory_space<hbm>> -> memref<192xi32, #tpu.memory_space<hbm>>
    tpu.wait_dma2 semaphore(%arg31 : memref<!tpu.dma_semaphore, #tpu.memory_space<semaphore_mem>>) src(%dma_wait3A_67 : memref<192xi32, #tpu.memory_space<hbm>>) dst(%arg6 : memref<192xi32, #tpu.memory_space<vmem>>)
    %get3A = arith.constant 0 : index
    %get3A_68 = tpu.vector_load %arg6[%get3A] {strides = array<i32>} : memref<192xi32, #tpu.memory_space<vmem>>, vector<16xi32>,
    %get3A_69 = vector.shape_cast %get3A_68 : vector<16xi32> to vector<16xi32>
    %get3A_70 = arith.constant 64 : index
    %get3A_71 = tpu.vector_load %arg6[%get3A_70] {strides = array<i32>} : memref<192xi32, #tpu.memory_space<vmem>>, vector<16xi32>,
    %get3A_72 = vector.shape_cast %get3A_71 : vector<16xi32> to vector<16xi32>
    %get3A_73 = arith.constant 128 : index
    %get3A_74 = tpu.vector_load %arg6[%get3A_73] {strides = array<i32>} : memref<192xi32, #tpu.memory_space<vmem>>, vector<16xi32>,
    %get3A_75 = vector.shape_cast %get3A_74 : vector<16xi32> to vector<16xi32>
    %mul3A_76 = arith.constant 10000 : i32
    %mul3A_77 = vector.broadcast %mul3A_76 : i32 to vector<16xi32>
    %mul3A_78 = arith.muli %get3A_69, %mul3A_77 : vector<16xi32>
    %add3A_79 = arith.addi %mul3A_78, %get3A_72 : vector<16xi32>
    %swap3A = arith.constant 0 : index
    %swap3A_80 = tpu.vector_load %arg8[%swap3A] {strides = array<i32>} : memref<64xi32, #tpu.memory_space<vmem>>, vector<16xi32>,
    %swap3A_81 = vector.shape_cast %swap3A_80 : vector<16xi32> to vector<16xi32>
    %swap3A_82 = vector.shape_cast %add3A_79 : vector<16xi32> to vector<16xi32>
    tpu.vector_store %arg8[%swap3A], %swap3A_82 {strides = array<i32>} : memref<64xi32, #tpu.memory_space<vmem>>, vector<16xi32>,
    %mul3A_83 = arith.constant 10000 : i32
    %mul3A_84 = vector.broadcast %mul3A_83 : i32 to vector<16xi32>
    %mul3A_85 = arith.muli %get3A_69, %mul3A_84 : vector<16xi32>
    %add3A_86 = arith.addi %mul3A_85, %get3A_75 : vector<16xi32>
    %swap3A_87 = arith.constant 0 : index
    %swap3A_88 = tpu.vector_load %arg10[%swap3A_87] {strides = array<i32>} : memref<64xi32, #tpu.memory_space<vmem>>, vector<16xi32>,
    %swap3A_89 = vector.shape_cast %swap3A_88 : vector<16xi32> to vector<16xi32>
    %swap3A_90 = vector.shape_cast %add3A_86 : vector<16xi32> to vector<16xi32>
    tpu.vector_store %arg10[%swap3A_87], %swap3A_90 {strides = array<i32>} : memref<64xi32, #tpu.memory_space<vmem>>, vector<16xi32>,
    %swap3A_91 = arith.constant 0 : index
    %swap3A_92 = tpu.vector_load %arg12[%swap3A_91] {strides = array<i32>} : memref<64xi32, #tpu.memory_space<vmem>>, vector<16xi32>,
    %swap3A_93 = vector.shape_cast %swap3A_92 : vector<16xi32> to vector<16xi32>
    %swap3A_94 = vector.shape_cast %get3A_75 : vector<16xi32> to vector<16xi32>
    tpu.vector_store %arg12[%swap3A_91], %swap3A_94 {strides = array<i32>} : memref<64xi32, #tpu.memory_space<vmem>>, vector<16xi32>,
    %get3A_95 = arith.constant 16 : index
    %get3A_96 = tpu.vector_load %arg6[%get3A_95] {strides = array<i32>} : memref<192xi32, #tpu.memory_space<vmem>>, vector<16xi32>,
    %get3A_97 = vector.shape_cast %get3A_96 : vector<16xi32> to vector<16xi32>
    %get3A_98 = arith.constant 80 : index
    %get3A_99 = tpu.vector_load %arg6[%get3A_98] {strides = array<i32>} : memref<192xi32, #tpu.memory_space<vmem>>, vector<16xi32>,
    %get3A_100 = vector.shape_cast %get3A_99 : vector<16xi32> to vector<16xi32>
    %get3A_101 = arith.constant 144 : index
    %get3A_102 = tpu.vector_load %arg6[%get3A_101] {strides = array<i32>} : memref<192xi32, #tpu.memory_space<vmem>>, vector<16xi32>,
    %get3A_103 = vector.shape_cast %get3A_102 : vector<16xi32> to vector<16xi32>
    %mul3A_104 = arith.constant 10000 : i32
    %mul3A_105 = vector.broadcast %mul3A_104 : i32 to vector<16xi32>
    %mul3A_106 = arith.muli %get3A_97, %mul3A_105 : vector<16xi32>
    %add3A_107 = arith.addi %mul3A_106, %get3A_100 : vector<16xi32>
    %swap3A_108 = arith.constant 16 : index
    %swap3A_109 = tpu.vector_load %arg8[%swap3A_108] {strides = array<i32>} : memref<64xi32, #tpu.memory_space<vmem>>, vector<16xi32>,
    %swap3A_110 = vector.shape_cast %swap3A_109 : vector<16xi32> to vector<16xi32>
    %swap3A_111 = vector.shape_cast %add3A_107 : vector<16xi32> to vector<16xi32>
    tpu.vector_store %arg8[%swap3A_108], %swap3A_111 {strides = array<i32>} : memref<64xi32, #tpu.memory_space<vmem>>, vector<16xi32>,
    %mul3A_112 = arith.constant 10000 : i32
    %mul3A_113 = vector.broadcast %mul3A_112 : i32 to vector<16xi32>
    %mul3A_114 = arith.muli %get3A_97, %mul3A_113 : vector<16xi32>
    %add3A_115 = arith.addi %mul3A_114, %get3A_103 : vector<16xi32>
    %swap3A_116 = arith.constant 16 : index
    %swap3A_117 = tpu.vector_load %arg10[%swap3A_116] {strides = array<i32>} : memref<64xi32, #tpu.memory_space<vmem>>, vector<16xi32>,
    %swap3A_118 = vector.shape_cast %swap3A_117 : vector<16xi32> to vector<16xi32>
    %swap3A_119 = vector.shape_cast %add3A_115 : vector<16xi32> to vector<16xi32>
    tpu.vector_store %arg10[%swap3A_116], %swap3A_119 {strides = array<i32>} : memref<64xi32, #tpu.memory_space<vmem>>, vector<16xi32>,
    %swap3A_120 = arith.constant 16 : index
    %swap3A_121 = tpu.vector_load %arg12[%swap3A_120] {strides = array<i32>} : memref<64xi32, #tpu.memory_space<vmem>>, vector<16xi32>,
    %swap3A_122 = vector.shape_cast %swap3A_121 : vector<16xi32> to vector<16xi32>
    %swap3A_123 = vector.shape_cast %get3A_103 : vector<16xi32> to vector<16xi32>
    tpu.vector_store %arg12[%swap3A_120], %swap3A_123 {strides = array<i32>} : memref<64xi32, #tpu.memory_space<vmem>>, vector<16xi32>,
    %get3A_124 = arith.constant 32 : index
    %get3A_125 = tpu.vector_load %arg6[%get3A_124] {strides = array<i32>} : memref<192xi32, #tpu.memory_space<vmem>>, vector<16xi32>,
    %get3A_126 = vector.shape_cast %get3A_125 : vector<16xi32> to vector<16xi32>
    %get3A_127 = arith.constant 96 : index
    %get3A_128 = tpu.vector_load %arg6[%get3A_127] {strides = array<i32>} : memref<192xi32, #tpu.memory_space<vmem>>, vector<16xi32>,
    %get3A_129 = vector.shape_cast %get3A_128 : vector<16xi32> to vector<16xi32>
    %get3A_130 = arith.constant 160 : index
    %get3A_131 = tpu.vector_load %arg6[%get3A_130] {strides = array<i32>} : memref<192xi32, #tpu.memory_space<vmem>>, vector<16xi32>,
    %get3A_132 = vector.shape_cast %get3A_131 : vector<16xi32> to vector<16xi32>
    %mul3A_133 = arith.constant 10000 : i32
    %mul3A_134 = vector.broadcast %mul3A_133 : i32 to vector<16xi32>
    %mul3A_135 = arith.muli %get3A_126, %mul3A_134 : vector<16xi32>
    %add3A_136 = arith.addi %mul3A_135, %get3A_129 : vector<16xi32>
    %swap3A_137 = arith.constant 32 : index
    %swap3A_138 = tpu.vector_load %arg8[%swap3A_137] {strides = array<i32>} : memref<64xi32, #tpu.memory_space<vmem>>, vector<16xi32>,
    %swap3A_139 = vector.shape_cast %swap3A_138 : vector<16xi32> to vector<16xi32>
    %swap3A_140 = vector.shape_cast %add3A_136 : vector<16xi32> to vector<16xi32>
    tpu.vector_store %arg8[%swap3A_137], %swap3A_140 {strides = array<i32>} : memref<64xi32, #tpu.memory_space<vmem>>, vector<16xi32>,
    %mul3A_141 = arith.constant 10000 : i32
    %mul3A_142 = vector.broadcast %mul3A_141 : i32 to vector<16xi32>
    %mul3A_143 = arith.muli %get3A_126, %mul3A_142 : vector<16xi32>
    %add3A_144 = arith.addi %mul3A_143, %get3A_132 : vector<16xi32>
    %swap3A_145 = arith.constant 32 : index
    %swap3A_146 = tpu.vector_load %arg10[%swap3A_145] {strides = array<i32>} : memref<64xi32, #tpu.memory_space<vmem>>, vector<16xi32>,
    %swap3A_147 = vector.shape_cast %swap3A_146 : vector<16xi32> to vector<16xi32>
    %swap3A_148 = vector.shape_cast %add3A_144 : vector<16xi32> to vector<16xi32>
    tpu.vector_store %arg10[%swap3A_145], %swap3A_148 {strides = array<i32>} : memref<64xi32, #tpu.memory_space<vmem>>, vector<16xi32>,
    %swap3A_149 = arith.constant 32 : index
    %swap3A_150 = tpu.vector_load %arg12[%swap3A_149] {strides = array<i32>} : memref<64xi32, #tpu.memory_space<vmem>>, vector<16xi32>,
    %swap3A_151 = vector.shape_cast %swap3A_150 : vector<16xi32> to vector<16xi32>
    %swap3A_152 = vector.shape_cast %get3A_132 : vector<16xi32> to vector<16xi32>
    tpu.vector_store %arg12[%swap3A_149], %swap3A_152 {strides = array<i32>} : memref<64xi32, #tpu.memory_space<vmem>>, vector<16xi32>,
    %get3A_153 = arith.constant 48 : index
    %get3A_154 = tpu.vector_load %arg6[%get3A_153] {strides = array<i32>} : memref<192xi32, #tpu.memory_space<vmem>>, vector<16xi32>,
    %get3A_155 = vector.shape_cast %get3A_154 : vector<16xi32> to vector<16xi32>
    %get3A_156 = arith.constant 112 : index
    %get3A_157 = tpu.vector_load %arg6[%get3A_156] {strides = array<i32>} : memref<192xi32, #tpu.memory_space<vmem>>, vector<16xi32>,
    %get3A_158 = vector.shape_cast %get3A_157 : vector<16xi32> to vector<16xi32>
    %get3A_159 = arith.constant 176 : index
    %get3A_160 = tpu.vector_load %arg6[%get3A_159] {strides = array<i32>} : memref<192xi32, #tpu.memory_space<vmem>>, vector<16xi32>,
    %get3A_161 = vector.shape_cast %get3A_160 : vector<16xi32> to vector<16xi32>
    %mul3A_162 = arith.constant 10000 : i32
    %mul3A_163 = vector.broadcast %mul3A_162 : i32 to vector<16xi32>
    %mul3A_164 = arith.muli %get3A_155, %mul3A_163 : vector<16xi32>
    %add3A_165 = arith.addi %mul3A_164, %get3A_158 : vector<16xi32>
    %swap3A_166 = arith.constant 48 : index
    %swap3A_167 = tpu.vector_load %arg8[%swap3A_166] {strides = array<i32>} : memref<64xi32, #tpu.memory_space<vmem>>, vector<16xi32>,
    %swap3A_168 = vector.shape_cast %swap3A_167 : vector<16xi32> to vector<16xi32>
    %swap3A_169 = vector.shape_cast %add3A_165 : vector<16xi32> to vector<16xi32>
    tpu.vector_store %arg8[%swap3A_166], %swap3A_169 {strides = array<i32>} : memref<64xi32, #tpu.memory_space<vmem>>, vector<16xi32>,
    %mul3A_170 = arith.constant 10000 : i32
    %mul3A_171 = vector.broadcast %mul3A_170 : i32 to vector<16xi32>
    %mul3A_172 = arith.muli %get3A_155, %mul3A_171 : vector<16xi32>
    %add3A_173 = arith.addi %mul3A_172, %get3A_161 : vector<16xi32>
    %swap3A_174 = arith.constant 48 : index
    %swap3A_175 = tpu.vector_load %arg10[%swap3A_174] {strides = array<i32>} : memref<64xi32, #tpu.memory_space<vmem>>, vector<16xi32>,
    %swap3A_176 = vector.shape_cast %swap3A_175 : vector<16xi32> to vector<16xi32>
    %swap3A_177 = vector.shape_cast %add3A_173 : vector<16xi32> to vector<16xi32>
    tpu.vector_store %arg10[%swap3A_174], %swap3A_177 {strides = array<i32>} : memref<64xi32, #tpu.memory_space<vmem>>, vector<16xi32>,
    %swap3A_178 = arith.constant 48 : index
    %swap3A_179 = tpu.vector_load %arg12[%swap3A_178] {strides = array<i32>} : memref<64xi32, #tpu.memory_space<vmem>>, vector<16xi32>,
    %swap3A_180 = vector.shape_cast %swap3A_179 : vector<16xi32> to vector<16xi32>
    %swap3A_181 = vector.shape_cast %get3A_161 : vector<16xi32> to vector<16xi32>
    tpu.vector_store %arg12[%swap3A_178], %swap3A_181 {strides = array<i32>} : memref<64xi32, #tpu.memory_space<vmem>>, vector<16xi32>,
    %dma_start3A_182 = arith.constant 0 : i32
    %dma_start3A_183 = arith.constant 0 : i32
    %dma_start3A_184 = tpu.memref_slice %arg3[%dma_start3A_182, %dma_start3A_183] : memref<40000x128xf32, #tpu.memory_space<hbm>> -> memref<40000x128xf32, #tpu.memory_space<hbm>>
    tpu.enqueue_indirect_dma source(%dma_start3A_184 : memref<40000x128xf32, #tpu.memory_space<hbm>>) target(%arg16 : memref<64x128xf32, #tpu.memory_space<vmem>>) offsets(%arg8 : memref<64xi32, #tpu.memory_space<vmem>>) semaphore(%arg23 : memref<!tpu.dma_semaphore, #tpu.memory_space<semaphore_mem>>)
    %dma_start3A_185 = arith.constant 0 : i32
    %dma_start3A_186 = arith.constant 0 : i32
    %dma_start3A_187 = tpu.memref_slice %arg4[%dma_start3A_185, %dma_start3A_186] : memref<40000x128xi32, #tpu.memory_space<hbm>> -> memref<40000x128xi32, #tpu.memory_space<hbm>>
    tpu.enqueue_indirect_dma source(%dma_start3A_187 : memref<40000x128xi32, #tpu.memory_space<hbm>>) target(%arg18 : memref<64x128xi32, #tpu.memory_space<vmem>>) offsets(%arg10 : memref<64xi32, #tpu.memory_space<vmem>>) semaphore(%arg25 : memref<!tpu.dma_semaphore, #tpu.memory_space<semaphore_mem>>)
    %mul3A_188 = arith.constant 160 : i32
    %mul3A_189 = arith.muli %add3A, %mul3A_188 : i32
    %add3A_190 = arith.constant 1 : i32
    %add3A_191 = arith.addi %mul3A_189, %add3A_190 : i32
    %mul3A_192 = arith.constant 192 : i32
    %mul3A_193 = arith.muli %add3A_191, %mul3A_192 : i32
    %dma_wait3A_194 = tpu.memref_slice %arg2[%mul3A_193] : memref<983040xi32, #tpu.memory_space<hbm>> -> memref<192xi32, #tpu.memory_space<hbm>>
    %dma_wait3A_195 = tpu.memref_slice %arg2[%mul3A_193] : memref<983040xi32, #tpu.memory_space<hbm>> -> memref<192xi32, #tpu.memory_space<hbm>>
    tpu.wait_dma2 semaphore(%arg32 : memref<!tpu.dma_semaphore, #tpu.memory_space<semaphore_mem>>) src(%dma_wait3A_195 : memref<192xi32, #tpu.memory_space<hbm>>) dst(%arg7 : memref<192xi32, #tpu.memory_space<vmem>>)
    %get3A_196 = arith.constant 0 : index
    %get3A_197 = tpu.vector_load %arg7[%get3A_196] {strides = array<i32>} : memref<192xi32, #tpu.memory_space<vmem>>, vector<16xi32>,
    %get3A_198 = vector.shape_cast %get3A_197 : vector<16xi32> to vector<16xi32>
    %get3A_199 = arith.constant 64 : index
    %get3A_200 = tpu.vector_load %arg7[%get3A_199] {strides = array<i32>} : memref<192xi32, #tpu.memory_space<vmem>>, vector<16xi32>,
    %get3A_201 = vector.shape_cast %get3A_200 : vector<16xi32> to vector<16xi32>
    %get3A_202 = arith.constant 128 : index
    %get3A_203 = tpu.vector_load %arg7[%get3A_202] {strides = array<i32>} : memref<192xi32, #tpu.memory_space<vmem>>, vector<16xi32>,
    %get3A_204 = vector.shape_cast %get3A_203 : vector<16xi32> to vector<16xi32>
    %mul3A_205 = arith.constant 10000 : i32
    %mul3A_206 = vector.broadcast %mul3A_205 : i32 to vector<16xi32>
    %mul3A_207 = arith.muli %get3A_198, %mul3A_206 : vector<16xi32>
    %add3A_208 = arith.addi %mul3A_207, %get3A_201 : vector<16xi32>
    %swap3A_209 = arith.constant 0 : index
    %swap3A_210 = tpu.vector_load %arg9[%swap3A_209] {strides = array<i32>} : memref<64xi32, #tpu.memory_space<vmem>>, vector<16xi32>,
    %swap3A_211 = vector.shape_cast %swap3A_210 : vector<16xi32> to vector<16xi32>
    %swap3A_212 = vector.shape_cast %add3A_208 : vector<16xi32> to vector<16xi32>
    tpu.vector_store %arg9[%swap3A_209], %swap3A_212 {strides = array<i32>} : memref<64xi32, #tpu.memory_space<vmem>>, vector<16xi32>,
    %mul3A_213 = arith.constant 10000 : i32
    %mul3A_214 = vector.broadcast %mul3A_213 : i32 to vector<16xi32>
    %mul3A_215 = arith.muli %get3A_198, %mul3A_214 : vector<16xi32>
    %add3A_216 = arith.addi %mul3A_215, %get3A_204 : vector<16xi32>
    %swap3A_217 = arith.constant 0 : index
    %swap3A_218 = tpu.vector_load %arg11[%swap3A_217] {strides = array<i32>} : memref<64xi32, #tpu.memory_space<vmem>>, vector<16xi32>,
    %swap3A_219 = vector.shape_cast %swap3A_218 : vector<16xi32> to vector<16xi32>
    %swap3A_220 = vector.shape_cast %add3A_216 : vector<16xi32> to vector<16xi32>
    tpu.vector_store %arg11[%swap3A_217], %swap3A_220 {strides = array<i32>} : memref<64xi32, #tpu.memory_space<vmem>>, vector<16xi32>,
    %swap3A_221 = arith.constant 0 : index
    %swap3A_222 = tpu.vector_load %arg13[%swap3A_221] {strides = array<i32>} : memref<64xi32, #tpu.memory_space<vmem>>, vector<16xi32>,
    %swap3A_223 = vector.shape_cast %swap3A_222 : vector<16xi32> to vector<16xi32>
    %swap3A_224 = vector.shape_cast %get3A_204 : vector<16xi32> to vector<16xi32>
    tpu.vector_store %arg13[%swap3A_221], %swap3A_224 {strides = array<i32>} : memref<64xi32, #tpu.memory_space<vmem>>, vector<16xi32>,
    %get3A_225 = arith.constant 16 : index
    %get3A_226 = tpu.vector_load %arg7[%get3A_225] {strides = array<i32>} : memref<192xi32, #tpu.memory_space<vmem>>, vector<16xi32>,
    %get3A_227 = vector.shape_cast %get3A_226 : vector<16xi32> to vector<16xi32>
    %get3A_228 = arith.constant 80 : index
    %get3A_229 = tpu.vector_load %arg7[%get3A_228] {strides = array<i32>} : memref<192xi32, #tpu.memory_space<vmem>>, vector<16xi32>,
    %get3A_230 = vector.shape_cast %get3A_229 : vector<16xi32> to vector<16xi32>
    %get3A_231 = arith.constant 144 : index
    %get3A_232 = tpu.vector_load %arg7[%get3A_231] {strides = array<i32>} : memref<192xi32, #tpu.memory_space<vmem>>, vector<16xi32>,
    %get3A_233 = vector.shape_cast %get3A_232 : vector<16xi32> to vector<16xi32>
    %mul3A_234 = arith.constant 10000 : i32
    %mul3A_235 = vector.broadcast %mul3A_234 : i32 to vector<16xi32>
    %mul3A_236 = arith.muli %get3A_227, %mul3A_235 : vector<16xi32>
    %add3A_237 = arith.addi %mul3A_236, %get3A_230 : vector<16xi32>
    %swap3A_238 = arith.constant 16 : index
    %swap3A_239 = tpu.vector_load %arg9[%swap3A_238] {strides = array<i32>} : memref<64xi32, #tpu.memory_space<vmem>>, vector<16xi32>,
    %swap3A_240 = vector.shape_cast %swap3A_239 : vector<16xi32> to vector<16xi32>
    %swap3A_241 = vector.shape_cast %add3A_237 : vector<16xi32> to vector<16xi32>
    tpu.vector_store %arg9[%swap3A_238], %swap3A_241 {strides = array<i32>} : memref<64xi32, #tpu.memory_space<vmem>>, vector<16xi32>,
    %mul3A_242 = arith.constant 10000 : i32
    %mul3A_243 = vector.broadcast %mul3A_242 : i32 to vector<16xi32>
    %mul3A_244 = arith.muli %get3A_227, %mul3A_243 : vector<16xi32>
    %add3A_245 = arith.addi %mul3A_244, %get3A_233 : vector<16xi32>
    %swap3A_246 = arith.constant 16 : index
    %swap3A_247 = tpu.vector_load %arg11[%swap3A_246] {strides = array<i32>} : memref<64xi32, #tpu.memory_space<vmem>>, vector<16xi32>,
    %swap3A_248 = vector.shape_cast %swap3A_247 : vector<16xi32> to vector<16xi32>
    %swap3A_249 = vector.shape_cast %add3A_245 : vector<16xi32> to vector<16xi32>
    tpu.vector_store %arg11[%swap3A_246], %swap3A_249 {strides = array<i32>} : memref<64xi32, #tpu.memory_space<vmem>>, vector<16xi32>,
    %swap3A_250 = arith.constant 16 : index
    %swap3A_251 = tpu.vector_load %arg13[%swap3A_250] {strides = array<i32>} : memref<64xi32, #tpu.memory_space<vmem>>, vector<16xi32>,
    %swap3A_252 = vector.shape_cast %swap3A_251 : vector<16xi32> to vector<16xi32>
    %swap3A_253 = vector.shape_cast %get3A_233 : vector<16xi32> to vector<16xi32>
    tpu.vector_store %arg13[%swap3A_250], %swap3A_253 {strides = array<i32>} : memref<64xi32, #tpu.memory_space<vmem>>, vector<16xi32>,
    %get3A_254 = arith.constant 32 : index
    %get3A_255 = tpu.vector_load %arg7[%get3A_254] {strides = array<i32>} : memref<192xi32, #tpu.memory_space<vmem>>, vector<16xi32>,
    %get3A_256 = vector.shape_cast %get3A_255 : vector<16xi32> to vector<16xi32>
    %get3A_257 = arith.constant 96 : index
    %get3A_258 = tpu.vector_load %arg7[%get3A_257] {strides = array<i32>} : memref<192xi32, #tpu.memory_space<vmem>>, vector<16xi32>,
    %get3A_259 = vector.shape_cast %get3A_258 : vector<16xi32> to vector<16xi32>
    %get3A_260 = arith.constant 160 : index
    %get3A_261 = tpu.vector_load %arg7[%get3A_260] {strides = array<i32>} : memref<192xi32, #tpu.memory_space<vmem>>, vector<16xi32>,
    %get3A_262 = vector.shape_cast %get3A_261 : vector<16xi32> to vector<16xi32>
    %mul3A_263 = arith.constant 10000 : i32
    %mul3A_264 = vector.broadcast %mul3A_263 : i32 to vector<16xi32>
    %mul3A_265 = arith.muli %get3A_256, %mul3A_264 : vector<16xi32>
    %add3A_266 = arith.addi %mul3A_265, %get3A_259 : vector<16xi32>
    %swap3A_267 = arith.constant 32 : index
    %swap3A_268 = tpu.vector_load %arg9[%swap3A_267] {strides = array<i32>} : memref<64xi32, #tpu.memory_space<vmem>>, vector<16xi32>,
    %swap3A_269 = vector.shape_cast %swap3A_268 : vector<16xi32> to vector<16xi32>
    %swap3A_270 = vector.shape_cast %add3A_266 : vector<16xi32> to vector<16xi32>
    tpu.vector_store %arg9[%swap3A_267], %swap3A_270 {strides = array<i32>} : memref<64xi32, #tpu.memory_space<vmem>>, vector<16xi32>,
    %mul3A_271 = arith.constant 10000 : i32
    %mul3A_272 = vector.broadcast %mul3A_271 : i32 to vector<16xi32>
    %mul3A_273 = arith.muli %get3A_256, %mul3A_272 : vector<16xi32>
    %add3A_274 = arith.addi %mul3A_273, %get3A_262 : vector<16xi32>
    %swap3A_275 = arith.constant 32 : index
    %swap3A_276 = tpu.vector_load %arg11[%swap3A_275] {strides = array<i32>} : memref<64xi32, #tpu.memory_space<vmem>>, vector<16xi32>,
    %swap3A_277 = vector.shape_cast %swap3A_276 : vector<16xi32> to vector<16xi32>
    %swap3A_278 = vector.shape_cast %add3A_274 : vector<16xi32> to vector<16xi32>
    tpu.vector_store %arg11[%swap3A_275], %swap3A_278 {strides = array<i32>} : memref<64xi32, #tpu.memory_space<vmem>>, vector<16xi32>,
    %swap3A_279 = arith.constant 32 : index
    %swap3A_280 = tpu.vector_load %arg13[%swap3A_279] {strides = array<i32>} : memref<64xi32, #tpu.memory_space<vmem>>, vector<16xi32>,
    %swap3A_281 = vector.shape_cast %swap3A_280 : vector<16xi32> to vector<16xi32>
    %swap3A_282 = vector.shape_cast %get3A_262 : vector<16xi32> to vector<16xi32>
    tpu.vector_store %arg13[%swap3A_279], %swap3A_282 {strides = array<i32>} : memref<64xi32, #tpu.memory_space<vmem>>, vector<16xi32>,
    %get3A_283 = arith.constant 48 : index
    %get3A_284 = tpu.vector_load %arg7[%get3A_283] {strides = array<i32>} : memref<192xi32, #tpu.memory_space<vmem>>, vector<16xi32>,
    %get3A_285 = vector.shape_cast %get3A_284 : vector<16xi32> to vector<16xi32>
    %get3A_286 = arith.constant 112 : index
    %get3A_287 = tpu.vector_load %arg7[%get3A_286] {strides = array<i32>} : memref<192xi32, #tpu.memory_space<vmem>>, vector<16xi32>,
    %get3A_288 = vector.shape_cast %get3A_287 : vector<16xi32> to vector<16xi32>
    %get3A_289 = arith.constant 176 : index
    %get3A_290 = tpu.vector_load %arg7[%get3A_289] {strides = array<i32>} : memref<192xi32, #tpu.memory_space<vmem>>, vector<16xi32>,
    %get3A_291 = vector.shape_cast %get3A_290 : vector<16xi32> to vector<16xi32>
    %mul3A_292 = arith.constant 10000 : i32
    %mul3A_293 = vector.broadcast %mul3A_292 : i32 to vector<16xi32>
    %mul3A_294 = arith.muli %get3A_285, %mul3A_293 : vector<16xi32>
    %add3A_295 = arith.addi %mul3A_294, %get3A_288 : vector<16xi32>
    %swap3A_296 = arith.constant 48 : index
    %swap3A_297 = tpu.vector_load %arg9[%swap3A_296] {strides = array<i32>} : memref<64xi32, #tpu.memory_space<vmem>>, vector<16xi32>,
    %swap3A_298 = vector.shape_cast %swap3A_297 : vector<16xi32> to vector<16xi32>
    %swap3A_299 = vector.shape_cast %add3A_295 : vector<16xi32> to vector<16xi32>
    tpu.vector_store %arg9[%swap3A_296], %swap3A_299 {strides = array<i32>} : memref<64xi32, #tpu.memory_space<vmem>>, vector<16xi32>,
    %mul3A_300 = arith.constant 10000 : i32
    %mul3A_301 = vector.broadcast %mul3A_300 : i32 to vector<16xi32>
    %mul3A_302 = arith.muli %get3A_285, %mul3A_301 : vector<16xi32>
    %add3A_303 = arith.addi %mul3A_302, %get3A_291 : vector<16xi32>
    %swap3A_304 = arith.constant 48 : index
    %swap3A_305 = tpu.vector_load %arg11[%swap3A_304] {strides = array<i32>} : memref<64xi32, #tpu.memory_space<vmem>>, vector<16xi32>,
    %swap3A_306 = vector.shape_cast %swap3A_305 : vector<16xi32> to vector<16xi32>
    %swap3A_307 = vector.shape_cast %add3A_303 : vector<16xi32> to vector<16xi32>
    tpu.vector_store %arg11[%swap3A_304], %swap3A_307 {strides = array<i32>} : memref<64xi32, #tpu.memory_space<vmem>>, vector<16xi32>,
    %swap3A_308 = arith.constant 48 : index
    %swap3A_309 = tpu.vector_load %arg13[%swap3A_308] {strides = array<i32>} : memref<64xi32, #tpu.memory_space<vmem>>, vector<16xi32>,
    %swap3A_310 = vector.shape_cast %swap3A_309 : vector<16xi32> to vector<16xi32>
    %swap3A_311 = vector.shape_cast %get3A_291 : vector<16xi32> to vector<16xi32>
    tpu.vector_store %arg13[%swap3A_308], %swap3A_311 {strides = array<i32>} : memref<64xi32, #tpu.memory_space<vmem>>, vector<16xi32>,
    %dma_start3A_312 = arith.constant 0 : i32
    %dma_start3A_313 = arith.constant 0 : i32
    %dma_start3A_314 = tpu.memref_slice %arg3[%dma_start3A_312, %dma_start3A_313] : memref<40000x128xf32, #tpu.memory_space<hbm>> -> memref<40000x128xf32, #tpu.memory_space<hbm>>
    tpu.enqueue_indirect_dma source(%dma_start3A_314 : memref<40000x128xf32, #tpu.memory_space<hbm>>) target(%arg17 : memref<64x128xf32, #tpu.memory_space<vmem>>) offsets(%arg9 : memref<64xi32, #tpu.memory_space<vmem>>) semaphore(%arg24 : memref<!tpu.dma_semaphore, #tpu.memory_space<semaphore_mem>>)
    %dma_start3A_315 = arith.constant 0 : i32
    %dma_start3A_316 = arith.constant 0 : i32
    %dma_start3A_317 = tpu.memref_slice %arg4[%dma_start3A_315, %dma_start3A_316] : memref<40000x128xi32, #tpu.memory_space<hbm>> -> memref<40000x128xi32, #tpu.memory_space<hbm>>
    tpu.enqueue_indirect_dma source(%dma_start3A_317 : memref<40000x128xi32, #tpu.memory_space<hbm>>) target(%arg19 : memref<64x128xi32, #tpu.memory_space<vmem>>) offsets(%arg11 : memref<64xi32, #tpu.memory_space<vmem>>) semaphore(%arg26 : memref<!tpu.dma_semaphore, #tpu.memory_space<semaphore_mem>>)
    %mul3A_318 = arith.constant 160 : i32
    %mul3A_319 = arith.muli %add3A, %mul3A_318 : i32
    %add3A_320 = arith.constant 2 : i32
    %add3A_321 = arith.addi %mul3A_319, %add3A_320 : i32
    %mul3A_322 = arith.constant 192 : i32
    %mul3A_323 = arith.muli %add3A_321, %mul3A_322 : i32
    %dma_start3A_324 = tpu.memref_slice %arg2[%mul3A_323] : memref<983040xi32, #tpu.memory_space<hbm>> -> memref<192xi32, #tpu.memory_space<hbm>>
    %dma_start3A_325 = tpu.memref_slice %arg2[%mul3A_323] : memref<983040xi32, #tpu.memory_space<hbm>> -> memref<192xi32, #tpu.memory_space<hbm>>
    tpu.enqueue_dma source(%dma_start3A_325 : memref<192xi32, #tpu.memory_space<hbm>>) target(%arg6 : memref<192xi32, #tpu.memory_space<vmem>>) target_semaphore(%arg31 : memref<!tpu.dma_semaphore, #tpu.memory_space<semaphore_mem>>)
    %mul3A_326 = arith.constant 160 : i32
    %mul3A_327 = arith.muli %add3A, %mul3A_326 : i32
    %add3A_328 = arith.constant 3 : i32
    %add3A_329 = arith.addi %mul3A_327, %add3A_328 : i32
    %mul3A_330 = arith.constant 192 : i32
    %mul3A_331 = arith.muli %add3A_329, %mul3A_330 : i32
    %dma_start3A_332 = tpu.memref_slice %arg2[%mul3A_331] : memref<983040xi32, #tpu.memory_space<hbm>> -> memref<192xi32, #tpu.memory_space<hbm>>
    %dma_start3A_333 = tpu.memref_slice %arg2[%mul3A_331] : memref<983040xi32, #tpu.memory_space<hbm>> -> memref<192xi32, #tpu.memory_space<hbm>>
    tpu.enqueue_dma source(%dma_start3A_333 : memref<192xi32, #tpu.memory_space<hbm>>) target(%arg7 : memref<192xi32, #tpu.memory_space<vmem>>) target_semaphore(%arg32 : memref<!tpu.dma_semaphore, #tpu.memory_space<semaphore_mem>>)
    %scan3A_334 = arith.constant 0 : i32
    %scan3A_335 = arith.constant 0 : i32
    %scan3A_336 = arith.constant 40 : i32
    %scan3A_337 = arith.addi %scan3A_335, %scan3A_336 : i32
    %scan3A_338 = arith.constant 1 : i32
    scf.for %scan3A_349 = %scan3A_335 to %scan3A_337 step %scan3A_338  : i32 {
      %mul3A_350 = arith.constant 4 : i32
      %mul3A_351 = arith.muli %scan3A_349, %mul3A_350 : i32
      %add3A_352 = arith.constant 0 : i32
      %add3A_353 = arith.addi %mul3A_351, %add3A_352 : i32
      %dma_wait3A_354 = arith.constant 0 : i32
      %dma_wait3A_355 = arith.constant 0 : i32
      %dma_wait3A_356 = tpu.memref_slice %arg3[%dma_wait3A_354, %dma_wait3A_355] : memref<40000x128xf32, #tpu.memory_space<hbm>> -> memref<40000x128xf32, #tpu.memory_space<hbm>>
      tpu.wait_indirect_dma semaphore(%arg23 : memref<!tpu.dma_semaphore, #tpu.memory_space<semaphore_mem>>) src(%dma_wait3A_356 : memref<40000x128xf32, #tpu.memory_space<hbm>>) dst(%arg16 : memref<64x128xf32, #tpu.memory_space<vmem>>)
      %dma_wait3A_357 = arith.constant 0 : i32
      %dma_wait3A_358 = arith.constant 0 : i32
      %dma_wait3A_359 = tpu.memref_slice %arg4[%dma_wait3A_357, %dma_wait3A_358] : memref<40000x128xi32, #tpu.memory_space<hbm>> -> memref<40000x128xi32, #tpu.memory_space<hbm>>
      tpu.wait_indirect_dma semaphore(%arg25 : memref<!tpu.dma_semaphore, #tpu.memory_space<semaphore_mem>>) src(%dma_wait3A_359 : memref<40000x128xi32, #tpu.memory_space<hbm>>) dst(%arg18 : memref<64x128xi32, #tpu.memory_space<vmem>>)
      %gt3A = arith.constant 0 : i32
      %gt3A_360 = arith.cmpi sgt, %scan3A_349, %gt3A : i32
      %convert_element_type3A = arith.extui %gt3A_360 : i1 to i32
      %cond3A = arith.constant 0 : i32
      %cond3A_361 = arith.cmpi ne, %convert_element_type3A, %cond3A : i32
      scf.if %cond3A_361 {
        %dma_wait3A_488 = arith.constant 0 : i32
        %dma_wait3A_489 = arith.constant 0 : i32
        %dma_wait3A_490 = tpu.memref_slice %arg22[%dma_wait3A_488, %dma_wait3A_489] : memref<10016x128xf32, #tpu.memory_space<vmem_shared>> -> memref<10016x128xf32, #tpu.memory_space<vmem_shared>>
        tpu.wait_indirect_dma semaphore(%arg29 : memref<!tpu.dma_semaphore, #tpu.memory_space<semaphore_mem>>) src(%arg20 : memref<64x128xf32, #tpu.memory_space<vmem>>) dst(%dma_wait3A_490 : memref<10016x128xf32, #tpu.memory_space<vmem_shared>>)
      } else {
      }
      %scan3A_362 = arith.constant 0 : i32
      %scan3A_363 = arith.constant 0 : i32
      %scan3A_364 = arith.constant 64 : i32
      %scan3A_365 = arith.addi %scan3A_363, %scan3A_364 : i32
      %scan3A_366 = arith.constant 1 : i32
      scf.for %scan3A_488 = %scan3A_363 to %scan3A_365 step %scan3A_366  : i32 {
        %get3A_489 = arith.index_cast %scan3A_488 : i32 to index
        %get3A_490 = arith.constant 0 : index
        %get3A_491 = tpu.vector_load %arg18[%get3A_489, %get3A_490] {strides = array<i32>} : memref<64x128xi32, #tpu.memory_space<vmem>>, vector<1x16xi32>,
        %get3A_492 = vector.shape_cast %get3A_491 : vector<1x16xi32> to vector<16xi32>
        %get3A_493 = arith.index_cast %scan3A_488 : i32 to index
        %get3A_494 = arith.constant 64 : index
        %get3A_495 = tpu.vector_load %arg18[%get3A_493, %get3A_494] {strides = array<i32>} : memref<64x128xi32, #tpu.memory_space<vmem>>, vector<1x16xi32>,
        %get3A_496 = vector.shape_cast %get3A_495 : vector<1x16xi32> to vector<16xi32>
        %get3A_497 = arith.index_cast %scan3A_488 : i32 to index
        %get3A_498 = arith.constant 0 : index
        %get3A_499 = tpu.vector_load %arg16[%get3A_497, %get3A_498] {strides = array<i32>} : memref<64x128xf32, #tpu.memory_space<vmem>>, vector<1x16xf32>,
        %get3A_500 = vector.shape_cast %get3A_499 : vector<1x16xf32> to vector<16xf32>
        %get3A_501 = arith.index_cast %scan3A_488 : i32 to index
        %get3A_502 = arith.constant 64 : index
        %get3A_503 = tpu.vector_load %arg16[%get3A_501, %get3A_502] {strides = array<i32>} : memref<64x128xf32, #tpu.memory_space<vmem>>, vector<1x16xf32>,
        %get3A_504 = vector.shape_cast %get3A_503 : vector<1x16xf32> to vector<16xf32>
        %shift_left3A = arith.constant 16 : i32
        %shift_left3A_505 = vector.broadcast %shift_left3A : i32 to vector<16xi32>
        %shift_left3A_506 = arith.shli %get3A_492, %shift_left3A_505 : vector<16xi32>
        %bitcast_convert_type3A = tpu.bitcast %shift_left3A_506 : vector<16xi32> -> vector<16xf32>
        %and3A = arith.constant -65536 : i32
        %and3A_507 = vector.broadcast %and3A : i32 to vector<16xi32>
        %and3A_508 = arith.andi %get3A_492, %and3A_507 : vector<16xi32>
        %bitcast_convert_type3A_509 = tpu.bitcast %and3A_508 : vector<16xi32> -> vector<16xf32>
        %shift_left3A_510 = arith.constant 16 : i32
        %shift_left3A_511 = vector.broadcast %shift_left3A_510 : i32 to vector<16xi32>
        %shift_left3A_512 = arith.shli %get3A_496, %shift_left3A_511 : vector<16xi32>
        %bitcast_convert_type3A_513 = tpu.bitcast %shift_left3A_512 : vector<16xi32> -> vector<16xf32>
        %and3A_514 = arith.constant -65536 : i32
        %and3A_515 = vector.broadcast %and3A_514 : i32 to vector<16xi32>
        %and3A_516 = arith.andi %get3A_496, %and3A_515 : vector<16xi32>
        %bitcast_convert_type3A_517 = tpu.bitcast %and3A_516 : vector<16xi32> -> vector<16xf32>
        %mul3A_518 = arith.mulf %bitcast_convert_type3A, %get3A_500 : vector<16xf32>
        %add3A_519 = arith.addf %mul3A_518, %bitcast_convert_type3A_513 : vector<16xf32>
        %max3A = arith.constant 0.000000e+00 : f32
        %max3A_520 = vector.broadcast %max3A : f32 to vector<16xf32>
        %max3A_521 = arith.maximumf %add3A_519, %max3A_520 : vector<16xf32>
        %swap3A_522 = arith.index_cast %scan3A_488 : i32 to index
        %swap3A_523 = arith.constant 0 : index
        %swap3A_524 = tpu.vector_load %arg20[%swap3A_522, %swap3A_523] {strides = array<i32>} : memref<64x128xf32, #tpu.memory_space<vmem>>, vector<1x16xf32>,
        %swap3A_525 = vector.shape_cast %swap3A_524 : vector<1x16xf32> to vector<16xf32>
        %swap3A_526 = vector.shape_cast %max3A_521 : vector<16xf32> to vector<1x16xf32>
        tpu.vector_store %arg20[%swap3A_522, %swap3A_523], %swap3A_526 {strides = array<i32>} : memref<64x128xf32, #tpu.memory_space<vmem>>, vector<1x16xf32>,
        %mul3A_527 = arith.mulf %bitcast_convert_type3A_509, %get3A_504 : vector<16xf32>
        %add3A_528 = arith.addf %mul3A_527, %bitcast_convert_type3A_517 : vector<16xf32>
        %max3A_529 = arith.constant 0.000000e+00 : f32
        %max3A_530 = vector.broadcast %max3A_529 : f32 to vector<16xf32>
        %max3A_531 = arith.maximumf %add3A_528, %max3A_530 : vector<16xf32>
        %swap3A_532 = arith.index_cast %scan3A_488 : i32 to index
        %swap3A_533 = arith.constant 64 : index
        %swap3A_534 = tpu.vector_load %arg20[%swap3A_532, %swap3A_533] {strides = array<i32>} : memref<64x128xf32, #tpu.memory_space<vmem>>, vector<1x16xf32>,
        %swap3A_535 = vector.shape_cast %swap3A_534 : vector<1x16xf32> to vector<16xf32>
        %swap3A_536 = vector.shape_cast %max3A_531 : vector<16xf32> to vector<1x16xf32>
        tpu.vector_store %arg20[%swap3A_532, %swap3A_533], %swap3A_536 {strides = array<i32>} : memref<64x128xf32, #tpu.memory_space<vmem>>, vector<1x16xf32>,
        %get3A_537 = arith.index_cast %scan3A_488 : i32 to index
        %get3A_538 = arith.constant 16 : index
        %get3A_539 = tpu.vector_load %arg18[%get3A_537, %get3A_538] {strides = array<i32>} : memref<64x128xi32, #tpu.memory_space<vmem>>, vector<1x16xi32>,
        %get3A_540 = vector.shape_cast %get3A_539 : vector<1x16xi32> to vector<16xi32>
        %get3A_541 = arith.index_cast %scan3A_488 : i32 to index
        %get3A_542 = arith.constant 80 : index
        %get3A_543 = tpu.vector_load %arg18[%get3A_541, %get3A_542] {strides = array<i32>} : memref<64x128xi32, #tpu.memory_space<vmem>>, vector<1x16xi32>,
        %get3A_544 = vector.shape_cast %get3A_543 : vector<1x16xi32> to vector<16xi32>
        %get3A_545 = arith.index_cast %scan3A_488 : i32 to index
        %get3A_546 = arith.constant 16 : index
        %get3A_547 = tpu.vector_load %arg16[%get3A_545, %get3A_546] {strides = array<i32>} : memref<64x128xf32, #tpu.memory_space<vmem>>, vector<1x16xf32>,
        %get3A_548 = vector.shape_cast %get3A_547 : vector<1x16xf32> to vector<16xf32>
        %get3A_549 = arith.index_cast %scan3A_488 : i32 to index
        %get3A_550 = arith.constant 80 : index
        %get3A_551 = tpu.vector_load %arg16[%get3A_549, %get3A_550] {strides = array<i32>} : memref<64x128xf32, #tpu.memory_space<vmem>>, vector<1x16xf32>,
        %get3A_552 = vector.shape_cast %get3A_551 : vector<1x16xf32> to vector<16xf32>
        %shift_left3A_553 = arith.constant 16 : i32
        %shift_left3A_554 = vector.broadcast %shift_left3A_553 : i32 to vector<16xi32>
        %shift_left3A_555 = arith.shli %get3A_540, %shift_left3A_554 : vector<16xi32>
        %bitcast_convert_type3A_556 = tpu.bitcast %shift_left3A_555 : vector<16xi32> -> vector<16xf32>
        %and3A_557 = arith.constant -65536 : i32
        %and3A_558 = vector.broadcast %and3A_557 : i32 to vector<16xi32>
        %and3A_559 = arith.andi %get3A_540, %and3A_558 : vector<16xi32>
        %bitcast_convert_type3A_560 = tpu.bitcast %and3A_559 : vector<16xi32> -> vector<16xf32>
        %shift_left3A_561 = arith.constant 16 : i32
        %shift_left3A_562 = vector.broadcast %shift_left3A_561 : i32 to vector<16xi32>
        %shift_left3A_563 = arith.shli %get3A_544, %shift_left3A_562 : vector<16xi32>
        %bitcast_convert_type3A_564 = tpu.bitcast %shift_left3A_563 : vector<16xi32> -> vector<16xf32>
        %and3A_565 = arith.constant -65536 : i32
        %and3A_566 = vector.broadcast %and3A_565 : i32 to vector<16xi32>
        %and3A_567 = arith.andi %get3A_544, %and3A_566 : vector<16xi32>
        %bitcast_convert_type3A_568 = tpu.bitcast %and3A_567 : vector<16xi32> -> vector<16xf32>
        %mul3A_569 = arith.mulf %bitcast_convert_type3A_556, %get3A_548 : vector<16xf32>
        %add3A_570 = arith.addf %mul3A_569, %bitcast_convert_type3A_564 : vector<16xf32>
        %max3A_571 = arith.constant 0.000000e+00 : f32
        %max3A_572 = vector.broadcast %max3A_571 : f32 to vector<16xf32>
        %max3A_573 = arith.maximumf %add3A_570, %max3A_572 : vector<16xf32>
        %swap3A_574 = arith.index_cast %scan3A_488 : i32 to index
        %swap3A_575 = arith.constant 16 : index
        %swap3A_576 = tpu.vector_load %arg20[%swap3A_574, %swap3A_575] {strides = array<i32>} : memref<64x128xf32, #tpu.memory_space<vmem>>, vector<1x16xf32>,
        %swap3A_577 = vector.shape_cast %swap3A_576 : vector<1x16xf32> to vector<16xf32>
        %swap3A_578 = vector.shape_cast %max3A_573 : vector<16xf32> to vector<1x16xf32>
        tpu.vector_store %arg20[%swap3A_574, %swap3A_575], %swap3A_578 {strides = array<i32>} : memref<64x128xf32, #tpu.memory_space<vmem>>, vector<1x16xf32>,
        %mul3A_579 = arith.mulf %bitcast_convert_type3A_560, %get3A_552 : vector<16xf32>
        %add3A_580 = arith.addf %mul3A_579, %bitcast_convert_type3A_568 : vector<16xf32>
        %max3A_581 = arith.constant 0.000000e+00 : f32
        %max3A_582 = vector.broadcast %max3A_581 : f32 to vector<16xf32>
        %max3A_583 = arith.maximumf %add3A_580, %max3A_582 : vector<16xf32>
        %swap3A_584 = arith.index_cast %scan3A_488 : i32 to index
        %swap3A_585 = arith.constant 80 : index
        %swap3A_586 = tpu.vector_load %arg20[%swap3A_584, %swap3A_585] {strides = array<i32>} : memref<64x128xf32, #tpu.memory_space<vmem>>, vector<1x16xf32>,
        %swap3A_587 = vector.shape_cast %swap3A_586 : vector<1x16xf32> to vector<16xf32>
        %swap3A_588 = vector.shape_cast %max3A_583 : vector<16xf32> to vector<1x16xf32>
        tpu.vector_store %arg20[%swap3A_584, %swap3A_585], %swap3A_588 {strides = array<i32>} : memref<64x128xf32, #tpu.memory_space<vmem>>, vector<1x16xf32>,
        %get3A_589 = arith.index_cast %scan3A_488 : i32 to index
        %get3A_590 = arith.constant 32 : index
        %get3A_591 = tpu.vector_load %arg18[%get3A_589, %get3A_590] {strides = array<i32>} : memref<64x128xi32, #tpu.memory_space<vmem>>, vector<1x16xi32>,
        %get3A_592 = vector.shape_cast %get3A_591 : vector<1x16xi32> to vector<16xi32>
        %get3A_593 = arith.index_cast %scan3A_488 : i32 to index
        %get3A_594 = arith.constant 96 : index
        %get3A_595 = tpu.vector_load %arg18[%get3A_593, %get3A_594] {strides = array<i32>} : memref<64x128xi32, #tpu.memory_space<vmem>>, vector<1x16xi32>,
        %get3A_596 = vector.shape_cast %get3A_595 : vector<1x16xi32> to vector<16xi32>
        %get3A_597 = arith.index_cast %scan3A_488 : i32 to index
        %get3A_598 = arith.constant 32 : index
        %get3A_599 = tpu.vector_load %arg16[%get3A_597, %get3A_598] {strides = array<i32>} : memref<64x128xf32, #tpu.memory_space<vmem>>, vector<1x16xf32>,
        %get3A_600 = vector.shape_cast %get3A_599 : vector<1x16xf32> to vector<16xf32>
        %get3A_601 = arith.index_cast %scan3A_488 : i32 to index
        %get3A_602 = arith.constant 96 : index
        %get3A_603 = tpu.vector_load %arg16[%get3A_601, %get3A_602] {strides = array<i32>} : memref<64x128xf32, #tpu.memory_space<vmem>>, vector<1x16xf32>,
        %get3A_604 = vector.shape_cast %get3A_603 : vector<1x16xf32> to vector<16xf32>
        %shift_left3A_605 = arith.constant 16 : i32
        %shift_left3A_606 = vector.broadcast %shift_left3A_605 : i32 to vector<16xi32>
        %shift_left3A_607 = arith.shli %get3A_592, %shift_left3A_606 : vector<16xi32>
        %bitcast_convert_type3A_608 = tpu.bitcast %shift_left3A_607 : vector<16xi32> -> vector<16xf32>
        %and3A_609 = arith.constant -65536 : i32
        %and3A_610 = vector.broadcast %and3A_609 : i32 to vector<16xi32>
        %and3A_611 = arith.andi %get3A_592, %and3A_610 : vector<16xi32>
        %bitcast_convert_type3A_612 = tpu.bitcast %and3A_611 : vector<16xi32> -> vector<16xf32>
        %shift_left3A_613 = arith.constant 16 : i32
        %shift_left3A_614 = vector.broadcast %shift_left3A_613 : i32 to vector<16xi32>
        %shift_left3A_615 = arith.shli %get3A_596, %shift_left3A_614 : vector<16xi32>
        %bitcast_convert_type3A_616 = tpu.bitcast %shift_left3A_615 : vector<16xi32> -> vector<16xf32>
        %and3A_617 = arith.constant -65536 : i32
        %and3A_618 = vector.broadcast %and3A_617 : i32 to vector<16xi32>
        %and3A_619 = arith.andi %get3A_596, %and3A_618 : vector<16xi32>
        %bitcast_convert_type3A_620 = tpu.bitcast %and3A_619 : vector<16xi32> -> vector<16xf32>
        %mul3A_621 = arith.mulf %bitcast_convert_type3A_608, %get3A_600 : vector<16xf32>
        %add3A_622 = arith.addf %mul3A_621, %bitcast_convert_type3A_616 : vector<16xf32>
        %max3A_623 = arith.constant 0.000000e+00 : f32
        %max3A_624 = vector.broadcast %max3A_623 : f32 to vector<16xf32>
        %max3A_625 = arith.maximumf %add3A_622, %max3A_624 : vector<16xf32>
        %swap3A_626 = arith.index_cast %scan3A_488 : i32 to index
        %swap3A_627 = arith.constant 32 : index
        %swap3A_628 = tpu.vector_load %arg20[%swap3A_626, %swap3A_627] {strides = array<i32>} : memref<64x128xf32, #tpu.memory_space<vmem>>, vector<1x16xf32>,
        %swap3A_629 = vector.shape_cast %swap3A_628 : vector<1x16xf32> to vector<16xf32>
        %swap3A_630 = vector.shape_cast %max3A_625 : vector<16xf32> to vector<1x16xf32>
        tpu.vector_store %arg20[%swap3A_626, %swap3A_627], %swap3A_630 {strides = array<i32>} : memref<64x128xf32, #tpu.memory_space<vmem>>, vector<1x16xf32>,
        %mul3A_631 = arith.mulf %bitcast_convert_type3A_612, %get3A_604 : vector<16xf32>
        %add3A_632 = arith.addf %mul3A_631, %bitcast_convert_type3A_620 : vector<16xf32>
        %max3A_633 = arith.constant 0.000000e+00 : f32
        %max3A_634 = vector.broadcast %max3A_633 : f32 to vector<16xf32>
        %max3A_635 = arith.maximumf %add3A_632, %max3A_634 : vector<16xf32>
        %swap3A_636 = arith.index_cast %scan3A_488 : i32 to index
        %swap3A_637 = arith.constant 96 : index
        %swap3A_638 = tpu.vector_load %arg20[%swap3A_636, %swap3A_637] {strides = array<i32>} : memref<64x128xf32, #tpu.memory_space<vmem>>, vector<1x16xf32>,
        %swap3A_639 = vector.shape_cast %swap3A_638 : vector<1x16xf32> to vector<16xf32>
        %swap3A_640 = vector.shape_cast %max3A_635 : vector<16xf32> to vector<1x16xf32>
        tpu.vector_store %arg20[%swap3A_636, %swap3A_637], %swap3A_640 {strides = array<i32>} : memref<64x128xf32, #tpu.memory_space<vmem>>, vector<1x16xf32>,
        %get3A_641 = arith.index_cast %scan3A_488 : i32 to index
        %get3A_642 = arith.constant 48 : index
        %get3A_643 = tpu.vector_load %arg18[%get3A_641, %get3A_642] {strides = array<i32>} : memref<64x128xi32, #tpu.memory_space<vmem>>, vector<1x16xi32>,
        %get3A_644 = vector.shape_cast %get3A_643 : vector<1x16xi32> to vector<16xi32>
        %get3A_645 = arith.index_cast %scan3A_488 : i32 to index
        %get3A_646 = arith.constant 112 : index
        %get3A_647 = tpu.vector_load %arg18[%get3A_645, %get3A_646] {strides = array<i32>} : memref<64x128xi32, #tpu.memory_space<vmem>>, vector<1x16xi32>,
        %get3A_648 = vector.shape_cast %get3A_647 : vector<1x16xi32> to vector<16xi32>
        %get3A_649 = arith.index_cast %scan3A_488 : i32 to index
        %get3A_650 = arith.constant 48 : index
        %get3A_651 = tpu.vector_load %arg16[%get3A_649, %get3A_650] {strides = array<i32>} : memref<64x128xf32, #tpu.memory_space<vmem>>, vector<1x16xf32>,
        %get3A_652 = vector.shape_cast %get3A_651 : vector<1x16xf32> to vector<16xf32>
        %get3A_653 = arith.index_cast %scan3A_488 : i32 to index
        %get3A_654 = arith.constant 112 : index
        %get3A_655 = tpu.vector_load %arg16[%get3A_653, %get3A_654] {strides = array<i32>} : memref<64x128xf32, #tpu.memory_space<vmem>>, vector<1x16xf32>,
        %get3A_656 = vector.shape_cast %get3A_655 : vector<1x16xf32> to vector<16xf32>
        %shift_left3A_657 = arith.constant 16 : i32
        %shift_left3A_658 = vector.broadcast %shift_left3A_657 : i32 to vector<16xi32>
        %shift_left3A_659 = arith.shli %get3A_644, %shift_left3A_658 : vector<16xi32>
        %bitcast_convert_type3A_660 = tpu.bitcast %shift_left3A_659 : vector<16xi32> -> vector<16xf32>
        %and3A_661 = arith.constant -65536 : i32
        %and3A_662 = vector.broadcast %and3A_661 : i32 to vector<16xi32>
        %and3A_663 = arith.andi %get3A_644, %and3A_662 : vector<16xi32>
        %bitcast_convert_type3A_664 = tpu.bitcast %and3A_663 : vector<16xi32> -> vector<16xf32>
        %shift_left3A_665 = arith.constant 16 : i32
        %shift_left3A_666 = vector.broadcast %shift_left3A_665 : i32 to vector<16xi32>
        %shift_left3A_667 = arith.shli %get3A_648, %shift_left3A_666 : vector<16xi32>
        %bitcast_convert_type3A_668 = tpu.bitcast %shift_left3A_667 : vector<16xi32> -> vector<16xf32>
        %and3A_669 = arith.constant -65536 : i32
        %and3A_670 = vector.broadcast %and3A_669 : i32 to vector<16xi32>
        %and3A_671 = arith.andi %get3A_648, %and3A_670 : vector<16xi32>
        %bitcast_convert_type3A_672 = tpu.bitcast %and3A_671 : vector<16xi32> -> vector<16xf32>
        %mul3A_673 = arith.mulf %bitcast_convert_type3A_660, %get3A_652 : vector<16xf32>
        %add3A_674 = arith.addf %mul3A_673, %bitcast_convert_type3A_668 : vector<16xf32>
        %max3A_675 = arith.constant 0.000000e+00 : f32
        %max3A_676 = vector.broadcast %max3A_675 : f32 to vector<16xf32>
        %max3A_677 = arith.maximumf %add3A_674, %max3A_676 : vector<16xf32>
        %swap3A_678 = arith.index_cast %scan3A_488 : i32 to index
        %swap3A_679 = arith.constant 48 : index
        %swap3A_680 = tpu.vector_load %arg20[%swap3A_678, %swap3A_679] {strides = array<i32>} : memref<64x128xf32, #tpu.memory_space<vmem>>, vector<1x16xf32>,
        %swap3A_681 = vector.shape_cast %swap3A_680 : vector<1x16xf32> to vector<16xf32>
        %swap3A_682 = vector.shape_cast %max3A_677 : vector<16xf32> to vector<1x16xf32>
        tpu.vector_store %arg20[%swap3A_678, %swap3A_679], %swap3A_682 {strides = array<i32>} : memref<64x128xf32, #tpu.memory_space<vmem>>, vector<1x16xf32>,
        %mul3A_683 = arith.mulf %bitcast_convert_type3A_664, %get3A_656 : vector<16xf32>
        %add3A_684 = arith.addf %mul3A_683, %bitcast_convert_type3A_672 : vector<16xf32>
        %max3A_685 = arith.constant 0.000000e+00 : f32
        %max3A_686 = vector.broadcast %max3A_685 : f32 to vector<16xf32>
        %max3A_687 = arith.maximumf %add3A_684, %max3A_686 : vector<16xf32>
        %swap3A_688 = arith.index_cast %scan3A_488 : i32 to index
        %swap3A_689 = arith.constant 112 : index
        %swap3A_690 = tpu.vector_load %arg20[%swap3A_688, %swap3A_689] {strides = array<i32>} : memref<64x128xf32, #tpu.memory_space<vmem>>, vector<1x16xf32>,
        %swap3A_691 = vector.shape_cast %swap3A_690 : vector<1x16xf32> to vector<16xf32>
        %swap3A_692 = vector.shape_cast %max3A_687 : vector<16xf32> to vector<1x16xf32>
        tpu.vector_store %arg20[%swap3A_688, %swap3A_689], %swap3A_692 {strides = array<i32>} : memref<64x128xf32, #tpu.memory_space<vmem>>, vector<1x16xf32>,
      }
      %scan3A_367 = arith.constant 64 : i32
      %dma_start3A_368 = arith.constant 0 : i32
      %dma_start3A_369 = arith.constant 0 : i32
      %dma_start3A_370 = tpu.memref_slice %arg22[%dma_start3A_368, %dma_start3A_369] : memref<10016x128xf32, #tpu.memory_space<vmem_shared>> -> memref<10016x128xf32, #tpu.memory_space<vmem_shared>>
      tpu.enqueue_indirect_dma source(%arg20 : memref<64x128xf32, #tpu.memory_space<vmem>>) target(%dma_start3A_370 : memref<10016x128xf32, #tpu.memory_space<vmem_shared>>) offsets(%arg12 : memref<64xi32, #tpu.memory_space<vmem>>) semaphore(%arg27 : memref<!tpu.dma_semaphore, #tpu.memory_space<semaphore_mem>>) {add = true}
      %add3A_371 = arith.constant 2 : i32
      %add3A_372 = arith.addi %add3A_353, %add3A_371 : i32
      %lt3A = arith.constant 160 : i32
      %lt3A_373 = arith.cmpi slt, %add3A_372, %lt3A : i32
      %convert_element_type3A_374 = arith.extui %lt3A_373 : i1 to i32
      %cond3A_375 = arith.constant 0 : i32
      %cond3A_376 = arith.cmpi ne, %convert_element_type3A_374, %cond3A_375 : i32
      scf.if %cond3A_376 {
        %add3A_488 = arith.constant 2 : i32
        %add3A_489 = arith.addi %add3A_353, %add3A_488 : i32
        %mul3A_490 = arith.constant 160 : i32
        %mul3A_491 = arith.muli %add3A, %mul3A_490 : i32
        %add3A_492 = arith.addi %mul3A_491, %add3A_489 : i32
        %mul3A_493 = arith.constant 192 : i32
        %mul3A_494 = arith.muli %add3A_492, %mul3A_493 : i32
        %dma_wait3A_495 = tpu.memref_slice %arg2[%mul3A_494] : memref<983040xi32, #tpu.memory_space<hbm>> -> memref<192xi32, #tpu.memory_space<hbm>>
        %dma_wait3A_496 = tpu.memref_slice %arg2[%mul3A_494] : memref<983040xi32, #tpu.memory_space<hbm>> -> memref<192xi32, #tpu.memory_space<hbm>>
        tpu.wait_dma2 semaphore(%arg31 : memref<!tpu.dma_semaphore, #tpu.memory_space<semaphore_mem>>) src(%dma_wait3A_496 : memref<192xi32, #tpu.memory_space<hbm>>) dst(%arg6 : memref<192xi32, #tpu.memory_space<vmem>>)
        %get3A_497 = arith.constant 0 : index
        %get3A_498 = tpu.vector_load %arg6[%get3A_497] {strides = array<i32>} : memref<192xi32, #tpu.memory_space<vmem>>, vector<16xi32>,
        %get3A_499 = vector.shape_cast %get3A_498 : vector<16xi32> to vector<16xi32>
        %get3A_500 = arith.constant 64 : index
        %get3A_501 = tpu.vector_load %arg6[%get3A_500] {strides = array<i32>} : memref<192xi32, #tpu.memory_space<vmem>>, vector<16xi32>,
        %get3A_502 = vector.shape_cast %get3A_501 : vector<16xi32> to vector<16xi32>
        %get3A_503 = arith.constant 128 : index
        %get3A_504 = tpu.vector_load %arg6[%get3A_503] {strides = array<i32>} : memref<192xi32, #tpu.memory_space<vmem>>, vector<16xi32>,
        %get3A_505 = vector.shape_cast %get3A_504 : vector<16xi32> to vector<16xi32>
        %mul3A_506 = arith.constant 10000 : i32
        %mul3A_507 = vector.broadcast %mul3A_506 : i32 to vector<16xi32>
        %mul3A_508 = arith.muli %get3A_499, %mul3A_507 : vector<16xi32>
        %add3A_509 = arith.addi %mul3A_508, %get3A_502 : vector<16xi32>
        %swap3A_510 = arith.constant 0 : index
        %swap3A_511 = tpu.vector_load %arg8[%swap3A_510] {strides = array<i32>} : memref<64xi32, #tpu.memory_space<vmem>>, vector<16xi32>,
        %swap3A_512 = vector.shape_cast %swap3A_511 : vector<16xi32> to vector<16xi32>
        %swap3A_513 = vector.shape_cast %add3A_509 : vector<16xi32> to vector<16xi32>
        tpu.vector_store %arg8[%swap3A_510], %swap3A_513 {strides = array<i32>} : memref<64xi32, #tpu.memory_space<vmem>>, vector<16xi32>,
        %mul3A_514 = arith.constant 10000 : i32
        %mul3A_515 = vector.broadcast %mul3A_514 : i32 to vector<16xi32>
        %mul3A_516 = arith.muli %get3A_499, %mul3A_515 : vector<16xi32>
        %add3A_517 = arith.addi %mul3A_516, %get3A_505 : vector<16xi32>
        %swap3A_518 = arith.constant 0 : index
        %swap3A_519 = tpu.vector_load %arg10[%swap3A_518] {strides = array<i32>} : memref<64xi32, #tpu.memory_space<vmem>>, vector<16xi32>,
        %swap3A_520 = vector.shape_cast %swap3A_519 : vector<16xi32> to vector<16xi32>
        %swap3A_521 = vector.shape_cast %add3A_517 : vector<16xi32> to vector<16xi32>
        tpu.vector_store %arg10[%swap3A_518], %swap3A_521 {strides = array<i32>} : memref<64xi32, #tpu.memory_space<vmem>>, vector<16xi32>,
        %swap3A_522 = arith.constant 0 : index
        %swap3A_523 = tpu.vector_load %arg14[%swap3A_522] {strides = array<i32>} : memref<64xi32, #tpu.memory_space<vmem>>, vector<16xi32>,
        %swap3A_524 = vector.shape_cast %swap3A_523 : vector<16xi32> to vector<16xi32>
        %swap3A_525 = vector.shape_cast %get3A_505 : vector<16xi32> to vector<16xi32>
        tpu.vector_store %arg14[%swap3A_522], %swap3A_525 {strides = array<i32>} : memref<64xi32, #tpu.memory_space<vmem>>, vector<16xi32>,
        %get3A_526 = arith.constant 16 : index
        %get3A_527 = tpu.vector_load %arg6[%get3A_526] {strides = array<i32>} : memref<192xi32, #tpu.memory_space<vmem>>, vector<16xi32>,
        %get3A_528 = vector.shape_cast %get3A_527 : vector<16xi32> to vector<16xi32>
        %get3A_529 = arith.constant 80 : index
        %get3A_530 = tpu.vector_load %arg6[%get3A_529] {strides = array<i32>} : memref<192xi32, #tpu.memory_space<vmem>>, vector<16xi32>,
        %get3A_531 = vector.shape_cast %get3A_530 : vector<16xi32> to vector<16xi32>
        %get3A_532 = arith.constant 144 : index
        %get3A_533 = tpu.vector_load %arg6[%get3A_532] {strides = array<i32>} : memref<192xi32, #tpu.memory_space<vmem>>, vector<16xi32>,
        %get3A_534 = vector.shape_cast %get3A_533 : vector<16xi32> to vector<16xi32>
        %mul3A_535 = arith.constant 10000 : i32
        %mul3A_536 = vector.broadcast %mul3A_535 : i32 to vector<16xi32>
        %mul3A_537 = arith.muli %get3A_528, %mul3A_536 : vector<16xi32>
        %add3A_538 = arith.addi %mul3A_537, %get3A_531 : vector<16xi32>
        %swap3A_539 = arith.constant 16 : index
        %swap3A_540 = tpu.vector_load %arg8[%swap3A_539] {strides = array<i32>} : memref<64xi32, #tpu.memory_space<vmem>>, vector<16xi32>,
        %swap3A_541 = vector.shape_cast %swap3A_540 : vector<16xi32> to vector<16xi32>
        %swap3A_542 = vector.shape_cast %add3A_538 : vector<16xi32> to vector<16xi32>
        tpu.vector_store %arg8[%swap3A_539], %swap3A_542 {strides = array<i32>} : memref<64xi32, #tpu.memory_space<vmem>>, vector<16xi32>,
        %mul3A_543 = arith.constant 10000 : i32
        %mul3A_544 = vector.broadcast %mul3A_543 : i32 to vector<16xi32>
        %mul3A_545 = arith.muli %get3A_528, %mul3A_544 : vector<16xi32>
        %add3A_546 = arith.addi %mul3A_545, %get3A_534 : vector<16xi32>
        %swap3A_547 = arith.constant 16 : index
        %swap3A_548 = tpu.vector_load %arg10[%swap3A_547] {strides = array<i32>} : memref<64xi32, #tpu.memory_space<vmem>>, vector<16xi32>,
        %swap3A_549 = vector.shape_cast %swap3A_548 : vector<16xi32> to vector<16xi32>
        %swap3A_550 = vector.shape_cast %add3A_546 : vector<16xi32> to vector<16xi32>
        tpu.vector_store %arg10[%swap3A_547], %swap3A_550 {strides = array<i32>} : memref<64xi32, #tpu.memory_space<vmem>>, vector<16xi32>,
        %swap3A_551 = arith.constant 16 : index
        %swap3A_552 = tpu.vector_load %arg14[%swap3A_551] {strides = array<i32>} : memref<64xi32, #tpu.memory_space<vmem>>, vector<16xi32>,
        %swap3A_553 = vector.shape_cast %swap3A_552 : vector<16xi32> to vector<16xi32>
        %swap3A_554 = vector.shape_cast %get3A_534 : vector<16xi32> to vector<16xi32>
        tpu.vector_store %arg14[%swap3A_551], %swap3A_554 {strides = array<i32>} : memref<64xi32, #tpu.memory_space<vmem>>, vector<16xi32>,
        %get3A_555 = arith.constant 32 : index
        %get3A_556 = tpu.vector_load %arg6[%get3A_555] {strides = array<i32>} : memref<192xi32, #tpu.memory_space<vmem>>, vector<16xi32>,
        %get3A_557 = vector.shape_cast %get3A_556 : vector<16xi32> to vector<16xi32>
        %get3A_558 = arith.constant 96 : index
        %get3A_559 = tpu.vector_load %arg6[%get3A_558] {strides = array<i32>} : memref<192xi32, #tpu.memory_space<vmem>>, vector<16xi32>,
        %get3A_560 = vector.shape_cast %get3A_559 : vector<16xi32> to vector<16xi32>
        %get3A_561 = arith.constant 160 : index
        %get3A_562 = tpu.vector_load %arg6[%get3A_561] {strides = array<i32>} : memref<192xi32, #tpu.memory_space<vmem>>, vector<16xi32>,
        %get3A_563 = vector.shape_cast %get3A_562 : vector<16xi32> to vector<16xi32>
        %mul3A_564 = arith.constant 10000 : i32
        %mul3A_565 = vector.broadcast %mul3A_564 : i32 to vector<16xi32>
        %mul3A_566 = arith.muli %get3A_557, %mul3A_565 : vector<16xi32>
        %add3A_567 = arith.addi %mul3A_566, %get3A_560 : vector<16xi32>
        %swap3A_568 = arith.constant 32 : index
        %swap3A_569 = tpu.vector_load %arg8[%swap3A_568] {strides = array<i32>} : memref<64xi32, #tpu.memory_space<vmem>>, vector<16xi32>,
        %swap3A_570 = vector.shape_cast %swap3A_569 : vector<16xi32> to vector<16xi32>
        %swap3A_571 = vector.shape_cast %add3A_567 : vector<16xi32> to vector<16xi32>
        tpu.vector_store %arg8[%swap3A_568], %swap3A_571 {strides = array<i32>} : memref<64xi32, #tpu.memory_space<vmem>>, vector<16xi32>,
        %mul3A_572 = arith.constant 10000 : i32
        %mul3A_573 = vector.broadcast %mul3A_572 : i32 to vector<16xi32>
        %mul3A_574 = arith.muli %get3A_557, %mul3A_573 : vector<16xi32>
        %add3A_575 = arith.addi %mul3A_574, %get3A_563 : vector<16xi32>
        %swap3A_576 = arith.constant 32 : index
        %swap3A_577 = tpu.vector_load %arg10[%swap3A_576] {strides = array<i32>} : memref<64xi32, #tpu.memory_space<vmem>>, vector<16xi32>,
        %swap3A_578 = vector.shape_cast %swap3A_577 : vector<16xi32> to vector<16xi32>
        %swap3A_579 = vector.shape_cast %add3A_575 : vector<16xi32> to vector<16xi32>
        tpu.vector_store %arg10[%swap3A_576], %swap3A_579 {strides = array<i32>} : memref<64xi32, #tpu.memory_space<vmem>>, vector<16xi32>,
        %swap3A_580 = arith.constant 32 : index
        %swap3A_581 = tpu.vector_load %arg14[%swap3A_580] {strides = array<i32>} : memref<64xi32, #tpu.memory_space<vmem>>, vector<16xi32>,
        %swap3A_582 = vector.shape_cast %swap3A_581 : vector<16xi32> to vector<16xi32>
        %swap3A_583 = vector.shape_cast %get3A_563 : vector<16xi32> to vector<16xi32>
        tpu.vector_store %arg14[%swap3A_580], %swap3A_583 {strides = array<i32>} : memref<64xi32, #tpu.memory_space<vmem>>, vector<16xi32>,
        %get3A_584 = arith.constant 48 : index
        %get3A_585 = tpu.vector_load %arg6[%get3A_584] {strides = array<i32>} : memref<192xi32, #tpu.memory_space<vmem>>, vector<16xi32>,
        %get3A_586 = vector.shape_cast %get3A_585 : vector<16xi32> to vector<16xi32>
        %get3A_587 = arith.constant 112 : index
        %get3A_588 = tpu.vector_load %arg6[%get3A_587] {strides = array<i32>} : memref<192xi32, #tpu.memory_space<vmem>>, vector<16xi32>,
        %get3A_589 = vector.shape_cast %get3A_588 : vector<16xi32> to vector<16xi32>
        %get3A_590 = arith.constant 176 : index
        %get3A_591 = tpu.vector_load %arg6[%get3A_590] {strides = array<i32>} : memref<192xi32, #tpu.memory_space<vmem>>, vector<16xi32>,
        %get3A_592 = vector.shape_cast %get3A_591 : vector<16xi32> to vector<16xi32>
        %mul3A_593 = arith.constant 10000 : i32
        %mul3A_594 = vector.broadcast %mul3A_593 : i32 to vector<16xi32>
        %mul3A_595 = arith.muli %get3A_586, %mul3A_594 : vector<16xi32>
        %add3A_596 = arith.addi %mul3A_595, %get3A_589 : vector<16xi32>
        %swap3A_597 = arith.constant 48 : index
        %swap3A_598 = tpu.vector_load %arg8[%swap3A_597] {strides = array<i32>} : memref<64xi32, #tpu.memory_space<vmem>>, vector<16xi32>,
        %swap3A_599 = vector.shape_cast %swap3A_598 : vector<16xi32> to vector<16xi32>
        %swap3A_600 = vector.shape_cast %add3A_596 : vector<16xi32> to vector<16xi32>
        tpu.vector_store %arg8[%swap3A_597], %swap3A_600 {strides = array<i32>} : memref<64xi32, #tpu.memory_space<vmem>>, vector<16xi32>,
        %mul3A_601 = arith.constant 10000 : i32
        %mul3A_602 = vector.broadcast %mul3A_601 : i32 to vector<16xi32>
        %mul3A_603 = arith.muli %get3A_586, %mul3A_602 : vector<16xi32>
        %add3A_604 = arith.addi %mul3A_603, %get3A_592 : vector<16xi32>
        %swap3A_605 = arith.constant 48 : index
        %swap3A_606 = tpu.vector_load %arg10[%swap3A_605] {strides = array<i32>} : memref<64xi32, #tpu.memory_space<vmem>>, vector<16xi32>,
        %swap3A_607 = vector.shape_cast %swap3A_606 : vector<16xi32> to vector<16xi32>
        %swap3A_608 = vector.shape_cast %add3A_604 : vector<16xi32> to vector<16xi32>
        tpu.vector_store %arg10[%swap3A_605], %swap3A_608 {strides = array<i32>} : memref<64xi32, #tpu.memory_space<vmem>>, vector<16xi32>,
        %swap3A_609 = arith.constant 48 : index
        %swap3A_610 = tpu.vector_load %arg14[%swap3A_609] {strides = array<i32>} : memref<64xi32, #tpu.memory_space<vmem>>, vector<16xi32>,
        %swap3A_611 = vector.shape_cast %swap3A_610 : vector<16xi32> to vector<16xi32>
        %swap3A_612 = vector.shape_cast %get3A_592 : vector<16xi32> to vector<16xi32>
        tpu.vector_store %arg14[%swap3A_609], %swap3A_612 {strides = array<i32>} : memref<64xi32, #tpu.memory_space<vmem>>, vector<16xi32>,
        %dma_start3A_613 = arith.constant 0 : i32
        %dma_start3A_614 = arith.constant 0 : i32
        %dma_start3A_615 = tpu.memref_slice %arg3[%dma_start3A_613, %dma_start3A_614] : memref<40000x128xf32, #tpu.memory_space<hbm>> -> memref<40000x128xf32, #tpu.memory_space<hbm>>
        tpu.enqueue_indirect_dma source(%dma_start3A_615 : memref<40000x128xf32, #tpu.memory_space<hbm>>) target(%arg16 : memref<64x128xf32, #tpu.memory_space<vmem>>) offsets(%arg8 : memref<64xi32, #tpu.memory_space<vmem>>) semaphore(%arg23 : memref<!tpu.dma_semaphore, #tpu.memory_space<semaphore_mem>>)
        %dma_start3A_616 = arith.constant 0 : i32
        %dma_start3A_617 = arith.constant 0 : i32
        %dma_start3A_618 = tpu.memref_slice %arg4[%dma_start3A_616, %dma_start3A_617] : memref<40000x128xi32, #tpu.memory_space<hbm>> -> memref<40000x128xi32, #tpu.memory_space<hbm>>
        tpu.enqueue_indirect_dma source(%dma_start3A_618 : memref<40000x128xi32, #tpu.memory_space<hbm>>) target(%arg18 : memref<64x128xi32, #tpu.memory_space<vmem>>) offsets(%arg10 : memref<64xi32, #tpu.memory_space<vmem>>) semaphore(%arg25 : memref<!tpu.dma_semaphore, #tpu.memory_space<semaphore_mem>>)
      } else {
      }
      %add3A_377 = arith.constant 4 : i32
      %add3A_378 = arith.addi %add3A_353, %add3A_377 : i32
      %lt3A_379 = arith.constant 160 : i32
      %lt3A_380 = arith.cmpi slt, %add3A_378, %lt3A_379 : i32
      %convert_element_type3A_381 = arith.extui %lt3A_380 : i1 to i32
      %cond3A_382 = arith.constant 0 : i32
      %cond3A_383 = arith.cmpi ne, %convert_element_type3A_381, %cond3A_382 : i32
      scf.if %cond3A_383 {
        %add3A_488 = arith.constant 4 : i32
        %add3A_489 = arith.addi %add3A_353, %add3A_488 : i32
        %mul3A_490 = arith.constant 160 : i32
        %mul3A_491 = arith.muli %add3A, %mul3A_490 : i32
        %add3A_492 = arith.addi %mul3A_491, %add3A_489 : i32
        %mul3A_493 = arith.constant 192 : i32
        %mul3A_494 = arith.muli %add3A_492, %mul3A_493 : i32
        %dma_start3A_495 = tpu.memref_slice %arg2[%mul3A_494] : memref<983040xi32, #tpu.memory_space<hbm>> -> memref<192xi32, #tpu.memory_space<hbm>>
        %dma_start3A_496 = tpu.memref_slice %arg2[%mul3A_494] : memref<983040xi32, #tpu.memory_space<hbm>> -> memref<192xi32, #tpu.memory_space<hbm>>
        tpu.enqueue_dma source(%dma_start3A_496 : memref<192xi32, #tpu.memory_space<hbm>>) target(%arg6 : memref<192xi32, #tpu.memory_space<vmem>>) target_semaphore(%arg31 : memref<!tpu.dma_semaphore, #tpu.memory_space<semaphore_mem>>)
      } else {
      }
      %add3A_384 = arith.constant 1 : i32
      %add3A_385 = arith.addi %mul3A_351, %add3A_384 : i32
      %dma_wait3A_386 = arith.constant 0 : i32
      %dma_wait3A_387 = arith.constant 0 : i32
      %dma_wait3A_388 = tpu.memref_slice %arg3[%dma_wait3A_386, %dma_wait3A_387] : memref<40000x128xf32, #tpu.memory_space<hbm>> -> memref<40000x128xf32, #tpu.memory_space<hbm>>
      tpu.wait_indirect_dma semaphore(%arg24 : memref<!tpu.dma_semaphore, #tpu.memory_space<semaphore_mem>>) src(%dma_wait3A_388 : memref<40000x128xf32, #tpu.memory_space<hbm>>) dst(%arg17 : memref<64x128xf32, #tpu.memory_space<vmem>>)
      %dma_wait3A_389 = arith.constant 0 : i32
      %dma_wait3A_390 = arith.constant 0 : i32
      %dma_wait3A_391 = tpu.memref_slice %arg4[%dma_wait3A_389, %dma_wait3A_390] : memref<40000x128xi32, #tpu.memory_space<hbm>> -> memref<40000x128xi32, #tpu.memory_space<hbm>>
      tpu.wait_indirect_dma semaphore(%arg26 : memref<!tpu.dma_semaphore, #tpu.memory_space<semaphore_mem>>) src(%dma_wait3A_391 : memref<40000x128xi32, #tpu.memory_space<hbm>>) dst(%arg19 : memref<64x128xi32, #tpu.memory_space<vmem>>)
      %gt3A_392 = arith.constant 0 : i32
      %gt3A_393 = arith.cmpi sgt, %scan3A_349, %gt3A_392 : i32
      %convert_element_type3A_394 = arith.extui %gt3A_393 : i1 to i32
      %cond3A_395 = arith.constant 0 : i32
      %cond3A_396 = arith.cmpi ne, %convert_element_type3A_394, %cond3A_395 : i32
      scf.if %cond3A_396 {
        %dma_wait3A_488 = arith.constant 0 : i32
        %dma_wait3A_489 = arith.constant 0 : i32
        %dma_wait3A_490 = tpu.memref_slice %arg22[%dma_wait3A_488, %dma_wait3A_489] : memref<10016x128xf32, #tpu.memory_space<vmem_shared>> -> memref<10016x128xf32, #tpu.memory_space<vmem_shared>>
        tpu.wait_indirect_dma semaphore(%arg30 : memref<!tpu.dma_semaphore, #tpu.memory_space<semaphore_mem>>) src(%arg21 : memref<64x128xf32, #tpu.memory_space<vmem>>) dst(%dma_wait3A_490 : memref<10016x128xf32, #tpu.memory_space<vmem_shared>>)
      } else {
      }
      %scan3A_397 = arith.constant 0 : i32
      %scan3A_398 = arith.constant 0 : i32
      %scan3A_399 = arith.constant 64 : i32
      %scan3A_400 = arith.addi %scan3A_398, %scan3A_399 : i32
      %scan3A_401 = arith.constant 1 : i32
      scf.for %scan3A_488 = %scan3A_398 to %scan3A_400 step %scan3A_401  : i32 {
        %get3A_489 = arith.index_cast %scan3A_488 : i32 to index
        %get3A_490 = arith.constant 0 : index
        %get3A_491 = tpu.vector_load %arg19[%get3A_489, %get3A_490] {strides = array<i32>} : memref<64x128xi32, #tpu.memory_space<vmem>>, vector<1x16xi32>,
        %get3A_492 = vector.shape_cast %get3A_491 : vector<1x16xi32> to vector<16xi32>
        %get3A_493 = arith.index_cast %scan3A_488 : i32 to index
        %get3A_494 = arith.constant 64 : index
        %get3A_495 = tpu.vector_load %arg19[%get3A_493, %get3A_494] {strides = array<i32>} : memref<64x128xi32, #tpu.memory_space<vmem>>, vector<1x16xi32>,
        %get3A_496 = vector.shape_cast %get3A_495 : vector<1x16xi32> to vector<16xi32>
        %get3A_497 = arith.index_cast %scan3A_488 : i32 to index
        %get3A_498 = arith.constant 0 : index
        %get3A_499 = tpu.vector_load %arg17[%get3A_497, %get3A_498] {strides = array<i32>} : memref<64x128xf32, #tpu.memory_space<vmem>>, vector<1x16xf32>,
        %get3A_500 = vector.shape_cast %get3A_499 : vector<1x16xf32> to vector<16xf32>
        %get3A_501 = arith.index_cast %scan3A_488 : i32 to index
        %get3A_502 = arith.constant 64 : index
        %get3A_503 = tpu.vector_load %arg17[%get3A_501, %get3A_502] {strides = array<i32>} : memref<64x128xf32, #tpu.memory_space<vmem>>, vector<1x16xf32>,
        %get3A_504 = vector.shape_cast %get3A_503 : vector<1x16xf32> to vector<16xf32>
        %shift_left3A = arith.constant 16 : i32
        %shift_left3A_505 = vector.broadcast %shift_left3A : i32 to vector<16xi32>
        %shift_left3A_506 = arith.shli %get3A_492, %shift_left3A_505 : vector<16xi32>
        %bitcast_convert_type3A = tpu.bitcast %shift_left3A_506 : vector<16xi32> -> vector<16xf32>
        %and3A = arith.constant -65536 : i32
        %and3A_507 = vector.broadcast %and3A : i32 to vector<16xi32>
        %and3A_508 = arith.andi %get3A_492, %and3A_507 : vector<16xi32>
        %bitcast_convert_type3A_509 = tpu.bitcast %and3A_508 : vector<16xi32> -> vector<16xf32>
        %shift_left3A_510 = arith.constant 16 : i32
        %shift_left3A_511 = vector.broadcast %shift_left3A_510 : i32 to vector<16xi32>
        %shift_left3A_512 = arith.shli %get3A_496, %shift_left3A_511 : vector<16xi32>
        %bitcast_convert_type3A_513 = tpu.bitcast %shift_left3A_512 : vector<16xi32> -> vector<16xf32>
        %and3A_514 = arith.constant -65536 : i32
        %and3A_515 = vector.broadcast %and3A_514 : i32 to vector<16xi32>
        %and3A_516 = arith.andi %get3A_496, %and3A_515 : vector<16xi32>
        %bitcast_convert_type3A_517 = tpu.bitcast %and3A_516 : vector<16xi32> -> vector<16xf32>
        %mul3A_518 = arith.mulf %bitcast_convert_type3A, %get3A_500 : vector<16xf32>
        %add3A_519 = arith.addf %mul3A_518, %bitcast_convert_type3A_513 : vector<16xf32>
        %max3A = arith.constant 0.000000e+00 : f32
        %max3A_520 = vector.broadcast %max3A : f32 to vector<16xf32>
        %max3A_521 = arith.maximumf %add3A_519, %max3A_520 : vector<16xf32>
        %swap3A_522 = arith.index_cast %scan3A_488 : i32 to index
        %swap3A_523 = arith.constant 0 : index
        %swap3A_524 = tpu.vector_load %arg21[%swap3A_522, %swap3A_523] {strides = array<i32>} : memref<64x128xf32, #tpu.memory_space<vmem>>, vector<1x16xf32>,
        %swap3A_525 = vector.shape_cast %swap3A_524 : vector<1x16xf32> to vector<16xf32>
        %swap3A_526 = vector.shape_cast %max3A_521 : vector<16xf32> to vector<1x16xf32>
        tpu.vector_store %arg21[%swap3A_522, %swap3A_523], %swap3A_526 {strides = array<i32>} : memref<64x128xf32, #tpu.memory_space<vmem>>, vector<1x16xf32>,
        %mul3A_527 = arith.mulf %bitcast_convert_type3A_509, %get3A_504 : vector<16xf32>
        %add3A_528 = arith.addf %mul3A_527, %bitcast_convert_type3A_517 : vector<16xf32>
        %max3A_529 = arith.constant 0.000000e+00 : f32
        %max3A_530 = vector.broadcast %max3A_529 : f32 to vector<16xf32>
        %max3A_531 = arith.maximumf %add3A_528, %max3A_530 : vector<16xf32>
        %swap3A_532 = arith.index_cast %scan3A_488 : i32 to index
        %swap3A_533 = arith.constant 64 : index
        %swap3A_534 = tpu.vector_load %arg21[%swap3A_532, %swap3A_533] {strides = array<i32>} : memref<64x128xf32, #tpu.memory_space<vmem>>, vector<1x16xf32>,
        %swap3A_535 = vector.shape_cast %swap3A_534 : vector<1x16xf32> to vector<16xf32>
        %swap3A_536 = vector.shape_cast %max3A_531 : vector<16xf32> to vector<1x16xf32>
        tpu.vector_store %arg21[%swap3A_532, %swap3A_533], %swap3A_536 {strides = array<i32>} : memref<64x128xf32, #tpu.memory_space<vmem>>, vector<1x16xf32>,
        %get3A_537 = arith.index_cast %scan3A_488 : i32 to index
        %get3A_538 = arith.constant 16 : index
        %get3A_539 = tpu.vector_load %arg19[%get3A_537, %get3A_538] {strides = array<i32>} : memref<64x128xi32, #tpu.memory_space<vmem>>, vector<1x16xi32>,
        %get3A_540 = vector.shape_cast %get3A_539 : vector<1x16xi32> to vector<16xi32>
        %get3A_541 = arith.index_cast %scan3A_488 : i32 to index
        %get3A_542 = arith.constant 80 : index
        %get3A_543 = tpu.vector_load %arg19[%get3A_541, %get3A_542] {strides = array<i32>} : memref<64x128xi32, #tpu.memory_space<vmem>>, vector<1x16xi32>,
        %get3A_544 = vector.shape_cast %get3A_543 : vector<1x16xi32> to vector<16xi32>
        %get3A_545 = arith.index_cast %scan3A_488 : i32 to index
        %get3A_546 = arith.constant 16 : index
        %get3A_547 = tpu.vector_load %arg17[%get3A_545, %get3A_546] {strides = array<i32>} : memref<64x128xf32, #tpu.memory_space<vmem>>, vector<1x16xf32>,
        %get3A_548 = vector.shape_cast %get3A_547 : vector<1x16xf32> to vector<16xf32>
        %get3A_549 = arith.index_cast %scan3A_488 : i32 to index
        %get3A_550 = arith.constant 80 : index
        %get3A_551 = tpu.vector_load %arg17[%get3A_549, %get3A_550] {strides = array<i32>} : memref<64x128xf32, #tpu.memory_space<vmem>>, vector<1x16xf32>,
        %get3A_552 = vector.shape_cast %get3A_551 : vector<1x16xf32> to vector<16xf32>
        %shift_left3A_553 = arith.constant 16 : i32
        %shift_left3A_554 = vector.broadcast %shift_left3A_553 : i32 to vector<16xi32>
        %shift_left3A_555 = arith.shli %get3A_540, %shift_left3A_554 : vector<16xi32>
        %bitcast_convert_type3A_556 = tpu.bitcast %shift_left3A_555 : vector<16xi32> -> vector<16xf32>
        %and3A_557 = arith.constant -65536 : i32
        %and3A_558 = vector.broadcast %and3A_557 : i32 to vector<16xi32>
        %and3A_559 = arith.andi %get3A_540, %and3A_558 : vector<16xi32>
        %bitcast_convert_type3A_560 = tpu.bitcast %and3A_559 : vector<16xi32> -> vector<16xf32>
        %shift_left3A_561 = arith.constant 16 : i32
        %shift_left3A_562 = vector.broadcast %shift_left3A_561 : i32 to vector<16xi32>
        %shift_left3A_563 = arith.shli %get3A_544, %shift_left3A_562 : vector<16xi32>
        %bitcast_convert_type3A_564 = tpu.bitcast %shift_left3A_563 : vector<16xi32> -> vector<16xf32>
        %and3A_565 = arith.constant -65536 : i32
        %and3A_566 = vector.broadcast %and3A_565 : i32 to vector<16xi32>
        %and3A_567 = arith.andi %get3A_544, %and3A_566 : vector<16xi32>
        %bitcast_convert_type3A_568 = tpu.bitcast %and3A_567 : vector<16xi32> -> vector<16xf32>
        %mul3A_569 = arith.mulf %bitcast_convert_type3A_556, %get3A_548 : vector<16xf32>
        %add3A_570 = arith.addf %mul3A_569, %bitcast_convert_type3A_564 : vector<16xf32>
        %max3A_571 = arith.constant 0.000000e+00 : f32
        %max3A_572 = vector.broadcast %max3A_571 : f32 to vector<16xf32>
        %max3A_573 = arith.maximumf %add3A_570, %max3A_572 : vector<16xf32>
        %swap3A_574 = arith.index_cast %scan3A_488 : i32 to index
        %swap3A_575 = arith.constant 16 : index
        %swap3A_576 = tpu.vector_load %arg21[%swap3A_574, %swap3A_575] {strides = array<i32>} : memref<64x128xf32, #tpu.memory_space<vmem>>, vector<1x16xf32>,
        %swap3A_577 = vector.shape_cast %swap3A_576 : vector<1x16xf32> to vector<16xf32>
        %swap3A_578 = vector.shape_cast %max3A_573 : vector<16xf32> to vector<1x16xf32>
        tpu.vector_store %arg21[%swap3A_574, %swap3A_575], %swap3A_578 {strides = array<i32>} : memref<64x128xf32, #tpu.memory_space<vmem>>, vector<1x16xf32>,
        %mul3A_579 = arith.mulf %bitcast_convert_type3A_560, %get3A_552 : vector<16xf32>
        %add3A_580 = arith.addf %mul3A_579, %bitcast_convert_type3A_568 : vector<16xf32>
        %max3A_581 = arith.constant 0.000000e+00 : f32
        %max3A_582 = vector.broadcast %max3A_581 : f32 to vector<16xf32>
        %max3A_583 = arith.maximumf %add3A_580, %max3A_582 : vector<16xf32>
        %swap3A_584 = arith.index_cast %scan3A_488 : i32 to index
        %swap3A_585 = arith.constant 80 : index
        %swap3A_586 = tpu.vector_load %arg21[%swap3A_584, %swap3A_585] {strides = array<i32>} : memref<64x128xf32, #tpu.memory_space<vmem>>, vector<1x16xf32>,
        %swap3A_587 = vector.shape_cast %swap3A_586 : vector<1x16xf32> to vector<16xf32>
        %swap3A_588 = vector.shape_cast %max3A_583 : vector<16xf32> to vector<1x16xf32>
        tpu.vector_store %arg21[%swap3A_584, %swap3A_585], %swap3A_588 {strides = array<i32>} : memref<64x128xf32, #tpu.memory_space<vmem>>, vector<1x16xf32>,
        %get3A_589 = arith.index_cast %scan3A_488 : i32 to index
        %get3A_590 = arith.constant 32 : index
        %get3A_591 = tpu.vector_load %arg19[%get3A_589, %get3A_590] {strides = array<i32>} : memref<64x128xi32, #tpu.memory_space<vmem>>, vector<1x16xi32>,
        %get3A_592 = vector.shape_cast %get3A_591 : vector<1x16xi32> to vector<16xi32>
        %get3A_593 = arith.index_cast %scan3A_488 : i32 to index
        %get3A_594 = arith.constant 96 : index
        %get3A_595 = tpu.vector_load %arg19[%get3A_593, %get3A_594] {strides = array<i32>} : memref<64x128xi32, #tpu.memory_space<vmem>>, vector<1x16xi32>,
        %get3A_596 = vector.shape_cast %get3A_595 : vector<1x16xi32> to vector<16xi32>
        %get3A_597 = arith.index_cast %scan3A_488 : i32 to index
        %get3A_598 = arith.constant 32 : index
        %get3A_599 = tpu.vector_load %arg17[%get3A_597, %get3A_598] {strides = array<i32>} : memref<64x128xf32, #tpu.memory_space<vmem>>, vector<1x16xf32>,
        %get3A_600 = vector.shape_cast %get3A_599 : vector<1x16xf32> to vector<16xf32>
        %get3A_601 = arith.index_cast %scan3A_488 : i32 to index
        %get3A_602 = arith.constant 96 : index
        %get3A_603 = tpu.vector_load %arg17[%get3A_601, %get3A_602] {strides = array<i32>} : memref<64x128xf32, #tpu.memory_space<vmem>>, vector<1x16xf32>,
        %get3A_604 = vector.shape_cast %get3A_603 : vector<1x16xf32> to vector<16xf32>
        %shift_left3A_605 = arith.constant 16 : i32
        %shift_left3A_606 = vector.broadcast %shift_left3A_605 : i32 to vector<16xi32>
        %shift_left3A_607 = arith.shli %get3A_592, %shift_left3A_606 : vector<16xi32>
        %bitcast_convert_type3A_608 = tpu.bitcast %shift_left3A_607 : vector<16xi32> -> vector<16xf32>
        %and3A_609 = arith.constant -65536 : i32
        %and3A_610 = vector.broadcast %and3A_609 : i32 to vector<16xi32>
        %and3A_611 = arith.andi %get3A_592, %and3A_610 : vector<16xi32>
        %bitcast_convert_type3A_612 = tpu.bitcast %and3A_611 : vector<16xi32> -> vector<16xf32>
        %shift_left3A_613 = arith.constant 16 : i32
        %shift_left3A_614 = vector.broadcast %shift_left3A_613 : i32 to vector<16xi32>
        %shift_left3A_615 = arith.shli %get3A_596, %shift_left3A_614 : vector<16xi32>
        %bitcast_convert_type3A_616 = tpu.bitcast %shift_left3A_615 : vector<16xi32> -> vector<16xf32>
        %and3A_617 = arith.constant -65536 : i32
        %and3A_618 = vector.broadcast %and3A_617 : i32 to vector<16xi32>
        %and3A_619 = arith.andi %get3A_596, %and3A_618 : vector<16xi32>
        %bitcast_convert_type3A_620 = tpu.bitcast %and3A_619 : vector<16xi32> -> vector<16xf32>
        %mul3A_621 = arith.mulf %bitcast_convert_type3A_608, %get3A_600 : vector<16xf32>
        %add3A_622 = arith.addf %mul3A_621, %bitcast_convert_type3A_616 : vector<16xf32>
        %max3A_623 = arith.constant 0.000000e+00 : f32
        %max3A_624 = vector.broadcast %max3A_623 : f32 to vector<16xf32>
        %max3A_625 = arith.maximumf %add3A_622, %max3A_624 : vector<16xf32>
        %swap3A_626 = arith.index_cast %scan3A_488 : i32 to index
        %swap3A_627 = arith.constant 32 : index
        %swap3A_628 = tpu.vector_load %arg21[%swap3A_626, %swap3A_627] {strides = array<i32>} : memref<64x128xf32, #tpu.memory_space<vmem>>, vector<1x16xf32>,
        %swap3A_629 = vector.shape_cast %swap3A_628 : vector<1x16xf32> to vector<16xf32>
        %swap3A_630 = vector.shape_cast %max3A_625 : vector<16xf32> to vector<1x16xf32>
        tpu.vector_store %arg21[%swap3A_626, %swap3A_627], %swap3A_630 {strides = array<i32>} : memref<64x128xf32, #tpu.memory_space<vmem>>, vector<1x16xf32>,
        %mul3A_631 = arith.mulf %bitcast_convert_type3A_612, %get3A_604 : vector<16xf32>
        %add3A_632 = arith.addf %mul3A_631, %bitcast_convert_type3A_620 : vector<16xf32>
        %max3A_633 = arith.constant 0.000000e+00 : f32
        %max3A_634 = vector.broadcast %max3A_633 : f32 to vector<16xf32>
        %max3A_635 = arith.maximumf %add3A_632, %max3A_634 : vector<16xf32>
        %swap3A_636 = arith.index_cast %scan3A_488 : i32 to index
        %swap3A_637 = arith.constant 96 : index
        %swap3A_638 = tpu.vector_load %arg21[%swap3A_636, %swap3A_637] {strides = array<i32>} : memref<64x128xf32, #tpu.memory_space<vmem>>, vector<1x16xf32>,
        %swap3A_639 = vector.shape_cast %swap3A_638 : vector<1x16xf32> to vector<16xf32>
        %swap3A_640 = vector.shape_cast %max3A_635 : vector<16xf32> to vector<1x16xf32>
        tpu.vector_store %arg21[%swap3A_636, %swap3A_637], %swap3A_640 {strides = array<i32>} : memref<64x128xf32, #tpu.memory_space<vmem>>, vector<1x16xf32>,
        %get3A_641 = arith.index_cast %scan3A_488 : i32 to index
        %get3A_642 = arith.constant 48 : index
        %get3A_643 = tpu.vector_load %arg19[%get3A_641, %get3A_642] {strides = array<i32>} : memref<64x128xi32, #tpu.memory_space<vmem>>, vector<1x16xi32>,
        %get3A_644 = vector.shape_cast %get3A_643 : vector<1x16xi32> to vector<16xi32>
        %get3A_645 = arith.index_cast %scan3A_488 : i32 to index
        %get3A_646 = arith.constant 112 : index
        %get3A_647 = tpu.vector_load %arg19[%get3A_645, %get3A_646] {strides = array<i32>} : memref<64x128xi32, #tpu.memory_space<vmem>>, vector<1x16xi32>,
        %get3A_648 = vector.shape_cast %get3A_647 : vector<1x16xi32> to vector<16xi32>
        %get3A_649 = arith.index_cast %scan3A_488 : i32 to index
        %get3A_650 = arith.constant 48 : index
        %get3A_651 = tpu.vector_load %arg17[%get3A_649, %get3A_650] {strides = array<i32>} : memref<64x128xf32, #tpu.memory_space<vmem>>, vector<1x16xf32>,
        %get3A_652 = vector.shape_cast %get3A_651 : vector<1x16xf32> to vector<16xf32>
        %get3A_653 = arith.index_cast %scan3A_488 : i32 to index
        %get3A_654 = arith.constant 112 : index
        %get3A_655 = tpu.vector_load %arg17[%get3A_653, %get3A_654] {strides = array<i32>} : memref<64x128xf32, #tpu.memory_space<vmem>>, vector<1x16xf32>,
        %get3A_656 = vector.shape_cast %get3A_655 : vector<1x16xf32> to vector<16xf32>
        %shift_left3A_657 = arith.constant 16 : i32
        %shift_left3A_658 = vector.broadcast %shift_left3A_657 : i32 to vector<16xi32>
        %shift_left3A_659 = arith.shli %get3A_644, %shift_left3A_658 : vector<16xi32>
        %bitcast_convert_type3A_660 = tpu.bitcast %shift_left3A_659 : vector<16xi32> -> vector<16xf32>
        %and3A_661 = arith.constant -65536 : i32
        %and3A_662 = vector.broadcast %and3A_661 : i32 to vector<16xi32>
        %and3A_663 = arith.andi %get3A_644, %and3A_662 : vector<16xi32>
        %bitcast_convert_type3A_664 = tpu.bitcast %and3A_663 : vector<16xi32> -> vector<16xf32>
        %shift_left3A_665 = arith.constant 16 : i32
        %shift_left3A_666 = vector.broadcast %shift_left3A_665 : i32 to vector<16xi32>
        %shift_left3A_667 = arith.shli %get3A_648, %shift_left3A_666 : vector<16xi32>
        %bitcast_convert_type3A_668 = tpu.bitcast %shift_left3A_667 : vector<16xi32> -> vector<16xf32>
        %and3A_669 = arith.constant -65536 : i32
        %and3A_670 = vector.broadcast %and3A_669 : i32 to vector<16xi32>
        %and3A_671 = arith.andi %get3A_648, %and3A_670 : vector<16xi32>
        %bitcast_convert_type3A_672 = tpu.bitcast %and3A_671 : vector<16xi32> -> vector<16xf32>
        %mul3A_673 = arith.mulf %bitcast_convert_type3A_660, %get3A_652 : vector<16xf32>
        %add3A_674 = arith.addf %mul3A_673, %bitcast_convert_type3A_668 : vector<16xf32>
        %max3A_675 = arith.constant 0.000000e+00 : f32
        %max3A_676 = vector.broadcast %max3A_675 : f32 to vector<16xf32>
        %max3A_677 = arith.maximumf %add3A_674, %max3A_676 : vector<16xf32>
        %swap3A_678 = arith.index_cast %scan3A_488 : i32 to index
        %swap3A_679 = arith.constant 48 : index
        %swap3A_680 = tpu.vector_load %arg21[%swap3A_678, %swap3A_679] {strides = array<i32>} : memref<64x128xf32, #tpu.memory_space<vmem>>, vector<1x16xf32>,
        %swap3A_681 = vector.shape_cast %swap3A_680 : vector<1x16xf32> to vector<16xf32>
        %swap3A_682 = vector.shape_cast %max3A_677 : vector<16xf32> to vector<1x16xf32>
        tpu.vector_store %arg21[%swap3A_678, %swap3A_679], %swap3A_682 {strides = array<i32>} : memref<64x128xf32, #tpu.memory_space<vmem>>, vector<1x16xf32>,
        %mul3A_683 = arith.mulf %bitcast_convert_type3A_664, %get3A_656 : vector<16xf32>
        %add3A_684 = arith.addf %mul3A_683, %bitcast_convert_type3A_672 : vector<16xf32>
        %max3A_685 = arith.constant 0.000000e+00 : f32
        %max3A_686 = vector.broadcast %max3A_685 : f32 to vector<16xf32>
        %max3A_687 = arith.maximumf %add3A_684, %max3A_686 : vector<16xf32>
        %swap3A_688 = arith.index_cast %scan3A_488 : i32 to index
        %swap3A_689 = arith.constant 112 : index
        %swap3A_690 = tpu.vector_load %arg21[%swap3A_688, %swap3A_689] {strides = array<i32>} : memref<64x128xf32, #tpu.memory_space<vmem>>, vector<1x16xf32>,
        %swap3A_691 = vector.shape_cast %swap3A_690 : vector<1x16xf32> to vector<16xf32>
        %swap3A_692 = vector.shape_cast %max3A_687 : vector<16xf32> to vector<1x16xf32>
        tpu.vector_store %arg21[%swap3A_688, %swap3A_689], %swap3A_692 {strides = array<i32>} : memref<64x128xf32, #tpu.memory_space<vmem>>, vector<1x16xf32>,
      }
      %scan3A_402 = arith.constant 64 : i32
      %dma_start3A_403 = arith.constant 0 : i32
      %dma_start3A_404 = arith.constant 0 : i32
      %dma_start3A_405 = tpu.memref_slice %arg22[%dma_start3A_403, %dma_start3A_404] : memref<10016x128xf32, #tpu.memory_space<vmem_shared>> -> memref<10016x128xf32, #tpu.memory_space<vmem_shared>>
      tpu.enqueue_indirect_dma source(%arg21 : memref<64x128xf32, #tpu.memory_space<vmem>>) target(%dma_start3A_405 : memref<10016x128xf32, #tpu.memory_space<vmem_shared>>) offsets(%arg13 : memref<64xi32, #tpu.memory_space<vmem>>) semaphore(%arg28 : memref<!tpu.dma_semaphore, #tpu.memory_space<semaphore_mem>>) {add = true}
      %add3A_406 = arith.constant 2 : i32
      %add3A_407 = arith.addi %add3A_385, %add3A_406 : i32
      %lt3A_408 = arith.constant 160 : i32
      %lt3A_409 = arith.cmpi slt, %add3A_407, %lt3A_408 : i32
      %convert_element_type3A_410 = arith.extui %lt3A_409 : i1 to i32
      %cond3A_411 = arith.constant 0 : i32
      %cond3A_412 = arith.cmpi ne, %convert_element_type3A_410, %cond3A_411 : i32
      scf.if %cond3A_412 {
        %add3A_488 = arith.constant 2 : i32
        %add3A_489 = arith.addi %add3A_385, %add3A_488 : i32
        %mul3A_490 = arith.constant 160 : i32
        %mul3A_491 = arith.muli %add3A, %mul3A_490 : i32
        %add3A_492 = arith.addi %mul3A_491, %add3A_489 : i32
        %mul3A_493 = arith.constant 192 : i32
        %mul3A_494 = arith.muli %add3A_492, %mul3A_493 : i32
        %dma_wait3A_495 = tpu.memref_slice %arg2[%mul3A_494] : memref<983040xi32, #tpu.memory_space<hbm>> -> memref<192xi32, #tpu.memory_space<hbm>>
        %dma_wait3A_496 = tpu.memref_slice %arg2[%mul3A_494] : memref<983040xi32, #tpu.memory_space<hbm>> -> memref<192xi32, #tpu.memory_space<hbm>>
        tpu.wait_dma2 semaphore(%arg32 : memref<!tpu.dma_semaphore, #tpu.memory_space<semaphore_mem>>) src(%dma_wait3A_496 : memref<192xi32, #tpu.memory_space<hbm>>) dst(%arg7 : memref<192xi32, #tpu.memory_space<vmem>>)
        %get3A_497 = arith.constant 0 : index
        %get3A_498 = tpu.vector_load %arg7[%get3A_497] {strides = array<i32>} : memref<192xi32, #tpu.memory_space<vmem>>, vector<16xi32>,
        %get3A_499 = vector.shape_cast %get3A_498 : vector<16xi32> to vector<16xi32>
        %get3A_500 = arith.constant 64 : index
        %get3A_501 = tpu.vector_load %arg7[%get3A_500] {strides = array<i32>} : memref<192xi32, #tpu.memory_space<vmem>>, vector<16xi32>,
        %get3A_502 = vector.shape_cast %get3A_501 : vector<16xi32> to vector<16xi32>
        %get3A_503 = arith.constant 128 : index
        %get3A_504 = tpu.vector_load %arg7[%get3A_503] {strides = array<i32>} : memref<192xi32, #tpu.memory_space<vmem>>, vector<16xi32>,
        %get3A_505 = vector.shape_cast %get3A_504 : vector<16xi32> to vector<16xi32>
        %mul3A_506 = arith.constant 10000 : i32
        %mul3A_507 = vector.broadcast %mul3A_506 : i32 to vector<16xi32>
        %mul3A_508 = arith.muli %get3A_499, %mul3A_507 : vector<16xi32>
        %add3A_509 = arith.addi %mul3A_508, %get3A_502 : vector<16xi32>
        %swap3A_510 = arith.constant 0 : index
        %swap3A_511 = tpu.vector_load %arg9[%swap3A_510] {strides = array<i32>} : memref<64xi32, #tpu.memory_space<vmem>>, vector<16xi32>,
        %swap3A_512 = vector.shape_cast %swap3A_511 : vector<16xi32> to vector<16xi32>
        %swap3A_513 = vector.shape_cast %add3A_509 : vector<16xi32> to vector<16xi32>
        tpu.vector_store %arg9[%swap3A_510], %swap3A_513 {strides = array<i32>} : memref<64xi32, #tpu.memory_space<vmem>>, vector<16xi32>,
        %mul3A_514 = arith.constant 10000 : i32
        %mul3A_515 = vector.broadcast %mul3A_514 : i32 to vector<16xi32>
        %mul3A_516 = arith.muli %get3A_499, %mul3A_515 : vector<16xi32>
        %add3A_517 = arith.addi %mul3A_516, %get3A_505 : vector<16xi32>
        %swap3A_518 = arith.constant 0 : index
        %swap3A_519 = tpu.vector_load %arg11[%swap3A_518] {strides = array<i32>} : memref<64xi32, #tpu.memory_space<vmem>>, vector<16xi32>,
        %swap3A_520 = vector.shape_cast %swap3A_519 : vector<16xi32> to vector<16xi32>
        %swap3A_521 = vector.shape_cast %add3A_517 : vector<16xi32> to vector<16xi32>
        tpu.vector_store %arg11[%swap3A_518], %swap3A_521 {strides = array<i32>} : memref<64xi32, #tpu.memory_space<vmem>>, vector<16xi32>,
        %swap3A_522 = arith.constant 0 : index
        %swap3A_523 = tpu.vector_load %arg15[%swap3A_522] {strides = array<i32>} : memref<64xi32, #tpu.memory_space<vmem>>, vector<16xi32>,
        %swap3A_524 = vector.shape_cast %swap3A_523 : vector<16xi32> to vector<16xi32>
        %swap3A_525 = vector.shape_cast %get3A_505 : vector<16xi32> to vector<16xi32>
        tpu.vector_store %arg15[%swap3A_522], %swap3A_525 {strides = array<i32>} : memref<64xi32, #tpu.memory_space<vmem>>, vector<16xi32>,
        %get3A_526 = arith.constant 16 : index
        %get3A_527 = tpu.vector_load %arg7[%get3A_526] {strides = array<i32>} : memref<192xi32, #tpu.memory_space<vmem>>, vector<16xi32>,
        %get3A_528 = vector.shape_cast %get3A_527 : vector<16xi32> to vector<16xi32>
        %get3A_529 = arith.constant 80 : index
        %get3A_530 = tpu.vector_load %arg7[%get3A_529] {strides = array<i32>} : memref<192xi32, #tpu.memory_space<vmem>>, vector<16xi32>,
        %get3A_531 = vector.shape_cast %get3A_530 : vector<16xi32> to vector<16xi32>
        %get3A_532 = arith.constant 144 : index
        %get3A_533 = tpu.vector_load %arg7[%get3A_532] {strides = array<i32>} : memref<192xi32, #tpu.memory_space<vmem>>, vector<16xi32>,
        %get3A_534 = vector.shape_cast %get3A_533 : vector<16xi32> to vector<16xi32>
        %mul3A_535 = arith.constant 10000 : i32
        %mul3A_536 = vector.broadcast %mul3A_535 : i32 to vector<16xi32>
        %mul3A_537 = arith.muli %get3A_528, %mul3A_536 : vector<16xi32>
        %add3A_538 = arith.addi %mul3A_537, %get3A_531 : vector<16xi32>
        %swap3A_539 = arith.constant 16 : index
        %swap3A_540 = tpu.vector_load %arg9[%swap3A_539] {strides = array<i32>} : memref<64xi32, #tpu.memory_space<vmem>>, vector<16xi32>,
        %swap3A_541 = vector.shape_cast %swap3A_540 : vector<16xi32> to vector<16xi32>
        %swap3A_542 = vector.shape_cast %add3A_538 : vector<16xi32> to vector<16xi32>
        tpu.vector_store %arg9[%swap3A_539], %swap3A_542 {strides = array<i32>} : memref<64xi32, #tpu.memory_space<vmem>>, vector<16xi32>,
        %mul3A_543 = arith.constant 10000 : i32
        %mul3A_544 = vector.broadcast %mul3A_543 : i32 to vector<16xi32>
        %mul3A_545 = arith.muli %get3A_528, %mul3A_544 : vector<16xi32>
        %add3A_546 = arith.addi %mul3A_545, %get3A_534 : vector<16xi32>
        %swap3A_547 = arith.constant 16 : index
        %swap3A_548 = tpu.vector_load %arg11[%swap3A_547] {strides = array<i32>} : memref<64xi32, #tpu.memory_space<vmem>>, vector<16xi32>,
        %swap3A_549 = vector.shape_cast %swap3A_548 : vector<16xi32> to vector<16xi32>
        %swap3A_550 = vector.shape_cast %add3A_546 : vector<16xi32> to vector<16xi32>
        tpu.vector_store %arg11[%swap3A_547], %swap3A_550 {strides = array<i32>} : memref<64xi32, #tpu.memory_space<vmem>>, vector<16xi32>,
        %swap3A_551 = arith.constant 16 : index
        %swap3A_552 = tpu.vector_load %arg15[%swap3A_551] {strides = array<i32>} : memref<64xi32, #tpu.memory_space<vmem>>, vector<16xi32>,
        %swap3A_553 = vector.shape_cast %swap3A_552 : vector<16xi32> to vector<16xi32>
        %swap3A_554 = vector.shape_cast %get3A_534 : vector<16xi32> to vector<16xi32>
        tpu.vector_store %arg15[%swap3A_551], %swap3A_554 {strides = array<i32>} : memref<64xi32, #tpu.memory_space<vmem>>, vector<16xi32>,
        %get3A_555 = arith.constant 32 : index
        %get3A_556 = tpu.vector_load %arg7[%get3A_555] {strides = array<i32>} : memref<192xi32, #tpu.memory_space<vmem>>, vector<16xi32>,
        %get3A_557 = vector.shape_cast %get3A_556 : vector<16xi32> to vector<16xi32>
        %get3A_558 = arith.constant 96 : index
        %get3A_559 = tpu.vector_load %arg7[%get3A_558] {strides = array<i32>} : memref<192xi32, #tpu.memory_space<vmem>>, vector<16xi32>,
        %get3A_560 = vector.shape_cast %get3A_559 : vector<16xi32> to vector<16xi32>
        %get3A_561 = arith.constant 160 : index
        %get3A_562 = tpu.vector_load %arg7[%get3A_561] {strides = array<i32>} : memref<192xi32, #tpu.memory_space<vmem>>, vector<16xi32>,
        %get3A_563 = vector.shape_cast %get3A_562 : vector<16xi32> to vector<16xi32>
        %mul3A_564 = arith.constant 10000 : i32
        %mul3A_565 = vector.broadcast %mul3A_564 : i32 to vector<16xi32>
        %mul3A_566 = arith.muli %get3A_557, %mul3A_565 : vector<16xi32>
        %add3A_567 = arith.addi %mul3A_566, %get3A_560 : vector<16xi32>
        %swap3A_568 = arith.constant 32 : index
        %swap3A_569 = tpu.vector_load %arg9[%swap3A_568] {strides = array<i32>} : memref<64xi32, #tpu.memory_space<vmem>>, vector<16xi32>,
        %swap3A_570 = vector.shape_cast %swap3A_569 : vector<16xi32> to vector<16xi32>
        %swap3A_571 = vector.shape_cast %add3A_567 : vector<16xi32> to vector<16xi32>
        tpu.vector_store %arg9[%swap3A_568], %swap3A_571 {strides = array<i32>} : memref<64xi32, #tpu.memory_space<vmem>>, vector<16xi32>,
        %mul3A_572 = arith.constant 10000 : i32
        %mul3A_573 = vector.broadcast %mul3A_572 : i32 to vector<16xi32>
        %mul3A_574 = arith.muli %get3A_557, %mul3A_573 : vector<16xi32>
        %add3A_575 = arith.addi %mul3A_574, %get3A_563 : vector<16xi32>
        %swap3A_576 = arith.constant 32 : index
        %swap3A_577 = tpu.vector_load %arg11[%swap3A_576] {strides = array<i32>} : memref<64xi32, #tpu.memory_space<vmem>>, vector<16xi32>,
        %swap3A_578 = vector.shape_cast %swap3A_577 : vector<16xi32> to vector<16xi32>
        %swap3A_579 = vector.shape_cast %add3A_575 : vector<16xi32> to vector<16xi32>
        tpu.vector_store %arg11[%swap3A_576], %swap3A_579 {strides = array<i32>} : memref<64xi32, #tpu.memory_space<vmem>>, vector<16xi32>,
        %swap3A_580 = arith.constant 32 : index
        %swap3A_581 = tpu.vector_load %arg15[%swap3A_580] {strides = array<i32>} : memref<64xi32, #tpu.memory_space<vmem>>, vector<16xi32>,
        %swap3A_582 = vector.shape_cast %swap3A_581 : vector<16xi32> to vector<16xi32>
        %swap3A_583 = vector.shape_cast %get3A_563 : vector<16xi32> to vector<16xi32>
        tpu.vector_store %arg15[%swap3A_580], %swap3A_583 {strides = array<i32>} : memref<64xi32, #tpu.memory_space<vmem>>, vector<16xi32>,
        %get3A_584 = arith.constant 48 : index
        %get3A_585 = tpu.vector_load %arg7[%get3A_584] {strides = array<i32>} : memref<192xi32, #tpu.memory_space<vmem>>, vector<16xi32>,
        %get3A_586 = vector.shape_cast %get3A_585 : vector<16xi32> to vector<16xi32>
        %get3A_587 = arith.constant 112 : index
        %get3A_588 = tpu.vector_load %arg7[%get3A_587] {strides = array<i32>} : memref<192xi32, #tpu.memory_space<vmem>>, vector<16xi32>,
        %get3A_589 = vector.shape_cast %get3A_588 : vector<16xi32> to vector<16xi32>
        %get3A_590 = arith.constant 176 : index
        %get3A_591 = tpu.vector_load %arg7[%get3A_590] {strides = array<i32>} : memref<192xi32, #tpu.memory_space<vmem>>, vector<16xi32>,
        %get3A_592 = vector.shape_cast %get3A_591 : vector<16xi32> to vector<16xi32>
        %mul3A_593 = arith.constant 10000 : i32
        %mul3A_594 = vector.broadcast %mul3A_593 : i32 to vector<16xi32>
        %mul3A_595 = arith.muli %get3A_586, %mul3A_594 : vector<16xi32>
        %add3A_596 = arith.addi %mul3A_595, %get3A_589 : vector<16xi32>
        %swap3A_597 = arith.constant 48 : index
        %swap3A_598 = tpu.vector_load %arg9[%swap3A_597] {strides = array<i32>} : memref<64xi32, #tpu.memory_space<vmem>>, vector<16xi32>,
        %swap3A_599 = vector.shape_cast %swap3A_598 : vector<16xi32> to vector<16xi32>
        %swap3A_600 = vector.shape_cast %add3A_596 : vector<16xi32> to vector<16xi32>
        tpu.vector_store %arg9[%swap3A_597], %swap3A_600 {strides = array<i32>} : memref<64xi32, #tpu.memory_space<vmem>>, vector<16xi32>,
        %mul3A_601 = arith.constant 10000 : i32
        %mul3A_602 = vector.broadcast %mul3A_601 : i32 to vector<16xi32>
        %mul3A_603 = arith.muli %get3A_586, %mul3A_602 : vector<16xi32>
        %add3A_604 = arith.addi %mul3A_603, %get3A_592 : vector<16xi32>
        %swap3A_605 = arith.constant 48 : index
        %swap3A_606 = tpu.vector_load %arg11[%swap3A_605] {strides = array<i32>} : memref<64xi32, #tpu.memory_space<vmem>>, vector<16xi32>,
        %swap3A_607 = vector.shape_cast %swap3A_606 : vector<16xi32> to vector<16xi32>
        %swap3A_608 = vector.shape_cast %add3A_604 : vector<16xi32> to vector<16xi32>
        tpu.vector_store %arg11[%swap3A_605], %swap3A_608 {strides = array<i32>} : memref<64xi32, #tpu.memory_space<vmem>>, vector<16xi32>,
        %swap3A_609 = arith.constant 48 : index
        %swap3A_610 = tpu.vector_load %arg15[%swap3A_609] {strides = array<i32>} : memref<64xi32, #tpu.memory_space<vmem>>, vector<16xi32>,
        %swap3A_611 = vector.shape_cast %swap3A_610 : vector<16xi32> to vector<16xi32>
        %swap3A_612 = vector.shape_cast %get3A_592 : vector<16xi32> to vector<16xi32>
        tpu.vector_store %arg15[%swap3A_609], %swap3A_612 {strides = array<i32>} : memref<64xi32, #tpu.memory_space<vmem>>, vector<16xi32>,
        %dma_start3A_613 = arith.constant 0 : i32
        %dma_start3A_614 = arith.constant 0 : i32
        %dma_start3A_615 = tpu.memref_slice %arg3[%dma_start3A_613, %dma_start3A_614] : memref<40000x128xf32, #tpu.memory_space<hbm>> -> memref<40000x128xf32, #tpu.memory_space<hbm>>
        tpu.enqueue_indirect_dma source(%dma_start3A_615 : memref<40000x128xf32, #tpu.memory_space<hbm>>) target(%arg17 : memref<64x128xf32, #tpu.memory_space<vmem>>) offsets(%arg9 : memref<64xi32, #tpu.memory_space<vmem>>) semaphore(%arg24 : memref<!tpu.dma_semaphore, #tpu.memory_space<semaphore_mem>>)
        %dma_start3A_616 = arith.constant 0 : i32
        %dma_start3A_617 = arith.constant 0 : i32
        %dma_start3A_618 = tpu.memref_slice %arg4[%dma_start3A_616, %dma_start3A_617] : memref<40000x128xi32, #tpu.memory_space<hbm>> -> memref<40000x128xi32, #tpu.memory_space<hbm>>
        tpu.enqueue_indirect_dma source(%dma_start3A_618 : memref<40000x128xi32, #tpu.memory_space<hbm>>) target(%arg19 : memref<64x128xi32, #tpu.memory_space<vmem>>) offsets(%arg11 : memref<64xi32, #tpu.memory_space<vmem>>) semaphore(%arg26 : memref<!tpu.dma_semaphore, #tpu.memory_space<semaphore_mem>>)
      } else {
      }
      %add3A_413 = arith.constant 4 : i32
      %add3A_414 = arith.addi %add3A_385, %add3A_413 : i32
      %lt3A_415 = arith.constant 160 : i32
      %lt3A_416 = arith.cmpi slt, %add3A_414, %lt3A_415 : i32
      %convert_element_type3A_417 = arith.extui %lt3A_416 : i1 to i32
      %cond3A_418 = arith.constant 0 : i32
      %cond3A_419 = arith.cmpi ne, %convert_element_type3A_417, %cond3A_418 : i32
      scf.if %cond3A_419 {
        %add3A_488 = arith.constant 4 : i32
        %add3A_489 = arith.addi %add3A_385, %add3A_488 : i32
        %mul3A_490 = arith.constant 160 : i32
        %mul3A_491 = arith.muli %add3A, %mul3A_490 : i32
        %add3A_492 = arith.addi %mul3A_491, %add3A_489 : i32
        %mul3A_493 = arith.constant 192 : i32
        %mul3A_494 = arith.muli %add3A_492, %mul3A_493 : i32
        %dma_start3A_495 = tpu.memref_slice %arg2[%mul3A_494] : memref<983040xi32, #tpu.memory_space<hbm>> -> memref<192xi32, #tpu.memory_space<hbm>>
        %dma_start3A_496 = tpu.memref_slice %arg2[%mul3A_494] : memref<983040xi32, #tpu.memory_space<hbm>> -> memref<192xi32, #tpu.memory_space<hbm>>
        tpu.enqueue_dma source(%dma_start3A_496 : memref<192xi32, #tpu.memory_space<hbm>>) target(%arg7 : memref<192xi32, #tpu.memory_space<vmem>>) target_semaphore(%arg32 : memref<!tpu.dma_semaphore, #tpu.memory_space<semaphore_mem>>)
      } else {
      }
      %add3A_420 = arith.constant 2 : i32
      %add3A_421 = arith.addi %mul3A_351, %add3A_420 : i32
      %dma_wait3A_422 = arith.constant 0 : i32
      %dma_wait3A_423 = arith.constant 0 : i32
      %dma_wait3A_424 = tpu.memref_slice %arg3[%dma_wait3A_422, %dma_wait3A_423] : memref<40000x128xf32, #tpu.memory_space<hbm>> -> memref<40000x128xf32, #tpu.memory_space<hbm>>
      tpu.wait_indirect_dma semaphore(%arg23 : memref<!tpu.dma_semaphore, #tpu.memory_space<semaphore_mem>>) src(%dma_wait3A_424 : memref<40000x128xf32, #tpu.memory_space<hbm>>) dst(%arg16 : memref<64x128xf32, #tpu.memory_space<vmem>>)
      %dma_wait3A_425 = arith.constant 0 : i32
      %dma_wait3A_426 = arith.constant 0 : i32
      %dma_wait3A_427 = tpu.memref_slice %arg4[%dma_wait3A_425, %dma_wait3A_426] : memref<40000x128xi32, #tpu.memory_space<hbm>> -> memref<40000x128xi32, #tpu.memory_space<hbm>>
      tpu.wait_indirect_dma semaphore(%arg25 : memref<!tpu.dma_semaphore, #tpu.memory_space<semaphore_mem>>) src(%dma_wait3A_427 : memref<40000x128xi32, #tpu.memory_space<hbm>>) dst(%arg18 : memref<64x128xi32, #tpu.memory_space<vmem>>)
      %dma_wait3A_428 = arith.constant 0 : i32
      %dma_wait3A_429 = arith.constant 0 : i32
      %dma_wait3A_430 = tpu.memref_slice %arg22[%dma_wait3A_428, %dma_wait3A_429] : memref<10016x128xf32, #tpu.memory_space<vmem_shared>> -> memref<10016x128xf32, #tpu.memory_space<vmem_shared>>
      tpu.wait_indirect_dma semaphore(%arg27 : memref<!tpu.dma_semaphore, #tpu.memory_space<semaphore_mem>>) src(%arg20 : memref<64x128xf32, #tpu.memory_space<vmem>>) dst(%dma_wait3A_430 : memref<10016x128xf32, #tpu.memory_space<vmem_shared>>)
      %scan3A_431 = arith.constant 0 : i32
      %scan3A_432 = arith.constant 0 : i32
      %scan3A_433 = arith.constant 64 : i32
      %scan3A_434 = arith.addi %scan3A_432, %scan3A_433 : i32
      %scan3A_435 = arith.constant 1 : i32
      scf.for %scan3A_488 = %scan3A_432 to %scan3A_434 step %scan3A_435  : i32 {
        %get3A_489 = arith.index_cast %scan3A_488 : i32 to index
        %get3A_490 = arith.constant 0 : index
        %get3A_491 = tpu.vector_load %arg18[%get3A_489, %get3A_490] {strides = array<i32>} : memref<64x128xi32, #tpu.memory_space<vmem>>, vector<1x16xi32>,
        %get3A_492 = vector.shape_cast %get3A_491 : vector<1x16xi32> to vector<16xi32>
        %get3A_493 = arith.index_cast %scan3A_488 : i32 to index
        %get3A_494 = arith.constant 64 : index
        %get3A_495 = tpu.vector_load %arg18[%get3A_493, %get3A_494] {strides = array<i32>} : memref<64x128xi32, #tpu.memory_space<vmem>>, vector<1x16xi32>,
        %get3A_496 = vector.shape_cast %get3A_495 : vector<1x16xi32> to vector<16xi32>
        %get3A_497 = arith.index_cast %scan3A_488 : i32 to index
        %get3A_498 = arith.constant 0 : index
        %get3A_499 = tpu.vector_load %arg16[%get3A_497, %get3A_498] {strides = array<i32>} : memref<64x128xf32, #tpu.memory_space<vmem>>, vector<1x16xf32>,
        %get3A_500 = vector.shape_cast %get3A_499 : vector<1x16xf32> to vector<16xf32>
        %get3A_501 = arith.index_cast %scan3A_488 : i32 to index
        %get3A_502 = arith.constant 64 : index
        %get3A_503 = tpu.vector_load %arg16[%get3A_501, %get3A_502] {strides = array<i32>} : memref<64x128xf32, #tpu.memory_space<vmem>>, vector<1x16xf32>,
        %get3A_504 = vector.shape_cast %get3A_503 : vector<1x16xf32> to vector<16xf32>
        %shift_left3A = arith.constant 16 : i32
        %shift_left3A_505 = vector.broadcast %shift_left3A : i32 to vector<16xi32>
        %shift_left3A_506 = arith.shli %get3A_492, %shift_left3A_505 : vector<16xi32>
        %bitcast_convert_type3A = tpu.bitcast %shift_left3A_506 : vector<16xi32> -> vector<16xf32>
        %and3A = arith.constant -65536 : i32
        %and3A_507 = vector.broadcast %and3A : i32 to vector<16xi32>
        %and3A_508 = arith.andi %get3A_492, %and3A_507 : vector<16xi32>
        %bitcast_convert_type3A_509 = tpu.bitcast %and3A_508 : vector<16xi32> -> vector<16xf32>
        %shift_left3A_510 = arith.constant 16 : i32
        %shift_left3A_511 = vector.broadcast %shift_left3A_510 : i32 to vector<16xi32>
        %shift_left3A_512 = arith.shli %get3A_496, %shift_left3A_511 : vector<16xi32>
        %bitcast_convert_type3A_513 = tpu.bitcast %shift_left3A_512 : vector<16xi32> -> vector<16xf32>
        %and3A_514 = arith.constant -65536 : i32
        %and3A_515 = vector.broadcast %and3A_514 : i32 to vector<16xi32>
        %and3A_516 = arith.andi %get3A_496, %and3A_515 : vector<16xi32>
        %bitcast_convert_type3A_517 = tpu.bitcast %and3A_516 : vector<16xi32> -> vector<16xf32>
        %mul3A_518 = arith.mulf %bitcast_convert_type3A, %get3A_500 : vector<16xf32>
        %add3A_519 = arith.addf %mul3A_518, %bitcast_convert_type3A_513 : vector<16xf32>
        %max3A = arith.constant 0.000000e+00 : f32
        %max3A_520 = vector.broadcast %max3A : f32 to vector<16xf32>
        %max3A_521 = arith.maximumf %add3A_519, %max3A_520 : vector<16xf32>
        %swap3A_522 = arith.index_cast %scan3A_488 : i32 to index
        %swap3A_523 = arith.constant 0 : index
        %swap3A_524 = tpu.vector_load %arg20[%swap3A_522, %swap3A_523] {strides = array<i32>} : memref<64x128xf32, #tpu.memory_space<vmem>>, vector<1x16xf32>,
        %swap3A_525 = vector.shape_cast %swap3A_524 : vector<1x16xf32> to vector<16xf32>
        %swap3A_526 = vector.shape_cast %max3A_521 : vector<16xf32> to vector<1x16xf32>
        tpu.vector_store %arg20[%swap3A_522, %swap3A_523], %swap3A_526 {strides = array<i32>} : memref<64x128xf32, #tpu.memory_space<vmem>>, vector<1x16xf32>,
        %mul3A_527 = arith.mulf %bitcast_convert_type3A_509, %get3A_504 : vector<16xf32>
        %add3A_528 = arith.addf %mul3A_527, %bitcast_convert_type3A_517 : vector<16xf32>
        %max3A_529 = arith.constant 0.000000e+00 : f32
        %max3A_530 = vector.broadcast %max3A_529 : f32 to vector<16xf32>
        %max3A_531 = arith.maximumf %add3A_528, %max3A_530 : vector<16xf32>
        %swap3A_532 = arith.index_cast %scan3A_488 : i32 to index
        %swap3A_533 = arith.constant 64 : index
        %swap3A_534 = tpu.vector_load %arg20[%swap3A_532, %swap3A_533] {strides = array<i32>} : memref<64x128xf32, #tpu.memory_space<vmem>>, vector<1x16xf32>,
        %swap3A_535 = vector.shape_cast %swap3A_534 : vector<1x16xf32> to vector<16xf32>
        %swap3A_536 = vector.shape_cast %max3A_531 : vector<16xf32> to vector<1x16xf32>
        tpu.vector_store %arg20[%swap3A_532, %swap3A_533], %swap3A_536 {strides = array<i32>} : memref<64x128xf32, #tpu.memory_space<vmem>>, vector<1x16xf32>,
        %get3A_537 = arith.index_cast %scan3A_488 : i32 to index
        %get3A_538 = arith.constant 16 : index
        %get3A_539 = tpu.vector_load %arg18[%get3A_537, %get3A_538] {strides = array<i32>} : memref<64x128xi32, #tpu.memory_space<vmem>>, vector<1x16xi32>,
        %get3A_540 = vector.shape_cast %get3A_539 : vector<1x16xi32> to vector<16xi32>
        %get3A_541 = arith.index_cast %scan3A_488 : i32 to index
        %get3A_542 = arith.constant 80 : index
        %get3A_543 = tpu.vector_load %arg18[%get3A_541, %get3A_542] {strides = array<i32>} : memref<64x128xi32, #tpu.memory_space<vmem>>, vector<1x16xi32>,
        %get3A_544 = vector.shape_cast %get3A_543 : vector<1x16xi32> to vector<16xi32>
        %get3A_545 = arith.index_cast %scan3A_488 : i32 to index
        %get3A_546 = arith.constant 16 : index
        %get3A_547 = tpu.vector_load %arg16[%get3A_545, %get3A_546] {strides = array<i32>} : memref<64x128xf32, #tpu.memory_space<vmem>>, vector<1x16xf32>,
        %get3A_548 = vector.shape_cast %get3A_547 : vector<1x16xf32> to vector<16xf32>
        %get3A_549 = arith.index_cast %scan3A_488 : i32 to index
        %get3A_550 = arith.constant 80 : index
        %get3A_551 = tpu.vector_load %arg16[%get3A_549, %get3A_550] {strides = array<i32>} : memref<64x128xf32, #tpu.memory_space<vmem>>, vector<1x16xf32>,
        %get3A_552 = vector.shape_cast %get3A_551 : vector<1x16xf32> to vector<16xf32>
        %shift_left3A_553 = arith.constant 16 : i32
        %shift_left3A_554 = vector.broadcast %shift_left3A_553 : i32 to vector<16xi32>
        %shift_left3A_555 = arith.shli %get3A_540, %shift_left3A_554 : vector<16xi32>
        %bitcast_convert_type3A_556 = tpu.bitcast %shift_left3A_555 : vector<16xi32> -> vector<16xf32>
        %and3A_557 = arith.constant -65536 : i32
        %and3A_558 = vector.broadcast %and3A_557 : i32 to vector<16xi32>
        %and3A_559 = arith.andi %get3A_540, %and3A_558 : vector<16xi32>
        %bitcast_convert_type3A_560 = tpu.bitcast %and3A_559 : vector<16xi32> -> vector<16xf32>
        %shift_left3A_561 = arith.constant 16 : i32
        %shift_left3A_562 = vector.broadcast %shift_left3A_561 : i32 to vector<16xi32>
        %shift_left3A_563 = arith.shli %get3A_544, %shift_left3A_562 : vector<16xi32>
        %bitcast_convert_type3A_564 = tpu.bitcast %shift_left3A_563 : vector<16xi32> -> vector<16xf32>
        %and3A_565 = arith.constant -65536 : i32
        %and3A_566 = vector.broadcast %and3A_565 : i32 to vector<16xi32>
        %and3A_567 = arith.andi %get3A_544, %and3A_566 : vector<16xi32>
        %bitcast_convert_type3A_568 = tpu.bitcast %and3A_567 : vector<16xi32> -> vector<16xf32>
        %mul3A_569 = arith.mulf %bitcast_convert_type3A_556, %get3A_548 : vector<16xf32>
        %add3A_570 = arith.addf %mul3A_569, %bitcast_convert_type3A_564 : vector<16xf32>
        %max3A_571 = arith.constant 0.000000e+00 : f32
        %max3A_572 = vector.broadcast %max3A_571 : f32 to vector<16xf32>
        %max3A_573 = arith.maximumf %add3A_570, %max3A_572 : vector<16xf32>
        %swap3A_574 = arith.index_cast %scan3A_488 : i32 to index
        %swap3A_575 = arith.constant 16 : index
        %swap3A_576 = tpu.vector_load %arg20[%swap3A_574, %swap3A_575] {strides = array<i32>} : memref<64x128xf32, #tpu.memory_space<vmem>>, vector<1x16xf32>,
        %swap3A_577 = vector.shape_cast %swap3A_576 : vector<1x16xf32> to vector<16xf32>
        %swap3A_578 = vector.shape_cast %max3A_573 : vector<16xf32> to vector<1x16xf32>
        tpu.vector_store %arg20[%swap3A_574, %swap3A_575], %swap3A_578 {strides = array<i32>} : memref<64x128xf32, #tpu.memory_space<vmem>>, vector<1x16xf32>,
        %mul3A_579 = arith.mulf %bitcast_convert_type3A_560, %get3A_552 : vector<16xf32>
        %add3A_580 = arith.addf %mul3A_579, %bitcast_convert_type3A_568 : vector<16xf32>
        %max3A_581 = arith.constant 0.000000e+00 : f32
        %max3A_582 = vector.broadcast %max3A_581 : f32 to vector<16xf32>
        %max3A_583 = arith.maximumf %add3A_580, %max3A_582 : vector<16xf32>
        %swap3A_584 = arith.index_cast %scan3A_488 : i32 to index
        %swap3A_585 = arith.constant 80 : index
        %swap3A_586 = tpu.vector_load %arg20[%swap3A_584, %swap3A_585] {strides = array<i32>} : memref<64x128xf32, #tpu.memory_space<vmem>>, vector<1x16xf32>,
        %swap3A_587 = vector.shape_cast %swap3A_586 : vector<1x16xf32> to vector<16xf32>
        %swap3A_588 = vector.shape_cast %max3A_583 : vector<16xf32> to vector<1x16xf32>
        tpu.vector_store %arg20[%swap3A_584, %swap3A_585], %swap3A_588 {strides = array<i32>} : memref<64x128xf32, #tpu.memory_space<vmem>>, vector<1x16xf32>,
        %get3A_589 = arith.index_cast %scan3A_488 : i32 to index
        %get3A_590 = arith.constant 32 : index
        %get3A_591 = tpu.vector_load %arg18[%get3A_589, %get3A_590] {strides = array<i32>} : memref<64x128xi32, #tpu.memory_space<vmem>>, vector<1x16xi32>,
        %get3A_592 = vector.shape_cast %get3A_591 : vector<1x16xi32> to vector<16xi32>
        %get3A_593 = arith.index_cast %scan3A_488 : i32 to index
        %get3A_594 = arith.constant 96 : index
        %get3A_595 = tpu.vector_load %arg18[%get3A_593, %get3A_594] {strides = array<i32>} : memref<64x128xi32, #tpu.memory_space<vmem>>, vector<1x16xi32>,
        %get3A_596 = vector.shape_cast %get3A_595 : vector<1x16xi32> to vector<16xi32>
        %get3A_597 = arith.index_cast %scan3A_488 : i32 to index
        %get3A_598 = arith.constant 32 : index
        %get3A_599 = tpu.vector_load %arg16[%get3A_597, %get3A_598] {strides = array<i32>} : memref<64x128xf32, #tpu.memory_space<vmem>>, vector<1x16xf32>,
        %get3A_600 = vector.shape_cast %get3A_599 : vector<1x16xf32> to vector<16xf32>
        %get3A_601 = arith.index_cast %scan3A_488 : i32 to index
        %get3A_602 = arith.constant 96 : index
        %get3A_603 = tpu.vector_load %arg16[%get3A_601, %get3A_602] {strides = array<i32>} : memref<64x128xf32, #tpu.memory_space<vmem>>, vector<1x16xf32>,
        %get3A_604 = vector.shape_cast %get3A_603 : vector<1x16xf32> to vector<16xf32>
        %shift_left3A_605 = arith.constant 16 : i32
        %shift_left3A_606 = vector.broadcast %shift_left3A_605 : i32 to vector<16xi32>
        %shift_left3A_607 = arith.shli %get3A_592, %shift_left3A_606 : vector<16xi32>
        %bitcast_convert_type3A_608 = tpu.bitcast %shift_left3A_607 : vector<16xi32> -> vector<16xf32>
        %and3A_609 = arith.constant -65536 : i32
        %and3A_610 = vector.broadcast %and3A_609 : i32 to vector<16xi32>
        %and3A_611 = arith.andi %get3A_592, %and3A_610 : vector<16xi32>
        %bitcast_convert_type3A_612 = tpu.bitcast %and3A_611 : vector<16xi32> -> vector<16xf32>
        %shift_left3A_613 = arith.constant 16 : i32
        %shift_left3A_614 = vector.broadcast %shift_left3A_613 : i32 to vector<16xi32>
        %shift_left3A_615 = arith.shli %get3A_596, %shift_left3A_614 : vector<16xi32>
        %bitcast_convert_type3A_616 = tpu.bitcast %shift_left3A_615 : vector<16xi32> -> vector<16xf32>
        %and3A_617 = arith.constant -65536 : i32
        %and3A_618 = vector.broadcast %and3A_617 : i32 to vector<16xi32>
        %and3A_619 = arith.andi %get3A_596, %and3A_618 : vector<16xi32>
        %bitcast_convert_type3A_620 = tpu.bitcast %and3A_619 : vector<16xi32> -> vector<16xf32>
        %mul3A_621 = arith.mulf %bitcast_convert_type3A_608, %get3A_600 : vector<16xf32>
        %add3A_622 = arith.addf %mul3A_621, %bitcast_convert_type3A_616 : vector<16xf32>
        %max3A_623 = arith.constant 0.000000e+00 : f32
        %max3A_624 = vector.broadcast %max3A_623 : f32 to vector<16xf32>
        %max3A_625 = arith.maximumf %add3A_622, %max3A_624 : vector<16xf32>
        %swap3A_626 = arith.index_cast %scan3A_488 : i32 to index
        %swap3A_627 = arith.constant 32 : index
        %swap3A_628 = tpu.vector_load %arg20[%swap3A_626, %swap3A_627] {strides = array<i32>} : memref<64x128xf32, #tpu.memory_space<vmem>>, vector<1x16xf32>,
        %swap3A_629 = vector.shape_cast %swap3A_628 : vector<1x16xf32> to vector<16xf32>
        %swap3A_630 = vector.shape_cast %max3A_625 : vector<16xf32> to vector<1x16xf32>
        tpu.vector_store %arg20[%swap3A_626, %swap3A_627], %swap3A_630 {strides = array<i32>} : memref<64x128xf32, #tpu.memory_space<vmem>>, vector<1x16xf32>,
        %mul3A_631 = arith.mulf %bitcast_convert_type3A_612, %get3A_604 : vector<16xf32>
        %add3A_632 = arith.addf %mul3A_631, %bitcast_convert_type3A_620 : vector<16xf32>
        %max3A_633 = arith.constant 0.000000e+00 : f32
        %max3A_634 = vector.broadcast %max3A_633 : f32 to vector<16xf32>
        %max3A_635 = arith.maximumf %add3A_632, %max3A_634 : vector<16xf32>
        %swap3A_636 = arith.index_cast %scan3A_488 : i32 to index
        %swap3A_637 = arith.constant 96 : index
        %swap3A_638 = tpu.vector_load %arg20[%swap3A_636, %swap3A_637] {strides = array<i32>} : memref<64x128xf32, #tpu.memory_space<vmem>>, vector<1x16xf32>,
        %swap3A_639 = vector.shape_cast %swap3A_638 : vector<1x16xf32> to vector<16xf32>
        %swap3A_640 = vector.shape_cast %max3A_635 : vector<16xf32> to vector<1x16xf32>
        tpu.vector_store %arg20[%swap3A_636, %swap3A_637], %swap3A_640 {strides = array<i32>} : memref<64x128xf32, #tpu.memory_space<vmem>>, vector<1x16xf32>,
        %get3A_641 = arith.index_cast %scan3A_488 : i32 to index
        %get3A_642 = arith.constant 48 : index
        %get3A_643 = tpu.vector_load %arg18[%get3A_641, %get3A_642] {strides = array<i32>} : memref<64x128xi32, #tpu.memory_space<vmem>>, vector<1x16xi32>,
        %get3A_644 = vector.shape_cast %get3A_643 : vector<1x16xi32> to vector<16xi32>
        %get3A_645 = arith.index_cast %scan3A_488 : i32 to index
        %get3A_646 = arith.constant 112 : index
        %get3A_647 = tpu.vector_load %arg18[%get3A_645, %get3A_646] {strides = array<i32>} : memref<64x128xi32, #tpu.memory_space<vmem>>, vector<1x16xi32>,
        %get3A_648 = vector.shape_cast %get3A_647 : vector<1x16xi32> to vector<16xi32>
        %get3A_649 = arith.index_cast %scan3A_488 : i32 to index
        %get3A_650 = arith.constant 48 : index
        %get3A_651 = tpu.vector_load %arg16[%get3A_649, %get3A_650] {strides = array<i32>} : memref<64x128xf32, #tpu.memory_space<vmem>>, vector<1x16xf32>,
        %get3A_652 = vector.shape_cast %get3A_651 : vector<1x16xf32> to vector<16xf32>
        %get3A_653 = arith.index_cast %scan3A_488 : i32 to index
        %get3A_654 = arith.constant 112 : index
        %get3A_655 = tpu.vector_load %arg16[%get3A_653, %get3A_654] {strides = array<i32>} : memref<64x128xf32, #tpu.memory_space<vmem>>, vector<1x16xf32>,
        %get3A_656 = vector.shape_cast %get3A_655 : vector<1x16xf32> to vector<16xf32>
        %shift_left3A_657 = arith.constant 16 : i32
        %shift_left3A_658 = vector.broadcast %shift_left3A_657 : i32 to vector<16xi32>
        %shift_left3A_659 = arith.shli %get3A_644, %shift_left3A_658 : vector<16xi32>
        %bitcast_convert_type3A_660 = tpu.bitcast %shift_left3A_659 : vector<16xi32> -> vector<16xf32>
        %and3A_661 = arith.constant -65536 : i32
        %and3A_662 = vector.broadcast %and3A_661 : i32 to vector<16xi32>
        %and3A_663 = arith.andi %get3A_644, %and3A_662 : vector<16xi32>
        %bitcast_convert_type3A_664 = tpu.bitcast %and3A_663 : vector<16xi32> -> vector<16xf32>
        %shift_left3A_665 = arith.constant 16 : i32
        %shift_left3A_666 = vector.broadcast %shift_left3A_665 : i32 to vector<16xi32>
        %shift_left3A_667 = arith.shli %get3A_648, %shift_left3A_666 : vector<16xi32>
        %bitcast_convert_type3A_668 = tpu.bitcast %shift_left3A_667 : vector<16xi32> -> vector<16xf32>
        %and3A_669 = arith.constant -65536 : i32
        %and3A_670 = vector.broadcast %and3A_669 : i32 to vector<16xi32>
        %and3A_671 = arith.andi %get3A_648, %and3A_670 : vector<16xi32>
        %bitcast_convert_type3A_672 = tpu.bitcast %and3A_671 : vector<16xi32> -> vector<16xf32>
        %mul3A_673 = arith.mulf %bitcast_convert_type3A_660, %get3A_652 : vector<16xf32>
        %add3A_674 = arith.addf %mul3A_673, %bitcast_convert_type3A_668 : vector<16xf32>
        %max3A_675 = arith.constant 0.000000e+00 : f32
        %max3A_676 = vector.broadcast %max3A_675 : f32 to vector<16xf32>
        %max3A_677 = arith.maximumf %add3A_674, %max3A_676 : vector<16xf32>
        %swap3A_678 = arith.index_cast %scan3A_488 : i32 to index
        %swap3A_679 = arith.constant 48 : index
        %swap3A_680 = tpu.vector_load %arg20[%swap3A_678, %swap3A_679] {strides = array<i32>} : memref<64x128xf32, #tpu.memory_space<vmem>>, vector<1x16xf32>,
        %swap3A_681 = vector.shape_cast %swap3A_680 : vector<1x16xf32> to vector<16xf32>
        %swap3A_682 = vector.shape_cast %max3A_677 : vector<16xf32> to vector<1x16xf32>
        tpu.vector_store %arg20[%swap3A_678, %swap3A_679], %swap3A_682 {strides = array<i32>} : memref<64x128xf32, #tpu.memory_space<vmem>>, vector<1x16xf32>,
        %mul3A_683 = arith.mulf %bitcast_convert_type3A_664, %get3A_656 : vector<16xf32>
        %add3A_684 = arith.addf %mul3A_683, %bitcast_convert_type3A_672 : vector<16xf32>
        %max3A_685 = arith.constant 0.000000e+00 : f32
        %max3A_686 = vector.broadcast %max3A_685 : f32 to vector<16xf32>
        %max3A_687 = arith.maximumf %add3A_684, %max3A_686 : vector<16xf32>
        %swap3A_688 = arith.index_cast %scan3A_488 : i32 to index
        %swap3A_689 = arith.constant 112 : index
        %swap3A_690 = tpu.vector_load %arg20[%swap3A_688, %swap3A_689] {strides = array<i32>} : memref<64x128xf32, #tpu.memory_space<vmem>>, vector<1x16xf32>,
        %swap3A_691 = vector.shape_cast %swap3A_690 : vector<1x16xf32> to vector<16xf32>
        %swap3A_692 = vector.shape_cast %max3A_687 : vector<16xf32> to vector<1x16xf32>
        tpu.vector_store %arg20[%swap3A_688, %swap3A_689], %swap3A_692 {strides = array<i32>} : memref<64x128xf32, #tpu.memory_space<vmem>>, vector<1x16xf32>,
      }
      %scan3A_436 = arith.constant 64 : i32
      %dma_start3A_437 = arith.constant 0 : i32
      %dma_start3A_438 = arith.constant 0 : i32
      %dma_start3A_439 = tpu.memref_slice %arg22[%dma_start3A_437, %dma_start3A_438] : memref<10016x128xf32, #tpu.memory_space<vmem_shared>> -> memref<10016x128xf32, #tpu.memory_space<vmem_shared>>
      tpu.enqueue_indirect_dma source(%arg20 : memref<64x128xf32, #tpu.memory_space<vmem>>) target(%dma_start3A_439 : memref<10016x128xf32, #tpu.memory_space<vmem_shared>>) offsets(%arg14 : memref<64xi32, #tpu.memory_space<vmem>>) semaphore(%arg29 : memref<!tpu.dma_semaphore, #tpu.memory_space<semaphore_mem>>) {add = true}
      %add3A_440 = arith.constant 2 : i32
      %add3A_441 = arith.addi %add3A_421, %add3A_440 : i32
      %lt3A_442 = arith.constant 160 : i32
      %lt3A_443 = arith.cmpi slt, %add3A_441, %lt3A_442 : i32
      %convert_element_type3A_444 = arith.extui %lt3A_443 : i1 to i32
      %cond3A_445 = arith.constant 0 : i32
      %cond3A_446 = arith.cmpi ne, %convert_element_type3A_444, %cond3A_445 : i32
      scf.if %cond3A_446 {
        %add3A_488 = arith.constant 2 : i32
        %add3A_489 = arith.addi %add3A_421, %add3A_488 : i32
        %mul3A_490 = arith.constant 160 : i32
        %mul3A_491 = arith.muli %add3A, %mul3A_490 : i32
        %add3A_492 = arith.addi %mul3A_491, %add3A_489 : i32
        %mul3A_493 = arith.constant 192 : i32
        %mul3A_494 = arith.muli %add3A_492, %mul3A_493 : i32
        %dma_wait3A_495 = tpu.memref_slice %arg2[%mul3A_494] : memref<983040xi32, #tpu.memory_space<hbm>> -> memref<192xi32, #tpu.memory_space<hbm>>
        %dma_wait3A_496 = tpu.memref_slice %arg2[%mul3A_494] : memref<983040xi32, #tpu.memory_space<hbm>> -> memref<192xi32, #tpu.memory_space<hbm>>
        tpu.wait_dma2 semaphore(%arg31 : memref<!tpu.dma_semaphore, #tpu.memory_space<semaphore_mem>>) src(%dma_wait3A_496 : memref<192xi32, #tpu.memory_space<hbm>>) dst(%arg6 : memref<192xi32, #tpu.memory_space<vmem>>)
        %get3A_497 = arith.constant 0 : index
        %get3A_498 = tpu.vector_load %arg6[%get3A_497] {strides = array<i32>} : memref<192xi32, #tpu.memory_space<vmem>>, vector<16xi32>,
        %get3A_499 = vector.shape_cast %get3A_498 : vector<16xi32> to vector<16xi32>
        %get3A_500 = arith.constant 64 : index
        %get3A_501 = tpu.vector_load %arg6[%get3A_500] {strides = array<i32>} : memref<192xi32, #tpu.memory_space<vmem>>, vector<16xi32>,
        %get3A_502 = vector.shape_cast %get3A_501 : vector<16xi32> to vector<16xi32>
        %get3A_503 = arith.constant 128 : index
        %get3A_504 = tpu.vector_load %arg6[%get3A_503] {strides = array<i32>} : memref<192xi32, #tpu.memory_space<vmem>>, vector<16xi32>,
        %get3A_505 = vector.shape_cast %get3A_504 : vector<16xi32> to vector<16xi32>
        %mul3A_506 = arith.constant 10000 : i32
        %mul3A_507 = vector.broadcast %mul3A_506 : i32 to vector<16xi32>
        %mul3A_508 = arith.muli %get3A_499, %mul3A_507 : vector<16xi32>
        %add3A_509 = arith.addi %mul3A_508, %get3A_502 : vector<16xi32>
        %swap3A_510 = arith.constant 0 : index
        %swap3A_511 = tpu.vector_load %arg8[%swap3A_510] {strides = array<i32>} : memref<64xi32, #tpu.memory_space<vmem>>, vector<16xi32>,
        %swap3A_512 = vector.shape_cast %swap3A_511 : vector<16xi32> to vector<16xi32>
        %swap3A_513 = vector.shape_cast %add3A_509 : vector<16xi32> to vector<16xi32>
        tpu.vector_store %arg8[%swap3A_510], %swap3A_513 {strides = array<i32>} : memref<64xi32, #tpu.memory_space<vmem>>, vector<16xi32>,
        %mul3A_514 = arith.constant 10000 : i32
        %mul3A_515 = vector.broadcast %mul3A_514 : i32 to vector<16xi32>
        %mul3A_516 = arith.muli %get3A_499, %mul3A_515 : vector<16xi32>
        %add3A_517 = arith.addi %mul3A_516, %get3A_505 : vector<16xi32>
        %swap3A_518 = arith.constant 0 : index
        %swap3A_519 = tpu.vector_load %arg10[%swap3A_518] {strides = array<i32>} : memref<64xi32, #tpu.memory_space<vmem>>, vector<16xi32>,
        %swap3A_520 = vector.shape_cast %swap3A_519 : vector<16xi32> to vector<16xi32>
        %swap3A_521 = vector.shape_cast %add3A_517 : vector<16xi32> to vector<16xi32>
        tpu.vector_store %arg10[%swap3A_518], %swap3A_521 {strides = array<i32>} : memref<64xi32, #tpu.memory_space<vmem>>, vector<16xi32>,
        %swap3A_522 = arith.constant 0 : index
        %swap3A_523 = tpu.vector_load %arg12[%swap3A_522] {strides = array<i32>} : memref<64xi32, #tpu.memory_space<vmem>>, vector<16xi32>,
        %swap3A_524 = vector.shape_cast %swap3A_523 : vector<16xi32> to vector<16xi32>
        %swap3A_525 = vector.shape_cast %get3A_505 : vector<16xi32> to vector<16xi32>
        tpu.vector_store %arg12[%swap3A_522], %swap3A_525 {strides = array<i32>} : memref<64xi32, #tpu.memory_space<vmem>>, vector<16xi32>,
        %get3A_526 = arith.constant 16 : index
        %get3A_527 = tpu.vector_load %arg6[%get3A_526] {strides = array<i32>} : memref<192xi32, #tpu.memory_space<vmem>>, vector<16xi32>,
        %get3A_528 = vector.shape_cast %get3A_527 : vector<16xi32> to vector<16xi32>
        %get3A_529 = arith.constant 80 : index
        %get3A_530 = tpu.vector_load %arg6[%get3A_529] {strides = array<i32>} : memref<192xi32, #tpu.memory_space<vmem>>, vector<16xi32>,
        %get3A_531 = vector.shape_cast %get3A_530 : vector<16xi32> to vector<16xi32>
        %get3A_532 = arith.constant 144 : index
        %get3A_533 = tpu.vector_load %arg6[%get3A_532] {strides = array<i32>} : memref<192xi32, #tpu.memory_space<vmem>>, vector<16xi32>,
        %get3A_534 = vector.shape_cast %get3A_533 : vector<16xi32> to vector<16xi32>
        %mul3A_535 = arith.constant 10000 : i32
        %mul3A_536 = vector.broadcast %mul3A_535 : i32 to vector<16xi32>
        %mul3A_537 = arith.muli %get3A_528, %mul3A_536 : vector<16xi32>
        %add3A_538 = arith.addi %mul3A_537, %get3A_531 : vector<16xi32>
        %swap3A_539 = arith.constant 16 : index
        %swap3A_540 = tpu.vector_load %arg8[%swap3A_539] {strides = array<i32>} : memref<64xi32, #tpu.memory_space<vmem>>, vector<16xi32>,
        %swap3A_541 = vector.shape_cast %swap3A_540 : vector<16xi32> to vector<16xi32>
        %swap3A_542 = vector.shape_cast %add3A_538 : vector<16xi32> to vector<16xi32>
        tpu.vector_store %arg8[%swap3A_539], %swap3A_542 {strides = array<i32>} : memref<64xi32, #tpu.memory_space<vmem>>, vector<16xi32>,
        %mul3A_543 = arith.constant 10000 : i32
        %mul3A_544 = vector.broadcast %mul3A_543 : i32 to vector<16xi32>
        %mul3A_545 = arith.muli %get3A_528, %mul3A_544 : vector<16xi32>
        %add3A_546 = arith.addi %mul3A_545, %get3A_534 : vector<16xi32>
        %swap3A_547 = arith.constant 16 : index
        %swap3A_548 = tpu.vector_load %arg10[%swap3A_547] {strides = array<i32>} : memref<64xi32, #tpu.memory_space<vmem>>, vector<16xi32>,
        %swap3A_549 = vector.shape_cast %swap3A_548 : vector<16xi32> to vector<16xi32>
        %swap3A_550 = vector.shape_cast %add3A_546 : vector<16xi32> to vector<16xi32>
        tpu.vector_store %arg10[%swap3A_547], %swap3A_550 {strides = array<i32>} : memref<64xi32, #tpu.memory_space<vmem>>, vector<16xi32>,
        %swap3A_551 = arith.constant 16 : index
        %swap3A_552 = tpu.vector_load %arg12[%swap3A_551] {strides = array<i32>} : memref<64xi32, #tpu.memory_space<vmem>>, vector<16xi32>,
        %swap3A_553 = vector.shape_cast %swap3A_552 : vector<16xi32> to vector<16xi32>
        %swap3A_554 = vector.shape_cast %get3A_534 : vector<16xi32> to vector<16xi32>
        tpu.vector_store %arg12[%swap3A_551], %swap3A_554 {strides = array<i32>} : memref<64xi32, #tpu.memory_space<vmem>>, vector<16xi32>,
        %get3A_555 = arith.constant 32 : index
        %get3A_556 = tpu.vector_load %arg6[%get3A_555] {strides = array<i32>} : memref<192xi32, #tpu.memory_space<vmem>>, vector<16xi32>,
        %get3A_557 = vector.shape_cast %get3A_556 : vector<16xi32> to vector<16xi32>
        %get3A_558 = arith.constant 96 : index
        %get3A_559 = tpu.vector_load %arg6[%get3A_558] {strides = array<i32>} : memref<192xi32, #tpu.memory_space<vmem>>, vector<16xi32>,
        %get3A_560 = vector.shape_cast %get3A_559 : vector<16xi32> to vector<16xi32>
        %get3A_561 = arith.constant 160 : index
        %get3A_562 = tpu.vector_load %arg6[%get3A_561] {strides = array<i32>} : memref<192xi32, #tpu.memory_space<vmem>>, vector<16xi32>,
        %get3A_563 = vector.shape_cast %get3A_562 : vector<16xi32> to vector<16xi32>
        %mul3A_564 = arith.constant 10000 : i32
        %mul3A_565 = vector.broadcast %mul3A_564 : i32 to vector<16xi32>
        %mul3A_566 = arith.muli %get3A_557, %mul3A_565 : vector<16xi32>
        %add3A_567 = arith.addi %mul3A_566, %get3A_560 : vector<16xi32>
        %swap3A_568 = arith.constant 32 : index
        %swap3A_569 = tpu.vector_load %arg8[%swap3A_568] {strides = array<i32>} : memref<64xi32, #tpu.memory_space<vmem>>, vector<16xi32>,
        %swap3A_570 = vector.shape_cast %swap3A_569 : vector<16xi32> to vector<16xi32>
        %swap3A_571 = vector.shape_cast %add3A_567 : vector<16xi32> to vector<16xi32>
        tpu.vector_store %arg8[%swap3A_568], %swap3A_571 {strides = array<i32>} : memref<64xi32, #tpu.memory_space<vmem>>, vector<16xi32>,
        %mul3A_572 = arith.constant 10000 : i32
        %mul3A_573 = vector.broadcast %mul3A_572 : i32 to vector<16xi32>
        %mul3A_574 = arith.muli %get3A_557, %mul3A_573 : vector<16xi32>
        %add3A_575 = arith.addi %mul3A_574, %get3A_563 : vector<16xi32>
        %swap3A_576 = arith.constant 32 : index
        %swap3A_577 = tpu.vector_load %arg10[%swap3A_576] {strides = array<i32>} : memref<64xi32, #tpu.memory_space<vmem>>, vector<16xi32>,
        %swap3A_578 = vector.shape_cast %swap3A_577 : vector<16xi32> to vector<16xi32>
        %swap3A_579 = vector.shape_cast %add3A_575 : vector<16xi32> to vector<16xi32>
        tpu.vector_store %arg10[%swap3A_576], %swap3A_579 {strides = array<i32>} : memref<64xi32, #tpu.memory_space<vmem>>, vector<16xi32>,
        %swap3A_580 = arith.constant 32 : index
        %swap3A_581 = tpu.vector_load %arg12[%swap3A_580] {strides = array<i32>} : memref<64xi32, #tpu.memory_space<vmem>>, vector<16xi32>,
        %swap3A_582 = vector.shape_cast %swap3A_581 : vector<16xi32> to vector<16xi32>
        %swap3A_583 = vector.shape_cast %get3A_563 : vector<16xi32> to vector<16xi32>
        tpu.vector_store %arg12[%swap3A_580], %swap3A_583 {strides = array<i32>} : memref<64xi32, #tpu.memory_space<vmem>>, vector<16xi32>,
        %get3A_584 = arith.constant 48 : index
        %get3A_585 = tpu.vector_load %arg6[%get3A_584] {strides = array<i32>} : memref<192xi32, #tpu.memory_space<vmem>>, vector<16xi32>,
        %get3A_586 = vector.shape_cast %get3A_585 : vector<16xi32> to vector<16xi32>
        %get3A_587 = arith.constant 112 : index
        %get3A_588 = tpu.vector_load %arg6[%get3A_587] {strides = array<i32>} : memref<192xi32, #tpu.memory_space<vmem>>, vector<16xi32>,
        %get3A_589 = vector.shape_cast %get3A_588 : vector<16xi32> to vector<16xi32>
        %get3A_590 = arith.constant 176 : index
        %get3A_591 = tpu.vector_load %arg6[%get3A_590] {strides = array<i32>} : memref<192xi32, #tpu.memory_space<vmem>>, vector<16xi32>,
        %get3A_592 = vector.shape_cast %get3A_591 : vector<16xi32> to vector<16xi32>
        %mul3A_593 = arith.constant 10000 : i32
        %mul3A_594 = vector.broadcast %mul3A_593 : i32 to vector<16xi32>
        %mul3A_595 = arith.muli %get3A_586, %mul3A_594 : vector<16xi32>
        %add3A_596 = arith.addi %mul3A_595, %get3A_589 : vector<16xi32>
        %swap3A_597 = arith.constant 48 : index
        %swap3A_598 = tpu.vector_load %arg8[%swap3A_597] {strides = array<i32>} : memref<64xi32, #tpu.memory_space<vmem>>, vector<16xi32>,
        %swap3A_599 = vector.shape_cast %swap3A_598 : vector<16xi32> to vector<16xi32>
        %swap3A_600 = vector.shape_cast %add3A_596 : vector<16xi32> to vector<16xi32>
        tpu.vector_store %arg8[%swap3A_597], %swap3A_600 {strides = array<i32>} : memref<64xi32, #tpu.memory_space<vmem>>, vector<16xi32>,
        %mul3A_601 = arith.constant 10000 : i32
        %mul3A_602 = vector.broadcast %mul3A_601 : i32 to vector<16xi32>
        %mul3A_603 = arith.muli %get3A_586, %mul3A_602 : vector<16xi32>
        %add3A_604 = arith.addi %mul3A_603, %get3A_592 : vector<16xi32>
        %swap3A_605 = arith.constant 48 : index
        %swap3A_606 = tpu.vector_load %arg10[%swap3A_605] {strides = array<i32>} : memref<64xi32, #tpu.memory_space<vmem>>, vector<16xi32>,
        %swap3A_607 = vector.shape_cast %swap3A_606 : vector<16xi32> to vector<16xi32>
        %swap3A_608 = vector.shape_cast %add3A_604 : vector<16xi32> to vector<16xi32>
        tpu.vector_store %arg10[%swap3A_605], %swap3A_608 {strides = array<i32>} : memref<64xi32, #tpu.memory_space<vmem>>, vector<16xi32>,
        %swap3A_609 = arith.constant 48 : index
        %swap3A_610 = tpu.vector_load %arg12[%swap3A_609] {strides = array<i32>} : memref<64xi32, #tpu.memory_space<vmem>>, vector<16xi32>,
        %swap3A_611 = vector.shape_cast %swap3A_610 : vector<16xi32> to vector<16xi32>
        %swap3A_612 = vector.shape_cast %get3A_592 : vector<16xi32> to vector<16xi32>
        tpu.vector_store %arg12[%swap3A_609], %swap3A_612 {strides = array<i32>} : memref<64xi32, #tpu.memory_space<vmem>>, vector<16xi32>,
        %dma_start3A_613 = arith.constant 0 : i32
        %dma_start3A_614 = arith.constant 0 : i32
        %dma_start3A_615 = tpu.memref_slice %arg3[%dma_start3A_613, %dma_start3A_614] : memref<40000x128xf32, #tpu.memory_space<hbm>> -> memref<40000x128xf32, #tpu.memory_space<hbm>>
        tpu.enqueue_indirect_dma source(%dma_start3A_615 : memref<40000x128xf32, #tpu.memory_space<hbm>>) target(%arg16 : memref<64x128xf32, #tpu.memory_space<vmem>>) offsets(%arg8 : memref<64xi32, #tpu.memory_space<vmem>>) semaphore(%arg23 : memref<!tpu.dma_semaphore, #tpu.memory_space<semaphore_mem>>)
        %dma_start3A_616 = arith.constant 0 : i32
        %dma_start3A_617 = arith.constant 0 : i32
        %dma_start3A_618 = tpu.memref_slice %arg4[%dma_start3A_616, %dma_start3A_617] : memref<40000x128xi32, #tpu.memory_space<hbm>> -> memref<40000x128xi32, #tpu.memory_space<hbm>>
        tpu.enqueue_indirect_dma source(%dma_start3A_618 : memref<40000x128xi32, #tpu.memory_space<hbm>>) target(%arg18 : memref<64x128xi32, #tpu.memory_space<vmem>>) offsets(%arg10 : memref<64xi32, #tpu.memory_space<vmem>>) semaphore(%arg25 : memref<!tpu.dma_semaphore, #tpu.memory_space<semaphore_mem>>)
      } else {
      }
      %add3A_447 = arith.constant 4 : i32
      %add3A_448 = arith.addi %add3A_421, %add3A_447 : i32
      %lt3A_449 = arith.constant 160 : i32
      %lt3A_450 = arith.cmpi slt, %add3A_448, %lt3A_449 : i32
      %convert_element_type3A_451 = arith.extui %lt3A_450 : i1 to i32
      %cond3A_452 = arith.constant 0 : i32
      %cond3A_453 = arith.cmpi ne, %convert_element_type3A_451, %cond3A_452 : i32
      scf.if %cond3A_453 {
        %add3A_488 = arith.constant 4 : i32
        %add3A_489 = arith.addi %add3A_421, %add3A_488 : i32
        %mul3A_490 = arith.constant 160 : i32
        %mul3A_491 = arith.muli %add3A, %mul3A_490 : i32
        %add3A_492 = arith.addi %mul3A_491, %add3A_489 : i32
        %mul3A_493 = arith.constant 192 : i32
        %mul3A_494 = arith.muli %add3A_492, %mul3A_493 : i32
        %dma_start3A_495 = tpu.memref_slice %arg2[%mul3A_494] : memref<983040xi32, #tpu.memory_space<hbm>> -> memref<192xi32, #tpu.memory_space<hbm>>
        %dma_start3A_496 = tpu.memref_slice %arg2[%mul3A_494] : memref<983040xi32, #tpu.memory_space<hbm>> -> memref<192xi32, #tpu.memory_space<hbm>>
        tpu.enqueue_dma source(%dma_start3A_496 : memref<192xi32, #tpu.memory_space<hbm>>) target(%arg6 : memref<192xi32, #tpu.memory_space<vmem>>) target_semaphore(%arg31 : memref<!tpu.dma_semaphore, #tpu.memory_space<semaphore_mem>>)
      } else {
      }
      %add3A_454 = arith.constant 3 : i32
      %add3A_455 = arith.addi %mul3A_351, %add3A_454 : i32
      %dma_wait3A_456 = arith.constant 0 : i32
      %dma_wait3A_457 = arith.constant 0 : i32
      %dma_wait3A_458 = tpu.memref_slice %arg3[%dma_wait3A_456, %dma_wait3A_457] : memref<40000x128xf32, #tpu.memory_space<hbm>> -> memref<40000x128xf32, #tpu.memory_space<hbm>>
      tpu.wait_indirect_dma semaphore(%arg24 : memref<!tpu.dma_semaphore, #tpu.memory_space<semaphore_mem>>) src(%dma_wait3A_458 : memref<40000x128xf32, #tpu.memory_space<hbm>>) dst(%arg17 : memref<64x128xf32, #tpu.memory_space<vmem>>)
      %dma_wait3A_459 = arith.constant 0 : i32
      %dma_wait3A_460 = arith.constant 0 : i32
      %dma_wait3A_461 = tpu.memref_slice %arg4[%dma_wait3A_459, %dma_wait3A_460] : memref<40000x128xi32, #tpu.memory_space<hbm>> -> memref<40000x128xi32, #tpu.memory_space<hbm>>
      tpu.wait_indirect_dma semaphore(%arg26 : memref<!tpu.dma_semaphore, #tpu.memory_space<semaphore_mem>>) src(%dma_wait3A_461 : memref<40000x128xi32, #tpu.memory_space<hbm>>) dst(%arg19 : memref<64x128xi32, #tpu.memory_space<vmem>>)
      %dma_wait3A_462 = arith.constant 0 : i32
      %dma_wait3A_463 = arith.constant 0 : i32
      %dma_wait3A_464 = tpu.memref_slice %arg22[%dma_wait3A_462, %dma_wait3A_463] : memref<10016x128xf32, #tpu.memory_space<vmem_shared>> -> memref<10016x128xf32, #tpu.memory_space<vmem_shared>>
      tpu.wait_indirect_dma semaphore(%arg28 : memref<!tpu.dma_semaphore, #tpu.memory_space<semaphore_mem>>) src(%arg21 : memref<64x128xf32, #tpu.memory_space<vmem>>) dst(%dma_wait3A_464 : memref<10016x128xf32, #tpu.memory_space<vmem_shared>>)
      %scan3A_465 = arith.constant 0 : i32
      %scan3A_466 = arith.constant 0 : i32
      %scan3A_467 = arith.constant 64 : i32
      %scan3A_468 = arith.addi %scan3A_466, %scan3A_467 : i32
      %scan3A_469 = arith.constant 1 : i32
      scf.for %scan3A_488 = %scan3A_466 to %scan3A_468 step %scan3A_469  : i32 {
        %get3A_489 = arith.index_cast %scan3A_488 : i32 to index
        %get3A_490 = arith.constant 0 : index
        %get3A_491 = tpu.vector_load %arg19[%get3A_489, %get3A_490] {strides = array<i32>} : memref<64x128xi32, #tpu.memory_space<vmem>>, vector<1x16xi32>,
        %get3A_492 = vector.shape_cast %get3A_491 : vector<1x16xi32> to vector<16xi32>
        %get3A_493 = arith.index_cast %scan3A_488 : i32 to index
        %get3A_494 = arith.constant 64 : index
        %get3A_495 = tpu.vector_load %arg19[%get3A_493, %get3A_494] {strides = array<i32>} : memref<64x128xi32, #tpu.memory_space<vmem>>, vector<1x16xi32>,
        %get3A_496 = vector.shape_cast %get3A_495 : vector<1x16xi32> to vector<16xi32>
        %get3A_497 = arith.index_cast %scan3A_488 : i32 to index
        %get3A_498 = arith.constant 0 : index
        %get3A_499 = tpu.vector_load %arg17[%get3A_497, %get3A_498] {strides = array<i32>} : memref<64x128xf32, #tpu.memory_space<vmem>>, vector<1x16xf32>,
        %get3A_500 = vector.shape_cast %get3A_499 : vector<1x16xf32> to vector<16xf32>
        %get3A_501 = arith.index_cast %scan3A_488 : i32 to index
        %get3A_502 = arith.constant 64 : index
        %get3A_503 = tpu.vector_load %arg17[%get3A_501, %get3A_502] {strides = array<i32>} : memref<64x128xf32, #tpu.memory_space<vmem>>, vector<1x16xf32>,
        %get3A_504 = vector.shape_cast %get3A_503 : vector<1x16xf32> to vector<16xf32>
        %shift_left3A = arith.constant 16 : i32
        %shift_left3A_505 = vector.broadcast %shift_left3A : i32 to vector<16xi32>
        %shift_left3A_506 = arith.shli %get3A_492, %shift_left3A_505 : vector<16xi32>
        %bitcast_convert_type3A = tpu.bitcast %shift_left3A_506 : vector<16xi32> -> vector<16xf32>
        %and3A = arith.constant -65536 : i32
        %and3A_507 = vector.broadcast %and3A : i32 to vector<16xi32>
        %and3A_508 = arith.andi %get3A_492, %and3A_507 : vector<16xi32>
        %bitcast_convert_type3A_509 = tpu.bitcast %and3A_508 : vector<16xi32> -> vector<16xf32>
        %shift_left3A_510 = arith.constant 16 : i32
        %shift_left3A_511 = vector.broadcast %shift_left3A_510 : i32 to vector<16xi32>
        %shift_left3A_512 = arith.shli %get3A_496, %shift_left3A_511 : vector<16xi32>
        %bitcast_convert_type3A_513 = tpu.bitcast %shift_left3A_512 : vector<16xi32> -> vector<16xf32>
        %and3A_514 = arith.constant -65536 : i32
        %and3A_515 = vector.broadcast %and3A_514 : i32 to vector<16xi32>
        %and3A_516 = arith.andi %get3A_496, %and3A_515 : vector<16xi32>
        %bitcast_convert_type3A_517 = tpu.bitcast %and3A_516 : vector<16xi32> -> vector<16xf32>
        %mul3A_518 = arith.mulf %bitcast_convert_type3A, %get3A_500 : vector<16xf32>
        %add3A_519 = arith.addf %mul3A_518, %bitcast_convert_type3A_513 : vector<16xf32>
        %max3A = arith.constant 0.000000e+00 : f32
        %max3A_520 = vector.broadcast %max3A : f32 to vector<16xf32>
        %max3A_521 = arith.maximumf %add3A_519, %max3A_520 : vector<16xf32>
        %swap3A_522 = arith.index_cast %scan3A_488 : i32 to index
        %swap3A_523 = arith.constant 0 : index
        %swap3A_524 = tpu.vector_load %arg21[%swap3A_522, %swap3A_523] {strides = array<i32>} : memref<64x128xf32, #tpu.memory_space<vmem>>, vector<1x16xf32>,
        %swap3A_525 = vector.shape_cast %swap3A_524 : vector<1x16xf32> to vector<16xf32>
        %swap3A_526 = vector.shape_cast %max3A_521 : vector<16xf32> to vector<1x16xf32>
        tpu.vector_store %arg21[%swap3A_522, %swap3A_523], %swap3A_526 {strides = array<i32>} : memref<64x128xf32, #tpu.memory_space<vmem>>, vector<1x16xf32>,
        %mul3A_527 = arith.mulf %bitcast_convert_type3A_509, %get3A_504 : vector<16xf32>
        %add3A_528 = arith.addf %mul3A_527, %bitcast_convert_type3A_517 : vector<16xf32>
        %max3A_529 = arith.constant 0.000000e+00 : f32
        %max3A_530 = vector.broadcast %max3A_529 : f32 to vector<16xf32>
        %max3A_531 = arith.maximumf %add3A_528, %max3A_530 : vector<16xf32>
        %swap3A_532 = arith.index_cast %scan3A_488 : i32 to index
        %swap3A_533 = arith.constant 64 : index
        %swap3A_534 = tpu.vector_load %arg21[%swap3A_532, %swap3A_533] {strides = array<i32>} : memref<64x128xf32, #tpu.memory_space<vmem>>, vector<1x16xf32>,
        %swap3A_535 = vector.shape_cast %swap3A_534 : vector<1x16xf32> to vector<16xf32>
        %swap3A_536 = vector.shape_cast %max3A_531 : vector<16xf32> to vector<1x16xf32>
        tpu.vector_store %arg21[%swap3A_532, %swap3A_533], %swap3A_536 {strides = array<i32>} : memref<64x128xf32, #tpu.memory_space<vmem>>, vector<1x16xf32>,
        %get3A_537 = arith.index_cast %scan3A_488 : i32 to index
        %get3A_538 = arith.constant 16 : index
        %get3A_539 = tpu.vector_load %arg19[%get3A_537, %get3A_538] {strides = array<i32>} : memref<64x128xi32, #tpu.memory_space<vmem>>, vector<1x16xi32>,
        %get3A_540 = vector.shape_cast %get3A_539 : vector<1x16xi32> to vector<16xi32>
        %get3A_541 = arith.index_cast %scan3A_488 : i32 to index
        %get3A_542 = arith.constant 80 : index
        %get3A_543 = tpu.vector_load %arg19[%get3A_541, %get3A_542] {strides = array<i32>} : memref<64x128xi32, #tpu.memory_space<vmem>>, vector<1x16xi32>,
        %get3A_544 = vector.shape_cast %get3A_543 : vector<1x16xi32> to vector<16xi32>
        %get3A_545 = arith.index_cast %scan3A_488 : i32 to index
        %get3A_546 = arith.constant 16 : index
        %get3A_547 = tpu.vector_load %arg17[%get3A_545, %get3A_546] {strides = array<i32>} : memref<64x128xf32, #tpu.memory_space<vmem>>, vector<1x16xf32>,
        %get3A_548 = vector.shape_cast %get3A_547 : vector<1x16xf32> to vector<16xf32>
        %get3A_549 = arith.index_cast %scan3A_488 : i32 to index
        %get3A_550 = arith.constant 80 : index
        %get3A_551 = tpu.vector_load %arg17[%get3A_549, %get3A_550] {strides = array<i32>} : memref<64x128xf32, #tpu.memory_space<vmem>>, vector<1x16xf32>,
        %get3A_552 = vector.shape_cast %get3A_551 : vector<1x16xf32> to vector<16xf32>
        %shift_left3A_553 = arith.constant 16 : i32
        %shift_left3A_554 = vector.broadcast %shift_left3A_553 : i32 to vector<16xi32>
        %shift_left3A_555 = arith.shli %get3A_540, %shift_left3A_554 : vector<16xi32>
        %bitcast_convert_type3A_556 = tpu.bitcast %shift_left3A_555 : vector<16xi32> -> vector<16xf32>
        %and3A_557 = arith.constant -65536 : i32
        %and3A_558 = vector.broadcast %and3A_557 : i32 to vector<16xi32>
        %and3A_559 = arith.andi %get3A_540, %and3A_558 : vector<16xi32>
        %bitcast_convert_type3A_560 = tpu.bitcast %and3A_559 : vector<16xi32> -> vector<16xf32>
        %shift_left3A_561 = arith.constant 16 : i32
        %shift_left3A_562 = vector.broadcast %shift_left3A_561 : i32 to vector<16xi32>
        %shift_left3A_563 = arith.shli %get3A_544, %shift_left3A_562 : vector<16xi32>
        %bitcast_convert_type3A_564 = tpu.bitcast %shift_left3A_563 : vector<16xi32> -> vector<16xf32>
        %and3A_565 = arith.constant -65536 : i32
        %and3A_566 = vector.broadcast %and3A_565 : i32 to vector<16xi32>
        %and3A_567 = arith.andi %get3A_544, %and3A_566 : vector<16xi32>
        %bitcast_convert_type3A_568 = tpu.bitcast %and3A_567 : vector<16xi32> -> vector<16xf32>
        %mul3A_569 = arith.mulf %bitcast_convert_type3A_556, %get3A_548 : vector<16xf32>
        %add3A_570 = arith.addf %mul3A_569, %bitcast_convert_type3A_564 : vector<16xf32>
        %max3A_571 = arith.constant 0.000000e+00 : f32
        %max3A_572 = vector.broadcast %max3A_571 : f32 to vector<16xf32>
        %max3A_573 = arith.maximumf %add3A_570, %max3A_572 : vector<16xf32>
        %swap3A_574 = arith.index_cast %scan3A_488 : i32 to index
        %swap3A_575 = arith.constant 16 : index
        %swap3A_576 = tpu.vector_load %arg21[%swap3A_574, %swap3A_575] {strides = array<i32>} : memref<64x128xf32, #tpu.memory_space<vmem>>, vector<1x16xf32>,
        %swap3A_577 = vector.shape_cast %swap3A_576 : vector<1x16xf32> to vector<16xf32>
        %swap3A_578 = vector.shape_cast %max3A_573 : vector<16xf32> to vector<1x16xf32>
        tpu.vector_store %arg21[%swap3A_574, %swap3A_575], %swap3A_578 {strides = array<i32>} : memref<64x128xf32, #tpu.memory_space<vmem>>, vector<1x16xf32>,
        %mul3A_579 = arith.mulf %bitcast_convert_type3A_560, %get3A_552 : vector<16xf32>
        %add3A_580 = arith.addf %mul3A_579, %bitcast_convert_type3A_568 : vector<16xf32>
        %max3A_581 = arith.constant 0.000000e+00 : f32
        %max3A_582 = vector.broadcast %max3A_581 : f32 to vector<16xf32>
        %max3A_583 = arith.maximumf %add3A_580, %max3A_582 : vector<16xf32>
        %swap3A_584 = arith.index_cast %scan3A_488 : i32 to index
        %swap3A_585 = arith.constant 80 : index
        %swap3A_586 = tpu.vector_load %arg21[%swap3A_584, %swap3A_585] {strides = array<i32>} : memref<64x128xf32, #tpu.memory_space<vmem>>, vector<1x16xf32>,
        %swap3A_587 = vector.shape_cast %swap3A_586 : vector<1x16xf32> to vector<16xf32>
        %swap3A_588 = vector.shape_cast %max3A_583 : vector<16xf32> to vector<1x16xf32>
        tpu.vector_store %arg21[%swap3A_584, %swap3A_585], %swap3A_588 {strides = array<i32>} : memref<64x128xf32, #tpu.memory_space<vmem>>, vector<1x16xf32>,
        %get3A_589 = arith.index_cast %scan3A_488 : i32 to index
        %get3A_590 = arith.constant 32 : index
        %get3A_591 = tpu.vector_load %arg19[%get3A_589, %get3A_590] {strides = array<i32>} : memref<64x128xi32, #tpu.memory_space<vmem>>, vector<1x16xi32>,
        %get3A_592 = vector.shape_cast %get3A_591 : vector<1x16xi32> to vector<16xi32>
        %get3A_593 = arith.index_cast %scan3A_488 : i32 to index
        %get3A_594 = arith.constant 96 : index
        %get3A_595 = tpu.vector_load %arg19[%get3A_593, %get3A_594] {strides = array<i32>} : memref<64x128xi32, #tpu.memory_space<vmem>>, vector<1x16xi32>,
        %get3A_596 = vector.shape_cast %get3A_595 : vector<1x16xi32> to vector<16xi32>
        %get3A_597 = arith.index_cast %scan3A_488 : i32 to index
        %get3A_598 = arith.constant 32 : index
        %get3A_599 = tpu.vector_load %arg17[%get3A_597, %get3A_598] {strides = array<i32>} : memref<64x128xf32, #tpu.memory_space<vmem>>, vector<1x16xf32>,
        %get3A_600 = vector.shape_cast %get3A_599 : vector<1x16xf32> to vector<16xf32>
        %get3A_601 = arith.index_cast %scan3A_488 : i32 to index
        %get3A_602 = arith.constant 96 : index
        %get3A_603 = tpu.vector_load %arg17[%get3A_601, %get3A_602] {strides = array<i32>} : memref<64x128xf32, #tpu.memory_space<vmem>>, vector<1x16xf32>,
        %get3A_604 = vector.shape_cast %get3A_603 : vector<1x16xf32> to vector<16xf32>
        %shift_left3A_605 = arith.constant 16 : i32
        %shift_left3A_606 = vector.broadcast %shift_left3A_605 : i32 to vector<16xi32>
        %shift_left3A_607 = arith.shli %get3A_592, %shift_left3A_606 : vector<16xi32>
        %bitcast_convert_type3A_608 = tpu.bitcast %shift_left3A_607 : vector<16xi32> -> vector<16xf32>
        %and3A_609 = arith.constant -65536 : i32
        %and3A_610 = vector.broadcast %and3A_609 : i32 to vector<16xi32>
        %and3A_611 = arith.andi %get3A_592, %and3A_610 : vector<16xi32>
        %bitcast_convert_type3A_612 = tpu.bitcast %and3A_611 : vector<16xi32> -> vector<16xf32>
        %shift_left3A_613 = arith.constant 16 : i32
        %shift_left3A_614 = vector.broadcast %shift_left3A_613 : i32 to vector<16xi32>
        %shift_left3A_615 = arith.shli %get3A_596, %shift_left3A_614 : vector<16xi32>
        %bitcast_convert_type3A_616 = tpu.bitcast %shift_left3A_615 : vector<16xi32> -> vector<16xf32>
        %and3A_617 = arith.constant -65536 : i32
        %and3A_618 = vector.broadcast %and3A_617 : i32 to vector<16xi32>
        %and3A_619 = arith.andi %get3A_596, %and3A_618 : vector<16xi32>
        %bitcast_convert_type3A_620 = tpu.bitcast %and3A_619 : vector<16xi32> -> vector<16xf32>
        %mul3A_621 = arith.mulf %bitcast_convert_type3A_608, %get3A_600 : vector<16xf32>
        %add3A_622 = arith.addf %mul3A_621, %bitcast_convert_type3A_616 : vector<16xf32>
        %max3A_623 = arith.constant 0.000000e+00 : f32
        %max3A_624 = vector.broadcast %max3A_623 : f32 to vector<16xf32>
        %max3A_625 = arith.maximumf %add3A_622, %max3A_624 : vector<16xf32>
        %swap3A_626 = arith.index_cast %scan3A_488 : i32 to index
        %swap3A_627 = arith.constant 32 : index
        %swap3A_628 = tpu.vector_load %arg21[%swap3A_626, %swap3A_627] {strides = array<i32>} : memref<64x128xf32, #tpu.memory_space<vmem>>, vector<1x16xf32>,
        %swap3A_629 = vector.shape_cast %swap3A_628 : vector<1x16xf32> to vector<16xf32>
        %swap3A_630 = vector.shape_cast %max3A_625 : vector<16xf32> to vector<1x16xf32>
        tpu.vector_store %arg21[%swap3A_626, %swap3A_627], %swap3A_630 {strides = array<i32>} : memref<64x128xf32, #tpu.memory_space<vmem>>, vector<1x16xf32>,
        %mul3A_631 = arith.mulf %bitcast_convert_type3A_612, %get3A_604 : vector<16xf32>
        %add3A_632 = arith.addf %mul3A_631, %bitcast_convert_type3A_620 : vector<16xf32>
        %max3A_633 = arith.constant 0.000000e+00 : f32
        %max3A_634 = vector.broadcast %max3A_633 : f32 to vector<16xf32>
        %max3A_635 = arith.maximumf %add3A_632, %max3A_634 : vector<16xf32>
        %swap3A_636 = arith.index_cast %scan3A_488 : i32 to index
        %swap3A_637 = arith.constant 96 : index
        %swap3A_638 = tpu.vector_load %arg21[%swap3A_636, %swap3A_637] {strides = array<i32>} : memref<64x128xf32, #tpu.memory_space<vmem>>, vector<1x16xf32>,
        %swap3A_639 = vector.shape_cast %swap3A_638 : vector<1x16xf32> to vector<16xf32>
        %swap3A_640 = vector.shape_cast %max3A_635 : vector<16xf32> to vector<1x16xf32>
        tpu.vector_store %arg21[%swap3A_636, %swap3A_637], %swap3A_640 {strides = array<i32>} : memref<64x128xf32, #tpu.memory_space<vmem>>, vector<1x16xf32>,
        %get3A_641 = arith.index_cast %scan3A_488 : i32 to index
        %get3A_642 = arith.constant 48 : index
        %get3A_643 = tpu.vector_load %arg19[%get3A_641, %get3A_642] {strides = array<i32>} : memref<64x128xi32, #tpu.memory_space<vmem>>, vector<1x16xi32>,
        %get3A_644 = vector.shape_cast %get3A_643 : vector<1x16xi32> to vector<16xi32>
        %get3A_645 = arith.index_cast %scan3A_488 : i32 to index
        %get3A_646 = arith.constant 112 : index
        %get3A_647 = tpu.vector_load %arg19[%get3A_645, %get3A_646] {strides = array<i32>} : memref<64x128xi32, #tpu.memory_space<vmem>>, vector<1x16xi32>,
        %get3A_648 = vector.shape_cast %get3A_647 : vector<1x16xi32> to vector<16xi32>
        %get3A_649 = arith.index_cast %scan3A_488 : i32 to index
        %get3A_650 = arith.constant 48 : index
        %get3A_651 = tpu.vector_load %arg17[%get3A_649, %get3A_650] {strides = array<i32>} : memref<64x128xf32, #tpu.memory_space<vmem>>, vector<1x16xf32>,
        %get3A_652 = vector.shape_cast %get3A_651 : vector<1x16xf32> to vector<16xf32>
        %get3A_653 = arith.index_cast %scan3A_488 : i32 to index
        %get3A_654 = arith.constant 112 : index
        %get3A_655 = tpu.vector_load %arg17[%get3A_653, %get3A_654] {strides = array<i32>} : memref<64x128xf32, #tpu.memory_space<vmem>>, vector<1x16xf32>,
        %get3A_656 = vector.shape_cast %get3A_655 : vector<1x16xf32> to vector<16xf32>
        %shift_left3A_657 = arith.constant 16 : i32
        %shift_left3A_658 = vector.broadcast %shift_left3A_657 : i32 to vector<16xi32>
        %shift_left3A_659 = arith.shli %get3A_644, %shift_left3A_658 : vector<16xi32>
        %bitcast_convert_type3A_660 = tpu.bitcast %shift_left3A_659 : vector<16xi32> -> vector<16xf32>
        %and3A_661 = arith.constant -65536 : i32
        %and3A_662 = vector.broadcast %and3A_661 : i32 to vector<16xi32>
        %and3A_663 = arith.andi %get3A_644, %and3A_662 : vector<16xi32>
        %bitcast_convert_type3A_664 = tpu.bitcast %and3A_663 : vector<16xi32> -> vector<16xf32>
        %shift_left3A_665 = arith.constant 16 : i32
        %shift_left3A_666 = vector.broadcast %shift_left3A_665 : i32 to vector<16xi32>
        %shift_left3A_667 = arith.shli %get3A_648, %shift_left3A_666 : vector<16xi32>
        %bitcast_convert_type3A_668 = tpu.bitcast %shift_left3A_667 : vector<16xi32> -> vector<16xf32>
        %and3A_669 = arith.constant -65536 : i32
        %and3A_670 = vector.broadcast %and3A_669 : i32 to vector<16xi32>
        %and3A_671 = arith.andi %get3A_648, %and3A_670 : vector<16xi32>
        %bitcast_convert_type3A_672 = tpu.bitcast %and3A_671 : vector<16xi32> -> vector<16xf32>
        %mul3A_673 = arith.mulf %bitcast_convert_type3A_660, %get3A_652 : vector<16xf32>
        %add3A_674 = arith.addf %mul3A_673, %bitcast_convert_type3A_668 : vector<16xf32>
        %max3A_675 = arith.constant 0.000000e+00 : f32
        %max3A_676 = vector.broadcast %max3A_675 : f32 to vector<16xf32>
        %max3A_677 = arith.maximumf %add3A_674, %max3A_676 : vector<16xf32>
        %swap3A_678 = arith.index_cast %scan3A_488 : i32 to index
        %swap3A_679 = arith.constant 48 : index
        %swap3A_680 = tpu.vector_load %arg21[%swap3A_678, %swap3A_679] {strides = array<i32>} : memref<64x128xf32, #tpu.memory_space<vmem>>, vector<1x16xf32>,
        %swap3A_681 = vector.shape_cast %swap3A_680 : vector<1x16xf32> to vector<16xf32>
        %swap3A_682 = vector.shape_cast %max3A_677 : vector<16xf32> to vector<1x16xf32>
        tpu.vector_store %arg21[%swap3A_678, %swap3A_679], %swap3A_682 {strides = array<i32>} : memref<64x128xf32, #tpu.memory_space<vmem>>, vector<1x16xf32>,
        %mul3A_683 = arith.mulf %bitcast_convert_type3A_664, %get3A_656 : vector<16xf32>
        %add3A_684 = arith.addf %mul3A_683, %bitcast_convert_type3A_672 : vector<16xf32>
        %max3A_685 = arith.constant 0.000000e+00 : f32
        %max3A_686 = vector.broadcast %max3A_685 : f32 to vector<16xf32>
        %max3A_687 = arith.maximumf %add3A_684, %max3A_686 : vector<16xf32>
        %swap3A_688 = arith.index_cast %scan3A_488 : i32 to index
        %swap3A_689 = arith.constant 112 : index
        %swap3A_690 = tpu.vector_load %arg21[%swap3A_688, %swap3A_689] {strides = array<i32>} : memref<64x128xf32, #tpu.memory_space<vmem>>, vector<1x16xf32>,
        %swap3A_691 = vector.shape_cast %swap3A_690 : vector<1x16xf32> to vector<16xf32>
        %swap3A_692 = vector.shape_cast %max3A_687 : vector<16xf32> to vector<1x16xf32>
        tpu.vector_store %arg21[%swap3A_688, %swap3A_689], %swap3A_692 {strides = array<i32>} : memref<64x128xf32, #tpu.memory_space<vmem>>, vector<1x16xf32>,
      }
      %scan3A_470 = arith.constant 64 : i32
      %dma_start3A_471 = arith.constant 0 : i32
      %dma_start3A_472 = arith.constant 0 : i32
      %dma_start3A_473 = tpu.memref_slice %arg22[%dma_start3A_471, %dma_start3A_472] : memref<10016x128xf32, #tpu.memory_space<vmem_shared>> -> memref<10016x128xf32, #tpu.memory_space<vmem_shared>>
      tpu.enqueue_indirect_dma source(%arg21 : memref<64x128xf32, #tpu.memory_space<vmem>>) target(%dma_start3A_473 : memref<10016x128xf32, #tpu.memory_space<vmem_shared>>) offsets(%arg15 : memref<64xi32, #tpu.memory_space<vmem>>) semaphore(%arg30 : memref<!tpu.dma_semaphore, #tpu.memory_space<semaphore_mem>>) {add = true}
      %add3A_474 = arith.constant 2 : i32
      %add3A_475 = arith.addi %add3A_455, %add3A_474 : i32
      %lt3A_476 = arith.constant 160 : i32
      %lt3A_477 = arith.cmpi slt, %add3A_475, %lt3A_476 : i32
      %convert_element_type3A_478 = arith.extui %lt3A_477 : i1 to i32
      %cond3A_479 = arith.constant 0 : i32
      %cond3A_480 = arith.cmpi ne, %convert_element_type3A_478, %cond3A_479 : i32
      scf.if %cond3A_480 {
        %add3A_488 = arith.constant 2 : i32
        %add3A_489 = arith.addi %add3A_455, %add3A_488 : i32
        %mul3A_490 = arith.constant 160 : i32
        %mul3A_491 = arith.muli %add3A, %mul3A_490 : i32
        %add3A_492 = arith.addi %mul3A_491, %add3A_489 : i32
        %mul3A_493 = arith.constant 192 : i32
        %mul3A_494 = arith.muli %add3A_492, %mul3A_493 : i32
        %dma_wait3A_495 = tpu.memref_slice %arg2[%mul3A_494] : memref<983040xi32, #tpu.memory_space<hbm>> -> memref<192xi32, #tpu.memory_space<hbm>>
        %dma_wait3A_496 = tpu.memref_slice %arg2[%mul3A_494] : memref<983040xi32, #tpu.memory_space<hbm>> -> memref<192xi32, #tpu.memory_space<hbm>>
        tpu.wait_dma2 semaphore(%arg32 : memref<!tpu.dma_semaphore, #tpu.memory_space<semaphore_mem>>) src(%dma_wait3A_496 : memref<192xi32, #tpu.memory_space<hbm>>) dst(%arg7 : memref<192xi32, #tpu.memory_space<vmem>>)
        %get3A_497 = arith.constant 0 : index
        %get3A_498 = tpu.vector_load %arg7[%get3A_497] {strides = array<i32>} : memref<192xi32, #tpu.memory_space<vmem>>, vector<16xi32>,
        %get3A_499 = vector.shape_cast %get3A_498 : vector<16xi32> to vector<16xi32>
        %get3A_500 = arith.constant 64 : index
        %get3A_501 = tpu.vector_load %arg7[%get3A_500] {strides = array<i32>} : memref<192xi32, #tpu.memory_space<vmem>>, vector<16xi32>,
        %get3A_502 = vector.shape_cast %get3A_501 : vector<16xi32> to vector<16xi32>
        %get3A_503 = arith.constant 128 : index
        %get3A_504 = tpu.vector_load %arg7[%get3A_503] {strides = array<i32>} : memref<192xi32, #tpu.memory_space<vmem>>, vector<16xi32>,
        %get3A_505 = vector.shape_cast %get3A_504 : vector<16xi32> to vector<16xi32>
        %mul3A_506 = arith.constant 10000 : i32
        %mul3A_507 = vector.broadcast %mul3A_506 : i32 to vector<16xi32>
        %mul3A_508 = arith.muli %get3A_499, %mul3A_507 : vector<16xi32>
        %add3A_509 = arith.addi %mul3A_508, %get3A_502 : vector<16xi32>
        %swap3A_510 = arith.constant 0 : index
        %swap3A_511 = tpu.vector_load %arg9[%swap3A_510] {strides = array<i32>} : memref<64xi32, #tpu.memory_space<vmem>>, vector<16xi32>,
        %swap3A_512 = vector.shape_cast %swap3A_511 : vector<16xi32> to vector<16xi32>
        %swap3A_513 = vector.shape_cast %add3A_509 : vector<16xi32> to vector<16xi32>
        tpu.vector_store %arg9[%swap3A_510], %swap3A_513 {strides = array<i32>} : memref<64xi32, #tpu.memory_space<vmem>>, vector<16xi32>,
        %mul3A_514 = arith.constant 10000 : i32
        %mul3A_515 = vector.broadcast %mul3A_514 : i32 to vector<16xi32>
        %mul3A_516 = arith.muli %get3A_499, %mul3A_515 : vector<16xi32>
        %add3A_517 = arith.addi %mul3A_516, %get3A_505 : vector<16xi32>
        %swap3A_518 = arith.constant 0 : index
        %swap3A_519 = tpu.vector_load %arg11[%swap3A_518] {strides = array<i32>} : memref<64xi32, #tpu.memory_space<vmem>>, vector<16xi32>,
        %swap3A_520 = vector.shape_cast %swap3A_519 : vector<16xi32> to vector<16xi32>
        %swap3A_521 = vector.shape_cast %add3A_517 : vector<16xi32> to vector<16xi32>
        tpu.vector_store %arg11[%swap3A_518], %swap3A_521 {strides = array<i32>} : memref<64xi32, #tpu.memory_space<vmem>>, vector<16xi32>,
        %swap3A_522 = arith.constant 0 : index
        %swap3A_523 = tpu.vector_load %arg13[%swap3A_522] {strides = array<i32>} : memref<64xi32, #tpu.memory_space<vmem>>, vector<16xi32>,
        %swap3A_524 = vector.shape_cast %swap3A_523 : vector<16xi32> to vector<16xi32>
        %swap3A_525 = vector.shape_cast %get3A_505 : vector<16xi32> to vector<16xi32>
        tpu.vector_store %arg13[%swap3A_522], %swap3A_525 {strides = array<i32>} : memref<64xi32, #tpu.memory_space<vmem>>, vector<16xi32>,
        %get3A_526 = arith.constant 16 : index
        %get3A_527 = tpu.vector_load %arg7[%get3A_526] {strides = array<i32>} : memref<192xi32, #tpu.memory_space<vmem>>, vector<16xi32>,
        %get3A_528 = vector.shape_cast %get3A_527 : vector<16xi32> to vector<16xi32>
        %get3A_529 = arith.constant 80 : index
        %get3A_530 = tpu.vector_load %arg7[%get3A_529] {strides = array<i32>} : memref<192xi32, #tpu.memory_space<vmem>>, vector<16xi32>,
        %get3A_531 = vector.shape_cast %get3A_530 : vector<16xi32> to vector<16xi32>
        %get3A_532 = arith.constant 144 : index
        %get3A_533 = tpu.vector_load %arg7[%get3A_532] {strides = array<i32>} : memref<192xi32, #tpu.memory_space<vmem>>, vector<16xi32>,
        %get3A_534 = vector.shape_cast %get3A_533 : vector<16xi32> to vector<16xi32>
        %mul3A_535 = arith.constant 10000 : i32
        %mul3A_536 = vector.broadcast %mul3A_535 : i32 to vector<16xi32>
        %mul3A_537 = arith.muli %get3A_528, %mul3A_536 : vector<16xi32>
        %add3A_538 = arith.addi %mul3A_537, %get3A_531 : vector<16xi32>
        %swap3A_539 = arith.constant 16 : index
        %swap3A_540 = tpu.vector_load %arg9[%swap3A_539] {strides = array<i32>} : memref<64xi32, #tpu.memory_space<vmem>>, vector<16xi32>,
        %swap3A_541 = vector.shape_cast %swap3A_540 : vector<16xi32> to vector<16xi32>
        %swap3A_542 = vector.shape_cast %add3A_538 : vector<16xi32> to vector<16xi32>
        tpu.vector_store %arg9[%swap3A_539], %swap3A_542 {strides = array<i32>} : memref<64xi32, #tpu.memory_space<vmem>>, vector<16xi32>,
        %mul3A_543 = arith.constant 10000 : i32
        %mul3A_544 = vector.broadcast %mul3A_543 : i32 to vector<16xi32>
        %mul3A_545 = arith.muli %get3A_528, %mul3A_544 : vector<16xi32>
        %add3A_546 = arith.addi %mul3A_545, %get3A_534 : vector<16xi32>
        %swap3A_547 = arith.constant 16 : index
        %swap3A_548 = tpu.vector_load %arg11[%swap3A_547] {strides = array<i32>} : memref<64xi32, #tpu.memory_space<vmem>>, vector<16xi32>,
        %swap3A_549 = vector.shape_cast %swap3A_548 : vector<16xi32> to vector<16xi32>
        %swap3A_550 = vector.shape_cast %add3A_546 : vector<16xi32> to vector<16xi32>
        tpu.vector_store %arg11[%swap3A_547], %swap3A_550 {strides = array<i32>} : memref<64xi32, #tpu.memory_space<vmem>>, vector<16xi32>,
        %swap3A_551 = arith.constant 16 : index
        %swap3A_552 = tpu.vector_load %arg13[%swap3A_551] {strides = array<i32>} : memref<64xi32, #tpu.memory_space<vmem>>, vector<16xi32>,
        %swap3A_553 = vector.shape_cast %swap3A_552 : vector<16xi32> to vector<16xi32>
        %swap3A_554 = vector.shape_cast %get3A_534 : vector<16xi32> to vector<16xi32>
        tpu.vector_store %arg13[%swap3A_551], %swap3A_554 {strides = array<i32>} : memref<64xi32, #tpu.memory_space<vmem>>, vector<16xi32>,
        %get3A_555 = arith.constant 32 : index
        %get3A_556 = tpu.vector_load %arg7[%get3A_555] {strides = array<i32>} : memref<192xi32, #tpu.memory_space<vmem>>, vector<16xi32>,
        %get3A_557 = vector.shape_cast %get3A_556 : vector<16xi32> to vector<16xi32>
        %get3A_558 = arith.constant 96 : index
        %get3A_559 = tpu.vector_load %arg7[%get3A_558] {strides = array<i32>} : memref<192xi32, #tpu.memory_space<vmem>>, vector<16xi32>,
        %get3A_560 = vector.shape_cast %get3A_559 : vector<16xi32> to vector<16xi32>
        %get3A_561 = arith.constant 160 : index
        %get3A_562 = tpu.vector_load %arg7[%get3A_561] {strides = array<i32>} : memref<192xi32, #tpu.memory_space<vmem>>, vector<16xi32>,
        %get3A_563 = vector.shape_cast %get3A_562 : vector<16xi32> to vector<16xi32>
        %mul3A_564 = arith.constant 10000 : i32
        %mul3A_565 = vector.broadcast %mul3A_564 : i32 to vector<16xi32>
        %mul3A_566 = arith.muli %get3A_557, %mul3A_565 : vector<16xi32>
        %add3A_567 = arith.addi %mul3A_566, %get3A_560 : vector<16xi32>
        %swap3A_568 = arith.constant 32 : index
        %swap3A_569 = tpu.vector_load %arg9[%swap3A_568] {strides = array<i32>} : memref<64xi32, #tpu.memory_space<vmem>>, vector<16xi32>,
        %swap3A_570 = vector.shape_cast %swap3A_569 : vector<16xi32> to vector<16xi32>
        %swap3A_571 = vector.shape_cast %add3A_567 : vector<16xi32> to vector<16xi32>
        tpu.vector_store %arg9[%swap3A_568], %swap3A_571 {strides = array<i32>} : memref<64xi32, #tpu.memory_space<vmem>>, vector<16xi32>,
        %mul3A_572 = arith.constant 10000 : i32
        %mul3A_573 = vector.broadcast %mul3A_572 : i32 to vector<16xi32>
        %mul3A_574 = arith.muli %get3A_557, %mul3A_573 : vector<16xi32>
        %add3A_575 = arith.addi %mul3A_574, %get3A_563 : vector<16xi32>
        %swap3A_576 = arith.constant 32 : index
        %swap3A_577 = tpu.vector_load %arg11[%swap3A_576] {strides = array<i32>} : memref<64xi32, #tpu.memory_space<vmem>>, vector<16xi32>,
        %swap3A_578 = vector.shape_cast %swap3A_577 : vector<16xi32> to vector<16xi32>
        %swap3A_579 = vector.shape_cast %add3A_575 : vector<16xi32> to vector<16xi32>
        tpu.vector_store %arg11[%swap3A_576], %swap3A_579 {strides = array<i32>} : memref<64xi32, #tpu.memory_space<vmem>>, vector<16xi32>,
        %swap3A_580 = arith.constant 32 : index
        %swap3A_581 = tpu.vector_load %arg13[%swap3A_580] {strides = array<i32>} : memref<64xi32, #tpu.memory_space<vmem>>, vector<16xi32>,
        %swap3A_582 = vector.shape_cast %swap3A_581 : vector<16xi32> to vector<16xi32>
        %swap3A_583 = vector.shape_cast %get3A_563 : vector<16xi32> to vector<16xi32>
        tpu.vector_store %arg13[%swap3A_580], %swap3A_583 {strides = array<i32>} : memref<64xi32, #tpu.memory_space<vmem>>, vector<16xi32>,
        %get3A_584 = arith.constant 48 : index
        %get3A_585 = tpu.vector_load %arg7[%get3A_584] {strides = array<i32>} : memref<192xi32, #tpu.memory_space<vmem>>, vector<16xi32>,
        %get3A_586 = vector.shape_cast %get3A_585 : vector<16xi32> to vector<16xi32>
        %get3A_587 = arith.constant 112 : index
        %get3A_588 = tpu.vector_load %arg7[%get3A_587] {strides = array<i32>} : memref<192xi32, #tpu.memory_space<vmem>>, vector<16xi32>,
        %get3A_589 = vector.shape_cast %get3A_588 : vector<16xi32> to vector<16xi32>
        %get3A_590 = arith.constant 176 : index
        %get3A_591 = tpu.vector_load %arg7[%get3A_590] {strides = array<i32>} : memref<192xi32, #tpu.memory_space<vmem>>, vector<16xi32>,
        %get3A_592 = vector.shape_cast %get3A_591 : vector<16xi32> to vector<16xi32>
        %mul3A_593 = arith.constant 10000 : i32
        %mul3A_594 = vector.broadcast %mul3A_593 : i32 to vector<16xi32>
        %mul3A_595 = arith.muli %get3A_586, %mul3A_594 : vector<16xi32>
        %add3A_596 = arith.addi %mul3A_595, %get3A_589 : vector<16xi32>
        %swap3A_597 = arith.constant 48 : index
        %swap3A_598 = tpu.vector_load %arg9[%swap3A_597] {strides = array<i32>} : memref<64xi32, #tpu.memory_space<vmem>>, vector<16xi32>,
        %swap3A_599 = vector.shape_cast %swap3A_598 : vector<16xi32> to vector<16xi32>
        %swap3A_600 = vector.shape_cast %add3A_596 : vector<16xi32> to vector<16xi32>
        tpu.vector_store %arg9[%swap3A_597], %swap3A_600 {strides = array<i32>} : memref<64xi32, #tpu.memory_space<vmem>>, vector<16xi32>,
        %mul3A_601 = arith.constant 10000 : i32
        %mul3A_602 = vector.broadcast %mul3A_601 : i32 to vector<16xi32>
        %mul3A_603 = arith.muli %get3A_586, %mul3A_602 : vector<16xi32>
        %add3A_604 = arith.addi %mul3A_603, %get3A_592 : vector<16xi32>
        %swap3A_605 = arith.constant 48 : index
        %swap3A_606 = tpu.vector_load %arg11[%swap3A_605] {strides = array<i32>} : memref<64xi32, #tpu.memory_space<vmem>>, vector<16xi32>,
        %swap3A_607 = vector.shape_cast %swap3A_606 : vector<16xi32> to vector<16xi32>
        %swap3A_608 = vector.shape_cast %add3A_604 : vector<16xi32> to vector<16xi32>
        tpu.vector_store %arg11[%swap3A_605], %swap3A_608 {strides = array<i32>} : memref<64xi32, #tpu.memory_space<vmem>>, vector<16xi32>,
        %swap3A_609 = arith.constant 48 : index
        %swap3A_610 = tpu.vector_load %arg13[%swap3A_609] {strides = array<i32>} : memref<64xi32, #tpu.memory_space<vmem>>, vector<16xi32>,
        %swap3A_611 = vector.shape_cast %swap3A_610 : vector<16xi32> to vector<16xi32>
        %swap3A_612 = vector.shape_cast %get3A_592 : vector<16xi32> to vector<16xi32>
        tpu.vector_store %arg13[%swap3A_609], %swap3A_612 {strides = array<i32>} : memref<64xi32, #tpu.memory_space<vmem>>, vector<16xi32>,
        %dma_start3A_613 = arith.constant 0 : i32
        %dma_start3A_614 = arith.constant 0 : i32
        %dma_start3A_615 = tpu.memref_slice %arg3[%dma_start3A_613, %dma_start3A_614] : memref<40000x128xf32, #tpu.memory_space<hbm>> -> memref<40000x128xf32, #tpu.memory_space<hbm>>
        tpu.enqueue_indirect_dma source(%dma_start3A_615 : memref<40000x128xf32, #tpu.memory_space<hbm>>) target(%arg17 : memref<64x128xf32, #tpu.memory_space<vmem>>) offsets(%arg9 : memref<64xi32, #tpu.memory_space<vmem>>) semaphore(%arg24 : memref<!tpu.dma_semaphore, #tpu.memory_space<semaphore_mem>>)
        %dma_start3A_616 = arith.constant 0 : i32
        %dma_start3A_617 = arith.constant 0 : i32
        %dma_start3A_618 = tpu.memref_slice %arg4[%dma_start3A_616, %dma_start3A_617] : memref<40000x128xi32, #tpu.memory_space<hbm>> -> memref<40000x128xi32, #tpu.memory_space<hbm>>
        tpu.enqueue_indirect_dma source(%dma_start3A_618 : memref<40000x128xi32, #tpu.memory_space<hbm>>) target(%arg19 : memref<64x128xi32, #tpu.memory_space<vmem>>) offsets(%arg11 : memref<64xi32, #tpu.memory_space<vmem>>) semaphore(%arg26 : memref<!tpu.dma_semaphore, #tpu.memory_space<semaphore_mem>>)
      } else {
      }
      %add3A_481 = arith.constant 4 : i32
      %add3A_482 = arith.addi %add3A_455, %add3A_481 : i32
      %lt3A_483 = arith.constant 160 : i32
      %lt3A_484 = arith.cmpi slt, %add3A_482, %lt3A_483 : i32
      %convert_element_type3A_485 = arith.extui %lt3A_484 : i1 to i32
      %cond3A_486 = arith.constant 0 : i32
      %cond3A_487 = arith.cmpi ne, %convert_element_type3A_485, %cond3A_486 : i32
      scf.if %cond3A_487 {
        %add3A_488 = arith.constant 4 : i32
        %add3A_489 = arith.addi %add3A_455, %add3A_488 : i32
        %mul3A_490 = arith.constant 160 : i32
        %mul3A_491 = arith.muli %add3A, %mul3A_490 : i32
        %add3A_492 = arith.addi %mul3A_491, %add3A_489 : i32
        %mul3A_493 = arith.constant 192 : i32
        %mul3A_494 = arith.muli %add3A_492, %mul3A_493 : i32
        %dma_start3A_495 = tpu.memref_slice %arg2[%mul3A_494] : memref<983040xi32, #tpu.memory_space<hbm>> -> memref<192xi32, #tpu.memory_space<hbm>>
        %dma_start3A_496 = tpu.memref_slice %arg2[%mul3A_494] : memref<983040xi32, #tpu.memory_space<hbm>> -> memref<192xi32, #tpu.memory_space<hbm>>
        tpu.enqueue_dma source(%dma_start3A_496 : memref<192xi32, #tpu.memory_space<hbm>>) target(%arg7 : memref<192xi32, #tpu.memory_space<vmem>>) target_semaphore(%arg32 : memref<!tpu.dma_semaphore, #tpu.memory_space<semaphore_mem>>)
      } else {
      }
    }
    %scan3A_339 = arith.constant 40 : i32
    %dma_wait3A_340 = arith.constant 0 : i32
    %dma_wait3A_341 = arith.constant 0 : i32
    %dma_wait3A_342 = tpu.memref_slice %arg22[%dma_wait3A_340, %dma_wait3A_341] : memref<10016x128xf32, #tpu.memory_space<vmem_shared>> -> memref<10016x128xf32, #tpu.memory_space<vmem_shared>>
    tpu.wait_indirect_dma semaphore(%arg29 : memref<!tpu.dma_semaphore, #tpu.memory_space<semaphore_mem>>) src(%arg20 : memref<64x128xf32, #tpu.memory_space<vmem>>) dst(%dma_wait3A_342 : memref<10016x128xf32, #tpu.memory_space<vmem_shared>>)
    %dma_wait3A_343 = arith.constant 0 : i32
    %dma_wait3A_344 = arith.constant 0 : i32
    %dma_wait3A_345 = tpu.memref_slice %arg22[%dma_wait3A_343, %dma_wait3A_344] : memref<10016x128xf32, #tpu.memory_space<vmem_shared>> -> memref<10016x128xf32, #tpu.memory_space<vmem_shared>>
    tpu.wait_indirect_dma semaphore(%arg30 : memref<!tpu.dma_semaphore, #tpu.memory_space<semaphore_mem>>) src(%arg21 : memref<64x128xf32, #tpu.memory_space<vmem>>) dst(%dma_wait3A_345 : memref<10016x128xf32, #tpu.memory_space<vmem_shared>>)
    %barrier3A_346 = arith.constant 0 : index
    tpu.barrier barrier_id(%barrier3A_346)
    %mul3A_347 = arith.constant 625 : i32
    %mul3A_348 = arith.muli %arg1, %mul3A_347 : i32
    "tpu.region"() ({
      %run_scoped3A = tpu.sem_alloc : memref<!tpu.dma_semaphore, #tpu.memory_space<semaphore_mem>>
      %dma_start3A_349 = arith.constant 0 : i32
      %dma_start3A_350 = arith.constant 0 : i32
      %dma_start3A_351 = tpu.memref_slice %arg5[%arg0, %arg1, %dma_start3A_349, %dma_start3A_350] : memref<2x16x625x128xf32, #tpu.memory_space<hbm>> -> memref<1x1x625x128xf32, #tpu.memory_space<hbm>>
      %dma_start3A_352 = tpu.memref_squeeze %dma_start3A_351 : memref<1x1x625x128xf32, #tpu.memory_space<hbm>> -> memref<625x128xf32, #tpu.memory_space<hbm>>
      %dma_start3A_353 = arith.constant 0 : i32
      %dma_start3A_354 = tpu.memref_slice %arg22[%mul3A_348, %dma_start3A_353] : memref<10016x128xf32, #tpu.memory_space<vmem_shared>> -> memref<625x128xf32, #tpu.memory_space<vmem_shared>>
      tpu.enqueue_dma source(%dma_start3A_354 : memref<625x128xf32, #tpu.memory_space<vmem_shared>>) target(%dma_start3A_352 : memref<625x128xf32, #tpu.memory_space<hbm>>) target_semaphore(%run_scoped3A : memref<!tpu.dma_semaphore, #tpu.memory_space<semaphore_mem>>)
      %dma_wait3A_355 = arith.constant 0 : i32
      %dma_wait3A_356 = arith.constant 0 : i32
      %dma_wait3A_357 = tpu.memref_slice %arg5[%arg0, %arg1, %dma_wait3A_355, %dma_wait3A_356] : memref<2x16x625x128xf32, #tpu.memory_space<hbm>> -> memref<1x1x625x128xf32, #tpu.memory_space<hbm>>
      %dma_wait3A_358 = tpu.memref_squeeze %dma_wait3A_357 : memref<1x1x625x128xf32, #tpu.memory_space<hbm>> -> memref<625x128xf32, #tpu.memory_space<hbm>>
      %dma_wait3A_359 = arith.constant 0 : i32
      %dma_wait3A_360 = tpu.memref_slice %arg22[%mul3A_348, %dma_wait3A_359] : memref<10016x128xf32, #tpu.memory_space<vmem_shared>> -> memref<625x128xf32, #tpu.memory_space<vmem_shared>>
      tpu.wait_dma2 semaphore(%run_scoped3A : memref<!tpu.dma_semaphore, #tpu.memory_space<semaphore_mem>>) src(%dma_wait3A_360 : memref<625x128xf32, #tpu.memory_space<vmem_shared>>) dst(%dma_wait3A_358 : memref<625x128xf32, #tpu.memory_space<hbm>>)
      tpu.yield
    }) : () -> ()
    return
  }
}

module attributes {stable_mosaic.version = 14 : i64} {
  func.func @_tc1_body(%arg0: i32, %arg1: memref<1000x128xf32, #tpu.memory_space<vmem>>, %arg2: memref<128x1920xf32, #tpu.memory_space<vmem>>, %arg3: memref<4x256xf32, #tpu.memory_space<vmem>>, %arg4: memref<1000x8xf32, #tpu.memory_space<vmem>>, %arg5: memref<4x1000x128xf32, #tpu.memory_space<vmem>>, %arg6: memref<4x1000x256xbf16, #tpu.memory_space<vmem>>, %arg7: memref<1000x128xf32, #tpu.memory_space<vmem>>) attributes {dimension_semantics = [#tpu.dimension_semantics<arbitrary>], iteration_bounds = array<i64: 10>, scalar_prefetch = 0 : i64, scratch_operands = 0 : i64, tpu.core_type = #tpu.core_type<tc>, window_params = [{transform_indices = @transform_0, window_bounds = array<i64: 1000, 128>}, {pipeline_mode = #tpu.pipeline_mode<synchronous>, transform_indices = @transform_1, window_bounds = array<i64: 128, 1920>}, {pipeline_mode = #tpu.pipeline_mode<synchronous>, transform_indices = @transform_2, window_bounds = array<i64: 4, 256>}, {transform_indices = @transform_3, window_bounds = array<i64: 1000, 8>}, {transform_indices = @transform_4, window_bounds = array<i64: 4, 1000, 128>}, {transform_indices = @transform_5, window_bounds = array<i64: 4, 1000, 256>}, {transform_indices = @transform_6, window_bounds = array<i64: 1000, 128>}]} {
    %get3A = arith.constant 0 : index
    %get3A_0 = arith.constant 0 : index
    %get3A_1 = vector.load %arg1[%get3A, %get3A_0] : memref<1000x128xf32, #tpu.memory_space<vmem>>, vector<1000x128xf32>
    %get3A_2 = arith.constant 0 : index
    %get3A_3 = arith.constant 0 : index
    %get3A_4 = vector.load %arg2[%get3A_2, %get3A_3] : memref<128x1920xf32, #tpu.memory_space<vmem>>, vector<128x1920xf32>
    %dot_general3A = arith.constant dense<0.000000e+00> : vector<1000x1920xf32>
    %dot_general3A_5 = tpu.matmul %get3A_1, %get3A_4, %dot_general3A {dimension_numbers = #tpu.dot_dimension_numbers<[1], [0], [0], [1], [0, 0, 1, 1], [], []>, transpose_lhs_hint = false} : vector<1000x128xf32>, vector<128x1920xf32>, vector<1000x1920xf32> -> vector<1000x1920xf32>
    %get3A_6 = arith.constant 0 : index
    %get3A_7 = arith.constant 0 : index
    %get3A_8 = vector.load %arg4[%get3A_6, %get3A_7] : memref<1000x8xf32, #tpu.memory_space<vmem>>, vector<1000x8xf32>
    %slice3A = vector.extract_strided_slice %get3A_8 {offsets = [0, 0], sizes = [1000, 1], strides = [1, 1]} : vector<1000x8xf32> to vector<1000x1xf32>
    %squeeze3A = vector.shape_cast %slice3A : vector<1000x1xf32> to vector<1000xf32>
    %slice3A_9 = vector.extract_strided_slice %get3A_8 {offsets = [0, 4], sizes = [1000, 1], strides = [1, 1]} : vector<1000x8xf32> to vector<1000x1xf32>
    %squeeze3A_10 = vector.shape_cast %slice3A_9 : vector<1000x1xf32> to vector<1000xf32>
    %add3A = arith.addf %squeeze3A, %squeeze3A_10 : vector<1000xf32>
    %max3A = arith.constant 1.000000e+00 : f32
    %max3A_11 = vector.broadcast %max3A : f32 to vector<1000xf32>
    %max3A_12 = arith.maximumf %add3A, %max3A_11 : vector<1000xf32>
    %div3A = arith.constant 1.000000e+00 : f32
    %div3A_13 = vector.broadcast %div3A : f32 to vector<1000xf32>
    %div3A_14 = arith.divf %div3A_13, %max3A_12 : vector<1000xf32>
    %slice3A_15 = vector.extract_strided_slice %dot_general3A_5 {offsets = [0, 0], sizes = [1000, 128], strides = [1, 1]} : vector<1000x1920xf32> to vector<1000x128xf32>
    %swap3A = arith.constant 0 : index
    %swap3A_16 = arith.constant 0 : index
    %swap3A_17 = arith.constant 0 : index
    %swap3A_18 = vector.load %arg5[%swap3A, %swap3A_16, %swap3A_17] : memref<4x1000x128xf32, #tpu.memory_space<vmem>>, vector<1x1000x128xf32>
    %swap3A_19 = vector.shape_cast %swap3A_18 : vector<1x1000x128xf32> to vector<1000x128xf32>
    %swap3A_20 = vector.shape_cast %slice3A_15 : vector<1000x128xf32> to vector<1x1000x128xf32>
    tpu.vector_store %arg5[%swap3A, %swap3A_16, %swap3A_17], %swap3A_20 {strides = array<i32>} : memref<4x1000x128xf32, #tpu.memory_space<vmem>>, vector<1x1000x128xf32>,
    %slice3A_21 = vector.extract_strided_slice %dot_general3A_5 {offsets = [0, 512], sizes = [1000, 128], strides = [1, 1]} : vector<1000x1920xf32> to vector<1000x128xf32>
    %get3A_22 = arith.constant 0 : index
    %get3A_23 = arith.constant 128 : index
    %get3A_24 = vector.load %arg3[%get3A_22, %get3A_23] : memref<4x256xf32, #tpu.memory_space<vmem>>, vector<1x128xf32>
    %get3A_25 = vector.shape_cast %get3A_24 : vector<1x128xf32> to vector<128xf32>
    %broadcast_in_dim3A = vector.shape_cast %get3A_25 : vector<128xf32> to vector<1x128xf32>
    %add3A_26 = vector.broadcast %broadcast_in_dim3A : vector<1x128xf32> to vector<1000x128xf32>
    %add3A_27 = arith.addf %slice3A_21, %add3A_26 : vector<1000x128xf32>
    %broadcast_in_dim3A_28 = vector.shape_cast %div3A_14 : vector<1000xf32> to vector<1000x1xf32>
    %mul3A = vector.broadcast %broadcast_in_dim3A_28 : vector<1000x1xf32> to vector<1000x128xf32>
    %mul3A_29 = arith.mulf %add3A_27, %mul3A : vector<1000x128xf32>
    %slice3A_30 = vector.extract_strided_slice %dot_general3A_5 {offsets = [0, 1024], sizes = [1000, 128], strides = [1, 1]} : vector<1000x1920xf32> to vector<1000x128xf32>
    %get3A_31 = arith.constant 0 : index
    %get3A_32 = arith.constant 0 : index
    %get3A_33 = vector.load %arg3[%get3A_31, %get3A_32] : memref<4x256xf32, #tpu.memory_space<vmem>>, vector<1x128xf32>
    %get3A_34 = vector.shape_cast %get3A_33 : vector<1x128xf32> to vector<128xf32>
    %broadcast_in_dim3A_35 = vector.shape_cast %get3A_34 : vector<128xf32> to vector<1x128xf32>
    %add3A_36 = vector.broadcast %broadcast_in_dim3A_35 : vector<1x128xf32> to vector<1000x128xf32>
    %add3A_37 = arith.addf %slice3A_30, %add3A_36 : vector<1000x128xf32>
    %broadcast_in_dim3A_38 = vector.shape_cast %div3A_14 : vector<1000xf32> to vector<1000x1xf32>
    %mul3A_39 = vector.broadcast %broadcast_in_dim3A_38 : vector<1000x1xf32> to vector<1000x128xf32>
    %mul3A_40 = arith.mulf %add3A_37, %mul3A_39 : vector<1000x128xf32>
    %convert_element_type3A = arith.truncf %mul3A_29 : vector<1000x128xf32> to vector<1000x128xbf16>
    %swap3A_41 = arith.constant 0 : index
    %swap3A_42 = arith.constant 0 : index
    %swap3A_43 = arith.constant 0 : index
    %swap3A_44 = vector.load %arg6[%swap3A_41, %swap3A_42, %swap3A_43] : memref<4x1000x256xbf16, #tpu.memory_space<vmem>>, vector<1x1000x128xbf16>
    %swap3A_45 = vector.shape_cast %swap3A_44 : vector<1x1000x128xbf16> to vector<1000x128xbf16>
    %swap3A_46 = vector.shape_cast %convert_element_type3A : vector<1000x128xbf16> to vector<1x1000x128xbf16>
    tpu.vector_store %arg6[%swap3A_41, %swap3A_42, %swap3A_43], %swap3A_46 {strides = array<i32>} : memref<4x1000x256xbf16, #tpu.memory_space<vmem>>, vector<1x1000x128xbf16>,
    %convert_element_type3A_47 = arith.truncf %mul3A_40 : vector<1000x128xf32> to vector<1000x128xbf16>
    %swap3A_48 = arith.constant 0 : index
    %swap3A_49 = arith.constant 0 : index
    %swap3A_50 = arith.constant 128 : index
    %swap3A_51 = vector.load %arg6[%swap3A_48, %swap3A_49, %swap3A_50] : memref<4x1000x256xbf16, #tpu.memory_space<vmem>>, vector<1x1000x128xbf16>
    %swap3A_52 = vector.shape_cast %swap3A_51 : vector<1x1000x128xbf16> to vector<1000x128xbf16>
    %swap3A_53 = vector.shape_cast %convert_element_type3A_47 : vector<1000x128xbf16> to vector<1x1000x128xbf16>
    tpu.vector_store %arg6[%swap3A_48, %swap3A_49, %swap3A_50], %swap3A_53 {strides = array<i32>} : memref<4x1000x256xbf16, #tpu.memory_space<vmem>>, vector<1x1000x128xbf16>,
    %slice3A_54 = vector.extract_strided_slice %get3A_8 {offsets = [0, 1], sizes = [1000, 1], strides = [1, 1]} : vector<1000x8xf32> to vector<1000x1xf32>
    %squeeze3A_55 = vector.shape_cast %slice3A_54 : vector<1000x1xf32> to vector<1000xf32>
    %slice3A_56 = vector.extract_strided_slice %get3A_8 {offsets = [0, 5], sizes = [1000, 1], strides = [1, 1]} : vector<1000x8xf32> to vector<1000x1xf32>
    %squeeze3A_57 = vector.shape_cast %slice3A_56 : vector<1000x1xf32> to vector<1000xf32>
    %add3A_58 = arith.addf %squeeze3A_55, %squeeze3A_57 : vector<1000xf32>
    %max3A_59 = arith.constant 1.000000e+00 : f32
    %max3A_60 = vector.broadcast %max3A_59 : f32 to vector<1000xf32>
    %max3A_61 = arith.maximumf %add3A_58, %max3A_60 : vector<1000xf32>
    %div3A_62 = arith.constant 1.000000e+00 : f32
    %div3A_63 = vector.broadcast %div3A_62 : f32 to vector<1000xf32>
    %div3A_64 = arith.divf %div3A_63, %max3A_61 : vector<1000xf32>
    %slice3A_65 = vector.extract_strided_slice %dot_general3A_5 {offsets = [0, 128], sizes = [1000, 128], strides = [1, 1]} : vector<1000x1920xf32> to vector<1000x128xf32>
    %swap3A_66 = arith.constant 1 : index
    %swap3A_67 = arith.constant 0 : index
    %swap3A_68 = arith.constant 0 : index
    %swap3A_69 = vector.load %arg5[%swap3A_66, %swap3A_67, %swap3A_68] : memref<4x1000x128xf32, #tpu.memory_space<vmem>>, vector<1x1000x128xf32>
    %swap3A_70 = vector.shape_cast %swap3A_69 : vector<1x1000x128xf32> to vector<1000x128xf32>
    %swap3A_71 = vector.shape_cast %slice3A_65 : vector<1000x128xf32> to vector<1x1000x128xf32>
    tpu.vector_store %arg5[%swap3A_66, %swap3A_67, %swap3A_68], %swap3A_71 {strides = array<i32>} : memref<4x1000x128xf32, #tpu.memory_space<vmem>>, vector<1x1000x128xf32>,
    %slice3A_72 = vector.extract_strided_slice %dot_general3A_5 {offsets = [0, 640], sizes = [1000, 128], strides = [1, 1]} : vector<1000x1920xf32> to vector<1000x128xf32>
    %get3A_73 = arith.constant 1 : index
    %get3A_74 = arith.constant 128 : index
    %get3A_75 = vector.load %arg3[%get3A_73, %get3A_74] : memref<4x256xf32, #tpu.memory_space<vmem>>, vector<1x128xf32>
    %get3A_76 = vector.shape_cast %get3A_75 : vector<1x128xf32> to vector<128xf32>
    %broadcast_in_dim3A_77 = vector.shape_cast %get3A_76 : vector<128xf32> to vector<1x128xf32>
    %add3A_78 = vector.broadcast %broadcast_in_dim3A_77 : vector<1x128xf32> to vector<1000x128xf32>
    %add3A_79 = arith.addf %slice3A_72, %add3A_78 : vector<1000x128xf32>
    %broadcast_in_dim3A_80 = vector.shape_cast %div3A_64 : vector<1000xf32> to vector<1000x1xf32>
    %mul3A_81 = vector.broadcast %broadcast_in_dim3A_80 : vector<1000x1xf32> to vector<1000x128xf32>
    %mul3A_82 = arith.mulf %add3A_79, %mul3A_81 : vector<1000x128xf32>
    %slice3A_83 = vector.extract_strided_slice %dot_general3A_5 {offsets = [0, 1152], sizes = [1000, 128], strides = [1, 1]} : vector<1000x1920xf32> to vector<1000x128xf32>
    %get3A_84 = arith.constant 1 : index
    %get3A_85 = arith.constant 0 : index
    %get3A_86 = vector.load %arg3[%get3A_84, %get3A_85] : memref<4x256xf32, #tpu.memory_space<vmem>>, vector<1x128xf32>
    %get3A_87 = vector.shape_cast %get3A_86 : vector<1x128xf32> to vector<128xf32>
    %broadcast_in_dim3A_88 = vector.shape_cast %get3A_87 : vector<128xf32> to vector<1x128xf32>
    %add3A_89 = vector.broadcast %broadcast_in_dim3A_88 : vector<1x128xf32> to vector<1000x128xf32>
    %add3A_90 = arith.addf %slice3A_83, %add3A_89 : vector<1000x128xf32>
    %broadcast_in_dim3A_91 = vector.shape_cast %div3A_64 : vector<1000xf32> to vector<1000x1xf32>
    %mul3A_92 = vector.broadcast %broadcast_in_dim3A_91 : vector<1000x1xf32> to vector<1000x128xf32>
    %mul3A_93 = arith.mulf %add3A_90, %mul3A_92 : vector<1000x128xf32>
    %convert_element_type3A_94 = arith.truncf %mul3A_82 : vector<1000x128xf32> to vector<1000x128xbf16>
    %swap3A_95 = arith.constant 1 : index
    %swap3A_96 = arith.constant 0 : index
    %swap3A_97 = arith.constant 0 : index
    %swap3A_98 = vector.load %arg6[%swap3A_95, %swap3A_96, %swap3A_97] : memref<4x1000x256xbf16, #tpu.memory_space<vmem>>, vector<1x1000x128xbf16>
    %swap3A_99 = vector.shape_cast %swap3A_98 : vector<1x1000x128xbf16> to vector<1000x128xbf16>
    %swap3A_100 = vector.shape_cast %convert_element_type3A_94 : vector<1000x128xbf16> to vector<1x1000x128xbf16>
    tpu.vector_store %arg6[%swap3A_95, %swap3A_96, %swap3A_97], %swap3A_100 {strides = array<i32>} : memref<4x1000x256xbf16, #tpu.memory_space<vmem>>, vector<1x1000x128xbf16>,
    %convert_element_type3A_101 = arith.truncf %mul3A_93 : vector<1000x128xf32> to vector<1000x128xbf16>
    %swap3A_102 = arith.constant 1 : index
    %swap3A_103 = arith.constant 0 : index
    %swap3A_104 = arith.constant 128 : index
    %swap3A_105 = vector.load %arg6[%swap3A_102, %swap3A_103, %swap3A_104] : memref<4x1000x256xbf16, #tpu.memory_space<vmem>>, vector<1x1000x128xbf16>
    %swap3A_106 = vector.shape_cast %swap3A_105 : vector<1x1000x128xbf16> to vector<1000x128xbf16>
    %swap3A_107 = vector.shape_cast %convert_element_type3A_101 : vector<1000x128xbf16> to vector<1x1000x128xbf16>
    tpu.vector_store %arg6[%swap3A_102, %swap3A_103, %swap3A_104], %swap3A_107 {strides = array<i32>} : memref<4x1000x256xbf16, #tpu.memory_space<vmem>>, vector<1x1000x128xbf16>,
    %slice3A_108 = vector.extract_strided_slice %get3A_8 {offsets = [0, 2], sizes = [1000, 1], strides = [1, 1]} : vector<1000x8xf32> to vector<1000x1xf32>
    %squeeze3A_109 = vector.shape_cast %slice3A_108 : vector<1000x1xf32> to vector<1000xf32>
    %slice3A_110 = vector.extract_strided_slice %get3A_8 {offsets = [0, 6], sizes = [1000, 1], strides = [1, 1]} : vector<1000x8xf32> to vector<1000x1xf32>
    %squeeze3A_111 = vector.shape_cast %slice3A_110 : vector<1000x1xf32> to vector<1000xf32>
    %add3A_112 = arith.addf %squeeze3A_109, %squeeze3A_111 : vector<1000xf32>
    %max3A_113 = arith.constant 1.000000e+00 : f32
    %max3A_114 = vector.broadcast %max3A_113 : f32 to vector<1000xf32>
    %max3A_115 = arith.maximumf %add3A_112, %max3A_114 : vector<1000xf32>
    %div3A_116 = arith.constant 1.000000e+00 : f32
    %div3A_117 = vector.broadcast %div3A_116 : f32 to vector<1000xf32>
    %div3A_118 = arith.divf %div3A_117, %max3A_115 : vector<1000xf32>
    %slice3A_119 = vector.extract_strided_slice %dot_general3A_5 {offsets = [0, 256], sizes = [1000, 128], strides = [1, 1]} : vector<1000x1920xf32> to vector<1000x128xf32>
    %swap3A_120 = arith.constant 2 : index
    %swap3A_121 = arith.constant 0 : index
    %swap3A_122 = arith.constant 0 : index
    %swap3A_123 = vector.load %arg5[%swap3A_120, %swap3A_121, %swap3A_122] : memref<4x1000x128xf32, #tpu.memory_space<vmem>>, vector<1x1000x128xf32>
    %swap3A_124 = vector.shape_cast %swap3A_123 : vector<1x1000x128xf32> to vector<1000x128xf32>
    %swap3A_125 = vector.shape_cast %slice3A_119 : vector<1000x128xf32> to vector<1x1000x128xf32>
    tpu.vector_store %arg5[%swap3A_120, %swap3A_121, %swap3A_122], %swap3A_125 {strides = array<i32>} : memref<4x1000x128xf32, #tpu.memory_space<vmem>>, vector<1x1000x128xf32>,
    %slice3A_126 = vector.extract_strided_slice %dot_general3A_5 {offsets = [0, 768], sizes = [1000, 128], strides = [1, 1]} : vector<1000x1920xf32> to vector<1000x128xf32>
    %get3A_127 = arith.constant 2 : index
    %get3A_128 = arith.constant 128 : index
    %get3A_129 = vector.load %arg3[%get3A_127, %get3A_128] : memref<4x256xf32, #tpu.memory_space<vmem>>, vector<1x128xf32>
    %get3A_130 = vector.shape_cast %get3A_129 : vector<1x128xf32> to vector<128xf32>
    %broadcast_in_dim3A_131 = vector.shape_cast %get3A_130 : vector<128xf32> to vector<1x128xf32>
    %add3A_132 = vector.broadcast %broadcast_in_dim3A_131 : vector<1x128xf32> to vector<1000x128xf32>
    %add3A_133 = arith.addf %slice3A_126, %add3A_132 : vector<1000x128xf32>
    %broadcast_in_dim3A_134 = vector.shape_cast %div3A_118 : vector<1000xf32> to vector<1000x1xf32>
    %mul3A_135 = vector.broadcast %broadcast_in_dim3A_134 : vector<1000x1xf32> to vector<1000x128xf32>
    %mul3A_136 = arith.mulf %add3A_133, %mul3A_135 : vector<1000x128xf32>
    %slice3A_137 = vector.extract_strided_slice %dot_general3A_5 {offsets = [0, 1280], sizes = [1000, 128], strides = [1, 1]} : vector<1000x1920xf32> to vector<1000x128xf32>
    %get3A_138 = arith.constant 2 : index
    %get3A_139 = arith.constant 0 : index
    %get3A_140 = vector.load %arg3[%get3A_138, %get3A_139] : memref<4x256xf32, #tpu.memory_space<vmem>>, vector<1x128xf32>
    %get3A_141 = vector.shape_cast %get3A_140 : vector<1x128xf32> to vector<128xf32>
    %broadcast_in_dim3A_142 = vector.shape_cast %get3A_141 : vector<128xf32> to vector<1x128xf32>
    %add3A_143 = vector.broadcast %broadcast_in_dim3A_142 : vector<1x128xf32> to vector<1000x128xf32>
    %add3A_144 = arith.addf %slice3A_137, %add3A_143 : vector<1000x128xf32>
    %broadcast_in_dim3A_145 = vector.shape_cast %div3A_118 : vector<1000xf32> to vector<1000x1xf32>
    %mul3A_146 = vector.broadcast %broadcast_in_dim3A_145 : vector<1000x1xf32> to vector<1000x128xf32>
    %mul3A_147 = arith.mulf %add3A_144, %mul3A_146 : vector<1000x128xf32>
    %convert_element_type3A_148 = arith.truncf %mul3A_136 : vector<1000x128xf32> to vector<1000x128xbf16>
    %swap3A_149 = arith.constant 2 : index
    %swap3A_150 = arith.constant 0 : index
    %swap3A_151 = arith.constant 0 : index
    %swap3A_152 = vector.load %arg6[%swap3A_149, %swap3A_150, %swap3A_151] : memref<4x1000x256xbf16, #tpu.memory_space<vmem>>, vector<1x1000x128xbf16>
    %swap3A_153 = vector.shape_cast %swap3A_152 : vector<1x1000x128xbf16> to vector<1000x128xbf16>
    %swap3A_154 = vector.shape_cast %convert_element_type3A_148 : vector<1000x128xbf16> to vector<1x1000x128xbf16>
    tpu.vector_store %arg6[%swap3A_149, %swap3A_150, %swap3A_151], %swap3A_154 {strides = array<i32>} : memref<4x1000x256xbf16, #tpu.memory_space<vmem>>, vector<1x1000x128xbf16>,
    %convert_element_type3A_155 = arith.truncf %mul3A_147 : vector<1000x128xf32> to vector<1000x128xbf16>
    %swap3A_156 = arith.constant 2 : index
    %swap3A_157 = arith.constant 0 : index
    %swap3A_158 = arith.constant 128 : index
    %swap3A_159 = vector.load %arg6[%swap3A_156, %swap3A_157, %swap3A_158] : memref<4x1000x256xbf16, #tpu.memory_space<vmem>>, vector<1x1000x128xbf16>
    %swap3A_160 = vector.shape_cast %swap3A_159 : vector<1x1000x128xbf16> to vector<1000x128xbf16>
    %swap3A_161 = vector.shape_cast %convert_element_type3A_155 : vector<1000x128xbf16> to vector<1x1000x128xbf16>
    tpu.vector_store %arg6[%swap3A_156, %swap3A_157, %swap3A_158], %swap3A_161 {strides = array<i32>} : memref<4x1000x256xbf16, #tpu.memory_space<vmem>>, vector<1x1000x128xbf16>,
    %slice3A_162 = vector.extract_strided_slice %get3A_8 {offsets = [0, 3], sizes = [1000, 1], strides = [1, 1]} : vector<1000x8xf32> to vector<1000x1xf32>
    %squeeze3A_163 = vector.shape_cast %slice3A_162 : vector<1000x1xf32> to vector<1000xf32>
    %slice3A_164 = vector.extract_strided_slice %get3A_8 {offsets = [0, 7], sizes = [1000, 1], strides = [1, 1]} : vector<1000x8xf32> to vector<1000x1xf32>
    %squeeze3A_165 = vector.shape_cast %slice3A_164 : vector<1000x1xf32> to vector<1000xf32>
    %add3A_166 = arith.addf %squeeze3A_163, %squeeze3A_165 : vector<1000xf32>
    %max3A_167 = arith.constant 1.000000e+00 : f32
    %max3A_168 = vector.broadcast %max3A_167 : f32 to vector<1000xf32>
    %max3A_169 = arith.maximumf %add3A_166, %max3A_168 : vector<1000xf32>
    %div3A_170 = arith.constant 1.000000e+00 : f32
    %div3A_171 = vector.broadcast %div3A_170 : f32 to vector<1000xf32>
    %div3A_172 = arith.divf %div3A_171, %max3A_169 : vector<1000xf32>
    %slice3A_173 = vector.extract_strided_slice %dot_general3A_5 {offsets = [0, 384], sizes = [1000, 128], strides = [1, 1]} : vector<1000x1920xf32> to vector<1000x128xf32>
    %swap3A_174 = arith.constant 3 : index
    %swap3A_175 = arith.constant 0 : index
    %swap3A_176 = arith.constant 0 : index
    %swap3A_177 = vector.load %arg5[%swap3A_174, %swap3A_175, %swap3A_176] : memref<4x1000x128xf32, #tpu.memory_space<vmem>>, vector<1x1000x128xf32>
    %swap3A_178 = vector.shape_cast %swap3A_177 : vector<1x1000x128xf32> to vector<1000x128xf32>
    %swap3A_179 = vector.shape_cast %slice3A_173 : vector<1000x128xf32> to vector<1x1000x128xf32>
    tpu.vector_store %arg5[%swap3A_174, %swap3A_175, %swap3A_176], %swap3A_179 {strides = array<i32>} : memref<4x1000x128xf32, #tpu.memory_space<vmem>>, vector<1x1000x128xf32>,
    %slice3A_180 = vector.extract_strided_slice %dot_general3A_5 {offsets = [0, 896], sizes = [1000, 128], strides = [1, 1]} : vector<1000x1920xf32> to vector<1000x128xf32>
    %get3A_181 = arith.constant 3 : index
    %get3A_182 = arith.constant 128 : index
    %get3A_183 = vector.load %arg3[%get3A_181, %get3A_182] : memref<4x256xf32, #tpu.memory_space<vmem>>, vector<1x128xf32>
    %get3A_184 = vector.shape_cast %get3A_183 : vector<1x128xf32> to vector<128xf32>
    %broadcast_in_dim3A_185 = vector.shape_cast %get3A_184 : vector<128xf32> to vector<1x128xf32>
    %add3A_186 = vector.broadcast %broadcast_in_dim3A_185 : vector<1x128xf32> to vector<1000x128xf32>
    %add3A_187 = arith.addf %slice3A_180, %add3A_186 : vector<1000x128xf32>
    %broadcast_in_dim3A_188 = vector.shape_cast %div3A_172 : vector<1000xf32> to vector<1000x1xf32>
    %mul3A_189 = vector.broadcast %broadcast_in_dim3A_188 : vector<1000x1xf32> to vector<1000x128xf32>
    %mul3A_190 = arith.mulf %add3A_187, %mul3A_189 : vector<1000x128xf32>
    %slice3A_191 = vector.extract_strided_slice %dot_general3A_5 {offsets = [0, 1408], sizes = [1000, 128], strides = [1, 1]} : vector<1000x1920xf32> to vector<1000x128xf32>
    %get3A_192 = arith.constant 3 : index
    %get3A_193 = arith.constant 0 : index
    %get3A_194 = vector.load %arg3[%get3A_192, %get3A_193] : memref<4x256xf32, #tpu.memory_space<vmem>>, vector<1x128xf32>
    %get3A_195 = vector.shape_cast %get3A_194 : vector<1x128xf32> to vector<128xf32>
    %broadcast_in_dim3A_196 = vector.shape_cast %get3A_195 : vector<128xf32> to vector<1x128xf32>
    %add3A_197 = vector.broadcast %broadcast_in_dim3A_196 : vector<1x128xf32> to vector<1000x128xf32>
    %add3A_198 = arith.addf %slice3A_191, %add3A_197 : vector<1000x128xf32>
    %broadcast_in_dim3A_199 = vector.shape_cast %div3A_172 : vector<1000xf32> to vector<1000x1xf32>
    %mul3A_200 = vector.broadcast %broadcast_in_dim3A_199 : vector<1000x1xf32> to vector<1000x128xf32>
    %mul3A_201 = arith.mulf %add3A_198, %mul3A_200 : vector<1000x128xf32>
    %convert_element_type3A_202 = arith.truncf %mul3A_190 : vector<1000x128xf32> to vector<1000x128xbf16>
    %swap3A_203 = arith.constant 3 : index
    %swap3A_204 = arith.constant 0 : index
    %swap3A_205 = arith.constant 0 : index
    %swap3A_206 = vector.load %arg6[%swap3A_203, %swap3A_204, %swap3A_205] : memref<4x1000x256xbf16, #tpu.memory_space<vmem>>, vector<1x1000x128xbf16>
    %swap3A_207 = vector.shape_cast %swap3A_206 : vector<1x1000x128xbf16> to vector<1000x128xbf16>
    %swap3A_208 = vector.shape_cast %convert_element_type3A_202 : vector<1000x128xbf16> to vector<1x1000x128xbf16>
    tpu.vector_store %arg6[%swap3A_203, %swap3A_204, %swap3A_205], %swap3A_208 {strides = array<i32>} : memref<4x1000x256xbf16, #tpu.memory_space<vmem>>, vector<1x1000x128xbf16>,
    %convert_element_type3A_209 = arith.truncf %mul3A_201 : vector<1000x128xf32> to vector<1000x128xbf16>
    %swap3A_210 = arith.constant 3 : index
    %swap3A_211 = arith.constant 0 : index
    %swap3A_212 = arith.constant 128 : index
    %swap3A_213 = vector.load %arg6[%swap3A_210, %swap3A_211, %swap3A_212] : memref<4x1000x256xbf16, #tpu.memory_space<vmem>>, vector<1x1000x128xbf16>
    %swap3A_214 = vector.shape_cast %swap3A_213 : vector<1x1000x128xbf16> to vector<1000x128xbf16>
    %swap3A_215 = vector.shape_cast %convert_element_type3A_209 : vector<1000x128xbf16> to vector<1x1000x128xbf16>
    tpu.vector_store %arg6[%swap3A_210, %swap3A_211, %swap3A_212], %swap3A_215 {strides = array<i32>} : memref<4x1000x256xbf16, #tpu.memory_space<vmem>>, vector<1x1000x128xbf16>,
    %slice3A_216 = vector.extract_strided_slice %dot_general3A_5 {offsets = [0, 1536], sizes = [1000, 128], strides = [1, 1]} : vector<1000x1920xf32> to vector<1000x128xf32>
    %slice3A_217 = vector.extract_strided_slice %dot_general3A_5 {offsets = [0, 1664], sizes = [1000, 128], strides = [1, 1]} : vector<1000x1920xf32> to vector<1000x128xf32>
    %slice3A_218 = vector.extract_strided_slice %dot_general3A_5 {offsets = [0, 1792], sizes = [1000, 128], strides = [1, 1]} : vector<1000x1920xf32> to vector<1000x128xf32>
    %mul3A_219 = arith.mulf %slice3A_218, %slice3A_216 : vector<1000x128xf32>
    %add3A_220 = arith.addf %mul3A_219, %slice3A_217 : vector<1000x128xf32>
    %max3A_221 = arith.constant 0.000000e+00 : f32
    %max3A_222 = vector.broadcast %max3A_221 : f32 to vector<1000x128xf32>
    %max3A_223 = arith.maximumf %add3A_220, %max3A_222 : vector<1000x128xf32>
    %swap3A_224 = arith.constant 0 : index
    %swap3A_225 = arith.constant 0 : index
    %swap3A_226 = vector.load %arg7[%swap3A_224, %swap3A_225] : memref<1000x128xf32, #tpu.memory_space<vmem>>, vector<1000x128xf32>
    tpu.vector_store %arg7[%swap3A_224, %swap3A_225], %max3A_223 {strides = array<i32>} : memref<1000x128xf32, #tpu.memory_space<vmem>>, vector<1000x128xf32>,
    return
  }
  func.func @transform_0(%arg0: i32) -> (i32, i32) {
    %c0_i32 = arith.constant 0 : i32
    %c0_i32_0 = arith.constant 0 : i32
    return %arg0, %c0_i32 : i32, i32
  }
  func.func @transform_1(%arg0: i32) -> (i32, i32) {
    %c0_i32 = arith.constant 0 : i32
    %c0_i32_0 = arith.constant 0 : i32
    %c0_i32_1 = arith.constant 0 : i32
    return %c0_i32, %c0_i32_0 : i32, i32
  }
  func.func @transform_2(%arg0: i32) -> (i32, i32) {
    %c0_i32 = arith.constant 0 : i32
    %c0_i32_0 = arith.constant 0 : i32
    %c0_i32_1 = arith.constant 0 : i32
    return %c0_i32, %c0_i32_0 : i32, i32
  }
  func.func @transform_3(%arg0: i32) -> (i32, i32) {
    %c0_i32 = arith.constant 0 : i32
    %c0_i32_0 = arith.constant 0 : i32
    return %arg0, %c0_i32 : i32, i32
  }
  func.func @transform_4(%arg0: i32) -> (i32, i32, i32) {
    %c0_i32 = arith.constant 0 : i32
    %c0_i32_0 = arith.constant 0 : i32
    %c0_i32_1 = arith.constant 0 : i32
    return %c0_i32, %arg0, %c0_i32_0 : i32, i32, i32
  }
  func.func @transform_5(%arg0: i32) -> (i32, i32, i32) {
    %c0_i32 = arith.constant 0 : i32
    %c0_i32_0 = arith.constant 0 : i32
    %c0_i32_1 = arith.constant 0 : i32
    return %c0_i32, %arg0, %c0_i32_0 : i32, i32, i32
  }
  func.func @transform_6(%arg0: i32) -> (i32, i32) {
    %c0_i32 = arith.constant 0 : i32
    %c0_i32_0 = arith.constant 0 : i32
    return %arg0, %c0_i32 : i32, i32
  }
}

module attributes {stable_mosaic.version = 14 : i64} {
  func.func @_tc2_body(%arg0: i32, %arg1: memref<1000x128xf32, #tpu.memory_space<vmem>>, %arg2: memref<2x1000x128xf32, #tpu.memory_space<vmem>>, %arg3: memref<128x128xf32, #tpu.memory_space<vmem>>, %arg4: memref<1x128xf32, #tpu.memory_space<vmem>>, %arg5: memref<1000x128xf32, #tpu.memory_space<vmem>>) attributes {dimension_semantics = [#tpu.dimension_semantics<arbitrary>], iteration_bounds = array<i64: 10>, scalar_prefetch = 0 : i64, scratch_operands = 0 : i64, tpu.core_type = #tpu.core_type<tc>, window_params = [{transform_indices = @transform_0, window_bounds = array<i64: 1000, 128>}, {transform_indices = @transform_1, window_bounds = array<i64: 2, 1000, 128>}, {pipeline_mode = #tpu.pipeline_mode<synchronous>, transform_indices = @transform_2, window_bounds = array<i64: 128, 128>}, {pipeline_mode = #tpu.pipeline_mode<synchronous>, transform_indices = @transform_3, window_bounds = array<i64: 1, 128>}, {transform_indices = @transform_4, window_bounds = array<i64: 1000, 128>}]} {
    %get3A = arith.constant 0 : index
    %get3A_0 = arith.constant 0 : index
    %get3A_1 = vector.load %arg1[%get3A, %get3A_0] : memref<1000x128xf32, #tpu.memory_space<vmem>>, vector<1000x128xf32>
    %get3A_2 = arith.constant 0 : index
    %get3A_3 = arith.constant 0 : index
    %get3A_4 = arith.constant 0 : index
    %get3A_5 = vector.load %arg2[%get3A_2, %get3A_3, %get3A_4] : memref<2x1000x128xf32, #tpu.memory_space<vmem>>, vector<1x1000x128xf32>
    %get3A_6 = vector.shape_cast %get3A_5 : vector<1x1000x128xf32> to vector<1000x128xf32>
    %add3A = arith.addf %get3A_1, %get3A_6 : vector<1000x128xf32>
    %get3A_7 = arith.constant 1 : index
    %get3A_8 = arith.constant 0 : index
    %get3A_9 = arith.constant 0 : index
    %get3A_10 = vector.load %arg2[%get3A_7, %get3A_8, %get3A_9] : memref<2x1000x128xf32, #tpu.memory_space<vmem>>, vector<1x1000x128xf32>
    %get3A_11 = vector.shape_cast %get3A_10 : vector<1x1000x128xf32> to vector<1000x128xf32>
    %add3A_12 = arith.addf %add3A, %get3A_11 : vector<1000x128xf32>
    %mul3A = arith.constant 5.000000e-01 : f32
    %mul3A_13 = vector.broadcast %mul3A : f32 to vector<1000x128xf32>
    %mul3A_14 = arith.mulf %mul3A_13, %add3A_12 : vector<1000x128xf32>
    %mul3A_15 = arith.constant 0.707106769 : f32
    %mul3A_16 = vector.broadcast %mul3A_15 : f32 to vector<1000x128xf32>
    %mul3A_17 = arith.mulf %add3A_12, %mul3A_16 : vector<1000x128xf32>
    %erf3A = math.erf %mul3A_17 : vector<1000x128xf32>
    %add3A_18 = arith.constant 1.000000e+00 : f32
    %add3A_19 = vector.broadcast %add3A_18 : f32 to vector<1000x128xf32>
    %add3A_20 = arith.addf %add3A_19, %erf3A : vector<1000x128xf32>
    %mul3A_21 = arith.mulf %mul3A_14, %add3A_20 : vector<1000x128xf32>
    %get3A_22 = arith.constant 0 : index
    %get3A_23 = arith.constant 0 : index
    %get3A_24 = vector.load %arg3[%get3A_22, %get3A_23] : memref<128x128xf32, #tpu.memory_space<vmem>>, vector<128x128xf32>
    %dot_general3A = arith.constant dense<0.000000e+00> : vector<1000x128xf32>
    %dot_general3A_25 = tpu.matmul %mul3A_21, %get3A_24, %dot_general3A {dimension_numbers = #tpu.dot_dimension_numbers<[1], [0], [0], [1], [0, 0, 1, 1], [], []>, transpose_lhs_hint = false} : vector<1000x128xf32>, vector<128x128xf32>, vector<1000x128xf32> -> vector<1000x128xf32>
    %get3A_26 = arith.constant 0 : index
    %get3A_27 = arith.constant 0 : index
    %get3A_28 = vector.load %arg4[%get3A_26, %get3A_27] : memref<1x128xf32, #tpu.memory_space<vmem>>, vector<1x128xf32>
    %add3A_29 = vector.broadcast %get3A_28 : vector<1x128xf32> to vector<1000x128xf32>
    %add3A_30 = arith.addf %dot_general3A_25, %add3A_29 : vector<1000x128xf32>
    %swap3A = arith.constant 0 : index
    %swap3A_31 = arith.constant 0 : index
    %swap3A_32 = vector.load %arg5[%swap3A, %swap3A_31] : memref<1000x128xf32, #tpu.memory_space<vmem>>, vector<1000x128xf32>
    tpu.vector_store %arg5[%swap3A, %swap3A_31], %add3A_30 {strides = array<i32>} : memref<1000x128xf32, #tpu.memory_space<vmem>>, vector<1000x128xf32>,
    return
  }
  func.func @transform_0(%arg0: i32) -> (i32, i32) {
    %c0_i32 = arith.constant 0 : i32
    %c0_i32_0 = arith.constant 0 : i32
    return %arg0, %c0_i32 : i32, i32
  }
  func.func @transform_1(%arg0: i32) -> (i32, i32, i32) {
    %c0_i32 = arith.constant 0 : i32
    %c0_i32_0 = arith.constant 0 : i32
    %c0_i32_1 = arith.constant 0 : i32
    return %c0_i32, %arg0, %c0_i32_0 : i32, i32, i32
  }
  func.func @transform_2(%arg0: i32) -> (i32, i32) {
    %c0_i32 = arith.constant 0 : i32
    %c0_i32_0 = arith.constant 0 : i32
    %c0_i32_1 = arith.constant 0 : i32
    return %c0_i32, %c0_i32_0 : i32, i32
  }
  func.func @transform_3(%arg0: i32) -> (i32, i32) {
    %c0_i32 = arith.constant 0 : i32
    %c0_i32_0 = arith.constant 0 : i32
    %c0_i32_1 = arith.constant 0 : i32
    return %c0_i32, %c0_i32_0 : i32, i32
  }
  func.func @transform_4(%arg0: i32) -> (i32, i32) {
    %c0_i32 = arith.constant 0 : i32
    %c0_i32_0 = arith.constant 0 : i32
    return %arg0, %c0_i32 : i32, i32
  }
}

</mosaic_0001>

<sc_bundles>
// kernel: kernel.6.cloned.1.call-start
scs
__scs_entry_jumppad:
0x0: {  	(pc) =	sbr.rel $0x88, $3  }
0x1: {  	(tag) =	ssettag $0x0;
	lr =	simm.s32 $0x1  }
0x2: {  	[smem:$0x3F97] =	sst lr;
	_ =	strace $0xD0000000  }
0x3: {  	_ = 	snop  }
0x4: {  	_ = 	snop  }
0x5: {  	_ = 	snop  }
0x6: {  	_ = 	snop  }
0x7: {  	_ = 	snop  }
__scs_overlays_trampoline_lowered:
0x8: {  	[smem:$0x3FA6] =	sst s0  }
0x9: {  	[smem:$0x3FA7] =	sst s1  }
0xa: {  	[smem:$0x3FA8] =	sst s2  }
0xb: {  	[smem:$0x3FA9] =	sst s3  }
0xc: {  	[smem:$0x3FAA] =	sst s4  }
0xd: {  	[smem:$0x3FAB] =	sst s5  }
0xe: {  	[smem:$0x3FAC] =	sst s6  }
0xf: {  	[smem:$0x3FAD] =	sst s7  }
0x10: {  	[smem:$0x3FAE] =	sst s8  }
0x11: {  	[smem:$0x3FAF] =	sst s9;
	s0 =	simm.s32 @!p0 $0x0  }
0x12: {  	s1 =	sld [smem:$0x3F95];
	s0 =	simm.s32 @p0 $0x1  }
0x13: {  	[smem:$0x3FB0] =	sst s0;
	s0 =	simm.s32 @!p1 $0x0  }
0x14: {  	s2 =	sld [smem:$0x3F94];
	s0 =	simm.s32 @p1 $0x1  }
0x15: {  	[smem:$0x3FB1] =	sst s0;
	s0 =	simm.s32 @!p2 $0x0  }
0x16: {  	s3 =	sld [smem:$0x3FDB];
	s0 =	simm.s32 @p2 $0x1  }
0x17: {  	s4 =	simm.s32 $0x1BF5;
	[smem:$0x3FB3] =	sst s0  }
0x18: {  	s0 =	sld [smem:$0x3F96];
	_ =	swait.ge [sflag:s4], $0x0  }
0x19: {  	s7 =	sld [smem:$0x3F97]  }
0x1a: {  	s8 =	sadd.s32 $0xFFFFE003, lr  }
0x1b: {  	s9 =	sadd.s32 $0xFFFFFEF7, lr;
	s5 =	simm.s32 $0xFFFFFFFF;
	p2 =	slt.u32 s8, $0xFFFFF086  }
0x1c: {  	p1 =	slt.u32 s9, $0xF7A;
	s5 =	simm.s32 @!p2 $0x0  }
0x1d: {  	s5 =	simm.s32 @p1 $0x1;
	p0 =	seq.s32 s7, s2  }
0x1e: {  	s7 =	smul.u32 @!p0 $0xF7A, s2;
	p2 =	seq.s32 @!p0 s5, $0x0  }
0x1f: {  	s9 =	smul.u32 $0xF7A, s1;
	s8 =	simm.s32 @!p0 $0x1BF5;
	p2 =	por !p2, p0  }
0x20: {  	[sflag:s8] =	ssyncset.s32 @!p0 $0xFFFFF086;
	s6 =	sadd.s32 @!p0 s3, s7;
	s7 =	simm.s32 @!p0 $0x108  }
0x21: {  	s3 =	sadd.s32 s3, s9;
	s6 =	sadd.s32 @!p0 $0x88, s6;
	s7 =	simm.s32 @p2 $0x1082  }
0x22: {  	[simem:s7], [sflag:s8] =	dma.local @!p0 [hbm:s6], $0xF7A  }
0x23: {  	s9 =	sor.u32 $0xD0000000, s2;
	s6 =	simm.s32 $0x108;
	_ =	swait.ge @!p0 [sflag:s8], $0x0  }
0x24: {  	s3 =	sadd.s32 $0x88, s3;
	s6 =	simm.s32 @!p1 $0x1082;
	[sflag:s4] =	ssyncset.s32 $0xFFFFF086  }
0x25: {  	[simem:s6], [sflag:s4] =	dma.local [hbm:s3], $0xF7A  }
0x26: {  	[smem:$0x3F97] =	sst s1;
	(tag) =	ssettag s2;
	_ =	strace s9  }
0x27: {  	s1 =	sld [smem:$0x3FA7]  }
0x28: {  	s2 =	sld [smem:$0x3FA8]  }
0x29: {  	s4 =	sld [smem:$0x3FAA]  }
0x2a: {  	p0 =	seq.s32 s5, $0x0;
	s5 =	sld [smem:$0x3FAB]  }
0x2b: {  	s6 =	sld [smem:$0x3FAC]  }
0x2c: {  	s7 =	sld [smem:$0x3FAD]  }
0x2d: {  	s3 =	simm.s32 $0x108;
	s8 =	sld [smem:$0x3FAE]  }
0x2e: {  	s3 =	simm.s32 @!p0 $0x1082;
	s9 =	sld [smem:$0x3FAF]  }
0x2f: {  	lr =	sadd.s32 s0, s3;
	s0 =	sld [smem:$0x3FA6]  }
0x30: {  	s3 =	sld [smem:$0x3FA9]  }
0x31: {  	[smem:$0x3FB2] =	sst s10  }
0x32: {  	s10 =	sld [smem:$0x3FB0];
	_ =	sdelay $0x3  }
0x33: {  	p0 =	seq.s32 s10, $0x1;
	s10 =	sld [smem:$0x3FB2];
	_ =	sdelay $0x3  }
0x34: {  	[smem:$0x3FB2] =	sst s10  }
0x35: {  	s10 =	sld [smem:$0x3FB1];
	_ =	sdelay $0x3  }
0x36: {  	p1 =	seq.s32 s10, $0x1;
	s10 =	sld [smem:$0x3FB2];
	_ =	sdelay $0x3  }
0x37: {  	[smem:$0x3FB2] =	sst s10  }
0x38: {  	s10 =	sld [smem:$0x3FB3]  }
0x39: {  	_ = 	snop;
	(pc) =	sbr.ind lr, $3  }
0x3a: {  	_ = 	snop  }
0x3b: {  	_ = 	snop  }
0x3c: {  	p2 =	seq.s32 s10, $0x1;
	s10 =	sld [smem:$0x3FB2]  }
0x3d: {  	_ =	shalt  }
0x3e: {  	_ =	shalt  }
0x3f: {  	_ =	shalt  }
0x40: {  	_ =	shalt  }
0x41: {  	_ =	shalt  }
0x42: {  	_ =	shalt  }
0x43: {  	_ =	shalt  }
0x44: {  	_ =	shalt  }
0x45: {  	_ =	shalt  }
0x46: {  	_ =	shalt  }
0x47: {  	_ =	shalt  }
0x48: {  	_ =	shalt  }
0x49: {  	_ =	shalt  }
0x4a: {  	_ =	shalt  }
0x4b: {  	_ =	shalt  }
0x4c: {  	_ =	shalt  }
0x4d: {  	_ =	shalt  }
0x4e: {  	_ =	shalt  }
0x4f: {  	_ =	shalt  }
0x50: {  	_ =	shalt  }
0x51: {  	_ =	shalt  }
0x52: {  	_ =	shalt  }
0x53: {  	_ =	shalt  }
0x54: {  	_ =	shalt  }
0x55: {  	_ =	shalt  }
0x56: {  	_ =	shalt  }
0x57: {  	_ =	shalt  }
0x58: {  	_ =	shalt  }
0x59: {  	_ =	shalt  }
0x5a: {  	_ =	shalt  }
0x5b: {  	_ =	shalt  }
0x5c: {  	_ =	shalt  }
0x5d: {  	_ =	shalt  }
0x5e: {  	_ =	shalt  }
0x5f: {  	_ =	shalt  }
0x60: {  	_ =	shalt  }
0x61: {  	_ =	shalt  }
0x62: {  	_ =	shalt  }
0x63: {  	_ =	shalt  }
0x64: {  	_ =	shalt  }
0x65: {  	_ =	shalt  }
0x66: {  	_ =	shalt  }
0x67: {  	_ =	shalt  }
0x68: {  	_ =	shalt  }
0x69: {  	_ =	shalt  }
0x6a: {  	_ =	shalt  }
0x6b: {  	_ =	shalt  }
0x6c: {  	_ =	shalt  }
0x6d: {  	_ =	shalt  }
0x6e: {  	_ =	shalt  }
0x6f: {  	_ =	shalt  }
0x70: {  	_ =	shalt  }
0x71: {  	_ =	shalt  }
0x72: {  	_ =	shalt  }
0x73: {  	_ =	shalt  }
0x74: {  	_ =	shalt  }
0x75: {  	_ =	shalt  }
0x76: {  	_ =	shalt  }
0x77: {  	_ =	shalt  }
0x78: {  	_ =	shalt  }
0x79: {  	_ =	shalt  }
0x7a: {  	_ =	shalt  }
0x7b: {  	_ =	shalt  }
0x7c: {  	_ =	shalt  }
0x7d: {  	_ =	shalt  }
0x7e: {  	_ =	shalt  }
0x7f: {  	_ =	shalt  }
0x80: {  	_ =	shalt  }
0x81: {  	_ =	shalt  }
0x82: {  	_ =	shalt  }
0x83: {  	_ =	shalt  }
0x84: {  	_ =	shalt  }
0x85: {  	_ =	shalt  }
0x86: {  	_ =	shalt  }
0x87: {  	_ =	shalt  }
.Lfunc_end0:
.L_simem_size_0:
called_computation.1_lowered:
.L_overlay_start_0:
0x88: {  	s2 =	sld [smem:$0x3FD9]  }
0x89: {  	s3 =	sld [smem:$0x3FFE];
	_ =	sdelay $0x1  }
0x8a: {  	s1 =	srdreg.scid  }
0x8b: {  	s0 =	sand.u32 $0x1, s1  }
0x8c: {  	s17 =	sshll.u32 s0, $0xA;
	s2 =	sadd.s32 s3, s2  }
0x8d: {  	s2 =	sadd.s32 s2, s17  }
0x8e: {  	[smem:$0x3FBE] =	sst s2  }
0x8f: {  	_ = 	snop  }
0x90: {  	s2 =	sld [smem:$0x3FC7]  }
0x91: {  	s18 =	sld [smem:$0x3FD0];
	(tm) =	ssettm $0x1  }
0x92: {  	s4 =	sld [smem:$0x3FFB];
	_ =	sdelay $0x3  }
0x93: {  	_ =	strace s4  }
0x94: {  	s4 =	sld [smem:$0x3FFC];
	_ =	sdelay $0x3  }
0x95: {  	_ =	strace s4  }
0x96: {  	s4 =	sld [smem:$0x3FFD];
	_ =	sdelay $0x3  }
0x97: {  	_ =	strace s4  }
0x98: {  	_ =	strace $0x8FFFFFFF  }
0x99: {  	s19 =	sld [smem:$0x3FDB];
	_ =	sdelay $0x1  }
0x9a: {  	s5 =	simm.s32 $_scs_section_size  }
0x9b: {  	s6 =	simm.s32 $_size__tile_overlayer_lowered;
	s7 =	simm.s32 $_tile_overlayer_lowered  }
0x9c: {  	s22 =	simm.s32 $0x1BFF;
	s21 =	sshll.u32 s7, $0x1;
	s4 =	sadd.s32 s5, s19  }
0x9d: {  	s8 =	simm.s32 $0x0;
	s20 =	sshll.u32 s6, $0x1;
	s6 =	sadd.s32 s21, s4  }
0x9e: {  	[timem:s8], [sflag:s22] =	dma.local [hbm:s6], s20  }
0x9f: {  	_ =	swait.ge [sflag:s22], s20  }
0xa0: {  	s5 =	ssub.s32 $0x0, s20;
	[sflag:s22] =	ssyncset.done $0x0  }
0xa1: {  	[sflag:s22] =	ssyncadd.s32 s5;
	_ =	sdelay $0x1  }
0xa2: {  	s23 =	simm.s32 $0x1B8B  }
0xa3: {  	_ =	swait.ge [sflag:s23], $0x1  }
0xa4: {  	[sflag:s23] =	ssyncset.done $0x0  }
0xa5: {  	s25 =	simm.s32 $0x1B8E;
	s24 =	sld [smem:$0x3FFE];
	[sflag:s23] =	ssyncadd.s32 $0xFFFFFFFF  }
0xa6: {  	s26 =	simm.s32 $execute0_lowered;
	[smem:$0x3FD2] =	sst s25  }
0xa7: {  	s6 =	sshll.u32 s26, $0x1;
	_ =	strace $0x80000046;
	[dreg:$0x1] =	wrdreg $0xFFFFFFFF  }
0xa8: {  	s28 =	simm.s32 $_size_execute0_lowered;
	s4 =	sadd.s32 s4, s6;
	[dreg:$0x0] =	wrdreg $0x0  }
0xa9: {  	s6 =	sshll.u32 s28, $0x1;
	[dreg:$0x2] =	wrdreg s4  }
0xaa: {  	[dreg:$0x3] =	wrdreg s6  }
0xab: {  	[dreg:$0x4] =	wrdreg $0xC0  }
0xac: {  	_ =	task [dreg:s8], $0x5FFFF  }
0xad: {  	[dreg:$0x1] =	wrdreg $0xFFFFFFFF  }
0xae: {  	[dreg:$0x0] =	wrdreg $0x60  }
0xaf: {  	[dreg:$0x2] =	wrdreg s2  }
0xb0: {  	[dreg:$0x3] =	wrdreg s24  }
0xb1: {  	[dreg:$0x4] =	wrdreg s18  }
0xb2: {  	[dreg:$0x5] =	wrdreg $0x2000  }
0xb3: {  	[dreg:$0x6] =	wrdreg $0x9  }
0xb4: {  	_ =	task.clear_ibuf [dreg:s8], $0x7FFFF;
	_ =	strace $0x90000046  }
0xb5: {  	s29 =	simm.s32 $0x9;
	_ =	strace $0x80000048  }
0xb6: {  	_ =	swait.ge [sflag:s29], $0x1  }
0xb7: {  	[sflag:s29] =	ssyncadd.s32 $0xFFFFFFFF  }
0xb8: {  	_ =	strace $0x90000048  }
0xb9: {  	_ =	sfence  }
0xba: {  	s30 =	sld [smem:$0x0];
	_ =	sdelay $0x2  }
0xbb: {  	s31 =	sshll.u32 s1, $0xD;
	s1 =	sshrl.u32 s1, $0x2  }
0xbc: {  	s3 =	sand.u32 $0x4000, s31;
	s1 =	sadd.s32 s1, s30  }
0xbd: {  	s0 =	sor.u32 s3, s0;
	s1 =	sshll.u32 s1, $0x11  }
0xbe: {  	s0 =	sor.u32 s1, s0  }
0xbf: {  	s0 =	sadd.s32 $0x8F2B, s0  }
0xc0: {  	[sflag:s0] =	ssyncadd.remote.s32 $0x1  }
0xc1: {  	_ =	sfence.sel $0xFFFF  }
0xc2: {  	[dreg:$0x0] =	wrdreg $0xFFFFFFFF;
	(pc) =	sbr.abs _section_cstart, $3  }
0xc3: {  	[dreg:$0x1] =	wrdreg $0xFFFFFFFF  }
0xc4: {  	_ =	task.clear_ibuf [dreg:s8], $0x2FFFF;
	_ =	strace $0x9FFFFFFF  }
0xc5: {  	(tm) =	ssettm $0x7FFFFFFF  }
tec
execute0_lowered:
.L_overlay_start_1:
0x0: {  	(tag) =	ssettag $0x1  }
0x1: {  	s8 =	rddreg [dreg:$0x0]  }
0x2: {  	s4 =	rddreg [dreg:$0x1]  }
0x3: {  	s0 =	srdreg.scid;
	s5 =	rddreg [dreg:$0x2]  }
0x4: {  	s15 =	stileid.u32;
	s1 =	rddreg [dreg:$0x3]  }
0x5: {  	s2 =	simm.s32 $0x0;
	s13 =	simm.s32 $0x50;
	s14 =	simm.s32 $0x100  }
0x6: {  	s3 =	sand.u32 $0x1, s0;
	s7 =	smul.u32 $0x2710, s15;
	s0 =	rddreg [dreg:$0x4]  }
0x7: {  	s17 =	simm.s32 $0x0;
	[smem:$0x7FF] =	sst s2;
	s11 =	smul.u32 $0x2800, s15  }
0x8: {  	p0 =	sne.s32 s15, $0x0;
	s6 =	smul.u32 $0x27100, s3;
	s9 =	sshll.u32 s3, $0x4  }
0x9: {  	_ =	strace $0x80000047;
	s10 =	ssub.s32 $0x2, s3;
	s3 =	sadd.s32 $0xDA00, s4  }
0xa: {  	s26 =	sor.u32 s15, s9;
	s12 =	sshrl.u32 s10, $0x1;
	s31 =	sshrl.u32 s11, $0x2  }
0xb: {  	s9 =	simm.s32 $0x180;
	s11 =	sshrl.u32 @!p0 s1, $0x3;
	s15 =	sshll.u32 s15, $0x6  }
0xc: {  	s6 =	sadd.s32 s7, s6;
	s29 =	smul.u32 $0x140, s26;
	s10 =	ssub.s32 s10, s12  }
0xd: {  	s16 =	sadd.s32 s31, s1;
	s12 =	simm.s32 $0x80;
	s15 =	sor.u32 $0x1C01, s15  }
0xe: {  	s28 =	sshrl.u32 s6, $0x3;
	s6 =	smax.u32 s10, $0x1;
	s10 =	simm.s32 $0x1  }
0xf: {  	s16 =	sshrl.u32 s16, $0x3;
	s30 =	sadd.s32 s28, s4;
	s4 =	sadd.s32 $0xC600, s4  }
0x10: {  	s5 =	sadd.s32 s5, s29;
	s8 =	sadd.s32 s28, s8;
	s7 =	sadd.s32 $0x2800, s30  }
.LBB2_1:
0x11: {  	[tilespmem:s9], [sflag:$0x1] =	stream.linear.gather [hbm4b:s3+s2], $0x80, $0x38;
	[tilespmem:$0xC00] =	vst v63  }
0x12: {  	_ =	swait.ge [sflag:s10], $0x80  }
0x13: {  	[sflag:s10] =	ssyncset.done $0x0  }
0x14: {  	s18 =	simm.s32 @!p0 $0x1C01;
	[sflag:s10] =	ssyncadd.s32 $0xFFFFFF80  }
0x15: {  	[spmem:s11], [sflag:s18] =	dma.local @!p0 [hbm:s4], $0x1400  }
0x16: {  	s18 =	simm.s32 @!p0 $0x1  }
0x17: {  	_ =	swait.ge @!p0 [sflag:s18], $0x1400  }
0x18: {  	[sflag:s18] =	ssyncset.done @!p0 $0x0  }
0x19: {  	[sflag:s18] =	ssyncadd.s32 @!p0 $0xFFFFEC00  }
0x1a: {  	s30 =	sadd.s32 $0x0, s8;
	[bflag:$0x0] =	sbarrier.arrive $0xFFFF  }
0x1b: {  	[tilespmem:s2], [sflag:$0x1] =	stream.linear.gather [hbm4b:s30+s2], $0x50, $0x38;
	[tilespmem:$0xC00] =	vst v63  }
0x1c: {  	_ =	swait.ge [sflag:s10], $0x50  }
0x1d: {  	[sflag:s10] =	ssyncset.done $0x0  }
0x1e: {  	s31 =	sadd.s32 $0x0, s7;
	[sflag:s10] =	ssyncadd.s32 $0xFFFFFFB0  }
0x1f: {  	[tilespmem:s12], [sflag:$0x1] =	stream.linear.gather [hbm4b:s31+s2], $0x50, $0x38;
	[tilespmem:$0xC00] =	vst v63  }
0x20: {  	_ =	swait.ge [sflag:s10], $0x50  }
0x21: {  	[sflag:s10] =	ssyncset.done $0x0  }
0x22: {  	[sflag:s10] =	ssyncadd.s32 $0xFFFFFFB0  }
0x23: {  	v2 =	vld [tilespmem:$0x30]  }
0x24: {  	v4 =	vld [tilespmem:$0x0]  }
0x25: {  	v0 =	vld [tilespmem:$0xB0]  }
0x26: {  	v3 =	vld [tilespmem:$0x80]  }
0x27: {  	v1 =	vld [tilespmem:$0xA0]  }
0x28: {  	v5 =	vld [tilespmem:$0x20];
	v2 =	vmul.u32 $0x2710, v2  }
0x29: {  	v6 =	vld [tilespmem:$0x40];
	v4 =	vmul.u32 $0x2710, v4  }
0x2a: {  	v7 =	vld [tilespmem:$0x10];
	v0 =	vadd.s32 v0, v2  }
0x2b: {  	v8 =	vld [tilespmem:$0xC0];
	[tilespmem:$0x130] =	vst v0;
	v0 =	vadd.s32 v3, v4  }
0x2c: {  	[tilespmem:$0x100] =	vst v0;
	v0 =	vld [tilespmem:$0x90]  }
0x2d: {  	v2 =	vmul.u32 $0x2710, v5  }
0x2e: {  	v3 =	vmul.u32 $0x2710, v6  }
0x2f: {  	v2 =	vadd.s32 v1, v2;
	v1 =	vmul.u32 $0x2710, v7  }
0x30: {  	s19 =	simm.s32 $0x14;
	s18 =	simm.s32 $0xA;
	[tilespmem:$0x120] =	vst v2;
	v2 =	vadd.s32 v8, v3  }
.LBB2_2:
0x31: {  	p1 =	sne.s32 s19, $0x4D8;
	v0 =	vadd.s32 v0, v1;
	[tilespmem:$0x140] =	vst v2;
	s20 =	smov.u32 s19;
	s19 =	sadd.s32 $0xA, s19  }
0x32: {  	[tilespmem:$0x110] =	vst v0  }
0x33: {  	[spmem:s1] =	stream.indirect.scatter.add.f32 [tilespmem:s9], [sflag:$0x1], $0x1, s14, s13, $0xb8;
	[tilespmem:$0xC00] =	vst v63  }
0x34: {  	_ =	swait.ge [sflag:s10], $0x50  }
0x35: {  	[sflag:s10] =	ssyncset.done $0x0  }
0x36: {  	s21 =	sadd.s32 s18, s8;
	[sflag:s10] =	ssyncadd.s32 $0xFFFFFFB0  }
0x37: {  	[tilespmem:s2], [sflag:$0x1] =	stream.linear.gather [hbm4b:s21+s2], $0x50, $0x38;
	[tilespmem:$0xC00] =	vst v63  }
0x38: {  	_ =	swait.ge [sflag:s10], $0x50  }
0x39: {  	[sflag:s10] =	ssyncset.done $0x0  }
0x3a: {  	s21 =	sadd.s32 s18, s7;
	s18 =	smov.u32 s20;
	[sflag:s10] =	ssyncadd.s32 $0xFFFFFFB0  }
0x3b: {  	[tilespmem:s12], [sflag:$0x1] =	stream.linear.gather [hbm4b:s21+s2], $0x50, $0x38;
	[tilespmem:$0xC00] =	vst v63  }
0x3c: {  	_ =	swait.ge [sflag:s10], $0x50  }
0x3d: {  	[sflag:s10] =	ssyncset.done $0x0  }
0x3e: {  	[sflag:s10] =	ssyncadd.s32 $0xFFFFFFB0  }
0x3f: {  	v1 =	vld [tilespmem:$0xB0]  }
0x40: {  	v2 =	vld [tilespmem:$0xA0]  }
0x41: {  	v0 =	vld [tilespmem:$0x30]  }
0x42: {  	v3 =	vld [tilespmem:$0x80]  }
0x43: {  	v4 =	vld [tilespmem:$0x0]  }
0x44: {  	v5 =	vld [tilespmem:$0x20]  }
0x45: {  	v6 =	vld [tilespmem:$0x40]  }
0x46: {  	v7 =	vld [tilespmem:$0x10];
	v8 =	vmul.u32 $0x2710, v0  }
0x47: {  	v9 =	vld [tilespmem:$0xC0]  }
.Ltmp0:
0x48: {  	v4 =	vmul.u32 $0x2710, v4;
	v0 =	vld [tilespmem:$0x90];
	v1 =	vadd.s32 v1, v8;
	(pc) =	sbr.rel @p1 .LBB2_2-.Ltmp0, $4  }
0x49: {  	v5 =	vmul.u32 $0x2710, v5;
	[tilespmem:$0x130] =	vst v1  }
0x4a: {  	v1 =	vadd.s32 v3, v4;
	v3 =	vmul.u32 $0x2710, v6  }
0x4b: {  	[tilespmem:$0x100] =	vst v1;
	v1 =	vmul.u32 $0x2710, v7;
	v2 =	vadd.s32 v2, v5  }
0x4c: {  	[tilespmem:$0x120] =	vst v2;
	v2 =	vadd.s32 v9, v3  }
0x4d: {  	v0 =	vadd.s32 v0, v1;
	[tilespmem:$0x140] =	vst v2  }
0x4e: {  	[tilespmem:$0x110] =	vst v0  }
0x4f: {  	[spmem:s1] =	stream.indirect.scatter.add.f32 [tilespmem:s9], [sflag:$0x1], $0x1, s14, s13, $0xb8;
	[tilespmem:$0xC00] =	vst v63  }
0x50: {  	_ =	swait.ge [sflag:s10], $0x50  }
0x51: {  	[sflag:s10] =	ssyncset.done $0x0  }
0x52: {  	s19 =	sadd.s32 s18, s8;
	[sflag:s10] =	ssyncadd.s32 $0xFFFFFFB0  }
0x53: {  	[tilespmem:s2], [sflag:$0x1] =	stream.linear.gather [hbm4b:s19+s2], $0x50, $0x38;
	[tilespmem:$0xC00] =	vst v63  }
0x54: {  	_ =	swait.ge [sflag:s10], $0x50  }
0x55: {  	[sflag:s10] =	ssyncset.done $0x0  }
0x56: {  	s31 =	sadd.s32 s18, s7;
	[sflag:s10] =	ssyncadd.s32 $0xFFFFFFB0  }
0x57: {  	[tilespmem:s12], [sflag:$0x1] =	stream.linear.gather [hbm4b:s31+s2], $0x50, $0x38;
	[tilespmem:$0xC00] =	vst v63  }
0x58: {  	_ =	swait.ge [sflag:s10], $0x50  }
0x59: {  	[sflag:s10] =	ssyncset.done $0x0  }
0x5a: {  	[sflag:s10] =	ssyncadd.s32 $0xFFFFFFB0  }
0x5b: {  	v56 =	vld [tilespmem:$0xB0]  }
0x5c: {  	v57 =	vld [tilespmem:$0xA0]  }
0x5d: {  	v58 =	vld [tilespmem:$0x30]  }
0x5e: {  	v3 =	vld [tilespmem:$0x80]  }
0x5f: {  	v4 =	vld [tilespmem:$0x0]  }
0x60: {  	v5 =	vld [tilespmem:$0x20]  }
0x61: {  	v6 =	vld [tilespmem:$0x40]  }
0x62: {  	v7 =	vld [tilespmem:$0x10]  }
0x63: {  	v8 =	vld [tilespmem:$0xC0];
	v2 =	vmul.u32 $0x2710, v58  }
0x64: {  	v9 =	vld [tilespmem:$0x90];
	v4 =	vmul.u32 $0x2710, v4  }
0x65: {  	v59 =	vmul.u32 $0x2710, v5;
	v0 =	vadd.s32 v56, v2  }
0x66: {  	v61 =	vmul.u32 $0x2710, v6;
	v60 =	vadd.s32 v3, v4;
	[tilespmem:$0x130] =	vst v0  }
0x67: {  	v62 =	vmul.u32 $0x2710, v7;
	v1 =	vadd.s32 v57, v59;
	[tilespmem:$0x100] =	vst v60  }
0x68: {  	v63 =	vadd.s32 v8, v61;
	[tilespmem:$0x120] =	vst v1  }
0x69: {  	v0 =	vadd.s32 v9, v62;
	[tilespmem:$0x140] =	vst v63  }
0x6a: {  	[tilespmem:$0x110] =	vst v0  }
0x6b: {  	[spmem:s1] =	stream.indirect.scatter.add.f32 [tilespmem:s9], [sflag:$0x1], $0x1, s14, s13, $0xb8;
	[tilespmem:$0xC00] =	vst v63  }
0x6c: {  	_ =	swait.ge [sflag:s10], $0x50  }
0x6d: {  	s17 =	sadd.s32 $0x1, s17;
	[sflag:s10] =	ssyncset.done $0x0  }
0x6e: {  	p1 =	sne.s32 s17, s6;
	[sflag:s10] =	ssyncadd.s32 $0xFFFFFFB0  }
.Ltmp1:
0x6f: {  	[bflag:$0x0] =	sbarrier.arrive $0xFFFF;
	(pc) =	sbr.rel @p1 .LBB2_1-.Ltmp1, $4  }
0x70: {  	[hbm:s5], [sflag:s15] =	dma.local [spmem:s16], $0x140  }
0x71: {  	_ =	swait.ge [sflag:s10], $0x140  }
0x72: {  	[sflag:s10] =	ssyncset.done $0x0  }
0x73: {  	[sflag:s10] =	ssyncadd.s32 $0xFFFFFEC0  }
0x74: {  	_ =	sfence.sel $0x180000  }
0x75: {  	[bflag:$0x0] =	sbarrier.arrive $0xFFFF  }
0x76: {  	_ =	strace $0x90000047  }
0x77: {  	s0 =	sadd.s32 @!p0 $0x100000, s0;
	[bflag:$0x2] =	sbarrier.arrive $0xFFFF  }
0x78: {  	[sflag:s0] =	ssyncadd.tile.s32 @!p0 $0x1;
	_ =	shalt  }
.Lfunc_end2:
_tile_overlayer_lowered:
.L_overlay_start_2:
0x79: {  	(tag) =	ssettag $0x2  }
0x7a: {  	s0 =	rddreg [dreg:$0x0];
	s2 =	stileid.u32  }
0x7b: {  	s1 =	rddreg [dreg:$0x1];
	p0 =	sne.s32 s2, $0x0  }
0x7c: {  	s3 =	rddreg [dreg:$0x2];
	[bflag:$0x3] =	sbarrier.arrive $0xFFFF;
	s2 =	simm.s32 @!p0 $0x1C01  }
0x7d: {  	[timem:s3], [sflag:s2] =	dma.local @!p0 [hbm:s0], s1  }
0x7e: {  	s0 =	simm.s32 @!p0 $0x1  }
0x7f: {  	_ =	swait.ge @!p0 [sflag:s0], s1  }
0x80: {  	s1 =	ssub.s32 @!p0 $0x0, s1;
	[sflag:s0] =	ssyncset.done @!p0 $0x0  }
0x81: {  	[sflag:s0] =	ssyncadd.s32 @!p0 s1  }
0x82: {  	[bflag:$0x3] =	sbarrier.arrive $0xFFFF  }
0x83: {  	_ =	shalt  }

// kernel: kernel.9.cloned.1.call-start
scs
__scs_entry_jumppad:
0x0: {  	(pc) =	sbr.rel $0x88, $3  }
0x1: {  	(tag) =	ssettag $0x0;
	lr =	simm.s32 $0x1  }
0x2: {  	[smem:$0x3F97] =	sst lr;
	_ =	strace $0xD0000000  }
0x3: {  	_ = 	snop  }
0x4: {  	_ = 	snop  }
0x5: {  	_ = 	snop  }
0x6: {  	_ = 	snop  }
0x7: {  	_ = 	snop  }
__scs_overlays_trampoline_lowered:
0x8: {  	[smem:$0x3FA6] =	sst s0  }
0x9: {  	[smem:$0x3FA7] =	sst s1  }
0xa: {  	[smem:$0x3FA8] =	sst s2  }
0xb: {  	[smem:$0x3FA9] =	sst s3  }
0xc: {  	[smem:$0x3FAA] =	sst s4  }
0xd: {  	[smem:$0x3FAB] =	sst s5  }
0xe: {  	[smem:$0x3FAC] =	sst s6  }
0xf: {  	[smem:$0x3FAD] =	sst s7  }
0x10: {  	[smem:$0x3FAE] =	sst s8  }
0x11: {  	[smem:$0x3FAF] =	sst s9;
	s0 =	simm.s32 @!p0 $0x0  }
0x12: {  	s1 =	sld [smem:$0x3F95];
	s0 =	simm.s32 @p0 $0x1  }
0x13: {  	[smem:$0x3FB0] =	sst s0;
	s0 =	simm.s32 @!p1 $0x0  }
0x14: {  	s2 =	sld [smem:$0x3F94];
	s0 =	simm.s32 @p1 $0x1  }
0x15: {  	[smem:$0x3FB1] =	sst s0;
	s0 =	simm.s32 @!p2 $0x0  }
0x16: {  	s3 =	sld [smem:$0x3FDB];
	s0 =	simm.s32 @p2 $0x1  }
0x17: {  	s4 =	simm.s32 $0x1BF5;
	[smem:$0x3FB3] =	sst s0  }
0x18: {  	s0 =	sld [smem:$0x3F96];
	_ =	swait.ge [sflag:s4], $0x0  }
0x19: {  	s7 =	sld [smem:$0x3F97]  }
0x1a: {  	s8 =	sadd.s32 $0xFFFFE003, lr  }
0x1b: {  	s9 =	sadd.s32 $0xFFFFFEF7, lr;
	s5 =	simm.s32 $0xFFFFFFFF;
	p2 =	slt.u32 s8, $0xFFFFF086  }
0x1c: {  	p1 =	slt.u32 s9, $0xF7A;
	s5 =	simm.s32 @!p2 $0x0  }
0x1d: {  	s5 =	simm.s32 @p1 $0x1;
	p0 =	seq.s32 s7, s2  }
0x1e: {  	s7 =	smul.u32 @!p0 $0xF7A, s2;
	p2 =	seq.s32 @!p0 s5, $0x0  }
0x1f: {  	s9 =	smul.u32 $0xF7A, s1;
	s8 =	simm.s32 @!p0 $0x1BF5;
	p2 =	por !p2, p0  }
0x20: {  	[sflag:s8] =	ssyncset.s32 @!p0 $0xFFFFF086;
	s6 =	sadd.s32 @!p0 s3, s7;
	s7 =	simm.s32 @!p0 $0x108  }
0x21: {  	s3 =	sadd.s32 s3, s9;
	s6 =	sadd.s32 @!p0 $0x88, s6;
	s7 =	simm.s32 @p2 $0x1082  }
0x22: {  	[simem:s7], [sflag:s8] =	dma.local @!p0 [hbm:s6], $0xF7A  }
0x23: {  	s9 =	sor.u32 $0xD0000000, s2;
	s6 =	simm.s32 $0x108;
	_ =	swait.ge @!p0 [sflag:s8], $0x0  }
0x24: {  	s3 =	sadd.s32 $0x88, s3;
	s6 =	simm.s32 @!p1 $0x1082;
	[sflag:s4] =	ssyncset.s32 $0xFFFFF086  }
0x25: {  	[simem:s6], [sflag:s4] =	dma.local [hbm:s3], $0xF7A  }
0x26: {  	[smem:$0x3F97] =	sst s1;
	(tag) =	ssettag s2;
	_ =	strace s9  }
0x27: {  	s1 =	sld [smem:$0x3FA7]  }
0x28: {  	s2 =	sld [smem:$0x3FA8]  }
0x29: {  	s4 =	sld [smem:$0x3FAA]  }
0x2a: {  	p0 =	seq.s32 s5, $0x0;
	s5 =	sld [smem:$0x3FAB]  }
0x2b: {  	s6 =	sld [smem:$0x3FAC]  }
0x2c: {  	s7 =	sld [smem:$0x3FAD]  }
0x2d: {  	s3 =	simm.s32 $0x108;
	s8 =	sld [smem:$0x3FAE]  }
0x2e: {  	s3 =	simm.s32 @!p0 $0x1082;
	s9 =	sld [smem:$0x3FAF]  }
0x2f: {  	lr =	sadd.s32 s0, s3;
	s0 =	sld [smem:$0x3FA6]  }
0x30: {  	s3 =	sld [smem:$0x3FA9]  }
0x31: {  	[smem:$0x3FB2] =	sst s10  }
0x32: {  	s10 =	sld [smem:$0x3FB0];
	_ =	sdelay $0x3  }
0x33: {  	p0 =	seq.s32 s10, $0x1;
	s10 =	sld [smem:$0x3FB2];
	_ =	sdelay $0x3  }
0x34: {  	[smem:$0x3FB2] =	sst s10  }
0x35: {  	s10 =	sld [smem:$0x3FB1];
	_ =	sdelay $0x3  }
0x36: {  	p1 =	seq.s32 s10, $0x1;
	s10 =	sld [smem:$0x3FB2];
	_ =	sdelay $0x3  }
0x37: {  	[smem:$0x3FB2] =	sst s10  }
0x38: {  	s10 =	sld [smem:$0x3FB3]  }
0x39: {  	_ = 	snop;
	(pc) =	sbr.ind lr, $3  }
0x3a: {  	_ = 	snop  }
0x3b: {  	_ = 	snop  }
0x3c: {  	p2 =	seq.s32 s10, $0x1;
	s10 =	sld [smem:$0x3FB2]  }
0x3d: {  	_ =	shalt  }
0x3e: {  	_ =	shalt  }
0x3f: {  	_ =	shalt  }
0x40: {  	_ =	shalt  }
0x41: {  	_ =	shalt  }
0x42: {  	_ =	shalt  }
0x43: {  	_ =	shalt  }
0x44: {  	_ =	shalt  }
0x45: {  	_ =	shalt  }
0x46: {  	_ =	shalt  }
0x47: {  	_ =	shalt  }
0x48: {  	_ =	shalt  }
0x49: {  	_ =	shalt  }
0x4a: {  	_ =	shalt  }
0x4b: {  	_ =	shalt  }
0x4c: {  	_ =	shalt  }
0x4d: {  	_ =	shalt  }
0x4e: {  	_ =	shalt  }
0x4f: {  	_ =	shalt  }
0x50: {  	_ =	shalt  }
0x51: {  	_ =	shalt  }
0x52: {  	_ =	shalt  }
0x53: {  	_ =	shalt  }
0x54: {  	_ =	shalt  }
0x55: {  	_ =	shalt  }
0x56: {  	_ =	shalt  }
0x57: {  	_ =	shalt  }
0x58: {  	_ =	shalt  }
0x59: {  	_ =	shalt  }
0x5a: {  	_ =	shalt  }
0x5b: {  	_ =	shalt  }
0x5c: {  	_ =	shalt  }
0x5d: {  	_ =	shalt  }
0x5e: {  	_ =	shalt  }
0x5f: {  	_ =	shalt  }
0x60: {  	_ =	shalt  }
0x61: {  	_ =	shalt  }
0x62: {  	_ =	shalt  }
0x63: {  	_ =	shalt  }
0x64: {  	_ =	shalt  }
0x65: {  	_ =	shalt  }
0x66: {  	_ =	shalt  }
0x67: {  	_ =	shalt  }
0x68: {  	_ =	shalt  }
0x69: {  	_ =	shalt  }
0x6a: {  	_ =	shalt  }
0x6b: {  	_ =	shalt  }
0x6c: {  	_ =	shalt  }
0x6d: {  	_ =	shalt  }
0x6e: {  	_ =	shalt  }
0x6f: {  	_ =	shalt  }
0x70: {  	_ =	shalt  }
0x71: {  	_ =	shalt  }
0x72: {  	_ =	shalt  }
0x73: {  	_ =	shalt  }
0x74: {  	_ =	shalt  }
0x75: {  	_ =	shalt  }
0x76: {  	_ =	shalt  }
0x77: {  	_ =	shalt  }
0x78: {  	_ =	shalt  }
0x79: {  	_ =	shalt  }
0x7a: {  	_ =	shalt  }
0x7b: {  	_ =	shalt  }
0x7c: {  	_ =	shalt  }
0x7d: {  	_ =	shalt  }
0x7e: {  	_ =	shalt  }
0x7f: {  	_ =	shalt  }
0x80: {  	_ =	shalt  }
0x81: {  	_ =	shalt  }
0x82: {  	_ =	shalt  }
0x83: {  	_ =	shalt  }
0x84: {  	_ =	shalt  }
0x85: {  	_ =	shalt  }
0x86: {  	_ =	shalt  }
0x87: {  	_ =	shalt  }
.Lfunc_end0:
.L_simem_size_0:
called_computation.2_lowered:
.L_overlay_start_0:
0x88: {  	s2 =	sld [smem:$0x3FD9]  }
0x89: {  	s3 =	sld [smem:$0x3FFE];
	_ =	sdelay $0x1  }
0x8a: {  	s1 =	srdreg.scid  }
0x8b: {  	s0 =	sand.u32 $0x1, s1  }
0x8c: {  	s16 =	sshll.u32 s0, $0xA;
	s2 =	sadd.s32 s3, s2  }
0x8d: {  	s2 =	sadd.s32 s2, s16  }
0x8e: {  	[smem:$0x3FBE] =	sst s2  }
0x8f: {  	_ = 	snop  }
0x90: {  	(tm) =	ssettm $0x1  }
0x91: {  	s17 =	sld [smem:$0x3FFB];
	_ =	sdelay $0x3  }
0x92: {  	_ =	strace s17  }
0x93: {  	s2 =	sld [smem:$0x3FFC];
	_ =	sdelay $0x3  }
0x94: {  	_ =	strace s2  }
0x95: {  	s2 =	sld [smem:$0x3FFD];
	_ =	sdelay $0x3  }
0x96: {  	_ =	strace s2  }
0x97: {  	_ =	strace $0x8FFFFFFF  }
0x98: {  	s18 =	sld [smem:$0x3FDB];
	_ =	sdelay $0x1  }
0x99: {  	s19 =	simm.s32 $_scs_section_size  }
0x9a: {  	s4 =	simm.s32 $_size__tile_overlayer_lowered;
	s5 =	simm.s32 $_tile_overlayer_lowered  }
0x9b: {  	s22 =	simm.s32 $0x1BFF;
	s21 =	sshll.u32 s5, $0x1;
	s2 =	sadd.s32 s19, s18  }
0x9c: {  	s6 =	simm.s32 $0x0;
	s20 =	sshll.u32 s4, $0x1;
	s4 =	sadd.s32 s21, s2  }
0x9d: {  	[timem:s6], [sflag:s22] =	dma.local [hbm:s4], s20  }
0x9e: {  	_ =	swait.ge [sflag:s22], s20  }
0x9f: {  	s3 =	ssub.s32 $0x0, s20;
	[sflag:s22] =	ssyncset.done $0x0  }
0xa0: {  	[sflag:s22] =	ssyncadd.s32 s3;
	_ =	sdelay $0x1  }
0xa1: {  	s23 =	simm.s32 $0x1B8B  }
0xa2: {  	_ =	swait.ge [sflag:s23], $0x1  }
0xa3: {  	[sflag:s23] =	ssyncset.done $0x0  }
0xa4: {  	s25 =	simm.s32 $0x1B8E;
	s24 =	sld [smem:$0x3FFE];
	[sflag:s23] =	ssyncadd.s32 $0xFFFFFFFF  }
0xa5: {  	s26 =	simm.s32 $execute0_lowered;
	[smem:$0x3FD2] =	sst s25  }
0xa6: {  	s4 =	sshll.u32 s26, $0x1;
	_ =	strace $0x8000004C;
	[dreg:$0x1] =	wrdreg $0xFFFFFFFF  }
0xa7: {  	s28 =	simm.s32 $_size_execute0_lowered;
	s2 =	sadd.s32 s2, s4;
	[dreg:$0x0] =	wrdreg $0x0  }
0xa8: {  	s4 =	sshll.u32 s28, $0x1;
	[dreg:$0x2] =	wrdreg s2  }
0xa9: {  	[dreg:$0x3] =	wrdreg s4  }
0xaa: {  	[dreg:$0x4] =	wrdreg $0xC0  }
0xab: {  	_ =	task [dreg:s6], $0x5FFFF  }
0xac: {  	[dreg:$0x1] =	wrdreg $0xFFFFFFFF  }
0xad: {  	[dreg:$0x0] =	wrdreg $0x60  }
0xae: {  	[dreg:$0x2] =	wrdreg s24  }
0xaf: {  	[dreg:$0x3] =	wrdreg $0xC6000  }
0xb0: {  	[dreg:$0x4] =	wrdreg $0x9  }
0xb1: {  	_ =	task.clear_ibuf [dreg:s6], $0x5FFFF;
	_ =	strace $0x9000004C  }
0xb2: {  	s29 =	simm.s32 $0x9;
	_ =	strace $0x8000004E  }
0xb3: {  	_ =	swait.ge [sflag:s29], $0x1  }
0xb4: {  	[sflag:s29] =	ssyncadd.s32 $0xFFFFFFFF  }
0xb5: {  	_ =	strace $0x9000004E  }
0xb6: {  	_ =	sfence  }
0xb7: {  	s30 =	sld [smem:$0x0];
	_ =	sdelay $0x2  }
0xb8: {  	s31 =	sshll.u32 s1, $0xD;
	s1 =	sshrl.u32 s1, $0x2  }
0xb9: {  	s3 =	sand.u32 $0x4000, s31;
	s1 =	sadd.s32 s1, s30  }
0xba: {  	s0 =	sor.u32 s3, s0;
	s1 =	sshll.u32 s1, $0x11  }
0xbb: {  	s0 =	sor.u32 s1, s0  }
0xbc: {  	s0 =	sadd.s32 $0x8F2B, s0  }
0xbd: {  	[sflag:s0] =	ssyncadd.remote.s32 $0x1  }
0xbe: {  	_ =	sfence.sel $0xFFFF  }
0xbf: {  	[dreg:$0x0] =	wrdreg $0xFFFFFFFF;
	(pc) =	sbr.abs _section_cstart, $3  }
0xc0: {  	[dreg:$0x1] =	wrdreg $0xFFFFFFFF  }
0xc1: {  	_ =	task.clear_ibuf [dreg:s6], $0x2FFFF;
	_ =	strace $0x9FFFFFFF  }
0xc2: {  	(tm) =	ssettm $0x7FFFFFFF  }
0xc3: {  	_ =	shalt  }
tec
execute0_lowered:
.L_overlay_start_1:
0x0: {  	(tag) =	ssettag $0x1  }
0x1: {  	s0 =	rddreg [dreg:$0x0]  }
0x2: {  	s1 =	rddreg [dreg:$0x1]  }
0x3: {  	s2 =	srdreg.scid;
	s4 =	simm.s32 $0x0;
	s9 =	stileid.u32  }
0x4: {  	s28 =	simm.s32 $0x8600;
	s31 =	simm.s32 $0x9;
	s10 =	simm.s32 $0x4600  }
0x5: {  	s11 =	simm.s32 $0xA;
	s12 =	simm.s32 $0x280;
	s13 =	simm.s32 $0x2600  }
0x6: {  	s2 =	sand.u32 $0x1, s2;
	[smem:$0x7FF] =	sst s4;
	s7 =	smul.u32 $0x4E200, s9  }
0x7: {  	s5 =	smul.u32 $0x13C00, s9;
	s4 =	sadd.s32 $0xDE00, s0;
	s6 =	sadd.s32 $0x1E2A00, s0  }
0x8: {  	s3 =	smul.u32 $0x13C000, s2;
	_ =	strace $0x8000004D;
	s7 =	sshrl.u32 s7, $0x2  }
0x9: {  	s14 =	ssub.s32 $0x2, s2;
	s2 =	sshll.u32 s2, $0x4;
	s26 =	sadd.s32 s7, s1  }
0xa: {  	s8 =	sshrl.u32 s14, $0x1;
	s7 =	sadd.s32 $0x2000, s26;
	[dreg:$0x3] =	wrdreg s26  }
0xb: {  	s2 =	sor.u32 s9, s2;
	s15 =	sadd.s32 $0x4000, s26;
	[dreg:$0x4] =	wrdreg s7  }
0xc: {  	s3 =	sadd.s32 s5, s3;
	s16 =	sadd.s32 $0x6000, s26;
	[dreg:$0x5] =	wrdreg s15  }
0xd: {  	s5 =	sadd.s32 $0xAA200, s0;
	s18 =	sadd.s32 $0x8000, s26;
	[dreg:$0x6] =	wrdreg s16  }
0xe: {  	s17 =	smul.u32 $0xF00, s2;
	s19 =	sadd.s32 $0xA000, s26;
	[dreg:$0x7] =	wrdreg s18  }
0xf: {  	s2 =	smul.u32 $0xA0, s2;
	s20 =	sadd.s32 $0xC000, s26;
	[dreg:$0x8] =	wrdreg s19  }
0x10: {  	s3 =	sshrl.u32 s3, $0x3;
	s21 =	sadd.s32 $0xE000, s26;
	[dreg:$0x9] =	wrdreg s20  }
0x11: {  	s22 =	sadd.s32 $0x10000, s26;
	s23 =	sadd.s32 $0x12000, s26;
	[dreg:$0xa] =	wrdreg s21  }
0x12: {  	s0 =	sadd.s32 s3, s0;
	s3 =	ssub.s32 s14, s8;
	[dreg:$0xc] =	wrdreg s22  }
0x13: {  	s7 =	sadd.s32 s4, s17;
	[dreg:$0xd] =	wrdreg s23;
	s20 =	sor.u32 $0x4, s2  }
0x14: {  	s21 =	sor.u32 $0x5, s2;
	s22 =	sor.u32 $0x6, s2;
	s23 =	sor.u32 $0x7, s2  }
0x15: {  	s8 =	simm.s32 $0xB;
	s14 =	simm.s32 $0x380;
	s16 =	simm.s32 $0x6600  }
0x16: {  	s17 =	simm.s32 $0x1;
	s24 =	sadd.s32 $0x18, s7;
	[dreg:$0xb] =	wrdreg s7  }
0x17: {  	s18 =	simm.s32 $0x3;
	s25 =	sadd.s32 $0x30, s7;
	[dreg:$0xe] =	wrdreg s24  }
.Ltmp0:
0x18: {  	s0 =	sadd.s32 $0x2BE00, s0;
	[dreg:$0xf] =	wrdreg s25;
	(pc) =	sbr.rel .LBB2_1-.Ltmp0, $4  }
0x19: {  	s15 =	simm.s32 $0xA600;
	s29 =	smax.u32 s3, $0x1;
	[dreg:$0x10] =	wrdreg s0  }
0x1a: {  	s19 =	simm.s32 $0x6;
	s30 =	sadd.s32 $0x48, s7;
	[dreg:$0x11] =	wrdreg s29  }
0x1b: {  	s7 =	simm.s32 $0x5;
	s3 =	simm.s32 $0x0;
	[dreg:$0x12] =	wrdreg s30  }
0x1c: {  	v0 =	vimm.f32 $0.0e+00;
	s0 =	simm.s32 $0x40;
	s24 =	simm.s32 $0x2;
	s25 =	simm.s32 $0x4  }
.LBB2_14:
0x1d: {  	s2 =	simm.s32 $0x7  }
0x1e: {  	_ =	swait.ge [sflag:s2], $0x2000  }
0x1f: {  	[sflag:s2] =	ssyncset.done $0x0  }
0x20: {  	s9 =	simm.s32 $0x8;
	[sflag:s2] =	ssyncadd.s32 $0xFFFFE000  }
0x21: {  	_ =	swait.ge [sflag:s9], $0x2000  }
0x22: {  	[sflag:s9] =	ssyncset.done $0x0  }
0x23: {  	[sflag:s9] =	ssyncadd.s32 $0xFFFFE000  }
0x24: {  	s26 =	stileid.u32;
	[bflag:$0x0] =	sbarrier.arrive $0xFFFF  }
0x25: {  	s2 =	sshll.u32 s26, $0x6;
	s26 =	rddreg [dreg:$0x3]  }
0x26: {  	s2 =	sor.u32 $0x1C0B, s2;
	s8 =	rddreg [dreg:$0x10];
	s3 =	sshrl.u32 s26, $0x3  }
0x27: {  	[hbm:s8], [sflag:s2] =	dma.local [spmem:s3], $0x2710  }
0x28: {  	s8 =	simm.s32 $0xB  }
0x29: {  	_ =	swait.ge [sflag:s8], $0x2710  }
0x2a: {  	s29 =	rddreg [dreg:$0x13]  }
0x2b: {  	s30 =	rddreg [dreg:$0x11];
	s3 =	sadd.s32 $0x1, s29  }
0x2c: {  	p0 =	sne.s32 s3, s30  }
.Ltmp1:
0x2d: {  	_ = 	snop;
	(pc) =	sbr.rel @!p0 .LBB2_15-.Ltmp1, $3  }
0x2e: {  	_ =	sdelay $0x1  }
0x2f: {  	[sflag:s8] =	ssyncset.done $0x0  }
0x30: {  	[sflag:s8] =	ssyncadd.s32 $0xFFFFD8F0  }
.LBB2_1:
0x31: {  	[dreg:$0x13] =	wrdreg s3;
	s2 =	simm.s32 $0x0;
	s3 =	simm.s32 $0x200  }
.LBB2_2:
0x32: {  	p0 =	sne.s32 s3, $0x7E00;
	[tilespmem:s2+$0x8670] =	vst v0  }
0x33: {  	[tilespmem:s2+$0x8600] =	vst v0  }
0x34: {  	[tilespmem:s2+$0x8610] =	vst v0  }
.Ltmp2:
0x35: {  	[tilespmem:s2+$0x8620] =	vst v0;
	(pc) =	sbr.rel @p0 .LBB2_2-.Ltmp2, $4  }
0x36: {  	[tilespmem:s2+$0x8630] =	vst v0  }
0x37: {  	[tilespmem:s2+$0x8640] =	vst v0  }
0x38: {  	[tilespmem:s2+$0x8650] =	vst v0  }
0x39: {  	[tilespmem:s2+$0x8660] =	vst v0;
	s2 =	sshra.s32 s3, $0x2;
	s3 =	sadd.s32 $0x200, s3  }
0x3a: {  	[tilespmem:s2+$0x8670] =	vst v0  }
0x3b: {  	[tilespmem:s2+$0x8600] =	vst v0  }
0x3c: {  	[tilespmem:s2+$0x8610] =	vst v0  }
0x3d: {  	[tilespmem:s2+$0x8620] =	vst v0  }
0x3e: {  	[tilespmem:s2+$0x8630] =	vst v0  }
0x3f: {  	[tilespmem:s2+$0x8640] =	vst v0  }
0x40: {  	[tilespmem:s2+$0x8650] =	vst v0  }
0x41: {  	[tilespmem:s2+$0x8660] =	vst v0  }
0x42: {  	[spmem:s26] =	stream.linear.scatter [tilespmem:s28], [sflag:$0xB], $0x2000, $0x38;
	[tilespmem:$0x1FF00] =	vst v63  }
0x43: {  	_ =	swait.ge [sflag:s8], $0x2000  }
0x44: {  	[sflag:s8] =	ssyncset.done $0x0  }
0x45: {  	s29 =	rddreg [dreg:$0x4];
	[sflag:s8] =	ssyncadd.s32 $0xFFFFE000  }
0x46: {  	[spmem:s29] =	stream.linear.scatter [tilespmem:s28], [sflag:$0xB], $0x2000, $0x38;
	[tilespmem:$0x1FF00] =	vst v63  }
0x47: {  	_ =	swait.ge [sflag:s8], $0x2000  }
0x48: {  	[sflag:s8] =	ssyncset.done $0x0  }
0x49: {  	s30 =	rddreg [dreg:$0x5];
	[sflag:s8] =	ssyncadd.s32 $0xFFFFE000  }
0x4a: {  	[spmem:s30] =	stream.linear.scatter [tilespmem:s28], [sflag:$0xB], $0x2000, $0x38;
	[tilespmem:$0x1FF00] =	vst v63  }
0x4b: {  	_ =	swait.ge [sflag:s8], $0x2000  }
0x4c: {  	[sflag:s8] =	ssyncset.done $0x0  }
0x4d: {  	s3 =	rddreg [dreg:$0x6];
	[sflag:s8] =	ssyncadd.s32 $0xFFFFE000  }
0x4e: {  	[spmem:s3] =	stream.linear.scatter [tilespmem:s28], [sflag:$0xB], $0x2000, $0x38;
	[tilespmem:$0x1FF00] =	vst v63  }
0x4f: {  	_ =	swait.ge [sflag:s8], $0x2000  }
0x50: {  	[sflag:s8] =	ssyncset.done $0x0  }
0x51: {  	s9 =	rddreg [dreg:$0x7];
	[sflag:s8] =	ssyncadd.s32 $0xFFFFE000  }
0x52: {  	[spmem:s9] =	stream.linear.scatter [tilespmem:s28], [sflag:$0xB], $0x2000, $0x38;
	[tilespmem:$0x1FF00] =	vst v63  }
0x53: {  	_ =	swait.ge [sflag:s8], $0x2000  }
0x54: {  	[sflag:s8] =	ssyncset.done $0x0  }
0x55: {  	s26 =	rddreg [dreg:$0x8];
	[sflag:s8] =	ssyncadd.s32 $0xFFFFE000  }
0x56: {  	[spmem:s26] =	stream.linear.scatter [tilespmem:s28], [sflag:$0xB], $0x2000, $0x38;
	[tilespmem:$0x1FF00] =	vst v63  }
0x57: {  	_ =	swait.ge [sflag:s8], $0x2000  }
0x58: {  	[sflag:s8] =	ssyncset.done $0x0  }
0x59: {  	s29 =	rddreg [dreg:$0x9];
	[sflag:s8] =	ssyncadd.s32 $0xFFFFE000  }
0x5a: {  	[spmem:s29] =	stream.linear.scatter [tilespmem:s28], [sflag:$0xB], $0x2000, $0x38;
	[tilespmem:$0x1FF00] =	vst v63  }
0x5b: {  	_ =	swait.ge [sflag:s8], $0x2000  }
0x5c: {  	[sflag:s8] =	ssyncset.done $0x0  }
0x5d: {  	s30 =	rddreg [dreg:$0xa];
	[sflag:s8] =	ssyncadd.s32 $0xFFFFE000  }
0x5e: {  	[spmem:s30] =	stream.linear.scatter [tilespmem:s28], [sflag:$0xB], $0x2000, $0x38;
	[tilespmem:$0x1FF00] =	vst v63  }
0x5f: {  	_ =	swait.ge [sflag:s8], $0x2000  }
0x60: {  	[sflag:s8] =	ssyncset.done $0x0  }
0x61: {  	s3 =	rddreg [dreg:$0xc];
	[sflag:s8] =	ssyncadd.s32 $0xFFFFE000  }
0x62: {  	[spmem:s3] =	stream.linear.scatter [tilespmem:s28], [sflag:$0xB], $0x2000, $0x38;
	[tilespmem:$0x1FF00] =	vst v63  }
0x63: {  	_ =	swait.ge [sflag:s8], $0x2000  }
0x64: {  	[sflag:s8] =	ssyncset.done $0x0  }
0x65: {  	s9 =	rddreg [dreg:$0xd];
	[sflag:s8] =	ssyncadd.s32 $0xFFFFE000  }
0x66: {  	[spmem:s9] =	stream.linear.scatter [tilespmem:s28], [sflag:$0xB], $0x1880, $0x38;
	[tilespmem:$0x1FF00] =	vst v63  }
0x67: {  	_ =	swait.ge [sflag:s8], $0x1880  }
0x68: {  	[sflag:s8] =	ssyncset.done $0x0  }
0x69: {  	[sflag:s8] =	ssyncadd.s32 $0xFFFFE780  }
0x6a: {  	[bflag:$0x0] =	sbarrier.arrive $0xFFFF  }
0x6b: {  	s3 =	simm.s32 $0x0;
	s26 =	rddreg [dreg:$0xb]  }
0x6c: {  	[tilespmem:s3], [sflag:$0x9] =	stream.linear.gather [hbm4b:s26+s3], $0xC0, $0x38;
	[tilespmem:$0x1FF00] =	vst v63  }
0x6d: {  	s8 =	simm.s32 $0x100;
	s29 =	rddreg [dreg:$0xe]  }
0x6e: {  	[tilespmem:s8], [sflag:$0xA] =	stream.linear.gather [hbm4b:s29+s3], $0xC0, $0x38;
	[tilespmem:$0x1FF00] =	vst v63  }
0x6f: {  	_ =	swait.ge [sflag:s31], $0xC0  }
0x70: {  	[sflag:s31] =	ssyncset.done $0x0  }
0x71: {  	[sflag:s31] =	ssyncadd.s32 $0xFFFFFF40  }
0x72: {  	v1 =	vld [tilespmem:$0x0]  }
0x73: {  	v2 =	vld [tilespmem:$0x40]  }
0x74: {  	v3 =	vld [tilespmem:$0x80]  }
0x75: {  	v4 =	vld [tilespmem:$0x10]  }
0x76: {  	v5 =	vld [tilespmem:$0x50]  }
0x77: {  	v6 =	vld [tilespmem:$0x90];
	v1 =	vmul.u32 $0x2710, v1  }
0x78: {  	v7 =	vld [tilespmem:$0x20]  }
0x79: {  	v8 =	vld [tilespmem:$0x60];
	v2 =	vadd.s32 v2, v1  }
0x7a: {  	v53 =	vld [tilespmem:$0xA0];
	v1 =	vadd.s32 v1, v3;
	[tilespmem:$0x200] =	vst v2  }
0x7b: {  	v2 =	vmul.u32 $0x2710, v4;
	[tilespmem:$0x300] =	vst v1;
	v1 =	vld [tilespmem:$0x30]  }
0x7c: {  	[tilespmem:$0x400] =	vst v3  }
0x7d: {  	v54 =	vld [tilespmem:$0x70];
	[tilespmem:$0x410] =	vst v6;
	v3 =	vadd.s32 v5, v2  }
0x7e: {  	v2 =	vadd.s32 v2, v6;
	[tilespmem:$0x210] =	vst v3;
	v3 =	vmul.u32 $0x2710, v7  }
0x7f: {  	[tilespmem:$0x310] =	vst v2;
	v2 =	vld [tilespmem:$0xB0]  }
0x80: {  	[tilespmem:$0x420] =	vst v53;
	v55 =	vadd.s32 v8, v3;
	v1 =	vmul.u32 $0x2710, v1  }
0x81: {  	v3 =	vadd.s32 v3, v53;
	[tilespmem:$0x220] =	vst v55  }
0x82: {  	[tilespmem:$0x320] =	vst v3;
	v3 =	vadd.s32 v54, v1  }
0x83: {  	[tilespmem:$0x230] =	vst v3  }
0x84: {  	v1 =	vadd.s32 v1, v2;
	[tilespmem:$0x430] =	vst v2  }
0x85: {  	s30 =	simm.s32 $0x200;
	s9 =	simm.s32 $0x600;
	[tilespmem:$0x330] =	vst v1  }
0x86: {  	[tilespmem:s9], [sflag:$0x1] =	stream.indirect.gather [hbm4b:s5+s0], $0x80, s30, s0, $0xb8;
	[tilespmem:$0x1FF00] =	vst v63  }
0x87: {  	s26 =	simm.s32 $0x300  }
0x88: {  	[tilespmem:s10], [sflag:$0x3] =	stream.indirect.gather [hbm4b:s6+s0], $0x80, s26, s0, $0xb8;
	[tilespmem:$0x1FF00] =	vst v63  }
0x89: {  	_ =	swait.ge [sflag:s11], $0xC0  }
0x8a: {  	[sflag:s11] =	ssyncset.done $0x0  }
0x8b: {  	[sflag:s11] =	ssyncadd.s32 $0xFFFFFF40  }
0x8c: {  	v1 =	vld [tilespmem:$0x100]  }
0x8d: {  	v2 =	vld [tilespmem:$0x140]  }
0x8e: {  	v3 =	vld [tilespmem:$0x180]  }
0x8f: {  	v56 =	vld [tilespmem:$0x110]  }
0x90: {  	v57 =	vld [tilespmem:$0x150]  }
0x91: {  	v58 =	vld [tilespmem:$0x190];
	v1 =	vmul.u32 $0x2710, v1  }
0x92: {  	v59 =	vld [tilespmem:$0x120]  }
0x93: {  	v60 =	vld [tilespmem:$0x160];
	v2 =	vadd.s32 v2, v1  }
0x94: {  	v61 =	vld [tilespmem:$0x1A0];
	v1 =	vadd.s32 v1, v3;
	[tilespmem:$0x280] =	vst v2  }
0x95: {  	v2 =	vmul.u32 $0x2710, v56;
	[tilespmem:$0x380] =	vst v1;
	v1 =	vld [tilespmem:$0x130]  }
0x96: {  	[tilespmem:$0x480] =	vst v3  }
0x97: {  	v62 =	vld [tilespmem:$0x170];
	[tilespmem:$0x490] =	vst v58;
	v3 =	vadd.s32 v57, v2  }
0x98: {  	v2 =	vadd.s32 v2, v58;
	[tilespmem:$0x290] =	vst v3;
	v3 =	vmul.u32 $0x2710, v59  }
0x99: {  	[tilespmem:$0x390] =	vst v2;
	v2 =	vld [tilespmem:$0x1B0]  }
0x9a: {  	[tilespmem:$0x4A0] =	vst v61;
	v63 =	vadd.s32 v60, v3;
	v1 =	vmul.u32 $0x2710, v1  }
0x9b: {  	v3 =	vadd.s32 v3, v61;
	[tilespmem:$0x2A0] =	vst v63  }
0x9c: {  	[tilespmem:$0x3A0] =	vst v3;
	v3 =	vadd.s32 v62, v1  }
0x9d: {  	[tilespmem:$0x2B0] =	vst v3  }
0x9e: {  	v1 =	vadd.s32 v1, v2;
	[tilespmem:$0x4B0] =	vst v2  }
0x9f: {  	[tilespmem:$0x3B0] =	vst v1  }
0xa0: {  	[tilespmem:s13], [sflag:$0x2] =	stream.indirect.gather [hbm4b:s5+s0], $0x80, s12, s0, $0xb8;
	[tilespmem:$0x1FF00] =	vst v63  }
0xa1: {  	_ = 	snop  }
0xa2: {  	[tilespmem:s16], [sflag:$0x4] =	stream.indirect.gather [hbm4b:s6+s0], $0x80, s14, s0, $0xb8;
	[tilespmem:$0x1FF00] =	vst v63  }
0xa3: {  	s29 =	rddreg [dreg:$0xf]  }
0xa4: {  	[tilespmem:s3], [sflag:$0x9] =	stream.linear.gather [hbm4b:s29+s3], $0xC0, $0x38;
	[tilespmem:$0x1FF00] =	vst v63  }
0xa5: {  	s9 =	simm.s32 $0x100;
	s30 =	rddreg [dreg:$0x12]  }
0xa6: {  	[tilespmem:s8], [sflag:$0xA] =	stream.linear.gather [hbm4b:s30+s3], $0xC0, $0x38;
	[tilespmem:$0x1FF00] =	vst v63  }
.LBB2_4:
0xa7: {  	_ =	swait.ge [sflag:s17], $0x2000  }
0xa8: {  	[sflag:s17] =	ssyncset.done $0x0  }
0xa9: {  	[sflag:s17] =	ssyncadd.s32 $0xFFFFE000  }
0xaa: {  	_ =	swait.ge [sflag:s18], $0x2000  }
0xab: {  	p1 =	seq.s32 s3, $0x0;
	[sflag:s18] =	ssyncset.done $0x0  }
0xac: {  	s2 =	simm.s32 @!p1 $0x7;
	[sflag:s18] =	ssyncadd.s32 $0xFFFFE000  }
0xad: {  	_ =	swait.ge @!p1 [sflag:s2], $0x2000  }
0xae: {  	[sflag:s2] =	ssyncset.done @!p1 $0x0  }
0xaf: {  	s30 =	simm.s32 $0x0;
	[sflag:s2] =	ssyncadd.s32 @!p1 $0xFFFFE000  }
0xb0: {  	v1 =	vld [tilespmem:s30+$0x4630]  }
0xb1: {  	v2 =	vld [tilespmem:s30+$0x670]  }
0xb2: {  	v3 =	vld [tilespmem:s30+$0x4670]  }
0xb3: {  	v4 =	vld [tilespmem:s30+$0x4600]  }
0xb4: {  	v5 =	vld [tilespmem:s30+$0x4610]  }
0xb5: {  	v6 =	vld [tilespmem:s30+$0x4620]  }
0xb6: {  	v8 =	vld [tilespmem:s30+$0x600]  }
0xb7: {  	v10 =	vld [tilespmem:s30+$0x610]  }
0xb8: {  	v11 =	vld [tilespmem:s30+$0x620];
	v7 =	vand.u32 $0xFFFF0000, v1  }
0xb9: {  	v12 =	vld [tilespmem:s30+$0x660];
	v2 =	vmul.f32 v7, v2  }
0xba: {  	v13 =	vld [tilespmem:s30+$0x4640];
	v9 =	vand.u32 $0xFFFF0000, v3  }
0xbb: {  	v14 =	vld [tilespmem:s30+$0x4650];
	v2 =	vadd.f32 v9, v2  }
0xbc: {  	v7 =	vld [tilespmem:s30+$0x640]  }
0xbd: {  	v9 =	vld [tilespmem:s30+$0x650];
	v2 =	vmax.f32 v2, $0.0e+00  }
0xbe: {  	s29 =	simm.s32 $0x80;
	[tilespmem:s30+$0x8670] =	vst v2;
	v2 =	vld [tilespmem:s30+$0x630]  }
0xbf: {  	v16 =	vld [tilespmem:s29+$0x4630]  }
0xc0: {  	v1 =	vshll.u32 v1, $0x10;
	v19 =	vshll.u32 v4, $0x10;
	v17 =	vld [tilespmem:s29+$0x670]  }
0xc1: {  	v4 =	vand.u32 $0xFFFF0000, v4;
	v21 =	vshll.u32 v5, $0x10;
	v8 =	vmul.f32 v19, v8;
	v18 =	vld [tilespmem:s29+$0x4670]  }
0xc2: {  	v15 =	vld [tilespmem:s30+$0x4660];
	v19 =	vshll.u32 v6, $0x10;
	v10 =	vmul.f32 v21, v10;
	v6 =	vand.u32 $0xFFFF0000, v6  }
0xc3: {  	v5 =	vand.u32 $0xFFFF0000, v5;
	v11 =	vmul.f32 v19, v11;
	v6 =	vmul.f32 v6, v12;
	v22 =	vld [tilespmem:s29+$0x4610]  }
0xc4: {  	v3 =	vshll.u32 v3, $0x10;
	v4 =	vmul.f32 v4, v7;
	v7 =	vld [tilespmem:s29+$0x4620];
	v5 =	vmul.f32 v5, v9  }
0xc5: {  	v12 =	vmul.f32 v1, v2;
	v2 =	vshll.u32 v13, $0x10;
	v9 =	vand.u32 $0xFFFF0000, v16  }
0xc6: {  	v20 =	vld [tilespmem:s29+$0x4600];
	v13 =	vand.u32 $0xFFFF0000, v13;
	v1 =	vand.u32 $0xFFFF0000, v18;
	v9 =	vmul.f32 v9, v17  }
0xc7: {  	v2 =	vadd.f32 v2, v8;
	v8 =	vshll.u32 v14, $0x10;
	v13 =	vadd.f32 v13, v4  }
0xc8: {  	v60 =	vld [tilespmem:s29+$0x600];
	v14 =	vand.u32 $0xFFFF0000, v14;
	v61 =	vand.u32 $0xFFFF0000, v22;
	v1 =	vadd.f32 v1, v9  }
0xc9: {  	v23 =	vld [tilespmem:s29+$0x620];
	v62 =	vshll.u32 v7, $0x10;
	v14 =	vadd.f32 v14, v5;
	v5 =	vand.u32 $0xFFFF0000, v15  }
0xca: {  	v17 =	vld [tilespmem:s29+$0x640];
	v10 =	vadd.f32 v8, v10;
	v6 =	vadd.f32 v5, v6;
	v1 =	vmax.f32 v1, $0.0e+00  }
0xcb: {  	v5 =	vshll.u32 v20, $0x10;
	v13 =	vmax.f32 v13, $0.0e+00;
	v9 =	vld [tilespmem:s29+$0x650];
	[tilespmem:s29+$0x8670] =	vst v1;
	v1 =	vshll.u32 v15, $0x10  }
0xcc: {  	v19 =	vld [tilespmem:s29+$0x610];
	v63 =	vmax.f32 v10, $0.0e+00;
	v15 =	vadd.f32 v1, v11;
	v11 =	vmax.f32 v2, $0.0e+00  }
0xcd: {  	v4 =	vld [tilespmem:s29+$0x660];
	v2 =	vshll.u32 v16, $0x10;
	v1 =	vshll.u32 v18, $0x10;
	v16 =	vand.u32 $0xFFFF0000, v20  }
0xce: {  	v8 =	vld [tilespmem:s29+$0x630];
	v18 =	vadd.f32 v3, v12;
	v12 =	vshll.u32 v22, $0x10;
	v3 =	vmul.f32 v5, v60;
	[tilespmem:s30+$0x8600] =	vst v11  }
0xcf: {  	v5 =	vmul.f32 v16, v17;
	v17 =	vmax.f32 v14, $0.0e+00;
	v14 =	vmax.f32 v6, $0.0e+00;
	v11 =	vld [tilespmem:s29+$0x4640];
	[tilespmem:s30+$0x8640] =	vst v13  }
0xd0: {  	v6 =	vmul.f32 v61, v9;
	v9 =	vmul.f32 v62, v23;
	v13 =	vand.u32 $0xFFFF0000, v7;
	v10 =	vld [tilespmem:s29+$0x4650];
	[tilespmem:s30+$0x8610] =	vst v63  }
0xd1: {  	s26 =	sshll.u32 s3, $0x2;
	s8 =	simm.s32 $0x600;
	s2 =	simm.s32 $0x100;
	v7 =	vmul.f32 v12, v19;
	v16 =	vmax.f32 v15, $0.0e+00;
	v15 =	vmax.f32 v18, $0.0e+00;
	v12 =	vld [tilespmem:s29+$0x4660];
	[tilespmem:s30+$0x8650] =	vst v17  }
.LBB2_5:
0xd2: {  	p0 =	sne.s32 s8, $0x7E00;
	v17 =	vld [tilespmem:s2+$0x4630];
	v4 =	vmul.f32 v13, v4;
	[tilespmem:s30+$0x8620] =	vst v16  }
0xd3: {  	v13 =	vld [tilespmem:s2+$0x670];
	v8 =	vmul.f32 v2, v8;
	[tilespmem:s30+$0x8660] =	vst v14  }
0xd4: {  	v14 =	vld [tilespmem:s2+$0x4670];
	v2 =	vshll.u32 v11, $0x10;
	v11 =	vand.u32 $0xFFFF0000, v11;
	[tilespmem:s30+$0x8630] =	vst v15;
	s30 =	smov.u32 s29;
	s29 =	smov.u32 s2  }
0xd5: {  	v15 =	vld [tilespmem:s29+$0x4600];
	v16 =	vadd.f32 v2, v3;
	v3 =	vshll.u32 v10, $0x10;
	v10 =	vand.u32 $0xFFFF0000, v10  }
0xd6: {  	v5 =	vadd.f32 v11, v5;
	v18 =	vld [tilespmem:s29+$0x4610];
	v11 =	vshll.u32 v12, $0x10;
	v12 =	vand.u32 $0xFFFF0000, v12  }
0xd7: {  	v7 =	vadd.f32 v3, v7;
	v19 =	vld [tilespmem:s29+$0x4620];
	v2 =	vshll.u32 v17, $0x10;
	v17 =	vand.u32 $0xFFFF0000, v17  }
0xd8: {  	v6 =	vadd.f32 v10, v6;
	v9 =	vadd.f32 v11, v9;
	v3 =	vld [tilespmem:s29+$0x600];
	v13 =	vmul.f32 v17, v13  }
0xd9: {  	v12 =	vadd.f32 v12, v4;
	v10 =	vld [tilespmem:s29+$0x640];
	v11 =	vshll.u32 v14, $0x10;
	v14 =	vand.u32 $0xFFFF0000, v14  }
0xda: {  	v4 =	vshll.u32 v15, $0x10;
	v15 =	vand.u32 $0xFFFF0000, v15;
	v17 =	vld [tilespmem:s29+$0x610];
	v14 =	vadd.f32 v14, v13  }
0xdb: {  	v22 =	vadd.f32 v1, v8;
	v1 =	vmovc v11;
	v20 =	vld [tilespmem:s29+$0x650];
	v21 =	vshll.u32 v18, $0x10;
	v18 =	vand.u32 $0xFFFF0000, v18  }
0xdc: {  	v23 =	vld [tilespmem:s29+$0x620];
	v24 =	vshll.u32 v19, $0x10;
	v13 =	vand.u32 $0xFFFF0000, v19;
	v8 =	vmax.f32 v14, $0.0e+00  }
.Ltmp3:
0xdd: {  	v11 =	vmax.f32 v16, $0.0e+00;
	v14 =	vmax.f32 v5, $0.0e+00;
	v3 =	vmul.f32 v4, v3;
	v4 =	vld [tilespmem:s29+$0x660];
	[tilespmem:s29+$0x8670] =	vst v8;
	(pc) =	sbr.rel @p0 .LBB2_5-.Ltmp3, $4  }
0xde: {  	v19 =	vmax.f32 v6, $0.0e+00;
	v5 =	vmul.f32 v15, v10;
	v8 =	vld [tilespmem:s29+$0x630];
	[tilespmem:s30+$0x8600] =	vst v11;
	v15 =	vmax.f32 v7, $0.0e+00  }
0xdf: {  	v16 =	vmax.f32 v9, $0.0e+00;
	v11 =	vld [tilespmem:s29+$0x4640];
	v7 =	vmul.f32 v21, v17;
	[tilespmem:s30+$0x8640] =	vst v14;
	v14 =	vmax.f32 v12, $0.0e+00  }
0xe0: {  	v10 =	vld [tilespmem:s29+$0x4650];
	v6 =	vmul.f32 v18, v20;
	[tilespmem:s30+$0x8610] =	vst v15;
	v15 =	vmax.f32 v22, $0.0e+00  }
0xe1: {  	s2 =	sshra.s32 s8, $0x2;
	s8 =	sadd.s32 $0x200, s8;
	v12 =	vld [tilespmem:s29+$0x4660];
	v9 =	vmul.f32 v24, v23;
	[tilespmem:s30+$0x8650] =	vst v19  }
0xe2: {  	v17 =	vld [tilespmem:s2+$0x4630];
	[tilespmem:s30+$0x8620] =	vst v16  }
0xe3: {  	v16 =	vld [tilespmem:s2+$0x670];
	[tilespmem:s30+$0x8660] =	vst v14  }
0xe4: {  	v14 =	vld [tilespmem:s2+$0x4670];
	[tilespmem:s30+$0x8630] =	vst v15  }
0xe5: {  	v15 =	vld [tilespmem:s2+$0x4600]  }
0xe6: {  	v18 =	vld [tilespmem:s2+$0x4610]  }
0xe7: {  	v4 =	vmul.f32 v13, v4;
	v19 =	vld [tilespmem:s2+$0x4620];
	v20 =	vand.u32 $0xFFFF0000, v17  }
0xe8: {  	v2 =	vmul.f32 v2, v8;
	v21 =	vld [tilespmem:s2+$0x600];
	v16 =	vmul.f32 v20, v16  }
0xe9: {  	v8 =	vshll.u32 v11, $0x10;
	v11 =	vand.u32 $0xFFFF0000, v11;
	v55 =	vld [tilespmem:s2+$0x640];
	v13 =	vand.u32 $0xFFFF0000, v14  }
0xea: {  	v22 =	vld [tilespmem:s2+$0x610];
	v3 =	vadd.f32 v8, v3;
	v8 =	vshll.u32 v10, $0x10;
	v13 =	vadd.f32 v13, v16  }
0xeb: {  	v23 =	vld [tilespmem:s2+$0x620];
	v5 =	vadd.f32 v11, v5;
	v10 =	vand.u32 $0xFFFF0000, v10;
	v1 =	vadd.f32 v1, v2  }
0xec: {  	v11 =	vld [tilespmem:s2+$0x660];
	v7 =	vadd.f32 v8, v7;
	v6 =	vadd.f32 v10, v6;
	v8 =	vmax.f32 v13, $0.0e+00  }
0xed: {  	v10 =	vld [tilespmem:s2+$0x630];
	v3 =	vmax.f32 v3, $0.0e+00;
	v5 =	vmax.f32 v5, $0.0e+00;
	v1 =	vmax.f32 v1, $0.0e+00;
	[tilespmem:s2+$0x8670] =	vst v8  }
0xee: {  	v7 =	vmax.f32 v7, $0.0e+00;
	v6 =	vmax.f32 v6, $0.0e+00;
	v16 =	vld [tilespmem:s2+$0x650];
	v8 =	vshll.u32 v12, $0x10;
	[tilespmem:s29+$0x8600] =	vst v3  }
0xef: {  	v8 =	vadd.f32 v8, v9;
	v9 =	vshll.u32 v15, $0x10;
	v3 =	vand.u32 $0xFFFF0000, v15;
	v15 =	vld [tilespmem:s2+$0x4640]  }
0xf0: {  	v2 =	vshll.u32 v19, $0x10;
	v13 =	vshll.u32 v17, $0x10;
	v12 =	vand.u32 $0xFFFF0000, v12;
	[tilespmem:s29+$0x8640] =	vst v5  }
0xf1: {  	v17 =	vand.u32 $0xFFFF0000, v18;
	v4 =	vadd.f32 v12, v4;
	v12 =	vshll.u32 v18, $0x10;
	v18 =	vld [tilespmem:s2+$0x4650]  }
0xf2: {  	v2 =	vmul.f32 v2, v23;
	v5 =	vand.u32 $0xFFFF0000, v19;
	v9 =	vmul.f32 v9, v21;
	[tilespmem:s29+$0x8610] =	vst v7  }
0xf3: {  	v3 =	vmul.f32 v3, v55;
	v7 =	vmax.f32 v8, $0.0e+00;
	v8 =	vmul.f32 v17, v16;
	v16 =	vld [tilespmem:s2+$0x4660]  }
0xf4: {  	v12 =	vmul.f32 v12, v22;
	v4 =	vmax.f32 v4, $0.0e+00;
	[tilespmem:s29+$0x8650] =	vst v6;
	v6 =	vshll.u32 v15, $0x10  }
0xf5: {  	v5 =	vmul.f32 v5, v11;
	[tilespmem:s29+$0x8620] =	vst v7;
	v7 =	vand.u32 $0xFFFF0000, v15;
	v6 =	vadd.f32 v6, v9  }
0xf6: {  	[tilespmem:s29+$0x8660] =	vst v4;
	v9 =	vmul.f32 v13, v10;
	v4 =	vshll.u32 v18, $0x10;
	v3 =	vadd.f32 v7, v3  }
0xf7: {  	[tilespmem:s29+$0x8630] =	vst v1;
	v1 =	vand.u32 $0xFFFF0000, v18;
	v4 =	vadd.f32 v4, v12;
	v6 =	vmax.f32 v6, $0.0e+00  }
0xf8: {  	v7 =	vshll.u32 v16, $0x10;
	v1 =	vadd.f32 v1, v8;
	v3 =	vmax.f32 v3, $0.0e+00;
	[tilespmem:s2+$0x8600] =	vst v6  }
0xf9: {  	v2 =	vadd.f32 v7, v2;
	v6 =	vand.u32 $0xFFFF0000, v16;
	v4 =	vmax.f32 v4, $0.0e+00;
	[tilespmem:s2+$0x8640] =	vst v3  }
0xfa: {  	v3 =	vshll.u32 v14, $0x10;
	v1 =	vmax.f32 v1, $0.0e+00;
	v5 =	vadd.f32 v6, v5;
	[tilespmem:s2+$0x8610] =	vst v4  }
0xfb: {  	v3 =	vadd.f32 v3, v9;
	v2 =	vmax.f32 v2, $0.0e+00;
	[tilespmem:s2+$0x8650] =	vst v1  }
0xfc: {  	[tilespmem:s2+$0x8620] =	vst v2;
	v1 =	vmax.f32 v5, $0.0e+00  }
0xfd: {  	v2 =	vmax.f32 v3, $0.0e+00;
	[tilespmem:s2+$0x8660] =	vst v1  }
0xfe: {  	s8 =	simm.s32 $0x400;
	[tilespmem:s2+$0x8630] =	vst v2  }
0xff: {  	[spmem:s1] =	stream.indirect.scatter.add.f32 [tilespmem:s28], [sflag:$0x5], $0x80, s8, s0, $0xb8;
	[tilespmem:$0x1FF00] =	vst v63  }
0x100: {  	_ =	swait.ge [sflag:s31], $0xC0  }
0x101: {  	[sflag:s31] =	ssyncset.done $0x0  }
0x102: {  	[sflag:s31] =	ssyncadd.s32 $0xFFFFFF40  }
0x103: {  	v1 =	vld [tilespmem:$0x0]  }
0x104: {  	v2 =	vld [tilespmem:$0x40]  }
0x105: {  	v3 =	vld [tilespmem:$0x80]  }
0x106: {  	v4 =	vld [tilespmem:$0x10]  }
0x107: {  	v5 =	vld [tilespmem:$0x50]  }
0x108: {  	v6 =	vld [tilespmem:$0x90];
	v1 =	vmul.u32 $0x2710, v1  }
0x109: {  	v7 =	vld [tilespmem:$0x20]  }
0x10a: {  	v8 =	vld [tilespmem:$0x60];
	v2 =	vadd.s32 v2, v1  }
0x10b: {  	v1 =	vadd.s32 v1, v3;
	[tilespmem:$0x200] =	vst v2;
	v2 =	vmul.u32 $0x2710, v4;
	v4 =	vld [tilespmem:$0xA0]  }
0x10c: {  	[tilespmem:$0x300] =	vst v1;
	v1 =	vld [tilespmem:$0x30]  }
0x10d: {  	[tilespmem:$0x500] =	vst v3  }
0x10e: {  	[tilespmem:$0x510] =	vst v6;
	v3 =	vadd.s32 v5, v2;
	v5 =	vld [tilespmem:$0x70]  }
0x10f: {  	v2 =	vadd.s32 v2, v6;
	[tilespmem:$0x210] =	vst v3;
	v3 =	vmul.u32 $0x2710, v7  }
0x110: {  	[tilespmem:$0x310] =	vst v2;
	v2 =	vld [tilespmem:$0xB0]  }
0x111: {  	v6 =	vadd.s32 v8, v3;
	v1 =	vmul.u32 $0x2710, v1;
	[tilespmem:$0x520] =	vst v4  }
0x112: {  	v3 =	vadd.s32 v3, v4;
	[tilespmem:$0x220] =	vst v6  }
0x113: {  	[tilespmem:$0x320] =	vst v3;
	v3 =	vadd.s32 v5, v1  }
0x114: {  	[tilespmem:$0x230] =	vst v3  }
0x115: {  	v1 =	vadd.s32 v1, v2;
	[tilespmem:$0x530] =	vst v2  }
0x116: {  	p0 =	seq.s32 s3, $0x27;
	s2 =	simm.s32 $0x200;
	s8 =	simm.s32 $0x600;
	[tilespmem:$0x330] =	vst v1  }
0x117: {  	[tilespmem:s8], [sflag:$0x1] =	stream.indirect.gather [hbm4b:s5+s0], $0x80, s2, s0, $0xb8;
	[tilespmem:$0x1FF00] =	vst v63  }
0x118: {  	s2 =	sadd.s32 @!p0 s26, s20  }
0x119: {  	s8 =	simm.s32 $0x300;
	s2 =	smul.u32 @!p0 $0x18, s2  }
0x11a: {  	[tilespmem:s10], [sflag:$0x3] =	stream.indirect.gather [hbm4b:s6+s0], $0x80, s8, s0, $0xb8;
	[tilespmem:$0x1FF00] =	vst v63  }
0x11b: {  	s8 =	simm.s32 @!p0 $0x0;
	s2 =	sadd.s32 @!p0 s4, s2  }
0x11c: {  	[tilespmem:s8], [sflag:$0x9] =	stream.linear.gather @!p0 [hbm4b:s2+s8], $0xC0, $0x38;
	[tilespmem:$0x1FF00] =	vst v63  }
0x11d: {  	_ =	swait.ge [sflag:s24], $0x2000  }
0x11e: {  	[sflag:s24] =	ssyncset.done $0x0  }
0x11f: {  	[sflag:s24] =	ssyncadd.s32 $0xFFFFE000  }
0x120: {  	_ =	swait.ge [sflag:s25], $0x2000  }
0x121: {  	[sflag:s25] =	ssyncset.done $0x0  }
0x122: {  	s2 =	simm.s32 @!p1 $0x8;
	[sflag:s25] =	ssyncadd.s32 $0xFFFFE000  }
0x123: {  	_ =	swait.ge @!p1 [sflag:s2], $0x2000  }
0x124: {  	[sflag:s2] =	ssyncset.done @!p1 $0x0  }
0x125: {  	s30 =	simm.s32 $0x0;
	[sflag:s2] =	ssyncadd.s32 @!p1 $0xFFFFE000  }
0x126: {  	v1 =	vld [tilespmem:s30+$0x6630]  }
0x127: {  	v2 =	vld [tilespmem:s30+$0x2670]  }
0x128: {  	v3 =	vld [tilespmem:s30+$0x6670]  }
0x129: {  	v4 =	vld [tilespmem:s30+$0x6600]  }
0x12a: {  	v5 =	vld [tilespmem:s30+$0x6610]  }
0x12b: {  	v6 =	vld [tilespmem:s30+$0x6620]  }
0x12c: {  	v8 =	vld [tilespmem:s30+$0x2600]  }
0x12d: {  	v10 =	vld [tilespmem:s30+$0x2610]  }
0x12e: {  	v11 =	vld [tilespmem:s30+$0x2620];
	v7 =	vand.u32 $0xFFFF0000, v1  }
0x12f: {  	v12 =	vld [tilespmem:s30+$0x2660];
	v2 =	vmul.f32 v7, v2  }
0x130: {  	v13 =	vld [tilespmem:s30+$0x6640];
	v9 =	vand.u32 $0xFFFF0000, v3  }
0x131: {  	v14 =	vld [tilespmem:s30+$0x6650];
	v2 =	vadd.f32 v9, v2  }
0x132: {  	v7 =	vld [tilespmem:s30+$0x2640]  }
0x133: {  	v9 =	vld [tilespmem:s30+$0x2650];
	v2 =	vmax.f32 v2, $0.0e+00  }
0x134: {  	s29 =	simm.s32 $0x80;
	[tilespmem:s30+$0xA670] =	vst v2;
	v2 =	vld [tilespmem:s30+$0x2630]  }
0x135: {  	v16 =	vld [tilespmem:s29+$0x6630]  }
0x136: {  	v1 =	vshll.u32 v1, $0x10;
	v19 =	vshll.u32 v4, $0x10;
	v17 =	vld [tilespmem:s29+$0x2670]  }
0x137: {  	v4 =	vand.u32 $0xFFFF0000, v4;
	v57 =	vshll.u32 v5, $0x10;
	v8 =	vmul.f32 v19, v8;
	v18 =	vld [tilespmem:s29+$0x6670]  }
0x138: {  	v15 =	vld [tilespmem:s30+$0x6660];
	v19 =	vshll.u32 v6, $0x10;
	v10 =	vmul.f32 v57, v10;
	v6 =	vand.u32 $0xFFFF0000, v6  }
0x139: {  	v5 =	vand.u32 $0xFFFF0000, v5;
	v11 =	vmul.f32 v19, v11;
	v6 =	vmul.f32 v6, v12;
	v58 =	vld [tilespmem:s29+$0x6610]  }
0x13a: {  	v3 =	vshll.u32 v3, $0x10;
	v4 =	vmul.f32 v4, v7;
	v7 =	vld [tilespmem:s29+$0x6620];
	v5 =	vmul.f32 v5, v9  }
0x13b: {  	v12 =	vmul.f32 v1, v2;
	v2 =	vshll.u32 v13, $0x10;
	v9 =	vand.u32 $0xFFFF0000, v16  }
0x13c: {  	v56 =	vld [tilespmem:s29+$0x6600];
	v13 =	vand.u32 $0xFFFF0000, v13;
	v1 =	vand.u32 $0xFFFF0000, v18;
	v9 =	vmul.f32 v9, v17  }
0x13d: {  	v2 =	vadd.f32 v2, v8;
	v8 =	vshll.u32 v14, $0x10;
	v13 =	vadd.f32 v13, v4  }
0x13e: {  	v59 =	vld [tilespmem:s29+$0x2600];
	v14 =	vand.u32 $0xFFFF0000, v14;
	v61 =	vand.u32 $0xFFFF0000, v58;
	v1 =	vadd.f32 v1, v9  }
0x13f: {  	v60 =	vld [tilespmem:s29+$0x2620];
	v62 =	vshll.u32 v7, $0x10;
	v14 =	vadd.f32 v14, v5;
	v5 =	vand.u32 $0xFFFF0000, v15  }
0x140: {  	v17 =	vld [tilespmem:s29+$0x2640];
	v10 =	vadd.f32 v8, v10;
	v6 =	vadd.f32 v5, v6;
	v1 =	vmax.f32 v1, $0.0e+00  }
0x141: {  	v5 =	vshll.u32 v56, $0x10;
	v13 =	vmax.f32 v13, $0.0e+00;
	v9 =	vld [tilespmem:s29+$0x2650];
	[tilespmem:s29+$0xA670] =	vst v1;
	v1 =	vshll.u32 v15, $0x10  }
0x142: {  	v19 =	vld [tilespmem:s29+$0x2610];
	v63 =	vmax.f32 v10, $0.0e+00;
	v15 =	vadd.f32 v1, v11;
	v11 =	vmax.f32 v2, $0.0e+00  }
0x143: {  	v4 =	vld [tilespmem:s29+$0x2660];
	v2 =	vshll.u32 v16, $0x10;
	v1 =	vshll.u32 v18, $0x10;
	v16 =	vand.u32 $0xFFFF0000, v56  }
0x144: {  	v8 =	vld [tilespmem:s29+$0x2630];
	v18 =	vadd.f32 v3, v12;
	v12 =	vshll.u32 v58, $0x10;
	v3 =	vmul.f32 v5, v59;
	[tilespmem:s30+$0xA600] =	vst v11  }
0x145: {  	v5 =	vmul.f32 v16, v17;
	v17 =	vmax.f32 v14, $0.0e+00;
	v14 =	vmax.f32 v6, $0.0e+00;
	v11 =	vld [tilespmem:s29+$0x6640];
	[tilespmem:s30+$0xA640] =	vst v13  }
0x146: {  	v6 =	vmul.f32 v61, v9;
	v9 =	vmul.f32 v62, v60;
	v13 =	vand.u32 $0xFFFF0000, v7;
	v10 =	vld [tilespmem:s29+$0x6650];
	[tilespmem:s30+$0xA610] =	vst v63  }
0x147: {  	s8 =	simm.s32 $0x600;
	s2 =	simm.s32 $0x100;
	v7 =	vmul.f32 v12, v19;
	v16 =	vmax.f32 v15, $0.0e+00;
	v15 =	vmax.f32 v18, $0.0e+00;
	v12 =	vld [tilespmem:s29+$0x6660];
	[tilespmem:s30+$0xA650] =	vst v17  }
.LBB2_7:
0x148: {  	p1 =	sne.s32 s8, $0x7E00;
	v17 =	vld [tilespmem:s2+$0x6630];
	v4 =	vmul.f32 v13, v4;
	[tilespmem:s30+$0xA620] =	vst v16  }
0x149: {  	v13 =	vld [tilespmem:s2+$0x2670];
	v8 =	vmul.f32 v2, v8;
	[tilespmem:s30+$0xA660] =	vst v14  }
0x14a: {  	v14 =	vld [tilespmem:s2+$0x6670];
	v2 =	vshll.u32 v11, $0x10;
	v11 =	vand.u32 $0xFFFF0000, v11;
	[tilespmem:s30+$0xA630] =	vst v15;
	s30 =	smov.u32 s29;
	s29 =	smov.u32 s2  }
0x14b: {  	v15 =	vld [tilespmem:s29+$0x6600];
	v16 =	vadd.f32 v2, v3;
	v3 =	vshll.u32 v10, $0x10;
	v10 =	vand.u32 $0xFFFF0000, v10  }
0x14c: {  	v5 =	vadd.f32 v11, v5;
	v18 =	vld [tilespmem:s29+$0x6610];
	v11 =	vshll.u32 v12, $0x10;
	v12 =	vand.u32 $0xFFFF0000, v12  }
0x14d: {  	v7 =	vadd.f32 v3, v7;
	v19 =	vld [tilespmem:s29+$0x6620];
	v2 =	vshll.u32 v17, $0x10;
	v17 =	vand.u32 $0xFFFF0000, v17  }
0x14e: {  	v6 =	vadd.f32 v10, v6;
	v9 =	vadd.f32 v11, v9;
	v3 =	vld [tilespmem:s29+$0x2600];
	v13 =	vmul.f32 v17, v13  }
0x14f: {  	v12 =	vadd.f32 v12, v4;
	v10 =	vld [tilespmem:s29+$0x2640];
	v11 =	vshll.u32 v14, $0x10;
	v14 =	vand.u32 $0xFFFF0000, v14  }
0x150: {  	v4 =	vshll.u32 v15, $0x10;
	v15 =	vand.u32 $0xFFFF0000, v15;
	v17 =	vld [tilespmem:s29+$0x2610];
	v14 =	vadd.f32 v14, v13  }
0x151: {  	v22 =	vadd.f32 v1, v8;
	v1 =	vmovc v11;
	v20 =	vld [tilespmem:s29+$0x2650];
	v21 =	vshll.u32 v18, $0x10;
	v18 =	vand.u32 $0xFFFF0000, v18  }
0x152: {  	v23 =	vld [tilespmem:s29+$0x2620];
	v24 =	vshll.u32 v19, $0x10;
	v13 =	vand.u32 $0xFFFF0000, v19;
	v8 =	vmax.f32 v14, $0.0e+00  }
.Ltmp4:
0x153: {  	v11 =	vmax.f32 v16, $0.0e+00;
	v14 =	vmax.f32 v5, $0.0e+00;
	v3 =	vmul.f32 v4, v3;
	v4 =	vld [tilespmem:s29+$0x2660];
	[tilespmem:s29+$0xA670] =	vst v8;
	(pc) =	sbr.rel @p1 .LBB2_7-.Ltmp4, $4  }
0x154: {  	v19 =	vmax.f32 v6, $0.0e+00;
	v5 =	vmul.f32 v15, v10;
	v8 =	vld [tilespmem:s29+$0x2630];
	[tilespmem:s30+$0xA600] =	vst v11;
	v15 =	vmax.f32 v7, $0.0e+00  }
0x155: {  	v16 =	vmax.f32 v9, $0.0e+00;
	v11 =	vld [tilespmem:s29+$0x6640];
	v7 =	vmul.f32 v21, v17;
	[tilespmem:s30+$0xA640] =	vst v14;
	v14 =	vmax.f32 v12, $0.0e+00  }
0x156: {  	v10 =	vld [tilespmem:s29+$0x6650];
	v6 =	vmul.f32 v18, v20;
	[tilespmem:s30+$0xA610] =	vst v15;
	v15 =	vmax.f32 v22, $0.0e+00  }
0x157: {  	s2 =	sshra.s32 s8, $0x2;
	s8 =	sadd.s32 $0x200, s8;
	v12 =	vld [tilespmem:s29+$0x6660];
	v9 =	vmul.f32 v24, v23;
	[tilespmem:s30+$0xA650] =	vst v19  }
0x158: {  	v17 =	vld [tilespmem:s2+$0x6630];
	[tilespmem:s30+$0xA620] =	vst v16  }
0x159: {  	v16 =	vld [tilespmem:s2+$0x2670];
	[tilespmem:s30+$0xA660] =	vst v14  }
0x15a: {  	v14 =	vld [tilespmem:s2+$0x6670];
	[tilespmem:s30+$0xA630] =	vst v15  }
0x15b: {  	v15 =	vld [tilespmem:s2+$0x6600]  }
0x15c: {  	v18 =	vld [tilespmem:s2+$0x6610]  }
0x15d: {  	v4 =	vmul.f32 v13, v4;
	v19 =	vld [tilespmem:s2+$0x6620];
	v20 =	vand.u32 $0xFFFF0000, v17  }
0x15e: {  	v2 =	vmul.f32 v2, v8;
	v21 =	vld [tilespmem:s2+$0x2600];
	v16 =	vmul.f32 v20, v16  }
0x15f: {  	v8 =	vshll.u32 v11, $0x10;
	v11 =	vand.u32 $0xFFFF0000, v11;
	v55 =	vld [tilespmem:s2+$0x2640];
	v13 =	vand.u32 $0xFFFF0000, v14  }
0x160: {  	v22 =	vld [tilespmem:s2+$0x2610];
	v3 =	vadd.f32 v8, v3;
	v8 =	vshll.u32 v10, $0x10;
	v13 =	vadd.f32 v13, v16  }
0x161: {  	v23 =	vld [tilespmem:s2+$0x2620];
	v5 =	vadd.f32 v11, v5;
	v10 =	vand.u32 $0xFFFF0000, v10;
	v1 =	vadd.f32 v1, v2  }
0x162: {  	v11 =	vld [tilespmem:s2+$0x2660];
	v7 =	vadd.f32 v8, v7;
	v6 =	vadd.f32 v10, v6;
	v8 =	vmax.f32 v13, $0.0e+00  }
0x163: {  	v10 =	vld [tilespmem:s2+$0x2630];
	v3 =	vmax.f32 v3, $0.0e+00;
	v5 =	vmax.f32 v5, $0.0e+00;
	v1 =	vmax.f32 v1, $0.0e+00;
	[tilespmem:s2+$0xA670] =	vst v8  }
0x164: {  	v7 =	vmax.f32 v7, $0.0e+00;
	v6 =	vmax.f32 v6, $0.0e+00;
	v16 =	vld [tilespmem:s2+$0x2650];
	v8 =	vshll.u32 v12, $0x10;
	[tilespmem:s29+$0xA600] =	vst v3  }
0x165: {  	v8 =	vadd.f32 v8, v9;
	v9 =	vshll.u32 v15, $0x10;
	v3 =	vand.u32 $0xFFFF0000, v15;
	v15 =	vld [tilespmem:s2+$0x6640]  }
0x166: {  	v2 =	vshll.u32 v19, $0x10;
	v13 =	vshll.u32 v17, $0x10;
	v12 =	vand.u32 $0xFFFF0000, v12;
	[tilespmem:s29+$0xA640] =	vst v5  }
0x167: {  	v17 =	vand.u32 $0xFFFF0000, v18;
	v4 =	vadd.f32 v12, v4;
	v12 =	vshll.u32 v18, $0x10;
	v18 =	vld [tilespmem:s2+$0x6650]  }
0x168: {  	v2 =	vmul.f32 v2, v23;
	v5 =	vand.u32 $0xFFFF0000, v19;
	v9 =	vmul.f32 v9, v21;
	[tilespmem:s29+$0xA610] =	vst v7  }
0x169: {  	v3 =	vmul.f32 v3, v55;
	v7 =	vmax.f32 v8, $0.0e+00;
	v8 =	vmul.f32 v17, v16;
	v16 =	vld [tilespmem:s2+$0x6660]  }
0x16a: {  	v12 =	vmul.f32 v12, v22;
	v4 =	vmax.f32 v4, $0.0e+00;
	[tilespmem:s29+$0xA650] =	vst v6;
	v6 =	vshll.u32 v15, $0x10  }
0x16b: {  	v5 =	vmul.f32 v5, v11;
	[tilespmem:s29+$0xA620] =	vst v7;
	v7 =	vand.u32 $0xFFFF0000, v15;
	v6 =	vadd.f32 v6, v9  }
0x16c: {  	[tilespmem:s29+$0xA660] =	vst v4;
	v9 =	vmul.f32 v13, v10;
	v4 =	vshll.u32 v18, $0x10;
	v3 =	vadd.f32 v7, v3  }
0x16d: {  	[tilespmem:s29+$0xA630] =	vst v1;
	v1 =	vand.u32 $0xFFFF0000, v18;
	v4 =	vadd.f32 v4, v12;
	v6 =	vmax.f32 v6, $0.0e+00  }
0x16e: {  	v7 =	vshll.u32 v16, $0x10;
	v1 =	vadd.f32 v1, v8;
	v3 =	vmax.f32 v3, $0.0e+00;
	[tilespmem:s2+$0xA600] =	vst v6  }
0x16f: {  	v2 =	vadd.f32 v7, v2;
	v6 =	vand.u32 $0xFFFF0000, v16;
	v4 =	vmax.f32 v4, $0.0e+00;
	[tilespmem:s2+$0xA640] =	vst v3  }
0x170: {  	v3 =	vshll.u32 v14, $0x10;
	v1 =	vmax.f32 v1, $0.0e+00;
	v5 =	vadd.f32 v6, v5;
	[tilespmem:s2+$0xA610] =	vst v4  }
0x171: {  	v3 =	vadd.f32 v3, v9;
	v2 =	vmax.f32 v2, $0.0e+00;
	[tilespmem:s2+$0xA650] =	vst v1  }
0x172: {  	[tilespmem:s2+$0xA620] =	vst v2;
	v1 =	vmax.f32 v5, $0.0e+00  }
0x173: {  	v2 =	vmax.f32 v3, $0.0e+00;
	[tilespmem:s2+$0xA660] =	vst v1  }
0x174: {  	s8 =	simm.s32 $0x480;
	[tilespmem:s2+$0xA630] =	vst v2  }
0x175: {  	[spmem:s1] =	stream.indirect.scatter.add.f32 [tilespmem:s15], [sflag:$0x6], $0x80, s8, s0, $0xb8;
	[tilespmem:$0x1FF00] =	vst v63  }
0x176: {  	_ =	swait.ge [sflag:s11], $0xC0  }
0x177: {  	[sflag:s11] =	ssyncset.done $0x0  }
0x178: {  	[sflag:s11] =	ssyncadd.s32 $0xFFFFFF40  }
0x179: {  	v1 =	vld [tilespmem:$0x100]  }
0x17a: {  	v2 =	vld [tilespmem:$0x140]  }
0x17b: {  	v3 =	vld [tilespmem:$0x180]  }
0x17c: {  	v4 =	vld [tilespmem:$0x110]  }
0x17d: {  	v5 =	vld [tilespmem:$0x150]  }
0x17e: {  	v6 =	vld [tilespmem:$0x190];
	v1 =	vmul.u32 $0x2710, v1  }
0x17f: {  	v7 =	vld [tilespmem:$0x120]  }
0x180: {  	v8 =	vld [tilespmem:$0x160];
	v2 =	vadd.s32 v2, v1  }
0x181: {  	v1 =	vadd.s32 v1, v3;
	[tilespmem:$0x280] =	vst v2;
	v2 =	vmul.u32 $0x2710, v4;
	v4 =	vld [tilespmem:$0x1A0]  }
0x182: {  	[tilespmem:$0x380] =	vst v1;
	v1 =	vld [tilespmem:$0x130]  }
0x183: {  	[tilespmem:$0x580] =	vst v3  }
0x184: {  	[tilespmem:$0x590] =	vst v6;
	v3 =	vadd.s32 v5, v2;
	v5 =	vld [tilespmem:$0x170]  }
0x185: {  	v2 =	vadd.s32 v2, v6;
	[tilespmem:$0x290] =	vst v3;
	v3 =	vmul.u32 $0x2710, v7  }
0x186: {  	[tilespmem:$0x390] =	vst v2;
	v2 =	vld [tilespmem:$0x1B0]  }
0x187: {  	v6 =	vadd.s32 v8, v3;
	v1 =	vmul.u32 $0x2710, v1;
	[tilespmem:$0x5A0] =	vst v4  }
0x188: {  	v3 =	vadd.s32 v3, v4;
	[tilespmem:$0x2A0] =	vst v6  }
0x189: {  	[tilespmem:$0x3A0] =	vst v3;
	v3 =	vadd.s32 v5, v1  }
0x18a: {  	[tilespmem:$0x2B0] =	vst v3  }
0x18b: {  	v1 =	vadd.s32 v1, v2;
	[tilespmem:$0x5B0] =	vst v2  }
0x18c: {  	s2 =	sadd.s32 @!p0 s26, s21;
	[tilespmem:$0x3B0] =	vst v1  }
0x18d: {  	[tilespmem:s13], [sflag:$0x2] =	stream.indirect.gather [hbm4b:s5+s0], $0x80, s12, s0, $0xb8;
	[tilespmem:$0x1FF00] =	vst v63  }
0x18e: {  	s2 =	smul.u32 @!p0 $0x18, s2  }
0x18f: {  	[tilespmem:s16], [sflag:$0x4] =	stream.indirect.gather [hbm4b:s6+s0], $0x80, s14, s0, $0xb8;
	[tilespmem:$0x1FF00] =	vst v63  }
0x190: {  	s29 =	simm.s32 @!p0 $0x100;
	s8 =	simm.s32 @!p0 $0x0;
	s2 =	sadd.s32 @!p0 s4, s2  }
0x191: {  	[tilespmem:s29], [sflag:$0xA] =	stream.linear.gather @!p0 [hbm4b:s2+s8], $0xC0, $0x38;
	[tilespmem:$0x1FF00] =	vst v63  }
0x192: {  	_ =	swait.ge [sflag:s17], $0x2000  }
0x193: {  	[sflag:s17] =	ssyncset.done $0x0  }
0x194: {  	[sflag:s17] =	ssyncadd.s32 $0xFFFFE000  }
0x195: {  	_ =	swait.ge [sflag:s18], $0x2000  }
0x196: {  	[sflag:s18] =	ssyncset.done $0x0  }
0x197: {  	[sflag:s18] =	ssyncadd.s32 $0xFFFFE000  }
0x198: {  	_ =	swait.ge [sflag:s7], $0x2000  }
0x199: {  	[sflag:s7] =	ssyncset.done $0x0  }
0x19a: {  	s30 =	simm.s32 $0x0;
	[sflag:s7] =	ssyncadd.s32 $0xFFFFE000  }
0x19b: {  	v1 =	vld [tilespmem:s30+$0x4630]  }
0x19c: {  	v2 =	vld [tilespmem:s30+$0x670]  }
0x19d: {  	v3 =	vld [tilespmem:s30+$0x4670]  }
0x19e: {  	v4 =	vld [tilespmem:s30+$0x4600]  }
0x19f: {  	v5 =	vld [tilespmem:s30+$0x4610]  }
0x1a0: {  	v6 =	vld [tilespmem:s30+$0x4620]  }
0x1a1: {  	v8 =	vld [tilespmem:s30+$0x600]  }
0x1a2: {  	v10 =	vld [tilespmem:s30+$0x610]  }
0x1a3: {  	v11 =	vld [tilespmem:s30+$0x620];
	v7 =	vand.u32 $0xFFFF0000, v1  }
0x1a4: {  	v12 =	vld [tilespmem:s30+$0x660];
	v2 =	vmul.f32 v7, v2  }
0x1a5: {  	v13 =	vld [tilespmem:s30+$0x4640];
	v9 =	vand.u32 $0xFFFF0000, v3  }
0x1a6: {  	v14 =	vld [tilespmem:s30+$0x4650];
	v2 =	vadd.f32 v9, v2  }
0x1a7: {  	v7 =	vld [tilespmem:s30+$0x640]  }
0x1a8: {  	v9 =	vld [tilespmem:s30+$0x650];
	v2 =	vmax.f32 v2, $0.0e+00  }
0x1a9: {  	s29 =	simm.s32 $0x80;
	[tilespmem:s30+$0x8670] =	vst v2;
	v2 =	vld [tilespmem:s30+$0x630]  }
0x1aa: {  	v16 =	vld [tilespmem:s29+$0x4630]  }
0x1ab: {  	v1 =	vshll.u32 v1, $0x10;
	v19 =	vshll.u32 v4, $0x10;
	v17 =	vld [tilespmem:s29+$0x670]  }
0x1ac: {  	v4 =	vand.u32 $0xFFFF0000, v4;
	v57 =	vshll.u32 v5, $0x10;
	v8 =	vmul.f32 v19, v8;
	v18 =	vld [tilespmem:s29+$0x4670]  }
0x1ad: {  	v15 =	vld [tilespmem:s30+$0x4660];
	v19 =	vshll.u32 v6, $0x10;
	v10 =	vmul.f32 v57, v10;
	v6 =	vand.u32 $0xFFFF0000, v6  }
0x1ae: {  	v5 =	vand.u32 $0xFFFF0000, v5;
	v11 =	vmul.f32 v19, v11;
	v6 =	vmul.f32 v6, v12;
	v58 =	vld [tilespmem:s29+$0x4610]  }
0x1af: {  	v3 =	vshll.u32 v3, $0x10;
	v4 =	vmul.f32 v4, v7;
	v7 =	vld [tilespmem:s29+$0x4620];
	v5 =	vmul.f32 v5, v9  }
0x1b0: {  	v12 =	vmul.f32 v1, v2;
	v2 =	vshll.u32 v13, $0x10;
	v9 =	vand.u32 $0xFFFF0000, v16  }
0x1b1: {  	v56 =	vld [tilespmem:s29+$0x4600];
	v13 =	vand.u32 $0xFFFF0000, v13;
	v1 =	vand.u32 $0xFFFF0000, v18;
	v9 =	vmul.f32 v9, v17  }
0x1b2: {  	v2 =	vadd.f32 v2, v8;
	v8 =	vshll.u32 v14, $0x10;
	v13 =	vadd.f32 v13, v4  }
0x1b3: {  	v59 =	vld [tilespmem:s29+$0x600];
	v14 =	vand.u32 $0xFFFF0000, v14;
	v61 =	vand.u32 $0xFFFF0000, v58;
	v1 =	vadd.f32 v1, v9  }
0x1b4: {  	v60 =	vld [tilespmem:s29+$0x620];
	v62 =	vshll.u32 v7, $0x10;
	v14 =	vadd.f32 v14, v5;
	v5 =	vand.u32 $0xFFFF0000, v15  }
0x1b5: {  	v17 =	vld [tilespmem:s29+$0x640];
	v10 =	vadd.f32 v8, v10;
	v6 =	vadd.f32 v5, v6;
	v1 =	vmax.f32 v1, $0.0e+00  }
0x1b6: {  	v5 =	vshll.u32 v56, $0x10;
	v13 =	vmax.f32 v13, $0.0e+00;
	v9 =	vld [tilespmem:s29+$0x650];
	[tilespmem:s29+$0x8670] =	vst v1;
	v1 =	vshll.u32 v15, $0x10  }
0x1b7: {  	v19 =	vld [tilespmem:s29+$0x610];
	v63 =	vmax.f32 v10, $0.0e+00;
	v15 =	vadd.f32 v1, v11;
	v11 =	vmax.f32 v2, $0.0e+00  }
0x1b8: {  	v4 =	vld [tilespmem:s29+$0x660];
	v2 =	vshll.u32 v16, $0x10;
	v1 =	vshll.u32 v18, $0x10;
	v16 =	vand.u32 $0xFFFF0000, v56  }
0x1b9: {  	v8 =	vld [tilespmem:s29+$0x630];
	v18 =	vadd.f32 v3, v12;
	v12 =	vshll.u32 v58, $0x10;
	v3 =	vmul.f32 v5, v59;
	[tilespmem:s30+$0x8600] =	vst v11  }
0x1ba: {  	v5 =	vmul.f32 v16, v17;
	v17 =	vmax.f32 v14, $0.0e+00;
	v14 =	vmax.f32 v6, $0.0e+00;
	v11 =	vld [tilespmem:s29+$0x4640];
	[tilespmem:s30+$0x8640] =	vst v13  }
0x1bb: {  	v6 =	vmul.f32 v61, v9;
	v9 =	vmul.f32 v62, v60;
	v13 =	vand.u32 $0xFFFF0000, v7;
	v10 =	vld [tilespmem:s29+$0x4650];
	[tilespmem:s30+$0x8610] =	vst v63  }
0x1bc: {  	s2 =	simm.s32 $0x100;
	s8 =	simm.s32 $0x600;
	v7 =	vmul.f32 v12, v19;
	v16 =	vmax.f32 v15, $0.0e+00;
	v15 =	vmax.f32 v18, $0.0e+00;
	v12 =	vld [tilespmem:s29+$0x4660];
	[tilespmem:s30+$0x8650] =	vst v17  }
.LBB2_9:
0x1bd: {  	p1 =	sne.s32 s8, $0x7E00;
	v17 =	vld [tilespmem:s2+$0x4630];
	v4 =	vmul.f32 v13, v4;
	[tilespmem:s30+$0x8620] =	vst v16  }
0x1be: {  	v13 =	vld [tilespmem:s2+$0x670];
	v8 =	vmul.f32 v2, v8;
	[tilespmem:s30+$0x8660] =	vst v14  }
0x1bf: {  	v14 =	vld [tilespmem:s2+$0x4670];
	v2 =	vshll.u32 v11, $0x10;
	v11 =	vand.u32 $0xFFFF0000, v11;
	[tilespmem:s30+$0x8630] =	vst v15;
	s30 =	smov.u32 s29;
	s29 =	smov.u32 s2  }
0x1c0: {  	v15 =	vld [tilespmem:s29+$0x4600];
	v16 =	vadd.f32 v2, v3;
	v3 =	vshll.u32 v10, $0x10;
	v10 =	vand.u32 $0xFFFF0000, v10  }
0x1c1: {  	v5 =	vadd.f32 v11, v5;
	v18 =	vld [tilespmem:s29+$0x4610];
	v11 =	vshll.u32 v12, $0x10;
	v12 =	vand.u32 $0xFFFF0000, v12  }
0x1c2: {  	v7 =	vadd.f32 v3, v7;
	v19 =	vld [tilespmem:s29+$0x4620];
	v2 =	vshll.u32 v17, $0x10;
	v17 =	vand.u32 $0xFFFF0000, v17  }
0x1c3: {  	v6 =	vadd.f32 v10, v6;
	v9 =	vadd.f32 v11, v9;
	v3 =	vld [tilespmem:s29+$0x600];
	v13 =	vmul.f32 v17, v13  }
0x1c4: {  	v12 =	vadd.f32 v12, v4;
	v10 =	vld [tilespmem:s29+$0x640];
	v11 =	vshll.u32 v14, $0x10;
	v14 =	vand.u32 $0xFFFF0000, v14  }
0x1c5: {  	v4 =	vshll.u32 v15, $0x10;
	v15 =	vand.u32 $0xFFFF0000, v15;
	v17 =	vld [tilespmem:s29+$0x610];
	v14 =	vadd.f32 v14, v13  }
0x1c6: {  	v22 =	vadd.f32 v1, v8;
	v1 =	vmovc v11;
	v20 =	vld [tilespmem:s29+$0x650];
	v21 =	vshll.u32 v18, $0x10;
	v18 =	vand.u32 $0xFFFF0000, v18  }
0x1c7: {  	v23 =	vld [tilespmem:s29+$0x620];
	v24 =	vshll.u32 v19, $0x10;
	v13 =	vand.u32 $0xFFFF0000, v19;
	v8 =	vmax.f32 v14, $0.0e+00  }
.Ltmp5:
0x1c8: {  	v11 =	vmax.f32 v16, $0.0e+00;
	v14 =	vmax.f32 v5, $0.0e+00;
	v3 =	vmul.f32 v4, v3;
	v4 =	vld [tilespmem:s29+$0x660];
	[tilespmem:s29+$0x8670] =	vst v8;
	(pc) =	sbr.rel @p1 .LBB2_9-.Ltmp5, $4  }
0x1c9: {  	v19 =	vmax.f32 v6, $0.0e+00;
	v5 =	vmul.f32 v15, v10;
	v8 =	vld [tilespmem:s29+$0x630];
	[tilespmem:s30+$0x8600] =	vst v11;
	v15 =	vmax.f32 v7, $0.0e+00  }
0x1ca: {  	v16 =	vmax.f32 v9, $0.0e+00;
	v11 =	vld [tilespmem:s29+$0x4640];
	v7 =	vmul.f32 v21, v17;
	[tilespmem:s30+$0x8640] =	vst v14;
	v14 =	vmax.f32 v12, $0.0e+00  }
0x1cb: {  	v10 =	vld [tilespmem:s29+$0x4650];
	v6 =	vmul.f32 v18, v20;
	[tilespmem:s30+$0x8610] =	vst v15;
	v15 =	vmax.f32 v22, $0.0e+00  }
0x1cc: {  	s2 =	sshra.s32 s8, $0x2;
	s8 =	sadd.s32 $0x200, s8;
	v12 =	vld [tilespmem:s29+$0x4660];
	v9 =	vmul.f32 v24, v23;
	[tilespmem:s30+$0x8650] =	vst v19  }
0x1cd: {  	v17 =	vld [tilespmem:s2+$0x4630];
	[tilespmem:s30+$0x8620] =	vst v16  }
0x1ce: {  	v16 =	vld [tilespmem:s2+$0x670];
	[tilespmem:s30+$0x8660] =	vst v14  }
0x1cf: {  	v14 =	vld [tilespmem:s2+$0x4670];
	[tilespmem:s30+$0x8630] =	vst v15  }
0x1d0: {  	v15 =	vld [tilespmem:s2+$0x4600]  }
0x1d1: {  	v18 =	vld [tilespmem:s2+$0x4610]  }
0x1d2: {  	v4 =	vmul.f32 v13, v4;
	v19 =	vld [tilespmem:s2+$0x4620];
	v20 =	vand.u32 $0xFFFF0000, v17  }
0x1d3: {  	v2 =	vmul.f32 v2, v8;
	v21 =	vld [tilespmem:s2+$0x600];
	v16 =	vmul.f32 v20, v16  }
0x1d4: {  	v8 =	vshll.u32 v11, $0x10;
	v11 =	vand.u32 $0xFFFF0000, v11;
	v56 =	vld [tilespmem:s2+$0x640];
	v13 =	vand.u32 $0xFFFF0000, v14  }
0x1d5: {  	v22 =	vld [tilespmem:s2+$0x610];
	v3 =	vadd.f32 v8, v3;
	v8 =	vshll.u32 v10, $0x10;
	v13 =	vadd.f32 v13, v16  }
0x1d6: {  	v23 =	vld [tilespmem:s2+$0x620];
	v5 =	vadd.f32 v11, v5;
	v10 =	vand.u32 $0xFFFF0000, v10;
	v1 =	vadd.f32 v1, v2  }
0x1d7: {  	v11 =	vld [tilespmem:s2+$0x660];
	v7 =	vadd.f32 v8, v7;
	v6 =	vadd.f32 v10, v6;
	v8 =	vmax.f32 v13, $0.0e+00  }
0x1d8: {  	v10 =	vld [tilespmem:s2+$0x630];
	v3 =	vmax.f32 v3, $0.0e+00;
	v5 =	vmax.f32 v5, $0.0e+00;
	v1 =	vmax.f32 v1, $0.0e+00;
	[tilespmem:s2+$0x8670] =	vst v8  }
0x1d9: {  	v7 =	vmax.f32 v7, $0.0e+00;
	v6 =	vmax.f32 v6, $0.0e+00;
	v16 =	vld [tilespmem:s2+$0x650];
	v8 =	vshll.u32 v12, $0x10;
	[tilespmem:s29+$0x8600] =	vst v3  }
0x1da: {  	v8 =	vadd.f32 v8, v9;
	v9 =	vshll.u32 v15, $0x10;
	v3 =	vand.u32 $0xFFFF0000, v15;
	v15 =	vld [tilespmem:s2+$0x4640]  }
0x1db: {  	v2 =	vshll.u32 v19, $0x10;
	v13 =	vshll.u32 v17, $0x10;
	v12 =	vand.u32 $0xFFFF0000, v12;
	[tilespmem:s29+$0x8640] =	vst v5  }
0x1dc: {  	v17 =	vand.u32 $0xFFFF0000, v18;
	v4 =	vadd.f32 v12, v4;
	v12 =	vshll.u32 v18, $0x10;
	v18 =	vld [tilespmem:s2+$0x4650]  }
0x1dd: {  	v2 =	vmul.f32 v2, v23;
	v5 =	vand.u32 $0xFFFF0000, v19;
	v9 =	vmul.f32 v9, v21;
	[tilespmem:s29+$0x8610] =	vst v7  }
0x1de: {  	v3 =	vmul.f32 v3, v56;
	v7 =	vmax.f32 v8, $0.0e+00;
	v8 =	vmul.f32 v17, v16;
	v16 =	vld [tilespmem:s2+$0x4660]  }
0x1df: {  	v12 =	vmul.f32 v12, v22;
	v4 =	vmax.f32 v4, $0.0e+00;
	[tilespmem:s29+$0x8650] =	vst v6;
	v6 =	vshll.u32 v15, $0x10  }
0x1e0: {  	v5 =	vmul.f32 v5, v11;
	[tilespmem:s29+$0x8620] =	vst v7;
	v7 =	vand.u32 $0xFFFF0000, v15;
	v6 =	vadd.f32 v6, v9  }
0x1e1: {  	[tilespmem:s29+$0x8660] =	vst v4;
	v9 =	vmul.f32 v13, v10;
	v4 =	vshll.u32 v18, $0x10;
	v3 =	vadd.f32 v7, v3  }
0x1e2: {  	[tilespmem:s29+$0x8630] =	vst v1;
	v1 =	vand.u32 $0xFFFF0000, v18;
	v4 =	vadd.f32 v4, v12;
	v6 =	vmax.f32 v6, $0.0e+00  }
0x1e3: {  	v7 =	vshll.u32 v16, $0x10;
	v1 =	vadd.f32 v1, v8;
	v3 =	vmax.f32 v3, $0.0e+00;
	[tilespmem:s2+$0x8600] =	vst v6  }
0x1e4: {  	v2 =	vadd.f32 v7, v2;
	v6 =	vand.u32 $0xFFFF0000, v16;
	v4 =	vmax.f32 v4, $0.0e+00;
	[tilespmem:s2+$0x8640] =	vst v3  }
0x1e5: {  	v3 =	vshll.u32 v14, $0x10;
	v1 =	vmax.f32 v1, $0.0e+00;
	v5 =	vadd.f32 v6, v5;
	[tilespmem:s2+$0x8610] =	vst v4  }
0x1e6: {  	v3 =	vadd.f32 v3, v9;
	v2 =	vmax.f32 v2, $0.0e+00;
	[tilespmem:s2+$0x8650] =	vst v1  }
0x1e7: {  	[tilespmem:s2+$0x8620] =	vst v2;
	v1 =	vmax.f32 v5, $0.0e+00  }
0x1e8: {  	v2 =	vmax.f32 v3, $0.0e+00;
	[tilespmem:s2+$0x8660] =	vst v1  }
0x1e9: {  	s8 =	simm.s32 $0x500;
	[tilespmem:s2+$0x8630] =	vst v2;
	s2 =	simm.s32 @!p0 $0x9  }
0x1ea: {  	[spmem:s1] =	stream.indirect.scatter.add.f32 [tilespmem:s28], [sflag:$0x7], $0x80, s8, s0, $0xb8;
	[tilespmem:$0x1FF00] =	vst v63  }
0x1eb: {  	_ =	swait.ge @!p0 [sflag:s2], $0xC0  }
0x1ec: {  	[sflag:s2] =	ssyncset.done @!p0 $0x0  }
0x1ed: {  	[sflag:s2] =	ssyncadd.s32 @!p0 $0xFFFFFF40  }
0x1ee: {  	v1 =	vld @!p0 [tilespmem:$0x0]  }
0x1ef: {  	v2 =	vld @!p0 [tilespmem:$0x40]  }
0x1f0: {  	v3 =	vld @!p0 [tilespmem:$0x80]  }
0x1f1: {  	v4 =	vld @!p0 [tilespmem:$0x10]  }
0x1f2: {  	v5 =	vld @!p0 [tilespmem:$0x50]  }
0x1f3: {  	v6 =	vld @!p0 [tilespmem:$0x90];
	v1 =	vmul.u32 @!p0 $0x2710, v1  }
0x1f4: {  	v7 =	vld @!p0 [tilespmem:$0x20]  }
0x1f5: {  	v8 =	vld @!p0 [tilespmem:$0x60];
	v2 =	vadd.s32 @!p0 v2, v1  }
0x1f6: {  	v1 =	vadd.s32 @!p0 v1, v3;
	[tilespmem:$0x200] =	vst @!p0 v2;
	v2 =	vmul.u32 @!p0 $0x2710, v4;
	v4 =	vld @!p0 [tilespmem:$0xA0]  }
0x1f7: {  	[tilespmem:$0x300] =	vst @!p0 v1;
	v1 =	vld @!p0 [tilespmem:$0x30]  }
0x1f8: {  	[tilespmem:$0x400] =	vst @!p0 v3  }
0x1f9: {  	[tilespmem:$0x410] =	vst @!p0 v6;
	v3 =	vadd.s32 @!p0 v5, v2;
	v5 =	vld @!p0 [tilespmem:$0x70]  }
0x1fa: {  	v2 =	vadd.s32 @!p0 v2, v6;
	[tilespmem:$0x210] =	vst @!p0 v3;
	v3 =	vmul.u32 @!p0 $0x2710, v7  }
0x1fb: {  	[tilespmem:$0x310] =	vst @!p0 v2;
	v2 =	vld @!p0 [tilespmem:$0xB0]  }
0x1fc: {  	v6 =	vadd.s32 @!p0 v8, v3;
	v1 =	vmul.u32 @!p0 $0x2710, v1;
	[tilespmem:$0x420] =	vst @!p0 v4  }
0x1fd: {  	v3 =	vadd.s32 @!p0 v3, v4;
	[tilespmem:$0x220] =	vst @!p0 v6  }
0x1fe: {  	[tilespmem:$0x320] =	vst @!p0 v3;
	v3 =	vadd.s32 @!p0 v5, v1  }
0x1ff: {  	[tilespmem:$0x230] =	vst @!p0 v3  }
0x200: {  	v1 =	vadd.s32 @!p0 v1, v2;
	[tilespmem:$0x430] =	vst @!p0 v2  }
0x201: {  	s29 =	simm.s32 @!p0 $0x600;
	s8 =	simm.s32 @!p0 $0x200;
	s2 =	simm.s32 @!p0 $0x40;
	[tilespmem:$0x330] =	vst @!p0 v1  }
0x202: {  	[tilespmem:s29], [sflag:$0x1] =	stream.indirect.gather @!p0 [hbm4b:s5+s2], $0x80, s8, s2, $0xb8;
	[tilespmem:$0x1FF00] =	vst v63  }
0x203: {  	s8 =	sadd.s32 @!p0 s26, s22  }
0x204: {  	s30 =	simm.s32 @!p0 $0x4600;
	s29 =	simm.s32 @!p0 $0x300;
	s8 =	smul.u32 @!p0 $0x18, s8  }
0x205: {  	[tilespmem:s30], [sflag:$0x3] =	stream.indirect.gather @!p0 [hbm4b:s6+s2], $0x80, s29, s2, $0xb8;
	[tilespmem:$0x1FF00] =	vst v63  }
0x206: {  	s2 =	sadd.s32 @!p0 s4, s8;
	s8 =	simm.s32 @!p0 $0x0  }
0x207: {  	[tilespmem:s8], [sflag:$0x9] =	stream.linear.gather @!p0 [hbm4b:s2+s8], $0xC0, $0x38;
	[tilespmem:$0x1FF00] =	vst v63  }
0x208: {  	_ =	swait.ge [sflag:s24], $0x2000  }
0x209: {  	[sflag:s24] =	ssyncset.done $0x0  }
0x20a: {  	[sflag:s24] =	ssyncadd.s32 $0xFFFFE000  }
0x20b: {  	_ =	swait.ge [sflag:s25], $0x2000  }
0x20c: {  	[sflag:s25] =	ssyncset.done $0x0  }
0x20d: {  	[sflag:s25] =	ssyncadd.s32 $0xFFFFE000  }
0x20e: {  	_ =	swait.ge [sflag:s19], $0x2000  }
0x20f: {  	[sflag:s19] =	ssyncset.done $0x0  }
0x210: {  	s30 =	simm.s32 $0x0;
	[sflag:s19] =	ssyncadd.s32 $0xFFFFE000  }
0x211: {  	v1 =	vld [tilespmem:s30+$0x6630]  }
0x212: {  	v2 =	vld [tilespmem:s30+$0x2670]  }
0x213: {  	v3 =	vld [tilespmem:s30+$0x6670]  }
0x214: {  	v4 =	vld [tilespmem:s30+$0x6600]  }
0x215: {  	v5 =	vld [tilespmem:s30+$0x6610]  }
0x216: {  	v6 =	vld [tilespmem:s30+$0x6620]  }
0x217: {  	v8 =	vld [tilespmem:s30+$0x2600]  }
0x218: {  	v10 =	vld [tilespmem:s30+$0x2610]  }
0x219: {  	v11 =	vld [tilespmem:s30+$0x2620];
	v7 =	vand.u32 $0xFFFF0000, v1  }
0x21a: {  	v12 =	vld [tilespmem:s30+$0x2660];
	v2 =	vmul.f32 v7, v2  }
0x21b: {  	v13 =	vld [tilespmem:s30+$0x6640];
	v9 =	vand.u32 $0xFFFF0000, v3  }
0x21c: {  	v14 =	vld [tilespmem:s30+$0x6650];
	v2 =	vadd.f32 v9, v2  }
0x21d: {  	v7 =	vld [tilespmem:s30+$0x2640]  }
0x21e: {  	v9 =	vld [tilespmem:s30+$0x2650];
	v2 =	vmax.f32 v2, $0.0e+00  }
0x21f: {  	s29 =	simm.s32 $0x80;
	[tilespmem:s30+$0xA670] =	vst v2;
	v2 =	vld [tilespmem:s30+$0x2630]  }
0x220: {  	v1 =	vshll.u32 v1, $0x10;
	v19 =	vshll.u32 v4, $0x10;
	v16 =	vld [tilespmem:s29+$0x6630]  }
0x221: {  	v4 =	vand.u32 $0xFFFF0000, v4;
	v58 =	vshll.u32 v5, $0x10;
	v8 =	vmul.f32 v19, v8;
	v17 =	vld [tilespmem:s29+$0x2670]  }
0x222: {  	v19 =	vshll.u32 v6, $0x10;
	v6 =	vand.u32 $0xFFFF0000, v6;
	v4 =	vmul.f32 v4, v7;
	v18 =	vld [tilespmem:s29+$0x6670]  }
0x223: {  	v5 =	vand.u32 $0xFFFF0000, v5;
	v12 =	vmul.f32 v6, v12;
	v6 =	vand.u32 $0xFFFF0000, v13;
	v59 =	vld [tilespmem:s29+$0x6610]  }
0x224: {  	v3 =	vshll.u32 v3, $0x10;
	v10 =	vmul.f32 v58, v10;
	v7 =	vld [tilespmem:s29+$0x6620];
	v4 =	vadd.f32 v6, v4  }
0x225: {  	v15 =	vld [tilespmem:s30+$0x6660];
	v11 =	vmul.f32 v19, v11;
	v5 =	vmul.f32 v5, v9;
	v9 =	vand.u32 $0xFFFF0000, v16  }
0x226: {  	v57 =	vld [tilespmem:s29+$0x6600];
	v4 =	vmax.f32 v4, $0.0e+00;
	v19 =	vmul.f32 v1, v2;
	v9 =	vmul.f32 v9, v17  }
0x227: {  	v60 =	vld [tilespmem:s29+$0x2600];
	v2 =	vshll.u32 v13, $0x10;
	v13 =	vand.u32 $0xFFFF0000, v14;
	v1 =	vand.u32 $0xFFFF0000, v18  }
0x228: {  	v61 =	vld [tilespmem:s29+$0x2610];
	v2 =	vadd.f32 v2, v8;
	v8 =	vshll.u32 v14, $0x10;
	v1 =	vadd.f32 v1, v9  }
0x229: {  	v5 =	vadd.f32 v13, v5;
	v62 =	vand.u32 $0xFFFF0000, v59;
	v63 =	vshll.u32 v7, $0x10;
	v9 =	vld [tilespmem:s29+$0x2650]  }
0x22a: {  	v24 =	vld [tilespmem:s29+$0x2620];
	v14 =	vadd.f32 v8, v10;
	v10 =	vand.u32 $0xFFFF0000, v15;
	v1 =	vmax.f32 v1, $0.0e+00  }
0x22b: {  	v13 =	vand.u32 $0xFFFF0000, v7;
	v17 =	vld [tilespmem:s29+$0x2640];
	v12 =	vadd.f32 v10, v12;
	[tilespmem:s29+$0xA670] =	vst v1;
	v1 =	vshll.u32 v15, $0x10  }
0x22c: {  	v14 =	vmax.f32 v14, $0.0e+00;
	v15 =	vadd.f32 v1, v11;
	v11 =	vmax.f32 v2, $0.0e+00  }
0x22d: {  	v6 =	vld [tilespmem:s29+$0x2660];
	v2 =	vshll.u32 v16, $0x10;
	v1 =	vshll.u32 v18, $0x10;
	v16 =	vand.u32 $0xFFFF0000, v57  }
0x22e: {  	v8 =	vld [tilespmem:s29+$0x2630];
	v18 =	vadd.f32 v3, v19;
	[tilespmem:s30+$0xA600] =	vst v11;
	v11 =	vshll.u32 v57, $0x10;
	v7 =	vmul.f32 v62, v9  }
0x22f: {  	v19 =	vshll.u32 v59, $0x10;
	v9 =	vmul.f32 v63, v24;
	v10 =	vld [tilespmem:s29+$0x6640];
	[tilespmem:s30+$0xA640] =	vst v4;
	v3 =	vmul.f32 v11, v60  }
0x230: {  	v4 =	vmul.f32 v16, v17;
	v17 =	vmax.f32 v5, $0.0e+00;
	v5 =	vmul.f32 v19, v61;
	v11 =	vld [tilespmem:s29+$0x6650];
	[tilespmem:s30+$0xA610] =	vst v14  }
0x231: {  	s2 =	simm.s32 $0x100;
	s8 =	simm.s32 $0x600;
	v16 =	vmax.f32 v15, $0.0e+00;
	v15 =	vmax.f32 v18, $0.0e+00;
	v14 =	vmax.f32 v12, $0.0e+00;
	v12 =	vld [tilespmem:s29+$0x6660];
	[tilespmem:s30+$0xA650] =	vst v17  }
.LBB2_11:
0x232: {  	p1 =	sne.s32 s8, $0x7E00;
	v17 =	vld [tilespmem:s2+$0x6630];
	v6 =	vmul.f32 v13, v6;
	[tilespmem:s30+$0xA620] =	vst v16  }
0x233: {  	v13 =	vld [tilespmem:s2+$0x2670];
	v8 =	vmul.f32 v2, v8;
	[tilespmem:s30+$0xA660] =	vst v14  }
0x234: {  	v14 =	vld [tilespmem:s2+$0x6670];
	v2 =	vshll.u32 v10, $0x10;
	v10 =	vand.u32 $0xFFFF0000, v10;
	[tilespmem:s30+$0xA630] =	vst v15;
	s30 =	smov.u32 s29;
	s29 =	smov.u32 s2  }
0x235: {  	v15 =	vld [tilespmem:s29+$0x6600];
	v16 =	vadd.f32 v2, v3;
	v3 =	vshll.u32 v11, $0x10;
	v11 =	vand.u32 $0xFFFF0000, v11  }
0x236: {  	v4 =	vadd.f32 v10, v4;
	v18 =	vld [tilespmem:s29+$0x6610];
	v10 =	vshll.u32 v12, $0x10;
	v12 =	vand.u32 $0xFFFF0000, v12  }
0x237: {  	v5 =	vadd.f32 v3, v5;
	v19 =	vld [tilespmem:s29+$0x6620];
	v2 =	vshll.u32 v17, $0x10;
	v17 =	vand.u32 $0xFFFF0000, v17  }
0x238: {  	v7 =	vadd.f32 v11, v7;
	v9 =	vadd.f32 v10, v9;
	v3 =	vld [tilespmem:s29+$0x2600];
	v13 =	vmul.f32 v17, v13  }
0x239: {  	v12 =	vadd.f32 v12, v6;
	v10 =	vld [tilespmem:s29+$0x2640];
	v11 =	vshll.u32 v14, $0x10;
	v14 =	vand.u32 $0xFFFF0000, v14  }
0x23a: {  	v6 =	vshll.u32 v15, $0x10;
	v15 =	vand.u32 $0xFFFF0000, v15;
	v17 =	vld [tilespmem:s29+$0x2610];
	v14 =	vadd.f32 v14, v13  }
0x23b: {  	v22 =	vadd.f32 v1, v8;
	v1 =	vmovc v11;
	v20 =	vld [tilespmem:s29+$0x2650];
	v21 =	vshll.u32 v18, $0x10;
	v18 =	vand.u32 $0xFFFF0000, v18  }
0x23c: {  	v23 =	vld [tilespmem:s29+$0x2620];
	v24 =	vshll.u32 v19, $0x10;
	v13 =	vand.u32 $0xFFFF0000, v19;
	v8 =	vmax.f32 v14, $0.0e+00  }
.Ltmp6:
0x23d: {  	v11 =	vmax.f32 v16, $0.0e+00;
	v14 =	vmax.f32 v4, $0.0e+00;
	v3 =	vmul.f32 v6, v3;
	v6 =	vld [tilespmem:s29+$0x2660];
	[tilespmem:s29+$0xA670] =	vst v8;
	(pc) =	sbr.rel @p1 .LBB2_11-.Ltmp6, $4  }
0x23e: {  	v19 =	vmax.f32 v7, $0.0e+00;
	v4 =	vmul.f32 v15, v10;
	v8 =	vld [tilespmem:s29+$0x2630];
	[tilespmem:s30+$0xA600] =	vst v11;
	v15 =	vmax.f32 v5, $0.0e+00  }
0x23f: {  	v16 =	vmax.f32 v9, $0.0e+00;
	v10 =	vld [tilespmem:s29+$0x6640];
	v5 =	vmul.f32 v21, v17;
	[tilespmem:s30+$0xA640] =	vst v14;
	v14 =	vmax.f32 v12, $0.0e+00  }
0x240: {  	v11 =	vld [tilespmem:s29+$0x6650];
	v7 =	vmul.f32 v18, v20;
	[tilespmem:s30+$0xA610] =	vst v15;
	v15 =	vmax.f32 v22, $0.0e+00  }
0x241: {  	s2 =	sshra.s32 s8, $0x2;
	s8 =	sadd.s32 $0x200, s8;
	v12 =	vld [tilespmem:s29+$0x6660];
	v9 =	vmul.f32 v24, v23;
	[tilespmem:s30+$0xA650] =	vst v19  }
0x242: {  	v17 =	vld [tilespmem:s2+$0x6630];
	[tilespmem:s30+$0xA620] =	vst v16  }
0x243: {  	v16 =	vld [tilespmem:s2+$0x2670];
	[tilespmem:s30+$0xA660] =	vst v14  }
0x244: {  	v14 =	vld [tilespmem:s2+$0x6670];
	[tilespmem:s30+$0xA630] =	vst v15  }
0x245: {  	v15 =	vld [tilespmem:s2+$0x6600]  }
0x246: {  	v18 =	vld [tilespmem:s2+$0x6610]  }
0x247: {  	v6 =	vmul.f32 v13, v6;
	v19 =	vld [tilespmem:s2+$0x6620];
	v20 =	vand.u32 $0xFFFF0000, v17  }
0x248: {  	v2 =	vmul.f32 v2, v8;
	v21 =	vld [tilespmem:s2+$0x2600];
	v16 =	vmul.f32 v20, v16  }
0x249: {  	v37 =	vshll.u32 v10, $0x10;
	v39 =	vand.u32 $0xFFFF0000, v10;
	v35 =	vld [tilespmem:s2+$0x2640];
	v36 =	vand.u32 $0xFFFF0000, v14  }
0x24a: {  	v22 =	vld [tilespmem:s2+$0x2610];
	v3 =	vadd.f32 v37, v3;
	v40 =	vshll.u32 v11, $0x10;
	v13 =	vadd.f32 v36, v16  }
0x24b: {  	v38 =	vld [tilespmem:s2+$0x2650];
	v41 =	vand.u32 $0xFFFF0000, v11;
	v4 =	vadd.f32 v39, v4;
	v1 =	vadd.f32 v1, v2  }
0x24c: {  	v23 =	vld [tilespmem:s2+$0x2620];
	v5 =	vadd.f32 v40, v5;
	v7 =	vadd.f32 v41, v7;
	v42 =	vmax.f32 v13, $0.0e+00  }
0x24d: {  	v46 =	vld [tilespmem:s2+$0x2630];
	v44 =	vshll.u32 v12, $0x10;
	v45 =	vand.u32 $0xFFFF0000, v12;
	v3 =	vmax.f32 v3, $0.0e+00;
	[tilespmem:s2+$0xA670] =	vst v42  }
0x24e: {  	v43 =	vld [tilespmem:s2+$0x2660];
	v8 =	vadd.f32 v44, v9;
	v47 =	vshll.u32 v17, $0x10;
	v6 =	vadd.f32 v45, v6;
	[tilespmem:s29+$0xA600] =	vst v3  }
0x24f: {  	v2 =	vmax.f32 v4, $0.0e+00;
	v1 =	vmax.f32 v1, $0.0e+00;
	v5 =	vmax.f32 v5, $0.0e+00;
	v49 =	vld [tilespmem:s2+$0x6640]  }
0x250: {  	v7 =	vmax.f32 v7, $0.0e+00;
	v54 =	vmax.f32 v8, $0.0e+00;
	v6 =	vmax.f32 v6, $0.0e+00;
	[tilespmem:s29+$0xA640] =	vst v2  }
0x251: {  	v48 =	vshll.u32 v15, $0x10;
	v50 =	vshll.u32 v18, $0x10;
	v51 =	vand.u32 $0xFFFF0000, v18;
	v53 =	vld [tilespmem:s2+$0x6650]  }
0x252: {  	v52 =	vand.u32 $0xFFFF0000, v19;
	v59 =	vmul.f32 v47, v46;
	v10 =	vmul.f32 v48, v21;
	[tilespmem:s29+$0xA610] =	vst v5  }
0x253: {  	v12 =	vmul.f32 v50, v22;
	v55 =	vmul.f32 v51, v38;
	v3 =	vand.u32 $0xFFFF0000, v15;
	v56 =	vld [tilespmem:s2+$0x6660]  }
0x254: {  	v13 =	vmul.f32 v52, v43;
	v3 =	vmul.f32 v3, v35;
	[tilespmem:s29+$0xA650] =	vst v7;
	v57 =	vshll.u32 v49, $0x10  }
0x255: {  	v2 =	vshll.u32 v19, $0x10;
	[tilespmem:s29+$0xA620] =	vst v54;
	v4 =	vand.u32 $0xFFFF0000, v49;
	v58 =	vadd.f32 v57, v10  }
0x256: {  	v2 =	vmul.f32 v2, v23;
	[tilespmem:s29+$0xA660] =	vst v6;
	v60 =	vshll.u32 v53, $0x10;
	v3 =	vadd.f32 v4, v3  }
0x257: {  	[tilespmem:s29+$0xA630] =	vst v1;
	v1 =	vand.u32 $0xFFFF0000, v53;
	v61 =	vadd.f32 v60, v12;
	v5 =	vmax.f32 v58, $0.0e+00  }
0x258: {  	v62 =	vshll.u32 v56, $0x10;
	v1 =	vadd.f32 v1, v55;
	v3 =	vmax.f32 v3, $0.0e+00;
	[tilespmem:s2+$0xA600] =	vst v5  }
0x259: {  	v63 =	vand.u32 $0xFFFF0000, v56;
	v2 =	vadd.f32 v62, v2;
	v4 =	vmax.f32 v61, $0.0e+00;
	[tilespmem:s2+$0xA640] =	vst v3  }
0x25a: {  	v3 =	vshll.u32 v14, $0x10;
	v5 =	vadd.f32 v63, v13;
	v1 =	vmax.f32 v1, $0.0e+00;
	[tilespmem:s2+$0xA610] =	vst v4  }
.Ltmp7:
0x25b: {  	v3 =	vadd.f32 v3, v59;
	v2 =	vmax.f32 v2, $0.0e+00;
	[tilespmem:s2+$0xA650] =	vst v1;
	(pc) =	sbr.rel @p0 .LBB2_14-.Ltmp7, $4  }
0x25c: {  	v1 =	vmax.f32 v5, $0.0e+00;
	[tilespmem:s2+$0xA620] =	vst v2  }
0x25d: {  	v2 =	vmax.f32 v3, $0.0e+00;
	[tilespmem:s2+$0xA660] =	vst v1  }
0x25e: {  	s30 =	simm.s32 $0x580;
	[tilespmem:s2+$0xA630] =	vst v2  }
0x25f: {  	[spmem:s1] =	stream.indirect.scatter.add.f32 [tilespmem:s15], [sflag:$0x8], $0x80, s30, s0, $0xb8;
	[tilespmem:$0x1FF00] =	vst v63  }
0x260: {  	_ =	swait.ge [sflag:s11], $0xC0  }
0x261: {  	[sflag:s11] =	ssyncset.done $0x0  }
0x262: {  	[sflag:s11] =	ssyncadd.s32 $0xFFFFFF40  }
0x263: {  	v1 =	vld [tilespmem:$0x100]  }
0x264: {  	v2 =	vld [tilespmem:$0x140]  }
0x265: {  	v3 =	vld [tilespmem:$0x180]  }
0x266: {  	v4 =	vld [tilespmem:$0x110]  }
0x267: {  	v5 =	vld [tilespmem:$0x150]  }
0x268: {  	v6 =	vld [tilespmem:$0x190];
	v1 =	vmul.u32 $0x2710, v1  }
0x269: {  	v7 =	vld [tilespmem:$0x120]  }
0x26a: {  	v8 =	vld [tilespmem:$0x160];
	v2 =	vadd.s32 v2, v1  }
0x26b: {  	v61 =	vld [tilespmem:$0x1A0];
	v1 =	vadd.s32 v1, v3;
	[tilespmem:$0x280] =	vst v2  }
0x26c: {  	v2 =	vmul.u32 $0x2710, v4;
	[tilespmem:$0x380] =	vst v1;
	v1 =	vld [tilespmem:$0x130]  }
0x26d: {  	[tilespmem:$0x480] =	vst v3  }
0x26e: {  	v62 =	vld [tilespmem:$0x170];
	[tilespmem:$0x490] =	vst v6;
	v3 =	vadd.s32 v5, v2  }
0x26f: {  	v2 =	vadd.s32 v2, v6;
	[tilespmem:$0x290] =	vst v3;
	v3 =	vmul.u32 $0x2710, v7  }
0x270: {  	[tilespmem:$0x390] =	vst v2;
	v2 =	vld [tilespmem:$0x1B0]  }
0x271: {  	[tilespmem:$0x4A0] =	vst v61;
	v63 =	vadd.s32 v8, v3;
	v1 =	vmul.u32 $0x2710, v1  }
0x272: {  	v3 =	vadd.s32 v3, v61;
	[tilespmem:$0x2A0] =	vst v63  }
0x273: {  	[tilespmem:$0x3A0] =	vst v3;
	v3 =	vadd.s32 v62, v1  }
0x274: {  	[tilespmem:$0x2B0] =	vst v3  }
0x275: {  	v1 =	vadd.s32 v1, v2;
	[tilespmem:$0x4B0] =	vst v2  }
0x276: {  	[tilespmem:$0x3B0] =	vst v1  }
0x277: {  	[tilespmem:s13], [sflag:$0x2] =	stream.indirect.gather [hbm4b:s5+s0], $0x80, s12, s0, $0xb8;
	[tilespmem:$0x1FF00] =	vst v63  }
.Ltmp8:
0x278: {  	s2 =	sadd.s32 s26, s23;
	(pc) =	sbr.rel .LBB2_4-.Ltmp8, $4  }
0x279: {  	s2 =	smul.u32 $0x18, s2  }
0x27a: {  	[tilespmem:s16], [sflag:$0x4] =	stream.indirect.gather [hbm4b:s6+s0], $0x80, s14, s0, $0xb8;
	[tilespmem:$0x1FF00] =	vst v63  }
0x27b: {  	s8 =	simm.s32 $0x0;
	s3 =	sadd.s32 $0x1, s3;
	s2 =	sadd.s32 s4, s2  }
0x27c: {  	[tilespmem:s9], [sflag:$0xA] =	stream.linear.gather [hbm4b:s2+s8], $0xC0, $0x38;
	[tilespmem:$0x1FF00] =	vst v63  }
.LBB2_15:
0x27d: {  	_ =	sfence.sel $0x180000  }
0x27e: {  	[bflag:$0x0] =	sbarrier.arrive $0xFFFF  }
0x27f: {  	_ =	strace $0x9000004D  }
0x280: {  	s0 =	stileid.u32;
	[bflag:$0x2] =	sbarrier.arrive $0xFFFF  }
0x281: {  	p0 =	sne.s32 s0, $0x0;
	s0 =	rddreg [dreg:$0x2]  }
0x282: {  	s0 =	sadd.s32 @!p0 $0x100000, s0  }
0x283: {  	[sflag:s0] =	ssyncadd.tile.s32 @!p0 $0x1;
	_ =	shalt  }
.Lfunc_end2:
_tile_overlayer_lowered:
.L_overlay_start_2:
0x284: {  	(tag) =	ssettag $0x2  }
0x285: {  	s0 =	rddreg [dreg:$0x0];
	s2 =	stileid.u32  }
0x286: {  	s1 =	rddreg [dreg:$0x1];
	p0 =	sne.s32 s2, $0x0  }
0x287: {  	s3 =	rddreg [dreg:$0x2];
	[bflag:$0x3] =	sbarrier.arrive $0xFFFF;
	s2 =	simm.s32 @!p0 $0x1C0B  }
0x288: {  	[timem:s3], [sflag:s2] =	dma.local @!p0 [hbm:s0], s1  }
0x289: {  	s0 =	simm.s32 @!p0 $0xB  }
0x28a: {  	_ =	swait.ge @!p0 [sflag:s0], s1  }
0x28b: {  	s1 =	ssub.s32 @!p0 $0x0, s1;
	[sflag:s0] =	ssyncset.done @!p0 $0x0  }
0x28c: {  	[sflag:s0] =	ssyncadd.s32 @!p0 s1  }
0x28d: {  	[bflag:$0x3] =	sbarrier.arrive $0xFFFF  }
0x28e: {  	_ =	shalt  }

// kernel: sparse-core-data-format-call.cloned.1.call-start
scs
called_computation_lowered:
.L_overlay_start_0:
0x0: {  	s1 =	sld [smem:$0x3FD9]  }
0x1: {  	s2 =	sld [smem:$0x3FFE];
	_ =	sdelay $0x1  }
0x2: {  	s3 =	srdreg.scid  }
0x3: {  	s0 =	sand.u32 $0x1, s3  }
0x4: {  	s17 =	sshll.u32 s0, $0xA;
	s1 =	sadd.s32 s2, s1  }
0x5: {  	s1 =	sadd.s32 s1, s17  }
0x6: {  	[smem:$0x3FBE] =	sst s1  }
0x7: {  	_ = 	snop  }
0x8: {  	(tm) =	ssettm $0x1  }
0x9: {  	s18 =	sld [smem:$0x3FFB];
	_ =	sdelay $0x3  }
0xa: {  	_ =	strace s18  }
0xb: {  	s1 =	sld [smem:$0x3FFC];
	_ =	sdelay $0x3  }
0xc: {  	_ =	strace s1  }
0xd: {  	s1 =	sld [smem:$0x3FFD];
	_ =	sdelay $0x3  }
0xe: {  	_ =	strace s1  }
0xf: {  	_ =	strace $0x8FFFFFFF  }
0x10: {  	s19 =	sld [smem:$0x3FDB];
	_ =	sdelay $0x1  }
0x11: {  	s20 =	simm.s32 $_scs_section_size  }
0x12: {  	s4 =	simm.s32 $_size__tile_overlayer_lowered;
	s5 =	simm.s32 $_tile_overlayer_lowered  }
0x13: {  	s23 =	simm.s32 $0x1BFF;
	s22 =	sshll.u32 s5, $0x1;
	s1 =	sadd.s32 s20, s19  }
0x14: {  	s6 =	simm.s32 $0x0;
	s21 =	sshll.u32 s4, $0x1;
	s4 =	sadd.s32 s22, s1  }
0x15: {  	[timem:s6], [sflag:s23] =	dma.local [hbm:s4], s21  }
0x16: {  	_ =	swait.ge [sflag:s23], s21  }
0x17: {  	s2 =	ssub.s32 $0x0, s21;
	[sflag:s23] =	ssyncset.done $0x0  }
0x18: {  	[sflag:s23] =	ssyncadd.s32 s2;
	_ =	sdelay $0x1  }
0x19: {  	s24 =	simm.s32 $0x1B8B  }
0x1a: {  	_ =	swait.ge [sflag:s24], $0x1  }
0x1b: {  	[sflag:s24] =	ssyncset.done $0x0  }
0x1c: {  	s26 =	simm.s32 $0x1B8E;
	s25 =	sld [smem:$0x3FFE];
	[sflag:s24] =	ssyncadd.s32 $0xFFFFFFFF  }
0x1d: {  	s27 =	simm.s32 $execute0_lowered;
	[smem:$0x3FD2] =	sst s26  }
0x1e: {  	s4 =	sshll.u32 s27, $0x1;
	_ =	strace $0x80000049;
	[dreg:$0x1] =	wrdreg $0xFFFFFFFF  }
0x1f: {  	s28 =	simm.s32 $_size_execute0_lowered;
	s1 =	sadd.s32 s1, s4;
	[dreg:$0x0] =	wrdreg $0x0  }
0x20: {  	s4 =	sshll.u32 s28, $0x1;
	[dreg:$0x2] =	wrdreg s1  }
0x21: {  	[dreg:$0x3] =	wrdreg s4  }
0x22: {  	[dreg:$0x4] =	wrdreg $0xC0  }
0x23: {  	_ =	task [dreg:s6], $0x5FFFF  }
0x24: {  	[dreg:$0x1] =	wrdreg $0xFFFFFFFF  }
0x25: {  	[dreg:$0x0] =	wrdreg $0x60  }
0x26: {  	[dreg:$0x2] =	wrdreg s25  }
0x27: {  	[dreg:$0x3] =	wrdreg $0x9  }
0x28: {  	_ =	task.clear_ibuf [dreg:s6], $0x4FFFF;
	_ =	strace $0x90000049  }
0x29: {  	s29 =	simm.s32 $0x9;
	_ =	strace $0x8000004B  }
0x2a: {  	_ =	swait.ge [sflag:s29], $0x1  }
0x2b: {  	[sflag:s29] =	ssyncadd.s32 $0xFFFFFFFF  }
0x2c: {  	_ =	strace $0x9000004B  }
0x2d: {  	_ =	sfence  }
0x2e: {  	s30 =	sld [smem:$0x0];
	_ =	sdelay $0x2  }
0x2f: {  	s31 =	sshll.u32 s3, $0xD;
	s3 =	sshrl.u32 s3, $0x2  }
0x30: {  	s2 =	sand.u32 $0x4000, s31;
	s1 =	sadd.s32 s3, s30  }
0x31: {  	s0 =	sor.u32 s2, s0;
	s1 =	sshll.u32 s1, $0x11  }
0x32: {  	s0 =	sor.u32 s1, s0  }
0x33: {  	s0 =	sadd.s32 $0x8F2B, s0  }
0x34: {  	[sflag:s0] =	ssyncadd.remote.s32 $0x1  }
0x35: {  	_ =	sfence.sel $0xFFFF  }
0x36: {  	[dreg:$0x0] =	wrdreg $0xFFFFFFFF;
	(pc) =	sbr.abs _section_cstart, $3  }
0x37: {  	[dreg:$0x1] =	wrdreg $0xFFFFFFFF  }
0x38: {  	_ =	task.clear_ibuf [dreg:s6], $0x2FFFF;
	_ =	strace $0x9FFFFFFF  }
0x39: {  	(tm) =	ssettm $0x7FFFFFFF  }
tec
execute0_lowered:
.L_overlay_start_1:
0x0: {  	(tag) =	ssettag $0x1  }
0x1: {  	s1 =	srdreg.scid  }
0x2: {  	s0 =	stileid.u32;
	s5 =	rddreg [dreg:$0x0]  }
0x3: {  	s31 =	simm.s32 $0x2;
	s15 =	simm.s32 $0x0;
	p0 =	por $0x0, $0x0  }
0x4: {  	s11 =	simm.s32 $0x9E00;
	s16 =	simm.s32 $0x0;
	s17 =	simm.s32 $0x0  }
0x5: {  	s14 =	simm.s32 $0x0;
	s1 =	sshll.u32 s1, $0x7;
	s3 =	sshll.u32 s0, $0x5  }
0x6: {  	s2 =	sand.u32 $0x80, s1;
	s1 =	rddreg [dreg:$0x1];
	s3 =	sand.u32 $0x180, s3  }
0x7: {  	_ =	strace $0x8000004A;
	s4 =	ssub.s32 $0x100, s2;
	s6 =	ssub.s32 $0x2700, s3  }
0x8: {  	s12 =	smov.u32 s3;
	s7 =	sshrl.u32 s4, $0x7;
	s6 =	sshrl.u32 s6, $0x9  }
.Ltmp0:
0x9: {  	s8 =	sshrl.u32 s4, $0x8;
	s7 =	sand.u32 $0x1, s7;
	(pc) =	sbr.rel .LBB1_1-.Ltmp0, $4  }
0xa: {  	s9 =	sadd.s32 $0x1, s6;
	s6 =	simm.s32 $0x1;
	s7 =	sadd.s32 s8, s7  }
0xb: {  	s4 =	sadd.s32 $0x146600, s5;
	[sflag:s6] =	ssyncpa.u1 $0x0;
	s7 =	smul.u32 s9, s7  }
0xc: {  	s5 =	sadd.s32 $0x27EE00, s5;
	s8 =	sand.u32 $0x3, s0;
	[sflag:s31] =	ssyncpa.u1 $0x0  }
0xd: {  	s9 =	sshll.u32 s2, $0x3;
	s13 =	smov.u32 s8;
	s10 =	sadd.s32 $0x1, s7  }
.LBB1_4:
0xe: {  	s23 =	sshrl.u32 s17, $0x2  }
0xf: {  	s24 =	sshll.u32 s16, $0x2;
	s23 =	smul.u32 $0x9E00, s23  }
0x10: {  	s27 =	sshll.u32 s17, $0x7;
	s24 =	sand.u32 $0xFFFFFE00, s24  }
0x11: {  	v5 =	vld [tilespmem:s21+$0xFFFFFFD0];
	[tilespmem:s20+$0x2040 ss:$0x81] =	vst.msk $0xffff, v4;
	s17 =	sand.u32 $0x180, s27;
	s23 =	sadd.s32 s23, s24  }
0x12: {  	v58 =	vld [tilespmem:s21+$0xFFFFFFE0];
	[tilespmem:s20+$0x2850 ss:$0x81] =	vst.msk $0xffff, v3;
	s28 =	sand.u32 $0x7F, s16;
	s17 =	sor.u32 s17, s23  }
0x13: {  	s22 =	sshra.s32 s22, $0x2;
	v59 =	vld [tilespmem:s21+$0xFFFFFFF0];
	[tilespmem:s20+$0x3060 ss:$0x81] =	vst.msk $0xffff, v2;
	s16 =	sor.u32 s28, s17  }
0x14: {  	v60 =	vld [tilespmem:s21+$0x0];
	[tilespmem:s20+$0x0 ss:$0x81] =	vst.msk $0xffff, v0;
	s19 =	sadd.s32 s22, s19;
	s29 =	smulhi.u32 $0xCF6474A9, s16  }
0x15: {  	v61 =	vld [tilespmem:s21+$0x10];
	[tilespmem:s19+$0x3870 ss:$0x81] =	vst.msk $0xffff, v1;
	s17 =	smulhi.u32 $0xCF6474A9, s17  }
0x16: {  	v62 =	vld [tilespmem:s21+$0x20];
	[tilespmem:s19+$0x810 ss:$0x81] =	vst.msk $0xffff, v5;
	s20 =	sshrl.u32 s29, $0xD  }
0x17: {  	v63 =	vld [tilespmem:s21+$0xFFFFFFC0];
	[tilespmem:s19+$0x1020 ss:$0x81] =	vst.msk $0xffff, v58;
	s17 =	sshrl.u32 s17, $0xD;
	s20 =	smul.u32 $0x2780, s20  }
0x18: {  	s15 =	smul.u32 $0x13C0, s15;
	[tilespmem:s19+$0x1830 ss:$0x81] =	vst.msk $0xffff, v59;
	s17 =	sand.u32 $0x3, s17  }
0x19: {  	[tilespmem:s19+$0x2040 ss:$0x81] =	vst.msk $0xffff, v60;
	s17 =	smul.u32 $0x4F0, s17;
	s16 =	ssub.s32 s16, s20  }
0x1a: {  	s15 =	sadd.s32 s5, s15;
	[tilespmem:s19+$0x2850 ss:$0x81] =	vst.msk $0xffff, v61;
	s20 =	sand.u32 $0x7, s16  }
0x1b: {  	[tilespmem:s19+$0x3060 ss:$0x81] =	vst.msk $0xffff, v62;
	s15 =	sadd.s32 s17, s15;
	s16 =	sshrl.u32 s16, $0x3;
	s30 =	sshll.u32 s20, $0x12  }
0x1c: {  	[tilespmem:s19+$0x0 ss:$0x81] =	vst.msk $0xffff, v63;
	s15 =	sadd.s32 s16, s15;
	s31 =	sor.u32 $0x80, s30  }
0x1d: {  	[hbm4b:s15+s31] =	stream.strided.scatter [tilespmem:s18], [sflag:$0x2], $0x4000, s11, s31, $0x20;
	[tilespmem:$0x10100] =	vst v63  }
.LBB1_5:
0x1e: {  	s18 =	sadd.s32 $0x200, s12  }
0x1f: {  	s16 =	sadd.s32 $0x4, s13;
	s19 =	smov.u32 s13;
	p2 =	sgt.s32 s18, $0x270F  }
0x20: {  	s19 =	smov.u32 @p2 s16  }
0x21: {  	s18 =	smov.u32 @p2 s3;
	p2 =	sgt.s32 s19, $0x3  }
0x22: {  	s19 =	smov.u32 @p2 s8;
	p2 =	sne.s32 s14, s10  }
.Ltmp1:
0x23: {  	p1 =	slt.u32 s14, $0x2;
	(pc) =	sbr.rel @!p2 .LBB1_6-.Ltmp1, $4  }
0x24: {  	s17 =	smov.u32 s13;
	s15 =	simm.s32 @!p1 $0x2  }
0x25: {  	p0 =	por !p0, !p0;
	_ =	swait.ge @!p1 [sflag:s15], $0x4000;
	s16 =	smov.u32 s12  }
0x26: {  	[sflag:s15] =	ssyncset.done @!p1 $0x0;
	s12 =	smov.u32 s18;
	s14 =	sadd.s32 $0x1, s14  }
0x27: {  	[sflag:s15] =	ssyncadd.s32 @!p1 $0xFFFFC000;
	s15 =	smov.u32 s2;
	s13 =	smov.u32 s19  }
.LBB1_1:
0x28: {  	p1 =	sge.u32 s14, s7  }
0x29: {  	s21 =	smov.u32 s13;
	s18 =	sshll.u32 @!p1 s12, $0x8;
	s19 =	sshll.u32 @!p1 s12, $0x7  }
0x2a: {  	p2 =	sgt.s32 @!p1 s12, $0x2690;
	s20 =	sshra.s32 @!p1 s12, $0x1F;
	p3 =	sgt.s32 @!p1 s13, $0x3  }
0x2b: {  	s22 =	sshra.s32 @!p1 s13, $0x1F;
	s18 =	sand.u32 @!p1 $0xFFFFF800, s18;
	s19 =	sand.u32 @!p1 $0x300, s19  }
0x2c: {  	p2 =	por !p2, p1;
	s20 =	sand.u32 @!p1 s20, s12;
	s18 =	sor.u32 @!p1 s9, s18  }
0x2d: {  	s22 =	sand.u32 @!p1 s22, s13;
	s18 =	sor.u32 @!p1 s19, s18;
	s19 =	smov.u32 s12  }
0x2e: {  	s18 =	sshrl.u32 @!p1 s18, $0x8;
	s19 =	simm.s32 @p2 $0x2690;
	p2 =	por !p3, p1  }
0x2f: {  	s19 =	ssub.s32 @!p1 s19, s20;
	s20 =	smulhi.u32 @!p1 $0x1A36E3, s18;
	s21 =	simm.s32 @p2 $0x3  }
0x30: {  	s31 =	sadd.s32 $0xFFFFFFFF, s14;
	s21 =	ssub.s32 @!p1 s21, s22;
	s22 =	sadd.s32 @!p1 $0xFFFFD970, s19  }
0x31: {  	s19 =	ssub.s32 @!p1 $0x2710, s19;
	s20 =	sshrl.u32 @!p1 s20, $0x2;
	s21 =	sadd.s32 @!p1 $0xFFFFFFFD, s21  }
0x32: {  	p2 =	sgt.s32 @!p1 s22, $0x7F;
	s22 =	sxor.u32 @!p1 $0xFFFFFFFF, s14;
	s20 =	smul.u32 @!p1 $0x2710, s20  }
0x33: {  	p3 =	sgt.s32 @!p1 s21, $0x0;
	p2 =	por !p2, p1;
	s21 =	sshll.u32 @!p1 s21, $0x7  }
0x34: {  	s19 =	simm.s32 @!p2 $0x0;
	s21 =	ssub.s32 @!p1 $0x80, s21;
	p2 =	por !p3, p1  }
0x35: {  	s18 =	ssub.s32 @!p1 s18, s20;
	s21 =	simm.s32 @!p2 $0x0;
	s20 =	smul.u32 @!p1 $0x4E200, s13  }
0x36: {  	s22 =	sshll.u32 @!p1 s22, $0xE;
	s19 =	smul.u32 @!p1 s19, s21;
	s21 =	sshll.u32 @!p1 s12, $0x4  }
0x37: {  	s22 =	sand.u32 @!p1 $0x4000, s22;
	s21 =	sand.u32 @!p1 $0x10, s21;
	s20 =	sadd.s32 @!p1 s4, s20  }
0x38: {  	s18 =	sshll.u32 @!p1 s18, $0x5;
	s19 =	sand.u32 @!p1 $0x3FFFFF80, s19;
	s20 =	sadd.s32 @!p1 s21, s20  }
0x39: {  	s21 =	simm.s32 @!p1 $0x800;
	s18 =	sadd.s32 @!p1 s18, s20;
	s20 =	simm.s32 @!p1 $0x400  }
0x3a: {  	[tilespmem:s22], [sflag:$0x1] =	stream.strided.gather @!p1 [hbm4b:s18+s20], s19, s21, s20, $0x38;
	[tilespmem:$0x10100] =	vst v63  }
0x3b: {  	p1 =	sge.u32 s31, s7  }
.Ltmp2:
0x3c: {  	_ = 	snop;
	(pc) =	sbr.rel @p1 .LBB1_5-.Ltmp2, $1  }
0x3d: {  	_ =	sdelay $0x3  }
0x3e: {  	p1 =	sgt.s32 s17, $0x3;
	s18 =	smov.u32 s17  }
0x3f: {  	s19 =	sshra.s32 s17, $0x1F;
	s20 =	smov.u32 s16;
	s21 =	sshra.s32 s16, $0x1F  }
0x40: {  	s18 =	simm.s32 @!p1 $0x3;
	s19 =	sand.u32 s19, s17;
	p1 =	sgt.s32 s16, $0x2690  }
0x41: {  	s27 =	sand.u32 s21, s16;
	s18 =	ssub.s32 s18, s19;
	s20 =	simm.s32 @!p1 $0x2690  }
0x42: {  	s18 =	sadd.s32 $0xFFFFFFFD, s18;
	s19 =	ssub.s32 s20, s27  }
0x43: {  	p1 =	sgt.s32 s18, $0x0;
	s20 =	sadd.s32 $0xFFFFD970, s19;
	s18 =	sshll.u32 s18, $0x7  }
0x44: {  	s19 =	ssub.s32 $0x2710, s19;
	p2 =	sgt.s32 s20, $0x7F;
	s18 =	ssub.s32 $0x80, s18  }
0x45: {  	s19 =	simm.s32 @p2 $0x0;
	s18 =	simm.s32 @p1 $0x0  }
0x46: {  	s18 =	smul.u32 s19, s18;
	_ =	sdelay $0x1  }
0x47: {  	s19 =	simm.s32 $0x1;
	s18 =	sand.u32 $0x3FFFFF80, s18  }
0x48: {  	s19 =	simm.s32 @!p0 $0x0;
	_ =	swait.ge [sflag:s6], s18  }
0x49: {  	s28 =	sshll.u32 s19, $0xE;
	s18 =	ssub.s32 $0x0, s18;
	[sflag:s6] =	ssyncset.done $0x0  }
0x4a: {  	s29 =	sor.u32 $0x40, s28;
	[sflag:s6] =	ssyncadd.s32 s18  }
0x4b: {  	s30 =	smul.u32 $0x10200, s19;
	v0 =	vld [tilespmem:s29+$0x30]  }
0x4c: {  	v1 =	vld [tilespmem:s29+$0xFFFFFFD0]  }
0x4d: {  	s18 =	sshrl.u32 s30, $0x2;
	v5 =	vld [tilespmem:s29+$0xFFFFFFE0]  }
0x4e: {  	s19 =	sor.u32 $0x8000, s18;
	v6 =	vld [tilespmem:s29+$0xFFFFFFF0]  }
0x4f: {  	s31 =	sand.u32 $0x1, s14;
	v4 =	vld [tilespmem:s29+$0x0];
	s20 =	sadd.s32 $0x0, s19  }
0x50: {  	s18 =	smul.u32 $0x10200, s31;
	v3 =	vld [tilespmem:s29+$0x10];
	[tilespmem:s20+$0x3870 ss:$0x81] =	vst.msk $0xffff, v0  }
0x51: {  	v2 =	vld [tilespmem:s29+$0x20];
	[tilespmem:s20+$0x810 ss:$0x81] =	vst.msk $0xffff, v1  }
0x52: {  	s21 =	sadd.s32 $0x80, s29;
	s18 =	sshrl.u32 s18, $0x2;
	v0 =	vld [tilespmem:s29+$0xFFFFFFC0];
	[tilespmem:s20+$0x1020 ss:$0x81] =	vst.msk $0xffff, v5  }
0x53: {  	s22 =	simm.s32 $0x4;
	s23 =	simm.s32 $0x8;
	s18 =	sor.u32 $0x8000, s18;
	v1 =	vld [tilespmem:s21+$0x30];
	[tilespmem:s20+$0x1830 ss:$0x81] =	vst.msk $0xffff, v6  }
.LBB1_3:
0x54: {  	p1 =	sne.s32 s23, $0x1FC;
	v5 =	vld [tilespmem:s21+$0xFFFFFFD0];
	[tilespmem:s20+$0x2040 ss:$0x81] =	vst.msk $0xffff, v4  }
0x55: {  	v6 =	vld [tilespmem:s21+$0xFFFFFFE0];
	[tilespmem:s20+$0x2850 ss:$0x81] =	vst.msk $0xffff, v3  }
0x56: {  	s24 =	sshra.s32 s22, $0x2;
	s22 =	smov.u32 s23;
	v7 =	vld [tilespmem:s21+$0xFFFFFFF0];
	[tilespmem:s20+$0x3060 ss:$0x81] =	vst.msk $0xffff, v2  }
.Ltmp3:
0x57: {  	v4 =	vld [tilespmem:s21+$0x0];
	[tilespmem:s20+$0x0 ss:$0x81] =	vst.msk $0xffff, v0;
	s20 =	sadd.s32 s24, s19;
	(pc) =	sbr.rel @p1 .LBB1_3-.Ltmp3, $4  }
0x58: {  	v3 =	vld [tilespmem:s21+$0x10];
	[tilespmem:s20+$0x3870 ss:$0x81] =	vst.msk $0xffff, v1  }
0x59: {  	[tilespmem:s20+$0x810 ss:$0x81] =	vst.msk $0xffff, v5;
	v2 =	vld [tilespmem:s21+$0x20]  }
0x5a: {  	v0 =	vld [tilespmem:s21+$0xFFFFFFC0];
	[tilespmem:s20+$0x1020 ss:$0x81] =	vst.msk $0xffff, v6;
	s21 =	sadd.s32 $0x80, s21  }
0x5b: {  	s23 =	sadd.s32 $0x4, s23;
	v1 =	vld [tilespmem:s21+$0x30];
	[tilespmem:s20+$0x1830 ss:$0x81] =	vst.msk $0xffff, v7  }
.Ltmp4:
0x5c: {  	_ = 	snop;
	(pc) =	sbr.rel .LBB1_4-.Ltmp4, $1  }
0x5d: {  	_ =	sdelay $0x3  }
.LBB1_6:
0x5e: {  	_ =	sfence.sel $0x180000  }
0x5f: {  	s2 =	simm.s32 $0x1;
	[bflag:$0x0] =	sbarrier.arrive $0xFFFF  }
0x60: {  	s31 =	simm.s32 $0x2;
	[sflag:s2] =	ssyncpa.u1 $0x1  }
0x61: {  	[sflag:s31] =	ssyncpa.u1 $0x1  }
0x62: {  	p0 =	sne.s32 s0, $0x0;
	_ =	strace $0x9000004A  }
0x63: {  	s0 =	sadd.s32 @!p0 $0x100000, s1;
	[bflag:$0x2] =	sbarrier.arrive $0xFFFF  }
0x64: {  	[sflag:s0] =	ssyncadd.tile.s32 @!p0 $0x1;
	_ =	shalt  }
.Lfunc_end1:
_tile_overlayer_lowered:
.L_overlay_start_2:
0x65: {  	(tag) =	ssettag $0x2  }
0x66: {  	s0 =	rddreg [dreg:$0x0];
	s2 =	stileid.u32  }
0x67: {  	s1 =	rddreg [dreg:$0x1];
	p0 =	sne.s32 s2, $0x0  }
0x68: {  	s3 =	rddreg [dreg:$0x2];
	[bflag:$0x3] =	sbarrier.arrive $0xFFFF;
	s2 =	simm.s32 @!p0 $0x1C01  }
0x69: {  	[timem:s3], [sflag:s2] =	dma.local @!p0 [hbm:s0], s1  }
0x6a: {  	s0 =	simm.s32 @!p0 $0x1  }
0x6b: {  	_ =	swait.ge @!p0 [sflag:s0], s1  }
0x6c: {  	s1 =	ssub.s32 @!p0 $0x0, s1;
	[sflag:s0] =	ssyncset.done @!p0 $0x0  }
0x6d: {  	[sflag:s0] =	ssyncadd.s32 @!p0 s1  }
0x6e: {  	[bflag:$0x3] =	sbarrier.arrive $0xFFFF  }
0x6f: {  	_ =	shalt  }

</sc_bundles>
